<compile_context>
chip_gen: v7x
topology: tpu7x:2x2x1
jax: 0.10.2.dev20260603
libtpu: 0.0.44.dev20260713+nightly
codegen_flags: <defaults>
</compile_context>

<pallas_src>
import functools

import jax
import jax.numpy as jnp
from jax import lax
from jax.experimental import pallas as pl
from jax.experimental.pallas import tpu as pltpu
from jax.experimental.pallas import tpu_sc as plsc

NC = 2
NS = 16
NW = NC * NS
LANES = 16
EC = 2
NBUF = 6

RATE_SCALE = 4.0
RATE_LO = 1.0


@functools.lru_cache(maxsize=None)
def _build(B, D, V):
    b_per_w = B // NW
    n_chunks = b_per_w // EC
    idx_alloc = b_per_w + LANES
    max_tile = (V - 1) // 128

    mesh = plsc.VectorSubcoreMesh(core_axis_name="c", subcore_axis_name="s")

    @functools.partial(
        pl.kernel,
        mesh=mesh,
        out_type=jax.ShapeDtypeStruct((B,), jnp.float32),
        compiler_params=pltpu.CompilerParams(needs_layout_passes=False),
        scratch_types=[
            pltpu.VMEM((idx_alloc,), jnp.int32),
            pltpu.VMEM((idx_alloc,), jnp.int32),
            pltpu.VMEM((b_per_w,), jnp.int32),
            pltpu.VMEM((b_per_w,), jnp.int32),
            pltpu.VMEM((NBUF, EC, D, 128), jnp.float32),
            pltpu.VMEM((NBUF, EC, D, 128), jnp.float32),
            pltpu.VMEM((2, 32, 128), jnp.float32),
            pltpu.VMEM((2, 32, 128), jnp.float32),
            pltpu.VMEM((b_per_w,), jnp.float32),
            pltpu.VMEM((b_per_w,), jnp.float32),
            pltpu.VMEM((b_per_w,), jnp.float32),
            pltpu.SemaphoreType.DMA((NBUF,)),
            pltpu.SemaphoreType.DMA((2,)),
        ],
    )
    def mf_kernel(uidx_hbm, iidx_hbm, uT_hbm, iT_hbm, ub_hbm, ib_hbm,
                  out_hbm, uidx_v, iidx_v, ubrow_v, ibrow_v, u_slabs,
                  v_slabs, ubb, ibb, ub_v, ib_v, out_v, sem, semb):
        wid = lax.axis_index("c") * NS + lax.axis_index("s")
        base_e = wid * b_per_w

        pltpu.sync_copy(uidx_hbm.at[pl.ds(base_e, b_per_w)],
                        uidx_v.at[pl.ds(0, b_per_w)])
        pltpu.sync_copy(iidx_hbm.at[pl.ds(base_e, b_per_w)],
                        iidx_v.at[pl.ds(0, b_per_w)])
        zeros = jnp.zeros((LANES,), jnp.int32)
        uidx_v[pl.ds(b_per_w, LANES)] = zeros
        iidx_v[pl.ds(b_per_w, LANES)] = zeros

        for kk in range(b_per_w // LANES):
            s = pl.ds(kk * LANES, LANES)
            ubrow_v[s] = uidx_v[s] >> 7
            ibrow_v[s] = iidx_v[s] >> 7

        eiota = lax.iota(jnp.int32, LANES)

        def fire_bias(j):
            p = j % 2
            s = pl.ds(j * 32, 32)
            pltpu.async_copy(ub_hbm.at[ubrow_v.at[s]], ubb.at[p], semb.at[p])
            pltpu.async_copy(ib_hbm.at[ibrow_v.at[s]], ibb.at[p], semb.at[p])

        def take_bias(j):
            p = j % 2
            pltpu.make_async_copy(ub_hbm.at[pl.ds(0, 32)], ubb.at[p],
                                  semb.at[p]).wait()
            pltpu.make_async_copy(ub_hbm.at[pl.ds(0, 32)], ibb.at[p],
                                  semb.at[p]).wait()
            pvb = jnp.full((LANES,), p, jnp.int32)
            for g in range(2):
                s = pl.ds(j * 32 + g * 16, LANES)
                elb = g * 16 + eiota
                mu = uidx_v[s] & 127
                mi = iidx_v[s] & 127
                ub_v[s] = plsc.load_gather(ubb, [pvb, elb, mu])
                ib_v[s] = plsc.load_gather(ibb, [pvb, elb, mi])

        fire_bias(0)
        for j in range(1, 17):
            if j < 16:
                fire_bias(j)
            take_bias(j - 1)

        def scalar_tile(vec, lane):
            t = jnp.sum(jnp.where(eiota == lane, vec >> 7, 0))
            return jnp.clip(t, 0, max_tile)

        def fire(k):
            p = k % NBUF
            kbase = (k * EC // LANES) * LANES
            tu = uidx_v[pl.ds(kbase, LANES)]
            ti = iidx_v[pl.ds(kbase, LANES)]
            for e in range(EC):
                lane = k * EC - kbase + e
                off_u = pl.multiple_of(scalar_tile(tu, lane) * 128, 128)
                off_v = pl.multiple_of(scalar_tile(ti, lane) * 128, 128)
                pltpu.async_copy(uT_hbm.at[:, pl.ds(off_u, 128)],
                                 u_slabs.at[p, e], sem.at[p])
                pltpu.async_copy(iT_hbm.at[:, pl.ds(off_v, 128)],
                                 v_slabs.at[p, e], sem.at[p])

        def drain(k):
            p = k % NBUF
            for e in range(EC):
                pltpu.make_async_copy(uT_hbm.at[:, pl.ds(0, 128)],
                                      u_slabs.at[p, e], sem.at[p]).wait()
                pltpu.make_async_copy(uT_hbm.at[:, pl.ds(0, 128)],
                                      v_slabs.at[p, e], sem.at[p]).wait()

        def extract(k):
            p = k % NBUF
            pv = jnp.full((LANES,), 0, jnp.int32) + p
            lpe = LANES // EC
            el = eiota // lpe
            cl = eiota % lpe
            ru = plsc.load_gather(uidx_v, [k * EC + el])
            ri = plsc.load_gather(iidx_v, [k * EC + el])
            mu = ru & 127
            mi = ri & 127
            acc = jnp.zeros((LANES,), jnp.float32)
            for cg in range(D // lpe):
                c = cg * lpe + cl
                uc = plsc.load_gather(u_slabs, [pv, el, c, mu])
                vc = plsc.load_gather(v_slabs, [pv, el, c, mi])
                acc = acc + uc * vc
            step = 1
            while step < lpe:
                acc = acc + jnp.take(acc, eiota ^ step)
                step *= 2
            bias = (plsc.load_gather(ub_v, [k * EC + el])
                    + plsc.load_gather(ib_v, [k * EC + el]))
            pred = RATE_SCALE / (1.0 + jnp.exp(-(acc + bias))) + RATE_LO
            plsc.store_scatter(out_v, [k * EC + el], pred,
                               mask=cl == 0)

        lag = NBUF - 1

        def body(k, carry):
            pl.when(k < n_chunks)(lambda: fire(k))

            def back():
                drain(k - lag)
                extract(k - lag)

            pl.when(k >= lag)(back)
            return carry

        lax.fori_loop(0, n_chunks + lag, body, 0)

        pltpu.sync_copy(out_v, out_hbm.at[pl.ds(base_e, b_per_w)])

    return mf_kernel


def kernel(X, user_embeddings, user_bias, item_embeddings, item_bias):
    B = X.shape[0]
    V, D = user_embeddings.shape
    vpad = (-V) % 128
    uidx = X[:, 0].astype(jnp.int32)
    iidx = X[:, 1].astype(jnp.int32)
    ub = jnp.pad(user_bias.reshape(-1), (0, vpad)).reshape(-1, 128)
    ib = jnp.pad(item_bias.reshape(-1), (0, vpad)).reshape(-1, 128)
    out = _build(B, D, V)(uidx, iidx, user_embeddings.T, item_embeddings.T,
                          ub, ib)
    return out.reshape(B, 1)

# --- scband reference (transcript-rebuilt; emitter-appended) ---
"""Pipeline reference for scband-mfrecommender-77799037599809 (READ-ONLY COPY).

The authoritative reference and input builder live on the scoring server;
editing this copy changes nothing except your own understanding.
"""

import jax, jax.numpy as jnp
import numpy as np

N_USERS = 1000000
N_ITEMS = 1000000
EMBED_DIM = 32
BATCH = 16384
RATING_RANGE = (1.0, 5.0)


def setup_inputs(seed: int = 0) -> dict:
    key = jax.random.key(seed)
    k1, k2, k3, k4, k5 = jax.random.split(key, 5)
    X = jax.random.randint(k1, (BATCH, 2), 0, N_USERS, dtype=jnp.int64 if jax.config.jax_enable_x64 else jnp.int32)
    user_embeddings = jax.random.normal(k2, (N_USERS, EMBED_DIM), dtype=jnp.float32)
    user_bias = jax.random.normal(k3, (N_USERS, 1), dtype=jnp.float32)
    item_embeddings = jax.random.normal(k4, (N_ITEMS, EMBED_DIM), dtype=jnp.float32)
    item_bias = jax.random.normal(k5, (N_ITEMS, 1), dtype=jnp.float32)
    return {
        "X": X,
        "user_embeddings": user_embeddings,
        "user_bias": user_bias,
        "item_embeddings": item_embeddings,
        "item_bias": item_bias,
    }


def reference(X, user_embeddings, user_bias, item_embeddings, item_bias):
    lo, hi = RATING_RANGE
    embedded_users = jnp.take(user_embeddings, X[:, 0], axis=0)
    embedded_items = jnp.take(item_embeddings, X[:, 1], axis=0)
    preds = jnp.sum(embedded_users * embedded_items, axis=1, keepdims=True)
    preds = preds.reshape(-1, 1) + jnp.take(user_bias, X[:, 0], axis=0) + jnp.take(item_bias, X[:, 1], axis=0)
    preds = jax.nn.sigmoid(preds) * (hi - lo) + lo
    return preds

if __name__ == "__main__":
    import jax
    _d = setup_inputs()
    print(jax.jit(kernel)(*tuple(_d.values())))

</pallas_src>

<mosaic_0001>
#map = affine_map<(d0, d1) -> (0)>
#map1 = affine_map<(d0, d1) -> (0, 0)>
module attributes {stable_mosaic.version = 14 : i64} {
  func.func @mf_kernel(%arg0: i32, %arg1: i32, %arg2: memref<16384xi32, #tpu.memory_space<hbm>>, %arg3: memref<16384xi32, #tpu.memory_space<hbm>>, %arg4: memref<32x1000000xf32, #tpu.memory_space<hbm>>, %arg5: memref<32x1000000xf32, #tpu.memory_space<hbm>>, %arg6: memref<7813x128xf32, #tpu.memory_space<hbm>>, %arg7: memref<7813x128xf32, #tpu.memory_space<hbm>>, %arg8: memref<16384xf32, #tpu.memory_space<hbm>>, %arg9: memref<528xi32, #tpu.memory_space<vmem>>, %arg10: memref<528xi32, #tpu.memory_space<vmem>>, %arg11: memref<512xi32, #tpu.memory_space<vmem>>, %arg12: memref<512xi32, #tpu.memory_space<vmem>>, %arg13: memref<6x2x32x128xf32, #tpu.memory_space<vmem>>, %arg14: memref<6x2x32x128xf32, #tpu.memory_space<vmem>>, %arg15: memref<2x32x128xf32, #tpu.memory_space<vmem>>, %arg16: memref<2x32x128xf32, #tpu.memory_space<vmem>>, %arg17: memref<512xf32, #tpu.memory_space<vmem>>, %arg18: memref<512xf32, #tpu.memory_space<vmem>>, %arg19: memref<512xf32, #tpu.memory_space<vmem>>, %arg20: memref<6x!tpu.dma_semaphore, #tpu.memory_space<semaphore_mem>>, %arg21: memref<2x!tpu.dma_semaphore, #tpu.memory_space<semaphore_mem>>) attributes {dimension_semantics = [#tpu.dimension_semantics<core_parallel>, #tpu.dimension_semantics<subcore_parallel>], iteration_bounds = array<i64: 2, 16>, scalar_prefetch = 0 : i64, scratch_operands = 13 : i64, tpu.core_type = #tpu.core_type<sc_vector_subcore>, window_params = [{transform_indices = #map}, {transform_indices = #map}, {transform_indices = #map1}, {transform_indices = #map1}, {transform_indices = #map1}, {transform_indices = #map1}, {transform_indices = #map}]} {
    %mul3A = arith.constant 16 : i32
    %mul3A_0 = arith.muli %arg0, %mul3A : i32
    %add3A = arith.addi %mul3A_0, %arg1 : i32
    %mul3A_1 = arith.constant 512 : i32
    %mul3A_2 = arith.muli %add3A, %mul3A_1 : i32
    "tpu.region"() ({
      %run_scoped3A = tpu.sem_alloc : memref<!tpu.dma_semaphore, #tpu.memory_space<semaphore_mem>>
      %dma_start3A_2086 = arith.constant 0 : i32
      %dma_start3A_2087 = tpu.memref_slice %arg9[%dma_start3A_2086] : memref<528xi32, #tpu.memory_space<vmem>> -> memref<512xi32, #tpu.memory_space<vmem>>
      %dma_start3A_2088 = tpu.memref_slice %arg2[%mul3A_2] : memref<16384xi32, #tpu.memory_space<hbm>> -> memref<512xi32, #tpu.memory_space<hbm>>
      %dma_start3A_2089 = arith.constant 0 : i32
      %dma_start3A_2090 = tpu.memref_slice %arg9[%dma_start3A_2089] : memref<528xi32, #tpu.memory_space<vmem>> -> memref<512xi32, #tpu.memory_space<vmem>>
      %dma_start3A_2091 = tpu.memref_slice %arg2[%mul3A_2] : memref<16384xi32, #tpu.memory_space<hbm>> -> memref<512xi32, #tpu.memory_space<hbm>>
      tpu.enqueue_dma source(%dma_start3A_2091 : memref<512xi32, #tpu.memory_space<hbm>>) target(%dma_start3A_2090 : memref<512xi32, #tpu.memory_space<vmem>>) target_semaphore(%run_scoped3A : memref<!tpu.dma_semaphore, #tpu.memory_space<semaphore_mem>>)
      %dma_wait3A_2092 = arith.constant 0 : i32
      %dma_wait3A_2093 = tpu.memref_slice %arg9[%dma_wait3A_2092] : memref<528xi32, #tpu.memory_space<vmem>> -> memref<512xi32, #tpu.memory_space<vmem>>
      %dma_wait3A_2094 = tpu.memref_slice %arg2[%mul3A_2] : memref<16384xi32, #tpu.memory_space<hbm>> -> memref<512xi32, #tpu.memory_space<hbm>>
      %dma_wait3A_2095 = arith.constant 0 : i32
      %dma_wait3A_2096 = tpu.memref_slice %arg9[%dma_wait3A_2095] : memref<528xi32, #tpu.memory_space<vmem>> -> memref<512xi32, #tpu.memory_space<vmem>>
      %dma_wait3A_2097 = tpu.memref_slice %arg2[%mul3A_2] : memref<16384xi32, #tpu.memory_space<hbm>> -> memref<512xi32, #tpu.memory_space<hbm>>
      tpu.wait_dma2 semaphore(%run_scoped3A : memref<!tpu.dma_semaphore, #tpu.memory_space<semaphore_mem>>) src(%dma_wait3A_2097 : memref<512xi32, #tpu.memory_space<hbm>>) dst(%dma_wait3A_2096 : memref<512xi32, #tpu.memory_space<vmem>>)
      tpu.yield
    }) : () -> ()
    "tpu.region"() ({
      %run_scoped3A = tpu.sem_alloc : memref<!tpu.dma_semaphore, #tpu.memory_space<semaphore_mem>>
      %dma_start3A_2086 = arith.constant 0 : i32
      %dma_start3A_2087 = tpu.memref_slice %arg10[%dma_start3A_2086] : memref<528xi32, #tpu.memory_space<vmem>> -> memref<512xi32, #tpu.memory_space<vmem>>
      %dma_start3A_2088 = tpu.memref_slice %arg3[%mul3A_2] : memref<16384xi32, #tpu.memory_space<hbm>> -> memref<512xi32, #tpu.memory_space<hbm>>
      %dma_start3A_2089 = arith.constant 0 : i32
      %dma_start3A_2090 = tpu.memref_slice %arg10[%dma_start3A_2089] : memref<528xi32, #tpu.memory_space<vmem>> -> memref<512xi32, #tpu.memory_space<vmem>>
      %dma_start3A_2091 = tpu.memref_slice %arg3[%mul3A_2] : memref<16384xi32, #tpu.memory_space<hbm>> -> memref<512xi32, #tpu.memory_space<hbm>>
      tpu.enqueue_dma source(%dma_start3A_2091 : memref<512xi32, #tpu.memory_space<hbm>>) target(%dma_start3A_2090 : memref<512xi32, #tpu.memory_space<vmem>>) target_semaphore(%run_scoped3A : memref<!tpu.dma_semaphore, #tpu.memory_space<semaphore_mem>>)
      %dma_wait3A_2092 = arith.constant 0 : i32
      %dma_wait3A_2093 = tpu.memref_slice %arg10[%dma_wait3A_2092] : memref<528xi32, #tpu.memory_space<vmem>> -> memref<512xi32, #tpu.memory_space<vmem>>
      %dma_wait3A_2094 = tpu.memref_slice %arg3[%mul3A_2] : memref<16384xi32, #tpu.memory_space<hbm>> -> memref<512xi32, #tpu.memory_space<hbm>>
      %dma_wait3A_2095 = arith.constant 0 : i32
      %dma_wait3A_2096 = tpu.memref_slice %arg10[%dma_wait3A_2095] : memref<528xi32, #tpu.memory_space<vmem>> -> memref<512xi32, #tpu.memory_space<vmem>>
      %dma_wait3A_2097 = tpu.memref_slice %arg3[%mul3A_2] : memref<16384xi32, #tpu.memory_space<hbm>> -> memref<512xi32, #tpu.memory_space<hbm>>
      tpu.wait_dma2 semaphore(%run_scoped3A : memref<!tpu.dma_semaphore, #tpu.memory_space<semaphore_mem>>) src(%dma_wait3A_2097 : memref<512xi32, #tpu.memory_space<hbm>>) dst(%dma_wait3A_2096 : memref<512xi32, #tpu.memory_space<vmem>>)
      tpu.yield
    }) : () -> ()
    %broadcast_in_dim3A = arith.constant 0 : i32
    %broadcast_in_dim3A_3 = vector.broadcast %broadcast_in_dim3A : i32 to vector<16xi32>
    %swap3A = arith.constant 512 : index
    %swap3A_4 = tpu.vector_load %arg9[%swap3A] {strides = array<i32>} : memref<528xi32, #tpu.memory_space<vmem>>, vector<16xi32>,
    tpu.vector_store %arg9[%swap3A], %broadcast_in_dim3A_3 {strides = array<i32>} : memref<528xi32, #tpu.memory_space<vmem>>, vector<16xi32>,
    %swap3A_5 = arith.constant 512 : index
    %swap3A_6 = tpu.vector_load %arg10[%swap3A_5] {strides = array<i32>} : memref<528xi32, #tpu.memory_space<vmem>>, vector<16xi32>,
    tpu.vector_store %arg10[%swap3A_5], %broadcast_in_dim3A_3 {strides = array<i32>} : memref<528xi32, #tpu.memory_space<vmem>>, vector<16xi32>,
    %get3A = arith.constant 0 : index
    %get3A_7 = tpu.vector_load %arg9[%get3A] {strides = array<i32>} : memref<528xi32, #tpu.memory_space<vmem>>, vector<16xi32>,
    %shift_right_arithmetic3A = arith.constant 7 : i32
    %shift_right_arithmetic3A_8 = vector.broadcast %shift_right_arithmetic3A : i32 to vector<16xi32>
    %shift_right_arithmetic3A_9 = arith.shrsi %get3A_7, %shift_right_arithmetic3A_8 : vector<16xi32>
    %swap3A_10 = arith.constant 0 : index
    %swap3A_11 = tpu.vector_load %arg11[%swap3A_10] {strides = array<i32>} : memref<512xi32, #tpu.memory_space<vmem>>, vector<16xi32>,
    tpu.vector_store %arg11[%swap3A_10], %shift_right_arithmetic3A_9 {strides = array<i32>} : memref<512xi32, #tpu.memory_space<vmem>>, vector<16xi32>,
    %get3A_12 = arith.constant 0 : index
    %get3A_13 = tpu.vector_load %arg10[%get3A_12] {strides = array<i32>} : memref<528xi32, #tpu.memory_space<vmem>>, vector<16xi32>,
    %shift_right_arithmetic3A_14 = arith.constant 7 : i32
    %shift_right_arithmetic3A_15 = vector.broadcast %shift_right_arithmetic3A_14 : i32 to vector<16xi32>
    %shift_right_arithmetic3A_16 = arith.shrsi %get3A_13, %shift_right_arithmetic3A_15 : vector<16xi32>
    %swap3A_17 = arith.constant 0 : index
    %swap3A_18 = tpu.vector_load %arg12[%swap3A_17] {strides = array<i32>} : memref<512xi32, #tpu.memory_space<vmem>>, vector<16xi32>,
    tpu.vector_store %arg12[%swap3A_17], %shift_right_arithmetic3A_16 {strides = array<i32>} : memref<512xi32, #tpu.memory_space<vmem>>, vector<16xi32>,
    %get3A_19 = arith.constant 16 : index
    %get3A_20 = tpu.vector_load %arg9[%get3A_19] {strides = array<i32>} : memref<528xi32, #tpu.memory_space<vmem>>, vector<16xi32>,
    %shift_right_arithmetic3A_21 = arith.constant 7 : i32
    %shift_right_arithmetic3A_22 = vector.broadcast %shift_right_arithmetic3A_21 : i32 to vector<16xi32>
    %shift_right_arithmetic3A_23 = arith.shrsi %get3A_20, %shift_right_arithmetic3A_22 : vector<16xi32>
    %swap3A_24 = arith.constant 16 : index
    %swap3A_25 = tpu.vector_load %arg11[%swap3A_24] {strides = array<i32>} : memref<512xi32, #tpu.memory_space<vmem>>, vector<16xi32>,
    tpu.vector_store %arg11[%swap3A_24], %shift_right_arithmetic3A_23 {strides = array<i32>} : memref<512xi32, #tpu.memory_space<vmem>>, vector<16xi32>,
    %get3A_26 = arith.constant 16 : index
    %get3A_27 = tpu.vector_load %arg10[%get3A_26] {strides = array<i32>} : memref<528xi32, #tpu.memory_space<vmem>>, vector<16xi32>,
    %shift_right_arithmetic3A_28 = arith.constant 7 : i32
    %shift_right_arithmetic3A_29 = vector.broadcast %shift_right_arithmetic3A_28 : i32 to vector<16xi32>
    %shift_right_arithmetic3A_30 = arith.shrsi %get3A_27, %shift_right_arithmetic3A_29 : vector<16xi32>
    %swap3A_31 = arith.constant 16 : index
    %swap3A_32 = tpu.vector_load %arg12[%swap3A_31] {strides = array<i32>} : memref<512xi32, #tpu.memory_space<vmem>>, vector<16xi32>,
    tpu.vector_store %arg12[%swap3A_31], %shift_right_arithmetic3A_30 {strides = array<i32>} : memref<512xi32, #tpu.memory_space<vmem>>, vector<16xi32>,
    %get3A_33 = arith.constant 32 : index
    %get3A_34 = tpu.vector_load %arg9[%get3A_33] {strides = array<i32>} : memref<528xi32, #tpu.memory_space<vmem>>, vector<16xi32>,
    %shift_right_arithmetic3A_35 = arith.constant 7 : i32
    %shift_right_arithmetic3A_36 = vector.broadcast %shift_right_arithmetic3A_35 : i32 to vector<16xi32>
    %shift_right_arithmetic3A_37 = arith.shrsi %get3A_34, %shift_right_arithmetic3A_36 : vector<16xi32>
    %swap3A_38 = arith.constant 32 : index
    %swap3A_39 = tpu.vector_load %arg11[%swap3A_38] {strides = array<i32>} : memref<512xi32, #tpu.memory_space<vmem>>, vector<16xi32>,
    tpu.vector_store %arg11[%swap3A_38], %shift_right_arithmetic3A_37 {strides = array<i32>} : memref<512xi32, #tpu.memory_space<vmem>>, vector<16xi32>,
    %get3A_40 = arith.constant 32 : index
    %get3A_41 = tpu.vector_load %arg10[%get3A_40] {strides = array<i32>} : memref<528xi32, #tpu.memory_space<vmem>>, vector<16xi32>,
    %shift_right_arithmetic3A_42 = arith.constant 7 : i32
    %shift_right_arithmetic3A_43 = vector.broadcast %shift_right_arithmetic3A_42 : i32 to vector<16xi32>
    %shift_right_arithmetic3A_44 = arith.shrsi %get3A_41, %shift_right_arithmetic3A_43 : vector<16xi32>
    %swap3A_45 = arith.constant 32 : index
    %swap3A_46 = tpu.vector_load %arg12[%swap3A_45] {strides = array<i32>} : memref<512xi32, #tpu.memory_space<vmem>>, vector<16xi32>,
    tpu.vector_store %arg12[%swap3A_45], %shift_right_arithmetic3A_44 {strides = array<i32>} : memref<512xi32, #tpu.memory_space<vmem>>, vector<16xi32>,
    %get3A_47 = arith.constant 48 : index
    %get3A_48 = tpu.vector_load %arg9[%get3A_47] {strides = array<i32>} : memref<528xi32, #tpu.memory_space<vmem>>, vector<16xi32>,
    %shift_right_arithmetic3A_49 = arith.constant 7 : i32
    %shift_right_arithmetic3A_50 = vector.broadcast %shift_right_arithmetic3A_49 : i32 to vector<16xi32>
    %shift_right_arithmetic3A_51 = arith.shrsi %get3A_48, %shift_right_arithmetic3A_50 : vector<16xi32>
    %swap3A_52 = arith.constant 48 : index
    %swap3A_53 = tpu.vector_load %arg11[%swap3A_52] {strides = array<i32>} : memref<512xi32, #tpu.memory_space<vmem>>, vector<16xi32>,
    tpu.vector_store %arg11[%swap3A_52], %shift_right_arithmetic3A_51 {strides = array<i32>} : memref<512xi32, #tpu.memory_space<vmem>>, vector<16xi32>,
    %get3A_54 = arith.constant 48 : index
    %get3A_55 = tpu.vector_load %arg10[%get3A_54] {strides = array<i32>} : memref<528xi32, #tpu.memory_space<vmem>>, vector<16xi32>,
    %shift_right_arithmetic3A_56 = arith.constant 7 : i32
    %shift_right_arithmetic3A_57 = vector.broadcast %shift_right_arithmetic3A_56 : i32 to vector<16xi32>
    %shift_right_arithmetic3A_58 = arith.shrsi %get3A_55, %shift_right_arithmetic3A_57 : vector<16xi32>
    %swap3A_59 = arith.constant 48 : index
    %swap3A_60 = tpu.vector_load %arg12[%swap3A_59] {strides = array<i32>} : memref<512xi32, #tpu.memory_space<vmem>>, vector<16xi32>,
    tpu.vector_store %arg12[%swap3A_59], %shift_right_arithmetic3A_58 {strides = array<i32>} : memref<512xi32, #tpu.memory_space<vmem>>, vector<16xi32>,
    %get3A_61 = arith.constant 64 : index
    %get3A_62 = tpu.vector_load %arg9[%get3A_61] {strides = array<i32>} : memref<528xi32, #tpu.memory_space<vmem>>, vector<16xi32>,
    %shift_right_arithmetic3A_63 = arith.constant 7 : i32
    %shift_right_arithmetic3A_64 = vector.broadcast %shift_right_arithmetic3A_63 : i32 to vector<16xi32>
    %shift_right_arithmetic3A_65 = arith.shrsi %get3A_62, %shift_right_arithmetic3A_64 : vector<16xi32>
    %swap3A_66 = arith.constant 64 : index
    %swap3A_67 = tpu.vector_load %arg11[%swap3A_66] {strides = array<i32>} : memref<512xi32, #tpu.memory_space<vmem>>, vector<16xi32>,
    tpu.vector_store %arg11[%swap3A_66], %shift_right_arithmetic3A_65 {strides = array<i32>} : memref<512xi32, #tpu.memory_space<vmem>>, vector<16xi32>,
    %get3A_68 = arith.constant 64 : index
    %get3A_69 = tpu.vector_load %arg10[%get3A_68] {strides = array<i32>} : memref<528xi32, #tpu.memory_space<vmem>>, vector<16xi32>,
    %shift_right_arithmetic3A_70 = arith.constant 7 : i32
    %shift_right_arithmetic3A_71 = vector.broadcast %shift_right_arithmetic3A_70 : i32 to vector<16xi32>
    %shift_right_arithmetic3A_72 = arith.shrsi %get3A_69, %shift_right_arithmetic3A_71 : vector<16xi32>
    %swap3A_73 = arith.constant 64 : index
    %swap3A_74 = tpu.vector_load %arg12[%swap3A_73] {strides = array<i32>} : memref<512xi32, #tpu.memory_space<vmem>>, vector<16xi32>,
    tpu.vector_store %arg12[%swap3A_73], %shift_right_arithmetic3A_72 {strides = array<i32>} : memref<512xi32, #tpu.memory_space<vmem>>, vector<16xi32>,
    %get3A_75 = arith.constant 80 : index
    %get3A_76 = tpu.vector_load %arg9[%get3A_75] {strides = array<i32>} : memref<528xi32, #tpu.memory_space<vmem>>, vector<16xi32>,
    %shift_right_arithmetic3A_77 = arith.constant 7 : i32
    %shift_right_arithmetic3A_78 = vector.broadcast %shift_right_arithmetic3A_77 : i32 to vector<16xi32>
    %shift_right_arithmetic3A_79 = arith.shrsi %get3A_76, %shift_right_arithmetic3A_78 : vector<16xi32>
    %swap3A_80 = arith.constant 80 : index
    %swap3A_81 = tpu.vector_load %arg11[%swap3A_80] {strides = array<i32>} : memref<512xi32, #tpu.memory_space<vmem>>, vector<16xi32>,
    tpu.vector_store %arg11[%swap3A_80], %shift_right_arithmetic3A_79 {strides = array<i32>} : memref<512xi32, #tpu.memory_space<vmem>>, vector<16xi32>,
    %get3A_82 = arith.constant 80 : index
    %get3A_83 = tpu.vector_load %arg10[%get3A_82] {strides = array<i32>} : memref<528xi32, #tpu.memory_space<vmem>>, vector<16xi32>,
    %shift_right_arithmetic3A_84 = arith.constant 7 : i32
    %shift_right_arithmetic3A_85 = vector.broadcast %shift_right_arithmetic3A_84 : i32 to vector<16xi32>
    %shift_right_arithmetic3A_86 = arith.shrsi %get3A_83, %shift_right_arithmetic3A_85 : vector<16xi32>
    %swap3A_87 = arith.constant 80 : index
    %swap3A_88 = tpu.vector_load %arg12[%swap3A_87] {strides = array<i32>} : memref<512xi32, #tpu.memory_space<vmem>>, vector<16xi32>,
    tpu.vector_store %arg12[%swap3A_87], %shift_right_arithmetic3A_86 {strides = array<i32>} : memref<512xi32, #tpu.memory_space<vmem>>, vector<16xi32>,
    %get3A_89 = arith.constant 96 : index
    %get3A_90 = tpu.vector_load %arg9[%get3A_89] {strides = array<i32>} : memref<528xi32, #tpu.memory_space<vmem>>, vector<16xi32>,
    %shift_right_arithmetic3A_91 = arith.constant 7 : i32
    %shift_right_arithmetic3A_92 = vector.broadcast %shift_right_arithmetic3A_91 : i32 to vector<16xi32>
    %shift_right_arithmetic3A_93 = arith.shrsi %get3A_90, %shift_right_arithmetic3A_92 : vector<16xi32>
    %swap3A_94 = arith.constant 96 : index
    %swap3A_95 = tpu.vector_load %arg11[%swap3A_94] {strides = array<i32>} : memref<512xi32, #tpu.memory_space<vmem>>, vector<16xi32>,
    tpu.vector_store %arg11[%swap3A_94], %shift_right_arithmetic3A_93 {strides = array<i32>} : memref<512xi32, #tpu.memory_space<vmem>>, vector<16xi32>,
    %get3A_96 = arith.constant 96 : index
    %get3A_97 = tpu.vector_load %arg10[%get3A_96] {strides = array<i32>} : memref<528xi32, #tpu.memory_space<vmem>>, vector<16xi32>,
    %shift_right_arithmetic3A_98 = arith.constant 7 : i32
    %shift_right_arithmetic3A_99 = vector.broadcast %shift_right_arithmetic3A_98 : i32 to vector<16xi32>
    %shift_right_arithmetic3A_100 = arith.shrsi %get3A_97, %shift_right_arithmetic3A_99 : vector<16xi32>
    %swap3A_101 = arith.constant 96 : index
    %swap3A_102 = tpu.vector_load %arg12[%swap3A_101] {strides = array<i32>} : memref<512xi32, #tpu.memory_space<vmem>>, vector<16xi32>,
    tpu.vector_store %arg12[%swap3A_101], %shift_right_arithmetic3A_100 {strides = array<i32>} : memref<512xi32, #tpu.memory_space<vmem>>, vector<16xi32>,
    %get3A_103 = arith.constant 112 : index
    %get3A_104 = tpu.vector_load %arg9[%get3A_103] {strides = array<i32>} : memref<528xi32, #tpu.memory_space<vmem>>, vector<16xi32>,
    %shift_right_arithmetic3A_105 = arith.constant 7 : i32
    %shift_right_arithmetic3A_106 = vector.broadcast %shift_right_arithmetic3A_105 : i32 to vector<16xi32>
    %shift_right_arithmetic3A_107 = arith.shrsi %get3A_104, %shift_right_arithmetic3A_106 : vector<16xi32>
    %swap3A_108 = arith.constant 112 : index
    %swap3A_109 = tpu.vector_load %arg11[%swap3A_108] {strides = array<i32>} : memref<512xi32, #tpu.memory_space<vmem>>, vector<16xi32>,
    tpu.vector_store %arg11[%swap3A_108], %shift_right_arithmetic3A_107 {strides = array<i32>} : memref<512xi32, #tpu.memory_space<vmem>>, vector<16xi32>,
    %get3A_110 = arith.constant 112 : index
    %get3A_111 = tpu.vector_load %arg10[%get3A_110] {strides = array<i32>} : memref<528xi32, #tpu.memory_space<vmem>>, vector<16xi32>,
    %shift_right_arithmetic3A_112 = arith.constant 7 : i32
    %shift_right_arithmetic3A_113 = vector.broadcast %shift_right_arithmetic3A_112 : i32 to vector<16xi32>
    %shift_right_arithmetic3A_114 = arith.shrsi %get3A_111, %shift_right_arithmetic3A_113 : vector<16xi32>
    %swap3A_115 = arith.constant 112 : index
    %swap3A_116 = tpu.vector_load %arg12[%swap3A_115] {strides = array<i32>} : memref<512xi32, #tpu.memory_space<vmem>>, vector<16xi32>,
    tpu.vector_store %arg12[%swap3A_115], %shift_right_arithmetic3A_114 {strides = array<i32>} : memref<512xi32, #tpu.memory_space<vmem>>, vector<16xi32>,
    %get3A_117 = arith.constant 128 : index
    %get3A_118 = tpu.vector_load %arg9[%get3A_117] {strides = array<i32>} : memref<528xi32, #tpu.memory_space<vmem>>, vector<16xi32>,
    %shift_right_arithmetic3A_119 = arith.constant 7 : i32
    %shift_right_arithmetic3A_120 = vector.broadcast %shift_right_arithmetic3A_119 : i32 to vector<16xi32>
    %shift_right_arithmetic3A_121 = arith.shrsi %get3A_118, %shift_right_arithmetic3A_120 : vector<16xi32>
    %swap3A_122 = arith.constant 128 : index
    %swap3A_123 = tpu.vector_load %arg11[%swap3A_122] {strides = array<i32>} : memref<512xi32, #tpu.memory_space<vmem>>, vector<16xi32>,
    tpu.vector_store %arg11[%swap3A_122], %shift_right_arithmetic3A_121 {strides = array<i32>} : memref<512xi32, #tpu.memory_space<vmem>>, vector<16xi32>,
    %get3A_124 = arith.constant 128 : index
    %get3A_125 = tpu.vector_load %arg10[%get3A_124] {strides = array<i32>} : memref<528xi32, #tpu.memory_space<vmem>>, vector<16xi32>,
    %shift_right_arithmetic3A_126 = arith.constant 7 : i32
    %shift_right_arithmetic3A_127 = vector.broadcast %shift_right_arithmetic3A_126 : i32 to vector<16xi32>
    %shift_right_arithmetic3A_128 = arith.shrsi %get3A_125, %shift_right_arithmetic3A_127 : vector<16xi32>
    %swap3A_129 = arith.constant 128 : index
    %swap3A_130 = tpu.vector_load %arg12[%swap3A_129] {strides = array<i32>} : memref<512xi32, #tpu.memory_space<vmem>>, vector<16xi32>,
    tpu.vector_store %arg12[%swap3A_129], %shift_right_arithmetic3A_128 {strides = array<i32>} : memref<512xi32, #tpu.memory_space<vmem>>, vector<16xi32>,
    %get3A_131 = arith.constant 144 : index
    %get3A_132 = tpu.vector_load %arg9[%get3A_131] {strides = array<i32>} : memref<528xi32, #tpu.memory_space<vmem>>, vector<16xi32>,
    %shift_right_arithmetic3A_133 = arith.constant 7 : i32
    %shift_right_arithmetic3A_134 = vector.broadcast %shift_right_arithmetic3A_133 : i32 to vector<16xi32>
    %shift_right_arithmetic3A_135 = arith.shrsi %get3A_132, %shift_right_arithmetic3A_134 : vector<16xi32>
    %swap3A_136 = arith.constant 144 : index
    %swap3A_137 = tpu.vector_load %arg11[%swap3A_136] {strides = array<i32>} : memref<512xi32, #tpu.memory_space<vmem>>, vector<16xi32>,
    tpu.vector_store %arg11[%swap3A_136], %shift_right_arithmetic3A_135 {strides = array<i32>} : memref<512xi32, #tpu.memory_space<vmem>>, vector<16xi32>,
    %get3A_138 = arith.constant 144 : index
    %get3A_139 = tpu.vector_load %arg10[%get3A_138] {strides = array<i32>} : memref<528xi32, #tpu.memory_space<vmem>>, vector<16xi32>,
    %shift_right_arithmetic3A_140 = arith.constant 7 : i32
    %shift_right_arithmetic3A_141 = vector.broadcast %shift_right_arithmetic3A_140 : i32 to vector<16xi32>
    %shift_right_arithmetic3A_142 = arith.shrsi %get3A_139, %shift_right_arithmetic3A_141 : vector<16xi32>
    %swap3A_143 = arith.constant 144 : index
    %swap3A_144 = tpu.vector_load %arg12[%swap3A_143] {strides = array<i32>} : memref<512xi32, #tpu.memory_space<vmem>>, vector<16xi32>,
    tpu.vector_store %arg12[%swap3A_143], %shift_right_arithmetic3A_142 {strides = array<i32>} : memref<512xi32, #tpu.memory_space<vmem>>, vector<16xi32>,
    %get3A_145 = arith.constant 160 : index
    %get3A_146 = tpu.vector_load %arg9[%get3A_145] {strides = array<i32>} : memref<528xi32, #tpu.memory_space<vmem>>, vector<16xi32>,
    %shift_right_arithmetic3A_147 = arith.constant 7 : i32
    %shift_right_arithmetic3A_148 = vector.broadcast %shift_right_arithmetic3A_147 : i32 to vector<16xi32>
    %shift_right_arithmetic3A_149 = arith.shrsi %get3A_146, %shift_right_arithmetic3A_148 : vector<16xi32>
    %swap3A_150 = arith.constant 160 : index
    %swap3A_151 = tpu.vector_load %arg11[%swap3A_150] {strides = array<i32>} : memref<512xi32, #tpu.memory_space<vmem>>, vector<16xi32>,
    tpu.vector_store %arg11[%swap3A_150], %shift_right_arithmetic3A_149 {strides = array<i32>} : memref<512xi32, #tpu.memory_space<vmem>>, vector<16xi32>,
    %get3A_152 = arith.constant 160 : index
    %get3A_153 = tpu.vector_load %arg10[%get3A_152] {strides = array<i32>} : memref<528xi32, #tpu.memory_space<vmem>>, vector<16xi32>,
    %shift_right_arithmetic3A_154 = arith.constant 7 : i32
    %shift_right_arithmetic3A_155 = vector.broadcast %shift_right_arithmetic3A_154 : i32 to vector<16xi32>
    %shift_right_arithmetic3A_156 = arith.shrsi %get3A_153, %shift_right_arithmetic3A_155 : vector<16xi32>
    %swap3A_157 = arith.constant 160 : index
    %swap3A_158 = tpu.vector_load %arg12[%swap3A_157] {strides = array<i32>} : memref<512xi32, #tpu.memory_space<vmem>>, vector<16xi32>,
    tpu.vector_store %arg12[%swap3A_157], %shift_right_arithmetic3A_156 {strides = array<i32>} : memref<512xi32, #tpu.memory_space<vmem>>, vector<16xi32>,
    %get3A_159 = arith.constant 176 : index
    %get3A_160 = tpu.vector_load %arg9[%get3A_159] {strides = array<i32>} : memref<528xi32, #tpu.memory_space<vmem>>, vector<16xi32>,
    %shift_right_arithmetic3A_161 = arith.constant 7 : i32
    %shift_right_arithmetic3A_162 = vector.broadcast %shift_right_arithmetic3A_161 : i32 to vector<16xi32>
    %shift_right_arithmetic3A_163 = arith.shrsi %get3A_160, %shift_right_arithmetic3A_162 : vector<16xi32>
    %swap3A_164 = arith.constant 176 : index
    %swap3A_165 = tpu.vector_load %arg11[%swap3A_164] {strides = array<i32>} : memref<512xi32, #tpu.memory_space<vmem>>, vector<16xi32>,
    tpu.vector_store %arg11[%swap3A_164], %shift_right_arithmetic3A_163 {strides = array<i32>} : memref<512xi32, #tpu.memory_space<vmem>>, vector<16xi32>,
    %get3A_166 = arith.constant 176 : index
    %get3A_167 = tpu.vector_load %arg10[%get3A_166] {strides = array<i32>} : memref<528xi32, #tpu.memory_space<vmem>>, vector<16xi32>,
    %shift_right_arithmetic3A_168 = arith.constant 7 : i32
    %shift_right_arithmetic3A_169 = vector.broadcast %shift_right_arithmetic3A_168 : i32 to vector<16xi32>
    %shift_right_arithmetic3A_170 = arith.shrsi %get3A_167, %shift_right_arithmetic3A_169 : vector<16xi32>
    %swap3A_171 = arith.constant 176 : index
    %swap3A_172 = tpu.vector_load %arg12[%swap3A_171] {strides = array<i32>} : memref<512xi32, #tpu.memory_space<vmem>>, vector<16xi32>,
    tpu.vector_store %arg12[%swap3A_171], %shift_right_arithmetic3A_170 {strides = array<i32>} : memref<512xi32, #tpu.memory_space<vmem>>, vector<16xi32>,
    %get3A_173 = arith.constant 192 : index
    %get3A_174 = tpu.vector_load %arg9[%get3A_173] {strides = array<i32>} : memref<528xi32, #tpu.memory_space<vmem>>, vector<16xi32>,
    %shift_right_arithmetic3A_175 = arith.constant 7 : i32
    %shift_right_arithmetic3A_176 = vector.broadcast %shift_right_arithmetic3A_175 : i32 to vector<16xi32>
    %shift_right_arithmetic3A_177 = arith.shrsi %get3A_174, %shift_right_arithmetic3A_176 : vector<16xi32>
    %swap3A_178 = arith.constant 192 : index
    %swap3A_179 = tpu.vector_load %arg11[%swap3A_178] {strides = array<i32>} : memref<512xi32, #tpu.memory_space<vmem>>, vector<16xi32>,
    tpu.vector_store %arg11[%swap3A_178], %shift_right_arithmetic3A_177 {strides = array<i32>} : memref<512xi32, #tpu.memory_space<vmem>>, vector<16xi32>,
    %get3A_180 = arith.constant 192 : index
    %get3A_181 = tpu.vector_load %arg10[%get3A_180] {strides = array<i32>} : memref<528xi32, #tpu.memory_space<vmem>>, vector<16xi32>,
    %shift_right_arithmetic3A_182 = arith.constant 7 : i32
    %shift_right_arithmetic3A_183 = vector.broadcast %shift_right_arithmetic3A_182 : i32 to vector<16xi32>
    %shift_right_arithmetic3A_184 = arith.shrsi %get3A_181, %shift_right_arithmetic3A_183 : vector<16xi32>
    %swap3A_185 = arith.constant 192 : index
    %swap3A_186 = tpu.vector_load %arg12[%swap3A_185] {strides = array<i32>} : memref<512xi32, #tpu.memory_space<vmem>>, vector<16xi32>,
    tpu.vector_store %arg12[%swap3A_185], %shift_right_arithmetic3A_184 {strides = array<i32>} : memref<512xi32, #tpu.memory_space<vmem>>, vector<16xi32>,
    %get3A_187 = arith.constant 208 : index
    %get3A_188 = tpu.vector_load %arg9[%get3A_187] {strides = array<i32>} : memref<528xi32, #tpu.memory_space<vmem>>, vector<16xi32>,
    %shift_right_arithmetic3A_189 = arith.constant 7 : i32
    %shift_right_arithmetic3A_190 = vector.broadcast %shift_right_arithmetic3A_189 : i32 to vector<16xi32>
    %shift_right_arithmetic3A_191 = arith.shrsi %get3A_188, %shift_right_arithmetic3A_190 : vector<16xi32>
    %swap3A_192 = arith.constant 208 : index
    %swap3A_193 = tpu.vector_load %arg11[%swap3A_192] {strides = array<i32>} : memref<512xi32, #tpu.memory_space<vmem>>, vector<16xi32>,
    tpu.vector_store %arg11[%swap3A_192], %shift_right_arithmetic3A_191 {strides = array<i32>} : memref<512xi32, #tpu.memory_space<vmem>>, vector<16xi32>,
    %get3A_194 = arith.constant 208 : index
    %get3A_195 = tpu.vector_load %arg10[%get3A_194] {strides = array<i32>} : memref<528xi32, #tpu.memory_space<vmem>>, vector<16xi32>,
    %shift_right_arithmetic3A_196 = arith.constant 7 : i32
    %shift_right_arithmetic3A_197 = vector.broadcast %shift_right_arithmetic3A_196 : i32 to vector<16xi32>
    %shift_right_arithmetic3A_198 = arith.shrsi %get3A_195, %shift_right_arithmetic3A_197 : vector<16xi32>
    %swap3A_199 = arith.constant 208 : index
    %swap3A_200 = tpu.vector_load %arg12[%swap3A_199] {strides = array<i32>} : memref<512xi32, #tpu.memory_space<vmem>>, vector<16xi32>,
    tpu.vector_store %arg12[%swap3A_199], %shift_right_arithmetic3A_198 {strides = array<i32>} : memref<512xi32, #tpu.memory_space<vmem>>, vector<16xi32>,
    %get3A_201 = arith.constant 224 : index
    %get3A_202 = tpu.vector_load %arg9[%get3A_201] {strides = array<i32>} : memref<528xi32, #tpu.memory_space<vmem>>, vector<16xi32>,
    %shift_right_arithmetic3A_203 = arith.constant 7 : i32
    %shift_right_arithmetic3A_204 = vector.broadcast %shift_right_arithmetic3A_203 : i32 to vector<16xi32>
    %shift_right_arithmetic3A_205 = arith.shrsi %get3A_202, %shift_right_arithmetic3A_204 : vector<16xi32>
    %swap3A_206 = arith.constant 224 : index
    %swap3A_207 = tpu.vector_load %arg11[%swap3A_206] {strides = array<i32>} : memref<512xi32, #tpu.memory_space<vmem>>, vector<16xi32>,
    tpu.vector_store %arg11[%swap3A_206], %shift_right_arithmetic3A_205 {strides = array<i32>} : memref<512xi32, #tpu.memory_space<vmem>>, vector<16xi32>,
    %get3A_208 = arith.constant 224 : index
    %get3A_209 = tpu.vector_load %arg10[%get3A_208] {strides = array<i32>} : memref<528xi32, #tpu.memory_space<vmem>>, vector<16xi32>,
    %shift_right_arithmetic3A_210 = arith.constant 7 : i32
    %shift_right_arithmetic3A_211 = vector.broadcast %shift_right_arithmetic3A_210 : i32 to vector<16xi32>
    %shift_right_arithmetic3A_212 = arith.shrsi %get3A_209, %shift_right_arithmetic3A_211 : vector<16xi32>
    %swap3A_213 = arith.constant 224 : index
    %swap3A_214 = tpu.vector_load %arg12[%swap3A_213] {strides = array<i32>} : memref<512xi32, #tpu.memory_space<vmem>>, vector<16xi32>,
    tpu.vector_store %arg12[%swap3A_213], %shift_right_arithmetic3A_212 {strides = array<i32>} : memref<512xi32, #tpu.memory_space<vmem>>, vector<16xi32>,
    %get3A_215 = arith.constant 240 : index
    %get3A_216 = tpu.vector_load %arg9[%get3A_215] {strides = array<i32>} : memref<528xi32, #tpu.memory_space<vmem>>, vector<16xi32>,
    %shift_right_arithmetic3A_217 = arith.constant 7 : i32
    %shift_right_arithmetic3A_218 = vector.broadcast %shift_right_arithmetic3A_217 : i32 to vector<16xi32>
    %shift_right_arithmetic3A_219 = arith.shrsi %get3A_216, %shift_right_arithmetic3A_218 : vector<16xi32>
    %swap3A_220 = arith.constant 240 : index
    %swap3A_221 = tpu.vector_load %arg11[%swap3A_220] {strides = array<i32>} : memref<512xi32, #tpu.memory_space<vmem>>, vector<16xi32>,
    tpu.vector_store %arg11[%swap3A_220], %shift_right_arithmetic3A_219 {strides = array<i32>} : memref<512xi32, #tpu.memory_space<vmem>>, vector<16xi32>,
    %get3A_222 = arith.constant 240 : index
    %get3A_223 = tpu.vector_load %arg10[%get3A_222] {strides = array<i32>} : memref<528xi32, #tpu.memory_space<vmem>>, vector<16xi32>,
    %shift_right_arithmetic3A_224 = arith.constant 7 : i32
    %shift_right_arithmetic3A_225 = vector.broadcast %shift_right_arithmetic3A_224 : i32 to vector<16xi32>
    %shift_right_arithmetic3A_226 = arith.shrsi %get3A_223, %shift_right_arithmetic3A_225 : vector<16xi32>
    %swap3A_227 = arith.constant 240 : index
    %swap3A_228 = tpu.vector_load %arg12[%swap3A_227] {strides = array<i32>} : memref<512xi32, #tpu.memory_space<vmem>>, vector<16xi32>,
    tpu.vector_store %arg12[%swap3A_227], %shift_right_arithmetic3A_226 {strides = array<i32>} : memref<512xi32, #tpu.memory_space<vmem>>, vector<16xi32>,
    %get3A_229 = arith.constant 256 : index
    %get3A_230 = tpu.vector_load %arg9[%get3A_229] {strides = array<i32>} : memref<528xi32, #tpu.memory_space<vmem>>, vector<16xi32>,
    %shift_right_arithmetic3A_231 = arith.constant 7 : i32
    %shift_right_arithmetic3A_232 = vector.broadcast %shift_right_arithmetic3A_231 : i32 to vector<16xi32>
    %shift_right_arithmetic3A_233 = arith.shrsi %get3A_230, %shift_right_arithmetic3A_232 : vector<16xi32>
    %swap3A_234 = arith.constant 256 : index
    %swap3A_235 = tpu.vector_load %arg11[%swap3A_234] {strides = array<i32>} : memref<512xi32, #tpu.memory_space<vmem>>, vector<16xi32>,
    tpu.vector_store %arg11[%swap3A_234], %shift_right_arithmetic3A_233 {strides = array<i32>} : memref<512xi32, #tpu.memory_space<vmem>>, vector<16xi32>,
    %get3A_236 = arith.constant 256 : index
    %get3A_237 = tpu.vector_load %arg10[%get3A_236] {strides = array<i32>} : memref<528xi32, #tpu.memory_space<vmem>>, vector<16xi32>,
    %shift_right_arithmetic3A_238 = arith.constant 7 : i32
    %shift_right_arithmetic3A_239 = vector.broadcast %shift_right_arithmetic3A_238 : i32 to vector<16xi32>
    %shift_right_arithmetic3A_240 = arith.shrsi %get3A_237, %shift_right_arithmetic3A_239 : vector<16xi32>
    %swap3A_241 = arith.constant 256 : index
    %swap3A_242 = tpu.vector_load %arg12[%swap3A_241] {strides = array<i32>} : memref<512xi32, #tpu.memory_space<vmem>>, vector<16xi32>,
    tpu.vector_store %arg12[%swap3A_241], %shift_right_arithmetic3A_240 {strides = array<i32>} : memref<512xi32, #tpu.memory_space<vmem>>, vector<16xi32>,
    %get3A_243 = arith.constant 272 : index
    %get3A_244 = tpu.vector_load %arg9[%get3A_243] {strides = array<i32>} : memref<528xi32, #tpu.memory_space<vmem>>, vector<16xi32>,
    %shift_right_arithmetic3A_245 = arith.constant 7 : i32
    %shift_right_arithmetic3A_246 = vector.broadcast %shift_right_arithmetic3A_245 : i32 to vector<16xi32>
    %shift_right_arithmetic3A_247 = arith.shrsi %get3A_244, %shift_right_arithmetic3A_246 : vector<16xi32>
    %swap3A_248 = arith.constant 272 : index
    %swap3A_249 = tpu.vector_load %arg11[%swap3A_248] {strides = array<i32>} : memref<512xi32, #tpu.memory_space<vmem>>, vector<16xi32>,
    tpu.vector_store %arg11[%swap3A_248], %shift_right_arithmetic3A_247 {strides = array<i32>} : memref<512xi32, #tpu.memory_space<vmem>>, vector<16xi32>,
    %get3A_250 = arith.constant 272 : index
    %get3A_251 = tpu.vector_load %arg10[%get3A_250] {strides = array<i32>} : memref<528xi32, #tpu.memory_space<vmem>>, vector<16xi32>,
    %shift_right_arithmetic3A_252 = arith.constant 7 : i32
    %shift_right_arithmetic3A_253 = vector.broadcast %shift_right_arithmetic3A_252 : i32 to vector<16xi32>
    %shift_right_arithmetic3A_254 = arith.shrsi %get3A_251, %shift_right_arithmetic3A_253 : vector<16xi32>
    %swap3A_255 = arith.constant 272 : index
    %swap3A_256 = tpu.vector_load %arg12[%swap3A_255] {strides = array<i32>} : memref<512xi32, #tpu.memory_space<vmem>>, vector<16xi32>,
    tpu.vector_store %arg12[%swap3A_255], %shift_right_arithmetic3A_254 {strides = array<i32>} : memref<512xi32, #tpu.memory_space<vmem>>, vector<16xi32>,
    %get3A_257 = arith.constant 288 : index
    %get3A_258 = tpu.vector_load %arg9[%get3A_257] {strides = array<i32>} : memref<528xi32, #tpu.memory_space<vmem>>, vector<16xi32>,
    %shift_right_arithmetic3A_259 = arith.constant 7 : i32
    %shift_right_arithmetic3A_260 = vector.broadcast %shift_right_arithmetic3A_259 : i32 to vector<16xi32>
    %shift_right_arithmetic3A_261 = arith.shrsi %get3A_258, %shift_right_arithmetic3A_260 : vector<16xi32>
    %swap3A_262 = arith.constant 288 : index
    %swap3A_263 = tpu.vector_load %arg11[%swap3A_262] {strides = array<i32>} : memref<512xi32, #tpu.memory_space<vmem>>, vector<16xi32>,
    tpu.vector_store %arg11[%swap3A_262], %shift_right_arithmetic3A_261 {strides = array<i32>} : memref<512xi32, #tpu.memory_space<vmem>>, vector<16xi32>,
    %get3A_264 = arith.constant 288 : index
    %get3A_265 = tpu.vector_load %arg10[%get3A_264] {strides = array<i32>} : memref<528xi32, #tpu.memory_space<vmem>>, vector<16xi32>,
    %shift_right_arithmetic3A_266 = arith.constant 7 : i32
    %shift_right_arithmetic3A_267 = vector.broadcast %shift_right_arithmetic3A_266 : i32 to vector<16xi32>
    %shift_right_arithmetic3A_268 = arith.shrsi %get3A_265, %shift_right_arithmetic3A_267 : vector<16xi32>
    %swap3A_269 = arith.constant 288 : index
    %swap3A_270 = tpu.vector_load %arg12[%swap3A_269] {strides = array<i32>} : memref<512xi32, #tpu.memory_space<vmem>>, vector<16xi32>,
    tpu.vector_store %arg12[%swap3A_269], %shift_right_arithmetic3A_268 {strides = array<i32>} : memref<512xi32, #tpu.memory_space<vmem>>, vector<16xi32>,
    %get3A_271 = arith.constant 304 : index
    %get3A_272 = tpu.vector_load %arg9[%get3A_271] {strides = array<i32>} : memref<528xi32, #tpu.memory_space<vmem>>, vector<16xi32>,
    %shift_right_arithmetic3A_273 = arith.constant 7 : i32
    %shift_right_arithmetic3A_274 = vector.broadcast %shift_right_arithmetic3A_273 : i32 to vector<16xi32>
    %shift_right_arithmetic3A_275 = arith.shrsi %get3A_272, %shift_right_arithmetic3A_274 : vector<16xi32>
    %swap3A_276 = arith.constant 304 : index
    %swap3A_277 = tpu.vector_load %arg11[%swap3A_276] {strides = array<i32>} : memref<512xi32, #tpu.memory_space<vmem>>, vector<16xi32>,
    tpu.vector_store %arg11[%swap3A_276], %shift_right_arithmetic3A_275 {strides = array<i32>} : memref<512xi32, #tpu.memory_space<vmem>>, vector<16xi32>,
    %get3A_278 = arith.constant 304 : index
    %get3A_279 = tpu.vector_load %arg10[%get3A_278] {strides = array<i32>} : memref<528xi32, #tpu.memory_space<vmem>>, vector<16xi32>,
    %shift_right_arithmetic3A_280 = arith.constant 7 : i32
    %shift_right_arithmetic3A_281 = vector.broadcast %shift_right_arithmetic3A_280 : i32 to vector<16xi32>
    %shift_right_arithmetic3A_282 = arith.shrsi %get3A_279, %shift_right_arithmetic3A_281 : vector<16xi32>
    %swap3A_283 = arith.constant 304 : index
    %swap3A_284 = tpu.vector_load %arg12[%swap3A_283] {strides = array<i32>} : memref<512xi32, #tpu.memory_space<vmem>>, vector<16xi32>,
    tpu.vector_store %arg12[%swap3A_283], %shift_right_arithmetic3A_282 {strides = array<i32>} : memref<512xi32, #tpu.memory_space<vmem>>, vector<16xi32>,
    %get3A_285 = arith.constant 320 : index
    %get3A_286 = tpu.vector_load %arg9[%get3A_285] {strides = array<i32>} : memref<528xi32, #tpu.memory_space<vmem>>, vector<16xi32>,
    %shift_right_arithmetic3A_287 = arith.constant 7 : i32
    %shift_right_arithmetic3A_288 = vector.broadcast %shift_right_arithmetic3A_287 : i32 to vector<16xi32>
    %shift_right_arithmetic3A_289 = arith.shrsi %get3A_286, %shift_right_arithmetic3A_288 : vector<16xi32>
    %swap3A_290 = arith.constant 320 : index
    %swap3A_291 = tpu.vector_load %arg11[%swap3A_290] {strides = array<i32>} : memref<512xi32, #tpu.memory_space<vmem>>, vector<16xi32>,
    tpu.vector_store %arg11[%swap3A_290], %shift_right_arithmetic3A_289 {strides = array<i32>} : memref<512xi32, #tpu.memory_space<vmem>>, vector<16xi32>,
    %get3A_292 = arith.constant 320 : index
    %get3A_293 = tpu.vector_load %arg10[%get3A_292] {strides = array<i32>} : memref<528xi32, #tpu.memory_space<vmem>>, vector<16xi32>,
    %shift_right_arithmetic3A_294 = arith.constant 7 : i32
    %shift_right_arithmetic3A_295 = vector.broadcast %shift_right_arithmetic3A_294 : i32 to vector<16xi32>
    %shift_right_arithmetic3A_296 = arith.shrsi %get3A_293, %shift_right_arithmetic3A_295 : vector<16xi32>
    %swap3A_297 = arith.constant 320 : index
    %swap3A_298 = tpu.vector_load %arg12[%swap3A_297] {strides = array<i32>} : memref<512xi32, #tpu.memory_space<vmem>>, vector<16xi32>,
    tpu.vector_store %arg12[%swap3A_297], %shift_right_arithmetic3A_296 {strides = array<i32>} : memref<512xi32, #tpu.memory_space<vmem>>, vector<16xi32>,
    %get3A_299 = arith.constant 336 : index
    %get3A_300 = tpu.vector_load %arg9[%get3A_299] {strides = array<i32>} : memref<528xi32, #tpu.memory_space<vmem>>, vector<16xi32>,
    %shift_right_arithmetic3A_301 = arith.constant 7 : i32
    %shift_right_arithmetic3A_302 = vector.broadcast %shift_right_arithmetic3A_301 : i32 to vector<16xi32>
    %shift_right_arithmetic3A_303 = arith.shrsi %get3A_300, %shift_right_arithmetic3A_302 : vector<16xi32>
    %swap3A_304 = arith.constant 336 : index
    %swap3A_305 = tpu.vector_load %arg11[%swap3A_304] {strides = array<i32>} : memref<512xi32, #tpu.memory_space<vmem>>, vector<16xi32>,
    tpu.vector_store %arg11[%swap3A_304], %shift_right_arithmetic3A_303 {strides = array<i32>} : memref<512xi32, #tpu.memory_space<vmem>>, vector<16xi32>,
    %get3A_306 = arith.constant 336 : index
    %get3A_307 = tpu.vector_load %arg10[%get3A_306] {strides = array<i32>} : memref<528xi32, #tpu.memory_space<vmem>>, vector<16xi32>,
    %shift_right_arithmetic3A_308 = arith.constant 7 : i32
    %shift_right_arithmetic3A_309 = vector.broadcast %shift_right_arithmetic3A_308 : i32 to vector<16xi32>
    %shift_right_arithmetic3A_310 = arith.shrsi %get3A_307, %shift_right_arithmetic3A_309 : vector<16xi32>
    %swap3A_311 = arith.constant 336 : index
    %swap3A_312 = tpu.vector_load %arg12[%swap3A_311] {strides = array<i32>} : memref<512xi32, #tpu.memory_space<vmem>>, vector<16xi32>,
    tpu.vector_store %arg12[%swap3A_311], %shift_right_arithmetic3A_310 {strides = array<i32>} : memref<512xi32, #tpu.memory_space<vmem>>, vector<16xi32>,
    %get3A_313 = arith.constant 352 : index
    %get3A_314 = tpu.vector_load %arg9[%get3A_313] {strides = array<i32>} : memref<528xi32, #tpu.memory_space<vmem>>, vector<16xi32>,
    %shift_right_arithmetic3A_315 = arith.constant 7 : i32
    %shift_right_arithmetic3A_316 = vector.broadcast %shift_right_arithmetic3A_315 : i32 to vector<16xi32>
    %shift_right_arithmetic3A_317 = arith.shrsi %get3A_314, %shift_right_arithmetic3A_316 : vector<16xi32>
    %swap3A_318 = arith.constant 352 : index
    %swap3A_319 = tpu.vector_load %arg11[%swap3A_318] {strides = array<i32>} : memref<512xi32, #tpu.memory_space<vmem>>, vector<16xi32>,
    tpu.vector_store %arg11[%swap3A_318], %shift_right_arithmetic3A_317 {strides = array<i32>} : memref<512xi32, #tpu.memory_space<vmem>>, vector<16xi32>,
    %get3A_320 = arith.constant 352 : index
    %get3A_321 = tpu.vector_load %arg10[%get3A_320] {strides = array<i32>} : memref<528xi32, #tpu.memory_space<vmem>>, vector<16xi32>,
    %shift_right_arithmetic3A_322 = arith.constant 7 : i32
    %shift_right_arithmetic3A_323 = vector.broadcast %shift_right_arithmetic3A_322 : i32 to vector<16xi32>
    %shift_right_arithmetic3A_324 = arith.shrsi %get3A_321, %shift_right_arithmetic3A_323 : vector<16xi32>
    %swap3A_325 = arith.constant 352 : index
    %swap3A_326 = tpu.vector_load %arg12[%swap3A_325] {strides = array<i32>} : memref<512xi32, #tpu.memory_space<vmem>>, vector<16xi32>,
    tpu.vector_store %arg12[%swap3A_325], %shift_right_arithmetic3A_324 {strides = array<i32>} : memref<512xi32, #tpu.memory_space<vmem>>, vector<16xi32>,
    %get3A_327 = arith.constant 368 : index
    %get3A_328 = tpu.vector_load %arg9[%get3A_327] {strides = array<i32>} : memref<528xi32, #tpu.memory_space<vmem>>, vector<16xi32>,
    %shift_right_arithmetic3A_329 = arith.constant 7 : i32
    %shift_right_arithmetic3A_330 = vector.broadcast %shift_right_arithmetic3A_329 : i32 to vector<16xi32>
    %shift_right_arithmetic3A_331 = arith.shrsi %get3A_328, %shift_right_arithmetic3A_330 : vector<16xi32>
    %swap3A_332 = arith.constant 368 : index
    %swap3A_333 = tpu.vector_load %arg11[%swap3A_332] {strides = array<i32>} : memref<512xi32, #tpu.memory_space<vmem>>, vector<16xi32>,
    tpu.vector_store %arg11[%swap3A_332], %shift_right_arithmetic3A_331 {strides = array<i32>} : memref<512xi32, #tpu.memory_space<vmem>>, vector<16xi32>,
    %get3A_334 = arith.constant 368 : index
    %get3A_335 = tpu.vector_load %arg10[%get3A_334] {strides = array<i32>} : memref<528xi32, #tpu.memory_space<vmem>>, vector<16xi32>,
    %shift_right_arithmetic3A_336 = arith.constant 7 : i32
    %shift_right_arithmetic3A_337 = vector.broadcast %shift_right_arithmetic3A_336 : i32 to vector<16xi32>
    %shift_right_arithmetic3A_338 = arith.shrsi %get3A_335, %shift_right_arithmetic3A_337 : vector<16xi32>
    %swap3A_339 = arith.constant 368 : index
    %swap3A_340 = tpu.vector_load %arg12[%swap3A_339] {strides = array<i32>} : memref<512xi32, #tpu.memory_space<vmem>>, vector<16xi32>,
    tpu.vector_store %arg12[%swap3A_339], %shift_right_arithmetic3A_338 {strides = array<i32>} : memref<512xi32, #tpu.memory_space<vmem>>, vector<16xi32>,
    %get3A_341 = arith.constant 384 : index
    %get3A_342 = tpu.vector_load %arg9[%get3A_341] {strides = array<i32>} : memref<528xi32, #tpu.memory_space<vmem>>, vector<16xi32>,
    %shift_right_arithmetic3A_343 = arith.constant 7 : i32
    %shift_right_arithmetic3A_344 = vector.broadcast %shift_right_arithmetic3A_343 : i32 to vector<16xi32>
    %shift_right_arithmetic3A_345 = arith.shrsi %get3A_342, %shift_right_arithmetic3A_344 : vector<16xi32>
    %swap3A_346 = arith.constant 384 : index
    %swap3A_347 = tpu.vector_load %arg11[%swap3A_346] {strides = array<i32>} : memref<512xi32, #tpu.memory_space<vmem>>, vector<16xi32>,
    tpu.vector_store %arg11[%swap3A_346], %shift_right_arithmetic3A_345 {strides = array<i32>} : memref<512xi32, #tpu.memory_space<vmem>>, vector<16xi32>,
    %get3A_348 = arith.constant 384 : index
    %get3A_349 = tpu.vector_load %arg10[%get3A_348] {strides = array<i32>} : memref<528xi32, #tpu.memory_space<vmem>>, vector<16xi32>,
    %shift_right_arithmetic3A_350 = arith.constant 7 : i32
    %shift_right_arithmetic3A_351 = vector.broadcast %shift_right_arithmetic3A_350 : i32 to vector<16xi32>
    %shift_right_arithmetic3A_352 = arith.shrsi %get3A_349, %shift_right_arithmetic3A_351 : vector<16xi32>
    %swap3A_353 = arith.constant 384 : index
    %swap3A_354 = tpu.vector_load %arg12[%swap3A_353] {strides = array<i32>} : memref<512xi32, #tpu.memory_space<vmem>>, vector<16xi32>,
    tpu.vector_store %arg12[%swap3A_353], %shift_right_arithmetic3A_352 {strides = array<i32>} : memref<512xi32, #tpu.memory_space<vmem>>, vector<16xi32>,
    %get3A_355 = arith.constant 400 : index
    %get3A_356 = tpu.vector_load %arg9[%get3A_355] {strides = array<i32>} : memref<528xi32, #tpu.memory_space<vmem>>, vector<16xi32>,
    %shift_right_arithmetic3A_357 = arith.constant 7 : i32
    %shift_right_arithmetic3A_358 = vector.broadcast %shift_right_arithmetic3A_357 : i32 to vector<16xi32>
    %shift_right_arithmetic3A_359 = arith.shrsi %get3A_356, %shift_right_arithmetic3A_358 : vector<16xi32>
    %swap3A_360 = arith.constant 400 : index
    %swap3A_361 = tpu.vector_load %arg11[%swap3A_360] {strides = array<i32>} : memref<512xi32, #tpu.memory_space<vmem>>, vector<16xi32>,
    tpu.vector_store %arg11[%swap3A_360], %shift_right_arithmetic3A_359 {strides = array<i32>} : memref<512xi32, #tpu.memory_space<vmem>>, vector<16xi32>,
    %get3A_362 = arith.constant 400 : index
    %get3A_363 = tpu.vector_load %arg10[%get3A_362] {strides = array<i32>} : memref<528xi32, #tpu.memory_space<vmem>>, vector<16xi32>,
    %shift_right_arithmetic3A_364 = arith.constant 7 : i32
    %shift_right_arithmetic3A_365 = vector.broadcast %shift_right_arithmetic3A_364 : i32 to vector<16xi32>
    %shift_right_arithmetic3A_366 = arith.shrsi %get3A_363, %shift_right_arithmetic3A_365 : vector<16xi32>
    %swap3A_367 = arith.constant 400 : index
    %swap3A_368 = tpu.vector_load %arg12[%swap3A_367] {strides = array<i32>} : memref<512xi32, #tpu.memory_space<vmem>>, vector<16xi32>,
    tpu.vector_store %arg12[%swap3A_367], %shift_right_arithmetic3A_366 {strides = array<i32>} : memref<512xi32, #tpu.memory_space<vmem>>, vector<16xi32>,
    %get3A_369 = arith.constant 416 : index
    %get3A_370 = tpu.vector_load %arg9[%get3A_369] {strides = array<i32>} : memref<528xi32, #tpu.memory_space<vmem>>, vector<16xi32>,
    %shift_right_arithmetic3A_371 = arith.constant 7 : i32
    %shift_right_arithmetic3A_372 = vector.broadcast %shift_right_arithmetic3A_371 : i32 to vector<16xi32>
    %shift_right_arithmetic3A_373 = arith.shrsi %get3A_370, %shift_right_arithmetic3A_372 : vector<16xi32>
    %swap3A_374 = arith.constant 416 : index
    %swap3A_375 = tpu.vector_load %arg11[%swap3A_374] {strides = array<i32>} : memref<512xi32, #tpu.memory_space<vmem>>, vector<16xi32>,
    tpu.vector_store %arg11[%swap3A_374], %shift_right_arithmetic3A_373 {strides = array<i32>} : memref<512xi32, #tpu.memory_space<vmem>>, vector<16xi32>,
    %get3A_376 = arith.constant 416 : index
    %get3A_377 = tpu.vector_load %arg10[%get3A_376] {strides = array<i32>} : memref<528xi32, #tpu.memory_space<vmem>>, vector<16xi32>,
    %shift_right_arithmetic3A_378 = arith.constant 7 : i32
    %shift_right_arithmetic3A_379 = vector.broadcast %shift_right_arithmetic3A_378 : i32 to vector<16xi32>
    %shift_right_arithmetic3A_380 = arith.shrsi %get3A_377, %shift_right_arithmetic3A_379 : vector<16xi32>
    %swap3A_381 = arith.constant 416 : index
    %swap3A_382 = tpu.vector_load %arg12[%swap3A_381] {strides = array<i32>} : memref<512xi32, #tpu.memory_space<vmem>>, vector<16xi32>,
    tpu.vector_store %arg12[%swap3A_381], %shift_right_arithmetic3A_380 {strides = array<i32>} : memref<512xi32, #tpu.memory_space<vmem>>, vector<16xi32>,
    %get3A_383 = arith.constant 432 : index
    %get3A_384 = tpu.vector_load %arg9[%get3A_383] {strides = array<i32>} : memref<528xi32, #tpu.memory_space<vmem>>, vector<16xi32>,
    %shift_right_arithmetic3A_385 = arith.constant 7 : i32
    %shift_right_arithmetic3A_386 = vector.broadcast %shift_right_arithmetic3A_385 : i32 to vector<16xi32>
    %shift_right_arithmetic3A_387 = arith.shrsi %get3A_384, %shift_right_arithmetic3A_386 : vector<16xi32>
    %swap3A_388 = arith.constant 432 : index
    %swap3A_389 = tpu.vector_load %arg11[%swap3A_388] {strides = array<i32>} : memref<512xi32, #tpu.memory_space<vmem>>, vector<16xi32>,
    tpu.vector_store %arg11[%swap3A_388], %shift_right_arithmetic3A_387 {strides = array<i32>} : memref<512xi32, #tpu.memory_space<vmem>>, vector<16xi32>,
    %get3A_390 = arith.constant 432 : index
    %get3A_391 = tpu.vector_load %arg10[%get3A_390] {strides = array<i32>} : memref<528xi32, #tpu.memory_space<vmem>>, vector<16xi32>,
    %shift_right_arithmetic3A_392 = arith.constant 7 : i32
    %shift_right_arithmetic3A_393 = vector.broadcast %shift_right_arithmetic3A_392 : i32 to vector<16xi32>
    %shift_right_arithmetic3A_394 = arith.shrsi %get3A_391, %shift_right_arithmetic3A_393 : vector<16xi32>
    %swap3A_395 = arith.constant 432 : index
    %swap3A_396 = tpu.vector_load %arg12[%swap3A_395] {strides = array<i32>} : memref<512xi32, #tpu.memory_space<vmem>>, vector<16xi32>,
    tpu.vector_store %arg12[%swap3A_395], %shift_right_arithmetic3A_394 {strides = array<i32>} : memref<512xi32, #tpu.memory_space<vmem>>, vector<16xi32>,
    %get3A_397 = arith.constant 448 : index
    %get3A_398 = tpu.vector_load %arg9[%get3A_397] {strides = array<i32>} : memref<528xi32, #tpu.memory_space<vmem>>, vector<16xi32>,
    %shift_right_arithmetic3A_399 = arith.constant 7 : i32
    %shift_right_arithmetic3A_400 = vector.broadcast %shift_right_arithmetic3A_399 : i32 to vector<16xi32>
    %shift_right_arithmetic3A_401 = arith.shrsi %get3A_398, %shift_right_arithmetic3A_400 : vector<16xi32>
    %swap3A_402 = arith.constant 448 : index
    %swap3A_403 = tpu.vector_load %arg11[%swap3A_402] {strides = array<i32>} : memref<512xi32, #tpu.memory_space<vmem>>, vector<16xi32>,
    tpu.vector_store %arg11[%swap3A_402], %shift_right_arithmetic3A_401 {strides = array<i32>} : memref<512xi32, #tpu.memory_space<vmem>>, vector<16xi32>,
    %get3A_404 = arith.constant 448 : index
    %get3A_405 = tpu.vector_load %arg10[%get3A_404] {strides = array<i32>} : memref<528xi32, #tpu.memory_space<vmem>>, vector<16xi32>,
    %shift_right_arithmetic3A_406 = arith.constant 7 : i32
    %shift_right_arithmetic3A_407 = vector.broadcast %shift_right_arithmetic3A_406 : i32 to vector<16xi32>
    %shift_right_arithmetic3A_408 = arith.shrsi %get3A_405, %shift_right_arithmetic3A_407 : vector<16xi32>
    %swap3A_409 = arith.constant 448 : index
    %swap3A_410 = tpu.vector_load %arg12[%swap3A_409] {strides = array<i32>} : memref<512xi32, #tpu.memory_space<vmem>>, vector<16xi32>,
    tpu.vector_store %arg12[%swap3A_409], %shift_right_arithmetic3A_408 {strides = array<i32>} : memref<512xi32, #tpu.memory_space<vmem>>, vector<16xi32>,
    %get3A_411 = arith.constant 464 : index
    %get3A_412 = tpu.vector_load %arg9[%get3A_411] {strides = array<i32>} : memref<528xi32, #tpu.memory_space<vmem>>, vector<16xi32>,
    %shift_right_arithmetic3A_413 = arith.constant 7 : i32
    %shift_right_arithmetic3A_414 = vector.broadcast %shift_right_arithmetic3A_413 : i32 to vector<16xi32>
    %shift_right_arithmetic3A_415 = arith.shrsi %get3A_412, %shift_right_arithmetic3A_414 : vector<16xi32>
    %swap3A_416 = arith.constant 464 : index
    %swap3A_417 = tpu.vector_load %arg11[%swap3A_416] {strides = array<i32>} : memref<512xi32, #tpu.memory_space<vmem>>, vector<16xi32>,
    tpu.vector_store %arg11[%swap3A_416], %shift_right_arithmetic3A_415 {strides = array<i32>} : memref<512xi32, #tpu.memory_space<vmem>>, vector<16xi32>,
    %get3A_418 = arith.constant 464 : index
    %get3A_419 = tpu.vector_load %arg10[%get3A_418] {strides = array<i32>} : memref<528xi32, #tpu.memory_space<vmem>>, vector<16xi32>,
    %shift_right_arithmetic3A_420 = arith.constant 7 : i32
    %shift_right_arithmetic3A_421 = vector.broadcast %shift_right_arithmetic3A_420 : i32 to vector<16xi32>
    %shift_right_arithmetic3A_422 = arith.shrsi %get3A_419, %shift_right_arithmetic3A_421 : vector<16xi32>
    %swap3A_423 = arith.constant 464 : index
    %swap3A_424 = tpu.vector_load %arg12[%swap3A_423] {strides = array<i32>} : memref<512xi32, #tpu.memory_space<vmem>>, vector<16xi32>,
    tpu.vector_store %arg12[%swap3A_423], %shift_right_arithmetic3A_422 {strides = array<i32>} : memref<512xi32, #tpu.memory_space<vmem>>, vector<16xi32>,
    %get3A_425 = arith.constant 480 : index
    %get3A_426 = tpu.vector_load %arg9[%get3A_425] {strides = array<i32>} : memref<528xi32, #tpu.memory_space<vmem>>, vector<16xi32>,
    %shift_right_arithmetic3A_427 = arith.constant 7 : i32
    %shift_right_arithmetic3A_428 = vector.broadcast %shift_right_arithmetic3A_427 : i32 to vector<16xi32>
    %shift_right_arithmetic3A_429 = arith.shrsi %get3A_426, %shift_right_arithmetic3A_428 : vector<16xi32>
    %swap3A_430 = arith.constant 480 : index
    %swap3A_431 = tpu.vector_load %arg11[%swap3A_430] {strides = array<i32>} : memref<512xi32, #tpu.memory_space<vmem>>, vector<16xi32>,
    tpu.vector_store %arg11[%swap3A_430], %shift_right_arithmetic3A_429 {strides = array<i32>} : memref<512xi32, #tpu.memory_space<vmem>>, vector<16xi32>,
    %get3A_432 = arith.constant 480 : index
    %get3A_433 = tpu.vector_load %arg10[%get3A_432] {strides = array<i32>} : memref<528xi32, #tpu.memory_space<vmem>>, vector<16xi32>,
    %shift_right_arithmetic3A_434 = arith.constant 7 : i32
    %shift_right_arithmetic3A_435 = vector.broadcast %shift_right_arithmetic3A_434 : i32 to vector<16xi32>
    %shift_right_arithmetic3A_436 = arith.shrsi %get3A_433, %shift_right_arithmetic3A_435 : vector<16xi32>
    %swap3A_437 = arith.constant 480 : index
    %swap3A_438 = tpu.vector_load %arg12[%swap3A_437] {strides = array<i32>} : memref<512xi32, #tpu.memory_space<vmem>>, vector<16xi32>,
    tpu.vector_store %arg12[%swap3A_437], %shift_right_arithmetic3A_436 {strides = array<i32>} : memref<512xi32, #tpu.memory_space<vmem>>, vector<16xi32>,
    %get3A_439 = arith.constant 496 : index
    %get3A_440 = tpu.vector_load %arg9[%get3A_439] {strides = array<i32>} : memref<528xi32, #tpu.memory_space<vmem>>, vector<16xi32>,
    %shift_right_arithmetic3A_441 = arith.constant 7 : i32
    %shift_right_arithmetic3A_442 = vector.broadcast %shift_right_arithmetic3A_441 : i32 to vector<16xi32>
    %shift_right_arithmetic3A_443 = arith.shrsi %get3A_440, %shift_right_arithmetic3A_442 : vector<16xi32>
    %swap3A_444 = arith.constant 496 : index
    %swap3A_445 = tpu.vector_load %arg11[%swap3A_444] {strides = array<i32>} : memref<512xi32, #tpu.memory_space<vmem>>, vector<16xi32>,
    tpu.vector_store %arg11[%swap3A_444], %shift_right_arithmetic3A_443 {strides = array<i32>} : memref<512xi32, #tpu.memory_space<vmem>>, vector<16xi32>,
    %get3A_446 = arith.constant 496 : index
    %get3A_447 = tpu.vector_load %arg10[%get3A_446] {strides = array<i32>} : memref<528xi32, #tpu.memory_space<vmem>>, vector<16xi32>,
    %shift_right_arithmetic3A_448 = arith.constant 7 : i32
    %shift_right_arithmetic3A_449 = vector.broadcast %shift_right_arithmetic3A_448 : i32 to vector<16xi32>
    %shift_right_arithmetic3A_450 = arith.shrsi %get3A_447, %shift_right_arithmetic3A_449 : vector<16xi32>
    %swap3A_451 = arith.constant 496 : index
    %swap3A_452 = tpu.vector_load %arg12[%swap3A_451] {strides = array<i32>} : memref<512xi32, #tpu.memory_space<vmem>>, vector<16xi32>,
    tpu.vector_store %arg12[%swap3A_451], %shift_right_arithmetic3A_450 {strides = array<i32>} : memref<512xi32, #tpu.memory_space<vmem>>, vector<16xi32>,
    %iota3A = tpu.iota {dimensions = array<i32: 0>} : vector<16xi32>
    %dma_start3A = arith.constant 0 : i32
    %dma_start3A_453 = arith.constant 0 : i32
    %dma_start3A_454 = arith.constant 0 : i32
    %dma_start3A_455 = arith.constant 0 : i32
    %dma_start3A_456 = tpu.memref_slice %arg15[%dma_start3A, %dma_start3A_454, %dma_start3A_455] : memref<2x32x128xf32, #tpu.memory_space<vmem>> -> memref<1x32x128xf32, #tpu.memory_space<vmem>>
    %dma_start3A_457 = tpu.memref_squeeze %dma_start3A_456 : memref<1x32x128xf32, #tpu.memory_space<vmem>> -> memref<32x128xf32, #tpu.memory_space<vmem>>
    %dma_start3A_458 = arith.constant 0 : i32
    %dma_start3A_459 = tpu.memref_slice %arg11[%dma_start3A_458] : memref<512xi32, #tpu.memory_space<vmem>> -> memref<32xi32, #tpu.memory_space<vmem>>
    %dma_start3A_460 = arith.constant 0 : i32
    %dma_start3A_461 = arith.constant 0 : i32
    %dma_start3A_462 = tpu.memref_slice %arg6[%dma_start3A_460, %dma_start3A_461] : memref<7813x128xf32, #tpu.memory_space<hbm>> -> memref<7813x128xf32, #tpu.memory_space<hbm>>
    %dma_start3A_463 = tpu.memref_slice %arg21[%dma_start3A_453] : memref<2x!tpu.dma_semaphore, #tpu.memory_space<semaphore_mem>> -> memref<1x!tpu.dma_semaphore, #tpu.memory_space<semaphore_mem>>
    %dma_start3A_464 = tpu.memref_squeeze %dma_start3A_463 : memref<1x!tpu.dma_semaphore, #tpu.memory_space<semaphore_mem>> -> memref<!tpu.dma_semaphore, #tpu.memory_space<semaphore_mem>>
    tpu.enqueue_indirect_dma source(%dma_start3A_462 : memref<7813x128xf32, #tpu.memory_space<hbm>>) target(%dma_start3A_457 : memref<32x128xf32, #tpu.memory_space<vmem>>) offsets(%dma_start3A_459 : memref<32xi32, #tpu.memory_space<vmem>>) semaphore(%dma_start3A_464 : memref<!tpu.dma_semaphore, #tpu.memory_space<semaphore_mem>>)
    %dma_start3A_465 = arith.constant 0 : i32
    %dma_start3A_466 = arith.constant 0 : i32
    %dma_start3A_467 = arith.constant 0 : i32
    %dma_start3A_468 = arith.constant 0 : i32
    %dma_start3A_469 = tpu.memref_slice %arg16[%dma_start3A_465, %dma_start3A_467, %dma_start3A_468] : memref<2x32x128xf32, #tpu.memory_space<vmem>> -> memref<1x32x128xf32, #tpu.memory_space<vmem>>
    %dma_start3A_470 = tpu.memref_squeeze %dma_start3A_469 : memref<1x32x128xf32, #tpu.memory_space<vmem>> -> memref<32x128xf32, #tpu.memory_space<vmem>>
    %dma_start3A_471 = arith.constant 0 : i32
    %dma_start3A_472 = tpu.memref_slice %arg12[%dma_start3A_471] : memref<512xi32, #tpu.memory_space<vmem>> -> memref<32xi32, #tpu.memory_space<vmem>>
    %dma_start3A_473 = arith.constant 0 : i32
    %dma_start3A_474 = arith.constant 0 : i32
    %dma_start3A_475 = tpu.memref_slice %arg7[%dma_start3A_473, %dma_start3A_474] : memref<7813x128xf32, #tpu.memory_space<hbm>> -> memref<7813x128xf32, #tpu.memory_space<hbm>>
    %dma_start3A_476 = tpu.memref_slice %arg21[%dma_start3A_466] : memref<2x!tpu.dma_semaphore, #tpu.memory_space<semaphore_mem>> -> memref<1x!tpu.dma_semaphore, #tpu.memory_space<semaphore_mem>>
    %dma_start3A_477 = tpu.memref_squeeze %dma_start3A_476 : memref<1x!tpu.dma_semaphore, #tpu.memory_space<semaphore_mem>> -> memref<!tpu.dma_semaphore, #tpu.memory_space<semaphore_mem>>
    tpu.enqueue_indirect_dma source(%dma_start3A_475 : memref<7813x128xf32, #tpu.memory_space<hbm>>) target(%dma_start3A_470 : memref<32x128xf32, #tpu.memory_space<vmem>>) offsets(%dma_start3A_472 : memref<32xi32, #tpu.memory_space<vmem>>) semaphore(%dma_start3A_477 : memref<!tpu.dma_semaphore, #tpu.memory_space<semaphore_mem>>)
    %dma_start3A_478 = arith.constant 1 : i32
    %dma_start3A_479 = arith.constant 1 : i32
    %dma_start3A_480 = arith.constant 0 : i32
    %dma_start3A_481 = arith.constant 0 : i32
    %dma_start3A_482 = tpu.memref_slice %arg15[%dma_start3A_478, %dma_start3A_480, %dma_start3A_481] : memref<2x32x128xf32, #tpu.memory_space<vmem>> -> memref<1x32x128xf32, #tpu.memory_space<vmem>>
    %dma_start3A_483 = tpu.memref_squeeze %dma_start3A_482 : memref<1x32x128xf32, #tpu.memory_space<vmem>> -> memref<32x128xf32, #tpu.memory_space<vmem>>
    %dma_start3A_484 = arith.constant 32 : i32
    %dma_start3A_485 = tpu.memref_slice %arg11[%dma_start3A_484] : memref<512xi32, #tpu.memory_space<vmem>> -> memref<32xi32, #tpu.memory_space<vmem>>
    %dma_start3A_486 = arith.constant 0 : i32
    %dma_start3A_487 = arith.constant 0 : i32
    %dma_start3A_488 = tpu.memref_slice %arg6[%dma_start3A_486, %dma_start3A_487] : memref<7813x128xf32, #tpu.memory_space<hbm>> -> memref<7813x128xf32, #tpu.memory_space<hbm>>
    %dma_start3A_489 = tpu.memref_slice %arg21[%dma_start3A_479] : memref<2x!tpu.dma_semaphore, #tpu.memory_space<semaphore_mem>> -> memref<1x!tpu.dma_semaphore, #tpu.memory_space<semaphore_mem>>
    %dma_start3A_490 = tpu.memref_squeeze %dma_start3A_489 : memref<1x!tpu.dma_semaphore, #tpu.memory_space<semaphore_mem>> -> memref<!tpu.dma_semaphore, #tpu.memory_space<semaphore_mem>>
    tpu.enqueue_indirect_dma source(%dma_start3A_488 : memref<7813x128xf32, #tpu.memory_space<hbm>>) target(%dma_start3A_483 : memref<32x128xf32, #tpu.memory_space<vmem>>) offsets(%dma_start3A_485 : memref<32xi32, #tpu.memory_space<vmem>>) semaphore(%dma_start3A_490 : memref<!tpu.dma_semaphore, #tpu.memory_space<semaphore_mem>>)
    %dma_start3A_491 = arith.constant 1 : i32
    %dma_start3A_492 = arith.constant 1 : i32
    %dma_start3A_493 = arith.constant 0 : i32
    %dma_start3A_494 = arith.constant 0 : i32
    %dma_start3A_495 = tpu.memref_slice %arg16[%dma_start3A_491, %dma_start3A_493, %dma_start3A_494] : memref<2x32x128xf32, #tpu.memory_space<vmem>> -> memref<1x32x128xf32, #tpu.memory_space<vmem>>
    %dma_start3A_496 = tpu.memref_squeeze %dma_start3A_495 : memref<1x32x128xf32, #tpu.memory_space<vmem>> -> memref<32x128xf32, #tpu.memory_space<vmem>>
    %dma_start3A_497 = arith.constant 32 : i32
    %dma_start3A_498 = tpu.memref_slice %arg12[%dma_start3A_497] : memref<512xi32, #tpu.memory_space<vmem>> -> memref<32xi32, #tpu.memory_space<vmem>>
    %dma_start3A_499 = arith.constant 0 : i32
    %dma_start3A_500 = arith.constant 0 : i32
    %dma_start3A_501 = tpu.memref_slice %arg7[%dma_start3A_499, %dma_start3A_500] : memref<7813x128xf32, #tpu.memory_space<hbm>> -> memref<7813x128xf32, #tpu.memory_space<hbm>>
    %dma_start3A_502 = tpu.memref_slice %arg21[%dma_start3A_492] : memref<2x!tpu.dma_semaphore, #tpu.memory_space<semaphore_mem>> -> memref<1x!tpu.dma_semaphore, #tpu.memory_space<semaphore_mem>>
    %dma_start3A_503 = tpu.memref_squeeze %dma_start3A_502 : memref<1x!tpu.dma_semaphore, #tpu.memory_space<semaphore_mem>> -> memref<!tpu.dma_semaphore, #tpu.memory_space<semaphore_mem>>
    tpu.enqueue_indirect_dma source(%dma_start3A_501 : memref<7813x128xf32, #tpu.memory_space<hbm>>) target(%dma_start3A_496 : memref<32x128xf32, #tpu.memory_space<vmem>>) offsets(%dma_start3A_498 : memref<32xi32, #tpu.memory_space<vmem>>) semaphore(%dma_start3A_503 : memref<!tpu.dma_semaphore, #tpu.memory_space<semaphore_mem>>)
    %dma_wait3A = arith.constant 0 : i32
    %dma_wait3A_504 = arith.constant 0 : i32
    %dma_wait3A_505 = arith.constant 0 : i32
    %dma_wait3A_506 = arith.constant 0 : i32
    %dma_wait3A_507 = tpu.memref_slice %arg15[%dma_wait3A, %dma_wait3A_505, %dma_wait3A_506] : memref<2x32x128xf32, #tpu.memory_space<vmem>> -> memref<1x32x128xf32, #tpu.memory_space<vmem>>
    %dma_wait3A_508 = tpu.memref_squeeze %dma_wait3A_507 : memref<1x32x128xf32, #tpu.memory_space<vmem>> -> memref<32x128xf32, #tpu.memory_space<vmem>>
    %dma_wait3A_509 = arith.constant 0 : i32
    %dma_wait3A_510 = arith.constant 0 : i32
    %dma_wait3A_511 = tpu.memref_slice %arg6[%dma_wait3A_509, %dma_wait3A_510] : memref<7813x128xf32, #tpu.memory_space<hbm>> -> memref<32x128xf32, #tpu.memory_space<hbm>>
    %dma_wait3A_512 = tpu.memref_slice %arg21[%dma_wait3A_504] : memref<2x!tpu.dma_semaphore, #tpu.memory_space<semaphore_mem>> -> memref<1x!tpu.dma_semaphore, #tpu.memory_space<semaphore_mem>>
    %dma_wait3A_513 = tpu.memref_squeeze %dma_wait3A_512 : memref<1x!tpu.dma_semaphore, #tpu.memory_space<semaphore_mem>> -> memref<!tpu.dma_semaphore, #tpu.memory_space<semaphore_mem>>
    %dma_wait3A_514 = arith.constant 0 : i32
    %dma_wait3A_515 = arith.constant 0 : i32
    %dma_wait3A_516 = tpu.memref_slice %arg15[%dma_wait3A, %dma_wait3A_514, %dma_wait3A_515] : memref<2x32x128xf32, #tpu.memory_space<vmem>> -> memref<1x32x128xf32, #tpu.memory_space<vmem>>
    %dma_wait3A_517 = tpu.memref_squeeze %dma_wait3A_516 : memref<1x32x128xf32, #tpu.memory_space<vmem>> -> memref<32x128xf32, #tpu.memory_space<vmem>>
    %dma_wait3A_518 = arith.constant 0 : i32
    %dma_wait3A_519 = arith.constant 0 : i32
    %dma_wait3A_520 = tpu.memref_slice %arg6[%dma_wait3A_518, %dma_wait3A_519] : memref<7813x128xf32, #tpu.memory_space<hbm>> -> memref<32x128xf32, #tpu.memory_space<hbm>>
    tpu.wait_dma2 semaphore(%dma_wait3A_513 : memref<!tpu.dma_semaphore, #tpu.memory_space<semaphore_mem>>) src(%dma_wait3A_520 : memref<32x128xf32, #tpu.memory_space<hbm>>) dst(%dma_wait3A_517 : memref<32x128xf32, #tpu.memory_space<vmem>>)
    %dma_wait3A_521 = arith.constant 0 : i32
    %dma_wait3A_522 = arith.constant 0 : i32
    %dma_wait3A_523 = arith.constant 0 : i32
    %dma_wait3A_524 = arith.constant 0 : i32
    %dma_wait3A_525 = tpu.memref_slice %arg16[%dma_wait3A_521, %dma_wait3A_523, %dma_wait3A_524] : memref<2x32x128xf32, #tpu.memory_space<vmem>> -> memref<1x32x128xf32, #tpu.memory_space<vmem>>
    %dma_wait3A_526 = tpu.memref_squeeze %dma_wait3A_525 : memref<1x32x128xf32, #tpu.memory_space<vmem>> -> memref<32x128xf32, #tpu.memory_space<vmem>>
    %dma_wait3A_527 = arith.constant 0 : i32
    %dma_wait3A_528 = arith.constant 0 : i32
    %dma_wait3A_529 = tpu.memref_slice %arg6[%dma_wait3A_527, %dma_wait3A_528] : memref<7813x128xf32, #tpu.memory_space<hbm>> -> memref<32x128xf32, #tpu.memory_space<hbm>>
    %dma_wait3A_530 = tpu.memref_slice %arg21[%dma_wait3A_522] : memref<2x!tpu.dma_semaphore, #tpu.memory_space<semaphore_mem>> -> memref<1x!tpu.dma_semaphore, #tpu.memory_space<semaphore_mem>>
    %dma_wait3A_531 = tpu.memref_squeeze %dma_wait3A_530 : memref<1x!tpu.dma_semaphore, #tpu.memory_space<semaphore_mem>> -> memref<!tpu.dma_semaphore, #tpu.memory_space<semaphore_mem>>
    %dma_wait3A_532 = arith.constant 0 : i32
    %dma_wait3A_533 = arith.constant 0 : i32
    %dma_wait3A_534 = tpu.memref_slice %arg16[%dma_wait3A_521, %dma_wait3A_532, %dma_wait3A_533] : memref<2x32x128xf32, #tpu.memory_space<vmem>> -> memref<1x32x128xf32, #tpu.memory_space<vmem>>
    %dma_wait3A_535 = tpu.memref_squeeze %dma_wait3A_534 : memref<1x32x128xf32, #tpu.memory_space<vmem>> -> memref<32x128xf32, #tpu.memory_space<vmem>>
    %dma_wait3A_536 = arith.constant 0 : i32
    %dma_wait3A_537 = arith.constant 0 : i32
    %dma_wait3A_538 = tpu.memref_slice %arg6[%dma_wait3A_536, %dma_wait3A_537] : memref<7813x128xf32, #tpu.memory_space<hbm>> -> memref<32x128xf32, #tpu.memory_space<hbm>>
    tpu.wait_dma2 semaphore(%dma_wait3A_531 : memref<!tpu.dma_semaphore, #tpu.memory_space<semaphore_mem>>) src(%dma_wait3A_538 : memref<32x128xf32, #tpu.memory_space<hbm>>) dst(%dma_wait3A_535 : memref<32x128xf32, #tpu.memory_space<vmem>>)
    %broadcast_in_dim3A_539 = arith.constant 0 : i32
    %broadcast_in_dim3A_540 = vector.broadcast %broadcast_in_dim3A_539 : i32 to vector<16xi32>
    %add3A_541 = arith.constant 0 : i32
    %add3A_542 = vector.broadcast %add3A_541 : i32 to vector<16xi32>
    %add3A_543 = arith.addi %add3A_542, %iota3A : vector<16xi32>
    %get3A_544 = arith.constant 0 : index
    %get3A_545 = tpu.vector_load %arg9[%get3A_544] {strides = array<i32>} : memref<528xi32, #tpu.memory_space<vmem>>, vector<16xi32>,
    %and3A = arith.constant 127 : i32
    %and3A_546 = vector.broadcast %and3A : i32 to vector<16xi32>
    %and3A_547 = arith.andi %get3A_545, %and3A_546 : vector<16xi32>
    %get3A_548 = arith.constant 0 : index
    %get3A_549 = tpu.vector_load %arg10[%get3A_548] {strides = array<i32>} : memref<528xi32, #tpu.memory_space<vmem>>, vector<16xi32>,
    %and3A_550 = arith.constant 127 : i32
    %and3A_551 = vector.broadcast %and3A_550 : i32 to vector<16xi32>
    %and3A_552 = arith.andi %get3A_549, %and3A_551 : vector<16xi32>
    %gather3A = tpu.vector_load_idx %arg15[%broadcast_in_dim3A_540, %add3A_543, %and3A_547] : memref<2x32x128xf32, #tpu.memory_space<vmem>>[vector<16xi32>, vector<16xi32>, vector<16xi32>], vector<16xf32>,
    %swap3A_553 = arith.constant 0 : index
    %swap3A_554 = tpu.vector_load %arg17[%swap3A_553] {strides = array<i32>} : memref<512xf32, #tpu.memory_space<vmem>>, vector<16xf32>,
    tpu.vector_store %arg17[%swap3A_553], %gather3A {strides = array<i32>} : memref<512xf32, #tpu.memory_space<vmem>>, vector<16xf32>,
    %gather3A_555 = tpu.vector_load_idx %arg16[%broadcast_in_dim3A_540, %add3A_543, %and3A_552] : memref<2x32x128xf32, #tpu.memory_space<vmem>>[vector<16xi32>, vector<16xi32>, vector<16xi32>], vector<16xf32>,
    %swap3A_556 = arith.constant 0 : index
    %swap3A_557 = tpu.vector_load %arg18[%swap3A_556] {strides = array<i32>} : memref<512xf32, #tpu.memory_space<vmem>>, vector<16xf32>,
    tpu.vector_store %arg18[%swap3A_556], %gather3A_555 {strides = array<i32>} : memref<512xf32, #tpu.memory_space<vmem>>, vector<16xf32>,
    %add3A_558 = arith.constant 16 : i32
    %add3A_559 = vector.broadcast %add3A_558 : i32 to vector<16xi32>
    %add3A_560 = arith.addi %add3A_559, %iota3A : vector<16xi32>
    %get3A_561 = arith.constant 16 : index
    %get3A_562 = tpu.vector_load %arg9[%get3A_561] {strides = array<i32>} : memref<528xi32, #tpu.memory_space<vmem>>, vector<16xi32>,
    %and3A_563 = arith.constant 127 : i32
    %and3A_564 = vector.broadcast %and3A_563 : i32 to vector<16xi32>
    %and3A_565 = arith.andi %get3A_562, %and3A_564 : vector<16xi32>
    %get3A_566 = arith.constant 16 : index
    %get3A_567 = tpu.vector_load %arg10[%get3A_566] {strides = array<i32>} : memref<528xi32, #tpu.memory_space<vmem>>, vector<16xi32>,
    %and3A_568 = arith.constant 127 : i32
    %and3A_569 = vector.broadcast %and3A_568 : i32 to vector<16xi32>
    %and3A_570 = arith.andi %get3A_567, %and3A_569 : vector<16xi32>
    %gather3A_571 = tpu.vector_load_idx %arg15[%broadcast_in_dim3A_540, %add3A_560, %and3A_565] : memref<2x32x128xf32, #tpu.memory_space<vmem>>[vector<16xi32>, vector<16xi32>, vector<16xi32>], vector<16xf32>,
    %swap3A_572 = arith.constant 16 : index
    %swap3A_573 = tpu.vector_load %arg17[%swap3A_572] {strides = array<i32>} : memref<512xf32, #tpu.memory_space<vmem>>, vector<16xf32>,
    tpu.vector_store %arg17[%swap3A_572], %gather3A_571 {strides = array<i32>} : memref<512xf32, #tpu.memory_space<vmem>>, vector<16xf32>,
    %gather3A_574 = tpu.vector_load_idx %arg16[%broadcast_in_dim3A_540, %add3A_560, %and3A_570] : memref<2x32x128xf32, #tpu.memory_space<vmem>>[vector<16xi32>, vector<16xi32>, vector<16xi32>], vector<16xf32>,
    %swap3A_575 = arith.constant 16 : index
    %swap3A_576 = tpu.vector_load %arg18[%swap3A_575] {strides = array<i32>} : memref<512xf32, #tpu.memory_space<vmem>>, vector<16xf32>,
    tpu.vector_store %arg18[%swap3A_575], %gather3A_574 {strides = array<i32>} : memref<512xf32, #tpu.memory_space<vmem>>, vector<16xf32>,
    %dma_start3A_577 = arith.constant 0 : i32
    %dma_start3A_578 = arith.constant 0 : i32
    %dma_start3A_579 = arith.constant 0 : i32
    %dma_start3A_580 = arith.constant 0 : i32
    %dma_start3A_581 = tpu.memref_slice %arg15[%dma_start3A_577, %dma_start3A_579, %dma_start3A_580] : memref<2x32x128xf32, #tpu.memory_space<vmem>> -> memref<1x32x128xf32, #tpu.memory_space<vmem>>
    %dma_start3A_582 = tpu.memref_squeeze %dma_start3A_581 : memref<1x32x128xf32, #tpu.memory_space<vmem>> -> memref<32x128xf32, #tpu.memory_space<vmem>>
    %dma_start3A_583 = arith.constant 64 : i32
    %dma_start3A_584 = tpu.memref_slice %arg11[%dma_start3A_583] : memref<512xi32, #tpu.memory_space<vmem>> -> memref<32xi32, #tpu.memory_space<vmem>>
    %dma_start3A_585 = arith.constant 0 : i32
    %dma_start3A_586 = arith.constant 0 : i32
    %dma_start3A_587 = tpu.memref_slice %arg6[%dma_start3A_585, %dma_start3A_586] : memref<7813x128xf32, #tpu.memory_space<hbm>> -> memref<7813x128xf32, #tpu.memory_space<hbm>>
    %dma_start3A_588 = tpu.memref_slice %arg21[%dma_start3A_578] : memref<2x!tpu.dma_semaphore, #tpu.memory_space<semaphore_mem>> -> memref<1x!tpu.dma_semaphore, #tpu.memory_space<semaphore_mem>>
    %dma_start3A_589 = tpu.memref_squeeze %dma_start3A_588 : memref<1x!tpu.dma_semaphore, #tpu.memory_space<semaphore_mem>> -> memref<!tpu.dma_semaphore, #tpu.memory_space<semaphore_mem>>
    tpu.enqueue_indirect_dma source(%dma_start3A_587 : memref<7813x128xf32, #tpu.memory_space<hbm>>) target(%dma_start3A_582 : memref<32x128xf32, #tpu.memory_space<vmem>>) offsets(%dma_start3A_584 : memref<32xi32, #tpu.memory_space<vmem>>) semaphore(%dma_start3A_589 : memref<!tpu.dma_semaphore, #tpu.memory_space<semaphore_mem>>)
    %dma_start3A_590 = arith.constant 0 : i32
    %dma_start3A_591 = arith.constant 0 : i32
    %dma_start3A_592 = arith.constant 0 : i32
    %dma_start3A_593 = arith.constant 0 : i32
    %dma_start3A_594 = tpu.memref_slice %arg16[%dma_start3A_590, %dma_start3A_592, %dma_start3A_593] : memref<2x32x128xf32, #tpu.memory_space<vmem>> -> memref<1x32x128xf32, #tpu.memory_space<vmem>>
    %dma_start3A_595 = tpu.memref_squeeze %dma_start3A_594 : memref<1x32x128xf32, #tpu.memory_space<vmem>> -> memref<32x128xf32, #tpu.memory_space<vmem>>
    %dma_start3A_596 = arith.constant 64 : i32
    %dma_start3A_597 = tpu.memref_slice %arg12[%dma_start3A_596] : memref<512xi32, #tpu.memory_space<vmem>> -> memref<32xi32, #tpu.memory_space<vmem>>
    %dma_start3A_598 = arith.constant 0 : i32
    %dma_start3A_599 = arith.constant 0 : i32
    %dma_start3A_600 = tpu.memref_slice %arg7[%dma_start3A_598, %dma_start3A_599] : memref<7813x128xf32, #tpu.memory_space<hbm>> -> memref<7813x128xf32, #tpu.memory_space<hbm>>
    %dma_start3A_601 = tpu.memref_slice %arg21[%dma_start3A_591] : memref<2x!tpu.dma_semaphore, #tpu.memory_space<semaphore_mem>> -> memref<1x!tpu.dma_semaphore, #tpu.memory_space<semaphore_mem>>
    %dma_start3A_602 = tpu.memref_squeeze %dma_start3A_601 : memref<1x!tpu.dma_semaphore, #tpu.memory_space<semaphore_mem>> -> memref<!tpu.dma_semaphore, #tpu.memory_space<semaphore_mem>>
    tpu.enqueue_indirect_dma source(%dma_start3A_600 : memref<7813x128xf32, #tpu.memory_space<hbm>>) target(%dma_start3A_595 : memref<32x128xf32, #tpu.memory_space<vmem>>) offsets(%dma_start3A_597 : memref<32xi32, #tpu.memory_space<vmem>>) semaphore(%dma_start3A_602 : memref<!tpu.dma_semaphore, #tpu.memory_space<semaphore_mem>>)
    %dma_wait3A_603 = arith.constant 1 : i32
    %dma_wait3A_604 = arith.constant 1 : i32
    %dma_wait3A_605 = arith.constant 0 : i32
    %dma_wait3A_606 = arith.constant 0 : i32
    %dma_wait3A_607 = tpu.memref_slice %arg15[%dma_wait3A_603, %dma_wait3A_605, %dma_wait3A_606] : memref<2x32x128xf32, #tpu.memory_space<vmem>> -> memref<1x32x128xf32, #tpu.memory_space<vmem>>
    %dma_wait3A_608 = tpu.memref_squeeze %dma_wait3A_607 : memref<1x32x128xf32, #tpu.memory_space<vmem>> -> memref<32x128xf32, #tpu.memory_space<vmem>>
    %dma_wait3A_609 = arith.constant 0 : i32
    %dma_wait3A_610 = arith.constant 0 : i32
    %dma_wait3A_611 = tpu.memref_slice %arg6[%dma_wait3A_609, %dma_wait3A_610] : memref<7813x128xf32, #tpu.memory_space<hbm>> -> memref<32x128xf32, #tpu.memory_space<hbm>>
    %dma_wait3A_612 = tpu.memref_slice %arg21[%dma_wait3A_604] : memref<2x!tpu.dma_semaphore, #tpu.memory_space<semaphore_mem>> -> memref<1x!tpu.dma_semaphore, #tpu.memory_space<semaphore_mem>>
    %dma_wait3A_613 = tpu.memref_squeeze %dma_wait3A_612 : memref<1x!tpu.dma_semaphore, #tpu.memory_space<semaphore_mem>> -> memref<!tpu.dma_semaphore, #tpu.memory_space<semaphore_mem>>
    %dma_wait3A_614 = arith.constant 0 : i32
    %dma_wait3A_615 = arith.constant 0 : i32
    %dma_wait3A_616 = tpu.memref_slice %arg15[%dma_wait3A_603, %dma_wait3A_614, %dma_wait3A_615] : memref<2x32x128xf32, #tpu.memory_space<vmem>> -> memref<1x32x128xf32, #tpu.memory_space<vmem>>
    %dma_wait3A_617 = tpu.memref_squeeze %dma_wait3A_616 : memref<1x32x128xf32, #tpu.memory_space<vmem>> -> memref<32x128xf32, #tpu.memory_space<vmem>>
    %dma_wait3A_618 = arith.constant 0 : i32
    %dma_wait3A_619 = arith.constant 0 : i32
    %dma_wait3A_620 = tpu.memref_slice %arg6[%dma_wait3A_618, %dma_wait3A_619] : memref<7813x128xf32, #tpu.memory_space<hbm>> -> memref<32x128xf32, #tpu.memory_space<hbm>>
    tpu.wait_dma2 semaphore(%dma_wait3A_613 : memref<!tpu.dma_semaphore, #tpu.memory_space<semaphore_mem>>) src(%dma_wait3A_620 : memref<32x128xf32, #tpu.memory_space<hbm>>) dst(%dma_wait3A_617 : memref<32x128xf32, #tpu.memory_space<vmem>>)
    %dma_wait3A_621 = arith.constant 1 : i32
    %dma_wait3A_622 = arith.constant 1 : i32
    %dma_wait3A_623 = arith.constant 0 : i32
    %dma_wait3A_624 = arith.constant 0 : i32
    %dma_wait3A_625 = tpu.memref_slice %arg16[%dma_wait3A_621, %dma_wait3A_623, %dma_wait3A_624] : memref<2x32x128xf32, #tpu.memory_space<vmem>> -> memref<1x32x128xf32, #tpu.memory_space<vmem>>
    %dma_wait3A_626 = tpu.memref_squeeze %dma_wait3A_625 : memref<1x32x128xf32, #tpu.memory_space<vmem>> -> memref<32x128xf32, #tpu.memory_space<vmem>>
    %dma_wait3A_627 = arith.constant 0 : i32
    %dma_wait3A_628 = arith.constant 0 : i32
    %dma_wait3A_629 = tpu.memref_slice %arg6[%dma_wait3A_627, %dma_wait3A_628] : memref<7813x128xf32, #tpu.memory_space<hbm>> -> memref<32x128xf32, #tpu.memory_space<hbm>>
    %dma_wait3A_630 = tpu.memref_slice %arg21[%dma_wait3A_622] : memref<2x!tpu.dma_semaphore, #tpu.memory_space<semaphore_mem>> -> memref<1x!tpu.dma_semaphore, #tpu.memory_space<semaphore_mem>>
    %dma_wait3A_631 = tpu.memref_squeeze %dma_wait3A_630 : memref<1x!tpu.dma_semaphore, #tpu.memory_space<semaphore_mem>> -> memref<!tpu.dma_semaphore, #tpu.memory_space<semaphore_mem>>
    %dma_wait3A_632 = arith.constant 0 : i32
    %dma_wait3A_633 = arith.constant 0 : i32
    %dma_wait3A_634 = tpu.memref_slice %arg16[%dma_wait3A_621, %dma_wait3A_632, %dma_wait3A_633] : memref<2x32x128xf32, #tpu.memory_space<vmem>> -> memref<1x32x128xf32, #tpu.memory_space<vmem>>
    %dma_wait3A_635 = tpu.memref_squeeze %dma_wait3A_634 : memref<1x32x128xf32, #tpu.memory_space<vmem>> -> memref<32x128xf32, #tpu.memory_space<vmem>>
    %dma_wait3A_636 = arith.constant 0 : i32
    %dma_wait3A_637 = arith.constant 0 : i32
    %dma_wait3A_638 = tpu.memref_slice %arg6[%dma_wait3A_636, %dma_wait3A_637] : memref<7813x128xf32, #tpu.memory_space<hbm>> -> memref<32x128xf32, #tpu.memory_space<hbm>>
    tpu.wait_dma2 semaphore(%dma_wait3A_631 : memref<!tpu.dma_semaphore, #tpu.memory_space<semaphore_mem>>) src(%dma_wait3A_638 : memref<32x128xf32, #tpu.memory_space<hbm>>) dst(%dma_wait3A_635 : memref<32x128xf32, #tpu.memory_space<vmem>>)
    %broadcast_in_dim3A_639 = arith.constant 1 : i32
    %broadcast_in_dim3A_640 = vector.broadcast %broadcast_in_dim3A_639 : i32 to vector<16xi32>
    %add3A_641 = arith.constant 0 : i32
    %add3A_642 = vector.broadcast %add3A_641 : i32 to vector<16xi32>
    %add3A_643 = arith.addi %add3A_642, %iota3A : vector<16xi32>
    %get3A_644 = arith.constant 32 : index
    %get3A_645 = tpu.vector_load %arg9[%get3A_644] {strides = array<i32>} : memref<528xi32, #tpu.memory_space<vmem>>, vector<16xi32>,
    %and3A_646 = arith.constant 127 : i32
    %and3A_647 = vector.broadcast %and3A_646 : i32 to vector<16xi32>
    %and3A_648 = arith.andi %get3A_645, %and3A_647 : vector<16xi32>
    %get3A_649 = arith.constant 32 : index
    %get3A_650 = tpu.vector_load %arg10[%get3A_649] {strides = array<i32>} : memref<528xi32, #tpu.memory_space<vmem>>, vector<16xi32>,
    %and3A_651 = arith.constant 127 : i32
    %and3A_652 = vector.broadcast %and3A_651 : i32 to vector<16xi32>
    %and3A_653 = arith.andi %get3A_650, %and3A_652 : vector<16xi32>
    %gather3A_654 = tpu.vector_load_idx %arg15[%broadcast_in_dim3A_640, %add3A_643, %and3A_648] : memref<2x32x128xf32, #tpu.memory_space<vmem>>[vector<16xi32>, vector<16xi32>, vector<16xi32>], vector<16xf32>,
    %swap3A_655 = arith.constant 32 : index
    %swap3A_656 = tpu.vector_load %arg17[%swap3A_655] {strides = array<i32>} : memref<512xf32, #tpu.memory_space<vmem>>, vector<16xf32>,
    tpu.vector_store %arg17[%swap3A_655], %gather3A_654 {strides = array<i32>} : memref<512xf32, #tpu.memory_space<vmem>>, vector<16xf32>,
    %gather3A_657 = tpu.vector_load_idx %arg16[%broadcast_in_dim3A_640, %add3A_643, %and3A_653] : memref<2x32x128xf32, #tpu.memory_space<vmem>>[vector<16xi32>, vector<16xi32>, vector<16xi32>], vector<16xf32>,
    %swap3A_658 = arith.constant 32 : index
    %swap3A_659 = tpu.vector_load %arg18[%swap3A_658] {strides = array<i32>} : memref<512xf32, #tpu.memory_space<vmem>>, vector<16xf32>,
    tpu.vector_store %arg18[%swap3A_658], %gather3A_657 {strides = array<i32>} : memref<512xf32, #tpu.memory_space<vmem>>, vector<16xf32>,
    %add3A_660 = arith.constant 16 : i32
    %add3A_661 = vector.broadcast %add3A_660 : i32 to vector<16xi32>
    %add3A_662 = arith.addi %add3A_661, %iota3A : vector<16xi32>
    %get3A_663 = arith.constant 48 : index
    %get3A_664 = tpu.vector_load %arg9[%get3A_663] {strides = array<i32>} : memref<528xi32, #tpu.memory_space<vmem>>, vector<16xi32>,
    %and3A_665 = arith.constant 127 : i32
    %and3A_666 = vector.broadcast %and3A_665 : i32 to vector<16xi32>
    %and3A_667 = arith.andi %get3A_664, %and3A_666 : vector<16xi32>
    %get3A_668 = arith.constant 48 : index
    %get3A_669 = tpu.vector_load %arg10[%get3A_668] {strides = array<i32>} : memref<528xi32, #tpu.memory_space<vmem>>, vector<16xi32>,
    %and3A_670 = arith.constant 127 : i32
    %and3A_671 = vector.broadcast %and3A_670 : i32 to vector<16xi32>
    %and3A_672 = arith.andi %get3A_669, %and3A_671 : vector<16xi32>
    %gather3A_673 = tpu.vector_load_idx %arg15[%broadcast_in_dim3A_640, %add3A_662, %and3A_667] : memref<2x32x128xf32, #tpu.memory_space<vmem>>[vector<16xi32>, vector<16xi32>, vector<16xi32>], vector<16xf32>,
    %swap3A_674 = arith.constant 48 : index
    %swap3A_675 = tpu.vector_load %arg17[%swap3A_674] {strides = array<i32>} : memref<512xf32, #tpu.memory_space<vmem>>, vector<16xf32>,
    tpu.vector_store %arg17[%swap3A_674], %gather3A_673 {strides = array<i32>} : memref<512xf32, #tpu.memory_space<vmem>>, vector<16xf32>,
    %gather3A_676 = tpu.vector_load_idx %arg16[%broadcast_in_dim3A_640, %add3A_662, %and3A_672] : memref<2x32x128xf32, #tpu.memory_space<vmem>>[vector<16xi32>, vector<16xi32>, vector<16xi32>], vector<16xf32>,
    %swap3A_677 = arith.constant 48 : index
    %swap3A_678 = tpu.vector_load %arg18[%swap3A_677] {strides = array<i32>} : memref<512xf32, #tpu.memory_space<vmem>>, vector<16xf32>,
    tpu.vector_store %arg18[%swap3A_677], %gather3A_676 {strides = array<i32>} : memref<512xf32, #tpu.memory_space<vmem>>, vector<16xf32>,
    %dma_start3A_679 = arith.constant 1 : i32
    %dma_start3A_680 = arith.constant 1 : i32
    %dma_start3A_681 = arith.constant 0 : i32
    %dma_start3A_682 = arith.constant 0 : i32
    %dma_start3A_683 = tpu.memref_slice %arg15[%dma_start3A_679, %dma_start3A_681, %dma_start3A_682] : memref<2x32x128xf32, #tpu.memory_space<vmem>> -> memref<1x32x128xf32, #tpu.memory_space<vmem>>
    %dma_start3A_684 = tpu.memref_squeeze %dma_start3A_683 : memref<1x32x128xf32, #tpu.memory_space<vmem>> -> memref<32x128xf32, #tpu.memory_space<vmem>>
    %dma_start3A_685 = arith.constant 96 : i32
    %dma_start3A_686 = tpu.memref_slice %arg11[%dma_start3A_685] : memref<512xi32, #tpu.memory_space<vmem>> -> memref<32xi32, #tpu.memory_space<vmem>>
    %dma_start3A_687 = arith.constant 0 : i32
    %dma_start3A_688 = arith.constant 0 : i32
    %dma_start3A_689 = tpu.memref_slice %arg6[%dma_start3A_687, %dma_start3A_688] : memref<7813x128xf32, #tpu.memory_space<hbm>> -> memref<7813x128xf32, #tpu.memory_space<hbm>>
    %dma_start3A_690 = tpu.memref_slice %arg21[%dma_start3A_680] : memref<2x!tpu.dma_semaphore, #tpu.memory_space<semaphore_mem>> -> memref<1x!tpu.dma_semaphore, #tpu.memory_space<semaphore_mem>>
    %dma_start3A_691 = tpu.memref_squeeze %dma_start3A_690 : memref<1x!tpu.dma_semaphore, #tpu.memory_space<semaphore_mem>> -> memref<!tpu.dma_semaphore, #tpu.memory_space<semaphore_mem>>
    tpu.enqueue_indirect_dma source(%dma_start3A_689 : memref<7813x128xf32, #tpu.memory_space<hbm>>) target(%dma_start3A_684 : memref<32x128xf32, #tpu.memory_space<vmem>>) offsets(%dma_start3A_686 : memref<32xi32, #tpu.memory_space<vmem>>) semaphore(%dma_start3A_691 : memref<!tpu.dma_semaphore, #tpu.memory_space<semaphore_mem>>)
    %dma_start3A_692 = arith.constant 1 : i32
    %dma_start3A_693 = arith.constant 1 : i32
    %dma_start3A_694 = arith.constant 0 : i32
    %dma_start3A_695 = arith.constant 0 : i32
    %dma_start3A_696 = tpu.memref_slice %arg16[%dma_start3A_692, %dma_start3A_694, %dma_start3A_695] : memref<2x32x128xf32, #tpu.memory_space<vmem>> -> memref<1x32x128xf32, #tpu.memory_space<vmem>>
    %dma_start3A_697 = tpu.memref_squeeze %dma_start3A_696 : memref<1x32x128xf32, #tpu.memory_space<vmem>> -> memref<32x128xf32, #tpu.memory_space<vmem>>
    %dma_start3A_698 = arith.constant 96 : i32
    %dma_start3A_699 = tpu.memref_slice %arg12[%dma_start3A_698] : memref<512xi32, #tpu.memory_space<vmem>> -> memref<32xi32, #tpu.memory_space<vmem>>
    %dma_start3A_700 = arith.constant 0 : i32
    %dma_start3A_701 = arith.constant 0 : i32
    %dma_start3A_702 = tpu.memref_slice %arg7[%dma_start3A_700, %dma_start3A_701] : memref<7813x128xf32, #tpu.memory_space<hbm>> -> memref<7813x128xf32, #tpu.memory_space<hbm>>
    %dma_start3A_703 = tpu.memref_slice %arg21[%dma_start3A_693] : memref<2x!tpu.dma_semaphore, #tpu.memory_space<semaphore_mem>> -> memref<1x!tpu.dma_semaphore, #tpu.memory_space<semaphore_mem>>
    %dma_start3A_704 = tpu.memref_squeeze %dma_start3A_703 : memref<1x!tpu.dma_semaphore, #tpu.memory_space<semaphore_mem>> -> memref<!tpu.dma_semaphore, #tpu.memory_space<semaphore_mem>>
    tpu.enqueue_indirect_dma source(%dma_start3A_702 : memref<7813x128xf32, #tpu.memory_space<hbm>>) target(%dma_start3A_697 : memref<32x128xf32, #tpu.memory_space<vmem>>) offsets(%dma_start3A_699 : memref<32xi32, #tpu.memory_space<vmem>>) semaphore(%dma_start3A_704 : memref<!tpu.dma_semaphore, #tpu.memory_space<semaphore_mem>>)
    %dma_wait3A_705 = arith.constant 0 : i32
    %dma_wait3A_706 = arith.constant 0 : i32
    %dma_wait3A_707 = arith.constant 0 : i32
    %dma_wait3A_708 = arith.constant 0 : i32
    %dma_wait3A_709 = tpu.memref_slice %arg15[%dma_wait3A_705, %dma_wait3A_707, %dma_wait3A_708] : memref<2x32x128xf32, #tpu.memory_space<vmem>> -> memref<1x32x128xf32, #tpu.memory_space<vmem>>
    %dma_wait3A_710 = tpu.memref_squeeze %dma_wait3A_709 : memref<1x32x128xf32, #tpu.memory_space<vmem>> -> memref<32x128xf32, #tpu.memory_space<vmem>>
    %dma_wait3A_711 = arith.constant 0 : i32
    %dma_wait3A_712 = arith.constant 0 : i32
    %dma_wait3A_713 = tpu.memref_slice %arg6[%dma_wait3A_711, %dma_wait3A_712] : memref<7813x128xf32, #tpu.memory_space<hbm>> -> memref<32x128xf32, #tpu.memory_space<hbm>>
    %dma_wait3A_714 = tpu.memref_slice %arg21[%dma_wait3A_706] : memref<2x!tpu.dma_semaphore, #tpu.memory_space<semaphore_mem>> -> memref<1x!tpu.dma_semaphore, #tpu.memory_space<semaphore_mem>>
    %dma_wait3A_715 = tpu.memref_squeeze %dma_wait3A_714 : memref<1x!tpu.dma_semaphore, #tpu.memory_space<semaphore_mem>> -> memref<!tpu.dma_semaphore, #tpu.memory_space<semaphore_mem>>
    %dma_wait3A_716 = arith.constant 0 : i32
    %dma_wait3A_717 = arith.constant 0 : i32
    %dma_wait3A_718 = tpu.memref_slice %arg15[%dma_wait3A_705, %dma_wait3A_716, %dma_wait3A_717] : memref<2x32x128xf32, #tpu.memory_space<vmem>> -> memref<1x32x128xf32, #tpu.memory_space<vmem>>
    %dma_wait3A_719 = tpu.memref_squeeze %dma_wait3A_718 : memref<1x32x128xf32, #tpu.memory_space<vmem>> -> memref<32x128xf32, #tpu.memory_space<vmem>>
    %dma_wait3A_720 = arith.constant 0 : i32
    %dma_wait3A_721 = arith.constant 0 : i32
    %dma_wait3A_722 = tpu.memref_slice %arg6[%dma_wait3A_720, %dma_wait3A_721] : memref<7813x128xf32, #tpu.memory_space<hbm>> -> memref<32x128xf32, #tpu.memory_space<hbm>>
    tpu.wait_dma2 semaphore(%dma_wait3A_715 : memref<!tpu.dma_semaphore, #tpu.memory_space<semaphore_mem>>) src(%dma_wait3A_722 : memref<32x128xf32, #tpu.memory_space<hbm>>) dst(%dma_wait3A_719 : memref<32x128xf32, #tpu.memory_space<vmem>>)
    %dma_wait3A_723 = arith.constant 0 : i32
    %dma_wait3A_724 = arith.constant 0 : i32
    %dma_wait3A_725 = arith.constant 0 : i32
    %dma_wait3A_726 = arith.constant 0 : i32
    %dma_wait3A_727 = tpu.memref_slice %arg16[%dma_wait3A_723, %dma_wait3A_725, %dma_wait3A_726] : memref<2x32x128xf32, #tpu.memory_space<vmem>> -> memref<1x32x128xf32, #tpu.memory_space<vmem>>
    %dma_wait3A_728 = tpu.memref_squeeze %dma_wait3A_727 : memref<1x32x128xf32, #tpu.memory_space<vmem>> -> memref<32x128xf32, #tpu.memory_space<vmem>>
    %dma_wait3A_729 = arith.constant 0 : i32
    %dma_wait3A_730 = arith.constant 0 : i32
    %dma_wait3A_731 = tpu.memref_slice %arg6[%dma_wait3A_729, %dma_wait3A_730] : memref<7813x128xf32, #tpu.memory_space<hbm>> -> memref<32x128xf32, #tpu.memory_space<hbm>>
    %dma_wait3A_732 = tpu.memref_slice %arg21[%dma_wait3A_724] : memref<2x!tpu.dma_semaphore, #tpu.memory_space<semaphore_mem>> -> memref<1x!tpu.dma_semaphore, #tpu.memory_space<semaphore_mem>>
    %dma_wait3A_733 = tpu.memref_squeeze %dma_wait3A_732 : memref<1x!tpu.dma_semaphore, #tpu.memory_space<semaphore_mem>> -> memref<!tpu.dma_semaphore, #tpu.memory_space<semaphore_mem>>
    %dma_wait3A_734 = arith.constant 0 : i32
    %dma_wait3A_735 = arith.constant 0 : i32
    %dma_wait3A_736 = tpu.memref_slice %arg16[%dma_wait3A_723, %dma_wait3A_734, %dma_wait3A_735] : memref<2x32x128xf32, #tpu.memory_space<vmem>> -> memref<1x32x128xf32, #tpu.memory_space<vmem>>
    %dma_wait3A_737 = tpu.memref_squeeze %dma_wait3A_736 : memref<1x32x128xf32, #tpu.memory_space<vmem>> -> memref<32x128xf32, #tpu.memory_space<vmem>>
    %dma_wait3A_738 = arith.constant 0 : i32
    %dma_wait3A_739 = arith.constant 0 : i32
    %dma_wait3A_740 = tpu.memref_slice %arg6[%dma_wait3A_738, %dma_wait3A_739] : memref<7813x128xf32, #tpu.memory_space<hbm>> -> memref<32x128xf32, #tpu.memory_space<hbm>>
    tpu.wait_dma2 semaphore(%dma_wait3A_733 : memref<!tpu.dma_semaphore, #tpu.memory_space<semaphore_mem>>) src(%dma_wait3A_740 : memref<32x128xf32, #tpu.memory_space<hbm>>) dst(%dma_wait3A_737 : memref<32x128xf32, #tpu.memory_space<vmem>>)
    %broadcast_in_dim3A_741 = arith.constant 0 : i32
    %broadcast_in_dim3A_742 = vector.broadcast %broadcast_in_dim3A_741 : i32 to vector<16xi32>
    %add3A_743 = arith.constant 0 : i32
    %add3A_744 = vector.broadcast %add3A_743 : i32 to vector<16xi32>
    %add3A_745 = arith.addi %add3A_744, %iota3A : vector<16xi32>
    %get3A_746 = arith.constant 64 : index
    %get3A_747 = tpu.vector_load %arg9[%get3A_746] {strides = array<i32>} : memref<528xi32, #tpu.memory_space<vmem>>, vector<16xi32>,
    %and3A_748 = arith.constant 127 : i32
    %and3A_749 = vector.broadcast %and3A_748 : i32 to vector<16xi32>
    %and3A_750 = arith.andi %get3A_747, %and3A_749 : vector<16xi32>
    %get3A_751 = arith.constant 64 : index
    %get3A_752 = tpu.vector_load %arg10[%get3A_751] {strides = array<i32>} : memref<528xi32, #tpu.memory_space<vmem>>, vector<16xi32>,
    %and3A_753 = arith.constant 127 : i32
    %and3A_754 = vector.broadcast %and3A_753 : i32 to vector<16xi32>
    %and3A_755 = arith.andi %get3A_752, %and3A_754 : vector<16xi32>
    %gather3A_756 = tpu.vector_load_idx %arg15[%broadcast_in_dim3A_742, %add3A_745, %and3A_750] : memref<2x32x128xf32, #tpu.memory_space<vmem>>[vector<16xi32>, vector<16xi32>, vector<16xi32>], vector<16xf32>,
    %swap3A_757 = arith.constant 64 : index
    %swap3A_758 = tpu.vector_load %arg17[%swap3A_757] {strides = array<i32>} : memref<512xf32, #tpu.memory_space<vmem>>, vector<16xf32>,
    tpu.vector_store %arg17[%swap3A_757], %gather3A_756 {strides = array<i32>} : memref<512xf32, #tpu.memory_space<vmem>>, vector<16xf32>,
    %gather3A_759 = tpu.vector_load_idx %arg16[%broadcast_in_dim3A_742, %add3A_745, %and3A_755] : memref<2x32x128xf32, #tpu.memory_space<vmem>>[vector<16xi32>, vector<16xi32>, vector<16xi32>], vector<16xf32>,
    %swap3A_760 = arith.constant 64 : index
    %swap3A_761 = tpu.vector_load %arg18[%swap3A_760] {strides = array<i32>} : memref<512xf32, #tpu.memory_space<vmem>>, vector<16xf32>,
    tpu.vector_store %arg18[%swap3A_760], %gather3A_759 {strides = array<i32>} : memref<512xf32, #tpu.memory_space<vmem>>, vector<16xf32>,
    %add3A_762 = arith.constant 16 : i32
    %add3A_763 = vector.broadcast %add3A_762 : i32 to vector<16xi32>
    %add3A_764 = arith.addi %add3A_763, %iota3A : vector<16xi32>
    %get3A_765 = arith.constant 80 : index
    %get3A_766 = tpu.vector_load %arg9[%get3A_765] {strides = array<i32>} : memref<528xi32, #tpu.memory_space<vmem>>, vector<16xi32>,
    %and3A_767 = arith.constant 127 : i32
    %and3A_768 = vector.broadcast %and3A_767 : i32 to vector<16xi32>
    %and3A_769 = arith.andi %get3A_766, %and3A_768 : vector<16xi32>
    %get3A_770 = arith.constant 80 : index
    %get3A_771 = tpu.vector_load %arg10[%get3A_770] {strides = array<i32>} : memref<528xi32, #tpu.memory_space<vmem>>, vector<16xi32>,
    %and3A_772 = arith.constant 127 : i32
    %and3A_773 = vector.broadcast %and3A_772 : i32 to vector<16xi32>
    %and3A_774 = arith.andi %get3A_771, %and3A_773 : vector<16xi32>
    %gather3A_775 = tpu.vector_load_idx %arg15[%broadcast_in_dim3A_742, %add3A_764, %and3A_769] : memref<2x32x128xf32, #tpu.memory_space<vmem>>[vector<16xi32>, vector<16xi32>, vector<16xi32>], vector<16xf32>,
    %swap3A_776 = arith.constant 80 : index
    %swap3A_777 = tpu.vector_load %arg17[%swap3A_776] {strides = array<i32>} : memref<512xf32, #tpu.memory_space<vmem>>, vector<16xf32>,
    tpu.vector_store %arg17[%swap3A_776], %gather3A_775 {strides = array<i32>} : memref<512xf32, #tpu.memory_space<vmem>>, vector<16xf32>,
    %gather3A_778 = tpu.vector_load_idx %arg16[%broadcast_in_dim3A_742, %add3A_764, %and3A_774] : memref<2x32x128xf32, #tpu.memory_space<vmem>>[vector<16xi32>, vector<16xi32>, vector<16xi32>], vector<16xf32>,
    %swap3A_779 = arith.constant 80 : index
    %swap3A_780 = tpu.vector_load %arg18[%swap3A_779] {strides = array<i32>} : memref<512xf32, #tpu.memory_space<vmem>>, vector<16xf32>,
    tpu.vector_store %arg18[%swap3A_779], %gather3A_778 {strides = array<i32>} : memref<512xf32, #tpu.memory_space<vmem>>, vector<16xf32>,
    %dma_start3A_781 = arith.constant 0 : i32
    %dma_start3A_782 = arith.constant 0 : i32
    %dma_start3A_783 = arith.constant 0 : i32
    %dma_start3A_784 = arith.constant 0 : i32
    %dma_start3A_785 = tpu.memref_slice %arg15[%dma_start3A_781, %dma_start3A_783, %dma_start3A_784] : memref<2x32x128xf32, #tpu.memory_space<vmem>> -> memref<1x32x128xf32, #tpu.memory_space<vmem>>
    %dma_start3A_786 = tpu.memref_squeeze %dma_start3A_785 : memref<1x32x128xf32, #tpu.memory_space<vmem>> -> memref<32x128xf32, #tpu.memory_space<vmem>>
    %dma_start3A_787 = arith.constant 128 : i32
    %dma_start3A_788 = tpu.memref_slice %arg11[%dma_start3A_787] : memref<512xi32, #tpu.memory_space<vmem>> -> memref<32xi32, #tpu.memory_space<vmem>>
    %dma_start3A_789 = arith.constant 0 : i32
    %dma_start3A_790 = arith.constant 0 : i32
    %dma_start3A_791 = tpu.memref_slice %arg6[%dma_start3A_789, %dma_start3A_790] : memref<7813x128xf32, #tpu.memory_space<hbm>> -> memref<7813x128xf32, #tpu.memory_space<hbm>>
    %dma_start3A_792 = tpu.memref_slice %arg21[%dma_start3A_782] : memref<2x!tpu.dma_semaphore, #tpu.memory_space<semaphore_mem>> -> memref<1x!tpu.dma_semaphore, #tpu.memory_space<semaphore_mem>>
    %dma_start3A_793 = tpu.memref_squeeze %dma_start3A_792 : memref<1x!tpu.dma_semaphore, #tpu.memory_space<semaphore_mem>> -> memref<!tpu.dma_semaphore, #tpu.memory_space<semaphore_mem>>
    tpu.enqueue_indirect_dma source(%dma_start3A_791 : memref<7813x128xf32, #tpu.memory_space<hbm>>) target(%dma_start3A_786 : memref<32x128xf32, #tpu.memory_space<vmem>>) offsets(%dma_start3A_788 : memref<32xi32, #tpu.memory_space<vmem>>) semaphore(%dma_start3A_793 : memref<!tpu.dma_semaphore, #tpu.memory_space<semaphore_mem>>)
    %dma_start3A_794 = arith.constant 0 : i32
    %dma_start3A_795 = arith.constant 0 : i32
    %dma_start3A_796 = arith.constant 0 : i32
    %dma_start3A_797 = arith.constant 0 : i32
    %dma_start3A_798 = tpu.memref_slice %arg16[%dma_start3A_794, %dma_start3A_796, %dma_start3A_797] : memref<2x32x128xf32, #tpu.memory_space<vmem>> -> memref<1x32x128xf32, #tpu.memory_space<vmem>>
    %dma_start3A_799 = tpu.memref_squeeze %dma_start3A_798 : memref<1x32x128xf32, #tpu.memory_space<vmem>> -> memref<32x128xf32, #tpu.memory_space<vmem>>
    %dma_start3A_800 = arith.constant 128 : i32
    %dma_start3A_801 = tpu.memref_slice %arg12[%dma_start3A_800] : memref<512xi32, #tpu.memory_space<vmem>> -> memref<32xi32, #tpu.memory_space<vmem>>
    %dma_start3A_802 = arith.constant 0 : i32
    %dma_start3A_803 = arith.constant 0 : i32
    %dma_start3A_804 = tpu.memref_slice %arg7[%dma_start3A_802, %dma_start3A_803] : memref<7813x128xf32, #tpu.memory_space<hbm>> -> memref<7813x128xf32, #tpu.memory_space<hbm>>
    %dma_start3A_805 = tpu.memref_slice %arg21[%dma_start3A_795] : memref<2x!tpu.dma_semaphore, #tpu.memory_space<semaphore_mem>> -> memref<1x!tpu.dma_semaphore, #tpu.memory_space<semaphore_mem>>
    %dma_start3A_806 = tpu.memref_squeeze %dma_start3A_805 : memref<1x!tpu.dma_semaphore, #tpu.memory_space<semaphore_mem>> -> memref<!tpu.dma_semaphore, #tpu.memory_space<semaphore_mem>>
    tpu.enqueue_indirect_dma source(%dma_start3A_804 : memref<7813x128xf32, #tpu.memory_space<hbm>>) target(%dma_start3A_799 : memref<32x128xf32, #tpu.memory_space<vmem>>) offsets(%dma_start3A_801 : memref<32xi32, #tpu.memory_space<vmem>>) semaphore(%dma_start3A_806 : memref<!tpu.dma_semaphore, #tpu.memory_space<semaphore_mem>>)
    %dma_wait3A_807 = arith.constant 1 : i32
    %dma_wait3A_808 = arith.constant 1 : i32
    %dma_wait3A_809 = arith.constant 0 : i32
    %dma_wait3A_810 = arith.constant 0 : i32
    %dma_wait3A_811 = tpu.memref_slice %arg15[%dma_wait3A_807, %dma_wait3A_809, %dma_wait3A_810] : memref<2x32x128xf32, #tpu.memory_space<vmem>> -> memref<1x32x128xf32, #tpu.memory_space<vmem>>
    %dma_wait3A_812 = tpu.memref_squeeze %dma_wait3A_811 : memref<1x32x128xf32, #tpu.memory_space<vmem>> -> memref<32x128xf32, #tpu.memory_space<vmem>>
    %dma_wait3A_813 = arith.constant 0 : i32
    %dma_wait3A_814 = arith.constant 0 : i32
    %dma_wait3A_815 = tpu.memref_slice %arg6[%dma_wait3A_813, %dma_wait3A_814] : memref<7813x128xf32, #tpu.memory_space<hbm>> -> memref<32x128xf32, #tpu.memory_space<hbm>>
    %dma_wait3A_816 = tpu.memref_slice %arg21[%dma_wait3A_808] : memref<2x!tpu.dma_semaphore, #tpu.memory_space<semaphore_mem>> -> memref<1x!tpu.dma_semaphore, #tpu.memory_space<semaphore_mem>>
    %dma_wait3A_817 = tpu.memref_squeeze %dma_wait3A_816 : memref<1x!tpu.dma_semaphore, #tpu.memory_space<semaphore_mem>> -> memref<!tpu.dma_semaphore, #tpu.memory_space<semaphore_mem>>
    %dma_wait3A_818 = arith.constant 0 : i32
    %dma_wait3A_819 = arith.constant 0 : i32
    %dma_wait3A_820 = tpu.memref_slice %arg15[%dma_wait3A_807, %dma_wait3A_818, %dma_wait3A_819] : memref<2x32x128xf32, #tpu.memory_space<vmem>> -> memref<1x32x128xf32, #tpu.memory_space<vmem>>
    %dma_wait3A_821 = tpu.memref_squeeze %dma_wait3A_820 : memref<1x32x128xf32, #tpu.memory_space<vmem>> -> memref<32x128xf32, #tpu.memory_space<vmem>>
    %dma_wait3A_822 = arith.constant 0 : i32
    %dma_wait3A_823 = arith.constant 0 : i32
    %dma_wait3A_824 = tpu.memref_slice %arg6[%dma_wait3A_822, %dma_wait3A_823] : memref<7813x128xf32, #tpu.memory_space<hbm>> -> memref<32x128xf32, #tpu.memory_space<hbm>>
    tpu.wait_dma2 semaphore(%dma_wait3A_817 : memref<!tpu.dma_semaphore, #tpu.memory_space<semaphore_mem>>) src(%dma_wait3A_824 : memref<32x128xf32, #tpu.memory_space<hbm>>) dst(%dma_wait3A_821 : memref<32x128xf32, #tpu.memory_space<vmem>>)
    %dma_wait3A_825 = arith.constant 1 : i32
    %dma_wait3A_826 = arith.constant 1 : i32
    %dma_wait3A_827 = arith.constant 0 : i32
    %dma_wait3A_828 = arith.constant 0 : i32
    %dma_wait3A_829 = tpu.memref_slice %arg16[%dma_wait3A_825, %dma_wait3A_827, %dma_wait3A_828] : memref<2x32x128xf32, #tpu.memory_space<vmem>> -> memref<1x32x128xf32, #tpu.memory_space<vmem>>
    %dma_wait3A_830 = tpu.memref_squeeze %dma_wait3A_829 : memref<1x32x128xf32, #tpu.memory_space<vmem>> -> memref<32x128xf32, #tpu.memory_space<vmem>>
    %dma_wait3A_831 = arith.constant 0 : i32
    %dma_wait3A_832 = arith.constant 0 : i32
    %dma_wait3A_833 = tpu.memref_slice %arg6[%dma_wait3A_831, %dma_wait3A_832] : memref<7813x128xf32, #tpu.memory_space<hbm>> -> memref<32x128xf32, #tpu.memory_space<hbm>>
    %dma_wait3A_834 = tpu.memref_slice %arg21[%dma_wait3A_826] : memref<2x!tpu.dma_semaphore, #tpu.memory_space<semaphore_mem>> -> memref<1x!tpu.dma_semaphore, #tpu.memory_space<semaphore_mem>>
    %dma_wait3A_835 = tpu.memref_squeeze %dma_wait3A_834 : memref<1x!tpu.dma_semaphore, #tpu.memory_space<semaphore_mem>> -> memref<!tpu.dma_semaphore, #tpu.memory_space<semaphore_mem>>
    %dma_wait3A_836 = arith.constant 0 : i32
    %dma_wait3A_837 = arith.constant 0 : i32
    %dma_wait3A_838 = tpu.memref_slice %arg16[%dma_wait3A_825, %dma_wait3A_836, %dma_wait3A_837] : memref<2x32x128xf32, #tpu.memory_space<vmem>> -> memref<1x32x128xf32, #tpu.memory_space<vmem>>
    %dma_wait3A_839 = tpu.memref_squeeze %dma_wait3A_838 : memref<1x32x128xf32, #tpu.memory_space<vmem>> -> memref<32x128xf32, #tpu.memory_space<vmem>>
    %dma_wait3A_840 = arith.constant 0 : i32
    %dma_wait3A_841 = arith.constant 0 : i32
    %dma_wait3A_842 = tpu.memref_slice %arg6[%dma_wait3A_840, %dma_wait3A_841] : memref<7813x128xf32, #tpu.memory_space<hbm>> -> memref<32x128xf32, #tpu.memory_space<hbm>>
    tpu.wait_dma2 semaphore(%dma_wait3A_835 : memref<!tpu.dma_semaphore, #tpu.memory_space<semaphore_mem>>) src(%dma_wait3A_842 : memref<32x128xf32, #tpu.memory_space<hbm>>) dst(%dma_wait3A_839 : memref<32x128xf32, #tpu.memory_space<vmem>>)
    %broadcast_in_dim3A_843 = arith.constant 1 : i32
    %broadcast_in_dim3A_844 = vector.broadcast %broadcast_in_dim3A_843 : i32 to vector<16xi32>
    %add3A_845 = arith.constant 0 : i32
    %add3A_846 = vector.broadcast %add3A_845 : i32 to vector<16xi32>
    %add3A_847 = arith.addi %add3A_846, %iota3A : vector<16xi32>
    %get3A_848 = arith.constant 96 : index
    %get3A_849 = tpu.vector_load %arg9[%get3A_848] {strides = array<i32>} : memref<528xi32, #tpu.memory_space<vmem>>, vector<16xi32>,
    %and3A_850 = arith.constant 127 : i32
    %and3A_851 = vector.broadcast %and3A_850 : i32 to vector<16xi32>
    %and3A_852 = arith.andi %get3A_849, %and3A_851 : vector<16xi32>
    %get3A_853 = arith.constant 96 : index
    %get3A_854 = tpu.vector_load %arg10[%get3A_853] {strides = array<i32>} : memref<528xi32, #tpu.memory_space<vmem>>, vector<16xi32>,
    %and3A_855 = arith.constant 127 : i32
    %and3A_856 = vector.broadcast %and3A_855 : i32 to vector<16xi32>
    %and3A_857 = arith.andi %get3A_854, %and3A_856 : vector<16xi32>
    %gather3A_858 = tpu.vector_load_idx %arg15[%broadcast_in_dim3A_844, %add3A_847, %and3A_852] : memref<2x32x128xf32, #tpu.memory_space<vmem>>[vector<16xi32>, vector<16xi32>, vector<16xi32>], vector<16xf32>,
    %swap3A_859 = arith.constant 96 : index
    %swap3A_860 = tpu.vector_load %arg17[%swap3A_859] {strides = array<i32>} : memref<512xf32, #tpu.memory_space<vmem>>, vector<16xf32>,
    tpu.vector_store %arg17[%swap3A_859], %gather3A_858 {strides = array<i32>} : memref<512xf32, #tpu.memory_space<vmem>>, vector<16xf32>,
    %gather3A_861 = tpu.vector_load_idx %arg16[%broadcast_in_dim3A_844, %add3A_847, %and3A_857] : memref<2x32x128xf32, #tpu.memory_space<vmem>>[vector<16xi32>, vector<16xi32>, vector<16xi32>], vector<16xf32>,
    %swap3A_862 = arith.constant 96 : index
    %swap3A_863 = tpu.vector_load %arg18[%swap3A_862] {strides = array<i32>} : memref<512xf32, #tpu.memory_space<vmem>>, vector<16xf32>,
    tpu.vector_store %arg18[%swap3A_862], %gather3A_861 {strides = array<i32>} : memref<512xf32, #tpu.memory_space<vmem>>, vector<16xf32>,
    %add3A_864 = arith.constant 16 : i32
    %add3A_865 = vector.broadcast %add3A_864 : i32 to vector<16xi32>
    %add3A_866 = arith.addi %add3A_865, %iota3A : vector<16xi32>
    %get3A_867 = arith.constant 112 : index
    %get3A_868 = tpu.vector_load %arg9[%get3A_867] {strides = array<i32>} : memref<528xi32, #tpu.memory_space<vmem>>, vector<16xi32>,
    %and3A_869 = arith.constant 127 : i32
    %and3A_870 = vector.broadcast %and3A_869 : i32 to vector<16xi32>
    %and3A_871 = arith.andi %get3A_868, %and3A_870 : vector<16xi32>
    %get3A_872 = arith.constant 112 : index
    %get3A_873 = tpu.vector_load %arg10[%get3A_872] {strides = array<i32>} : memref<528xi32, #tpu.memory_space<vmem>>, vector<16xi32>,
    %and3A_874 = arith.constant 127 : i32
    %and3A_875 = vector.broadcast %and3A_874 : i32 to vector<16xi32>
    %and3A_876 = arith.andi %get3A_873, %and3A_875 : vector<16xi32>
    %gather3A_877 = tpu.vector_load_idx %arg15[%broadcast_in_dim3A_844, %add3A_866, %and3A_871] : memref<2x32x128xf32, #tpu.memory_space<vmem>>[vector<16xi32>, vector<16xi32>, vector<16xi32>], vector<16xf32>,
    %swap3A_878 = arith.constant 112 : index
    %swap3A_879 = tpu.vector_load %arg17[%swap3A_878] {strides = array<i32>} : memref<512xf32, #tpu.memory_space<vmem>>, vector<16xf32>,
    tpu.vector_store %arg17[%swap3A_878], %gather3A_877 {strides = array<i32>} : memref<512xf32, #tpu.memory_space<vmem>>, vector<16xf32>,
    %gather3A_880 = tpu.vector_load_idx %arg16[%broadcast_in_dim3A_844, %add3A_866, %and3A_876] : memref<2x32x128xf32, #tpu.memory_space<vmem>>[vector<16xi32>, vector<16xi32>, vector<16xi32>], vector<16xf32>,
    %swap3A_881 = arith.constant 112 : index
    %swap3A_882 = tpu.vector_load %arg18[%swap3A_881] {strides = array<i32>} : memref<512xf32, #tpu.memory_space<vmem>>, vector<16xf32>,
    tpu.vector_store %arg18[%swap3A_881], %gather3A_880 {strides = array<i32>} : memref<512xf32, #tpu.memory_space<vmem>>, vector<16xf32>,
    %dma_start3A_883 = arith.constant 1 : i32
    %dma_start3A_884 = arith.constant 1 : i32
    %dma_start3A_885 = arith.constant 0 : i32
    %dma_start3A_886 = arith.constant 0 : i32
    %dma_start3A_887 = tpu.memref_slice %arg15[%dma_start3A_883, %dma_start3A_885, %dma_start3A_886] : memref<2x32x128xf32, #tpu.memory_space<vmem>> -> memref<1x32x128xf32, #tpu.memory_space<vmem>>
    %dma_start3A_888 = tpu.memref_squeeze %dma_start3A_887 : memref<1x32x128xf32, #tpu.memory_space<vmem>> -> memref<32x128xf32, #tpu.memory_space<vmem>>
    %dma_start3A_889 = arith.constant 160 : i32
    %dma_start3A_890 = tpu.memref_slice %arg11[%dma_start3A_889] : memref<512xi32, #tpu.memory_space<vmem>> -> memref<32xi32, #tpu.memory_space<vmem>>
    %dma_start3A_891 = arith.constant 0 : i32
    %dma_start3A_892 = arith.constant 0 : i32
    %dma_start3A_893 = tpu.memref_slice %arg6[%dma_start3A_891, %dma_start3A_892] : memref<7813x128xf32, #tpu.memory_space<hbm>> -> memref<7813x128xf32, #tpu.memory_space<hbm>>
    %dma_start3A_894 = tpu.memref_slice %arg21[%dma_start3A_884] : memref<2x!tpu.dma_semaphore, #tpu.memory_space<semaphore_mem>> -> memref<1x!tpu.dma_semaphore, #tpu.memory_space<semaphore_mem>>
    %dma_start3A_895 = tpu.memref_squeeze %dma_start3A_894 : memref<1x!tpu.dma_semaphore, #tpu.memory_space<semaphore_mem>> -> memref<!tpu.dma_semaphore, #tpu.memory_space<semaphore_mem>>
    tpu.enqueue_indirect_dma source(%dma_start3A_893 : memref<7813x128xf32, #tpu.memory_space<hbm>>) target(%dma_start3A_888 : memref<32x128xf32, #tpu.memory_space<vmem>>) offsets(%dma_start3A_890 : memref<32xi32, #tpu.memory_space<vmem>>) semaphore(%dma_start3A_895 : memref<!tpu.dma_semaphore, #tpu.memory_space<semaphore_mem>>)
    %dma_start3A_896 = arith.constant 1 : i32
    %dma_start3A_897 = arith.constant 1 : i32
    %dma_start3A_898 = arith.constant 0 : i32
    %dma_start3A_899 = arith.constant 0 : i32
    %dma_start3A_900 = tpu.memref_slice %arg16[%dma_start3A_896, %dma_start3A_898, %dma_start3A_899] : memref<2x32x128xf32, #tpu.memory_space<vmem>> -> memref<1x32x128xf32, #tpu.memory_space<vmem>>
    %dma_start3A_901 = tpu.memref_squeeze %dma_start3A_900 : memref<1x32x128xf32, #tpu.memory_space<vmem>> -> memref<32x128xf32, #tpu.memory_space<vmem>>
    %dma_start3A_902 = arith.constant 160 : i32
    %dma_start3A_903 = tpu.memref_slice %arg12[%dma_start3A_902] : memref<512xi32, #tpu.memory_space<vmem>> -> memref<32xi32, #tpu.memory_space<vmem>>
    %dma_start3A_904 = arith.constant 0 : i32
    %dma_start3A_905 = arith.constant 0 : i32
    %dma_start3A_906 = tpu.memref_slice %arg7[%dma_start3A_904, %dma_start3A_905] : memref<7813x128xf32, #tpu.memory_space<hbm>> -> memref<7813x128xf32, #tpu.memory_space<hbm>>
    %dma_start3A_907 = tpu.memref_slice %arg21[%dma_start3A_897] : memref<2x!tpu.dma_semaphore, #tpu.memory_space<semaphore_mem>> -> memref<1x!tpu.dma_semaphore, #tpu.memory_space<semaphore_mem>>
    %dma_start3A_908 = tpu.memref_squeeze %dma_start3A_907 : memref<1x!tpu.dma_semaphore, #tpu.memory_space<semaphore_mem>> -> memref<!tpu.dma_semaphore, #tpu.memory_space<semaphore_mem>>
    tpu.enqueue_indirect_dma source(%dma_start3A_906 : memref<7813x128xf32, #tpu.memory_space<hbm>>) target(%dma_start3A_901 : memref<32x128xf32, #tpu.memory_space<vmem>>) offsets(%dma_start3A_903 : memref<32xi32, #tpu.memory_space<vmem>>) semaphore(%dma_start3A_908 : memref<!tpu.dma_semaphore, #tpu.memory_space<semaphore_mem>>)
    %dma_wait3A_909 = arith.constant 0 : i32
    %dma_wait3A_910 = arith.constant 0 : i32
    %dma_wait3A_911 = arith.constant 0 : i32
    %dma_wait3A_912 = arith.constant 0 : i32
    %dma_wait3A_913 = tpu.memref_slice %arg15[%dma_wait3A_909, %dma_wait3A_911, %dma_wait3A_912] : memref<2x32x128xf32, #tpu.memory_space<vmem>> -> memref<1x32x128xf32, #tpu.memory_space<vmem>>
    %dma_wait3A_914 = tpu.memref_squeeze %dma_wait3A_913 : memref<1x32x128xf32, #tpu.memory_space<vmem>> -> memref<32x128xf32, #tpu.memory_space<vmem>>
    %dma_wait3A_915 = arith.constant 0 : i32
    %dma_wait3A_916 = arith.constant 0 : i32
    %dma_wait3A_917 = tpu.memref_slice %arg6[%dma_wait3A_915, %dma_wait3A_916] : memref<7813x128xf32, #tpu.memory_space<hbm>> -> memref<32x128xf32, #tpu.memory_space<hbm>>
    %dma_wait3A_918 = tpu.memref_slice %arg21[%dma_wait3A_910] : memref<2x!tpu.dma_semaphore, #tpu.memory_space<semaphore_mem>> -> memref<1x!tpu.dma_semaphore, #tpu.memory_space<semaphore_mem>>
    %dma_wait3A_919 = tpu.memref_squeeze %dma_wait3A_918 : memref<1x!tpu.dma_semaphore, #tpu.memory_space<semaphore_mem>> -> memref<!tpu.dma_semaphore, #tpu.memory_space<semaphore_mem>>
    %dma_wait3A_920 = arith.constant 0 : i32
    %dma_wait3A_921 = arith.constant 0 : i32
    %dma_wait3A_922 = tpu.memref_slice %arg15[%dma_wait3A_909, %dma_wait3A_920, %dma_wait3A_921] : memref<2x32x128xf32, #tpu.memory_space<vmem>> -> memref<1x32x128xf32, #tpu.memory_space<vmem>>
    %dma_wait3A_923 = tpu.memref_squeeze %dma_wait3A_922 : memref<1x32x128xf32, #tpu.memory_space<vmem>> -> memref<32x128xf32, #tpu.memory_space<vmem>>
    %dma_wait3A_924 = arith.constant 0 : i32
    %dma_wait3A_925 = arith.constant 0 : i32
    %dma_wait3A_926 = tpu.memref_slice %arg6[%dma_wait3A_924, %dma_wait3A_925] : memref<7813x128xf32, #tpu.memory_space<hbm>> -> memref<32x128xf32, #tpu.memory_space<hbm>>
    tpu.wait_dma2 semaphore(%dma_wait3A_919 : memref<!tpu.dma_semaphore, #tpu.memory_space<semaphore_mem>>) src(%dma_wait3A_926 : memref<32x128xf32, #tpu.memory_space<hbm>>) dst(%dma_wait3A_923 : memref<32x128xf32, #tpu.memory_space<vmem>>)
    %dma_wait3A_927 = arith.constant 0 : i32
    %dma_wait3A_928 = arith.constant 0 : i32
    %dma_wait3A_929 = arith.constant 0 : i32
    %dma_wait3A_930 = arith.constant 0 : i32
    %dma_wait3A_931 = tpu.memref_slice %arg16[%dma_wait3A_927, %dma_wait3A_929, %dma_wait3A_930] : memref<2x32x128xf32, #tpu.memory_space<vmem>> -> memref<1x32x128xf32, #tpu.memory_space<vmem>>
    %dma_wait3A_932 = tpu.memref_squeeze %dma_wait3A_931 : memref<1x32x128xf32, #tpu.memory_space<vmem>> -> memref<32x128xf32, #tpu.memory_space<vmem>>
    %dma_wait3A_933 = arith.constant 0 : i32
    %dma_wait3A_934 = arith.constant 0 : i32
    %dma_wait3A_935 = tpu.memref_slice %arg6[%dma_wait3A_933, %dma_wait3A_934] : memref<7813x128xf32, #tpu.memory_space<hbm>> -> memref<32x128xf32, #tpu.memory_space<hbm>>
    %dma_wait3A_936 = tpu.memref_slice %arg21[%dma_wait3A_928] : memref<2x!tpu.dma_semaphore, #tpu.memory_space<semaphore_mem>> -> memref<1x!tpu.dma_semaphore, #tpu.memory_space<semaphore_mem>>
    %dma_wait3A_937 = tpu.memref_squeeze %dma_wait3A_936 : memref<1x!tpu.dma_semaphore, #tpu.memory_space<semaphore_mem>> -> memref<!tpu.dma_semaphore, #tpu.memory_space<semaphore_mem>>
    %dma_wait3A_938 = arith.constant 0 : i32
    %dma_wait3A_939 = arith.constant 0 : i32
    %dma_wait3A_940 = tpu.memref_slice %arg16[%dma_wait3A_927, %dma_wait3A_938, %dma_wait3A_939] : memref<2x32x128xf32, #tpu.memory_space<vmem>> -> memref<1x32x128xf32, #tpu.memory_space<vmem>>
    %dma_wait3A_941 = tpu.memref_squeeze %dma_wait3A_940 : memref<1x32x128xf32, #tpu.memory_space<vmem>> -> memref<32x128xf32, #tpu.memory_space<vmem>>
    %dma_wait3A_942 = arith.constant 0 : i32
    %dma_wait3A_943 = arith.constant 0 : i32
    %dma_wait3A_944 = tpu.memref_slice %arg6[%dma_wait3A_942, %dma_wait3A_943] : memref<7813x128xf32, #tpu.memory_space<hbm>> -> memref<32x128xf32, #tpu.memory_space<hbm>>
    tpu.wait_dma2 semaphore(%dma_wait3A_937 : memref<!tpu.dma_semaphore, #tpu.memory_space<semaphore_mem>>) src(%dma_wait3A_944 : memref<32x128xf32, #tpu.memory_space<hbm>>) dst(%dma_wait3A_941 : memref<32x128xf32, #tpu.memory_space<vmem>>)
    %broadcast_in_dim3A_945 = arith.constant 0 : i32
    %broadcast_in_dim3A_946 = vector.broadcast %broadcast_in_dim3A_945 : i32 to vector<16xi32>
    %add3A_947 = arith.constant 0 : i32
    %add3A_948 = vector.broadcast %add3A_947 : i32 to vector<16xi32>
    %add3A_949 = arith.addi %add3A_948, %iota3A : vector<16xi32>
    %get3A_950 = arith.constant 128 : index
    %get3A_951 = tpu.vector_load %arg9[%get3A_950] {strides = array<i32>} : memref<528xi32, #tpu.memory_space<vmem>>, vector<16xi32>,
    %and3A_952 = arith.constant 127 : i32
    %and3A_953 = vector.broadcast %and3A_952 : i32 to vector<16xi32>
    %and3A_954 = arith.andi %get3A_951, %and3A_953 : vector<16xi32>
    %get3A_955 = arith.constant 128 : index
    %get3A_956 = tpu.vector_load %arg10[%get3A_955] {strides = array<i32>} : memref<528xi32, #tpu.memory_space<vmem>>, vector<16xi32>,
    %and3A_957 = arith.constant 127 : i32
    %and3A_958 = vector.broadcast %and3A_957 : i32 to vector<16xi32>
    %and3A_959 = arith.andi %get3A_956, %and3A_958 : vector<16xi32>
    %gather3A_960 = tpu.vector_load_idx %arg15[%broadcast_in_dim3A_946, %add3A_949, %and3A_954] : memref<2x32x128xf32, #tpu.memory_space<vmem>>[vector<16xi32>, vector<16xi32>, vector<16xi32>], vector<16xf32>,
    %swap3A_961 = arith.constant 128 : index
    %swap3A_962 = tpu.vector_load %arg17[%swap3A_961] {strides = array<i32>} : memref<512xf32, #tpu.memory_space<vmem>>, vector<16xf32>,
    tpu.vector_store %arg17[%swap3A_961], %gather3A_960 {strides = array<i32>} : memref<512xf32, #tpu.memory_space<vmem>>, vector<16xf32>,
    %gather3A_963 = tpu.vector_load_idx %arg16[%broadcast_in_dim3A_946, %add3A_949, %and3A_959] : memref<2x32x128xf32, #tpu.memory_space<vmem>>[vector<16xi32>, vector<16xi32>, vector<16xi32>], vector<16xf32>,
    %swap3A_964 = arith.constant 128 : index
    %swap3A_965 = tpu.vector_load %arg18[%swap3A_964] {strides = array<i32>} : memref<512xf32, #tpu.memory_space<vmem>>, vector<16xf32>,
    tpu.vector_store %arg18[%swap3A_964], %gather3A_963 {strides = array<i32>} : memref<512xf32, #tpu.memory_space<vmem>>, vector<16xf32>,
    %add3A_966 = arith.constant 16 : i32
    %add3A_967 = vector.broadcast %add3A_966 : i32 to vector<16xi32>
    %add3A_968 = arith.addi %add3A_967, %iota3A : vector<16xi32>
    %get3A_969 = arith.constant 144 : index
    %get3A_970 = tpu.vector_load %arg9[%get3A_969] {strides = array<i32>} : memref<528xi32, #tpu.memory_space<vmem>>, vector<16xi32>,
    %and3A_971 = arith.constant 127 : i32
    %and3A_972 = vector.broadcast %and3A_971 : i32 to vector<16xi32>
    %and3A_973 = arith.andi %get3A_970, %and3A_972 : vector<16xi32>
    %get3A_974 = arith.constant 144 : index
    %get3A_975 = tpu.vector_load %arg10[%get3A_974] {strides = array<i32>} : memref<528xi32, #tpu.memory_space<vmem>>, vector<16xi32>,
    %and3A_976 = arith.constant 127 : i32
    %and3A_977 = vector.broadcast %and3A_976 : i32 to vector<16xi32>
    %and3A_978 = arith.andi %get3A_975, %and3A_977 : vector<16xi32>
    %gather3A_979 = tpu.vector_load_idx %arg15[%broadcast_in_dim3A_946, %add3A_968, %and3A_973] : memref<2x32x128xf32, #tpu.memory_space<vmem>>[vector<16xi32>, vector<16xi32>, vector<16xi32>], vector<16xf32>,
    %swap3A_980 = arith.constant 144 : index
    %swap3A_981 = tpu.vector_load %arg17[%swap3A_980] {strides = array<i32>} : memref<512xf32, #tpu.memory_space<vmem>>, vector<16xf32>,
    tpu.vector_store %arg17[%swap3A_980], %gather3A_979 {strides = array<i32>} : memref<512xf32, #tpu.memory_space<vmem>>, vector<16xf32>,
    %gather3A_982 = tpu.vector_load_idx %arg16[%broadcast_in_dim3A_946, %add3A_968, %and3A_978] : memref<2x32x128xf32, #tpu.memory_space<vmem>>[vector<16xi32>, vector<16xi32>, vector<16xi32>], vector<16xf32>,
    %swap3A_983 = arith.constant 144 : index
    %swap3A_984 = tpu.vector_load %arg18[%swap3A_983] {strides = array<i32>} : memref<512xf32, #tpu.memory_space<vmem>>, vector<16xf32>,
    tpu.vector_store %arg18[%swap3A_983], %gather3A_982 {strides = array<i32>} : memref<512xf32, #tpu.memory_space<vmem>>, vector<16xf32>,
    %dma_start3A_985 = arith.constant 0 : i32
    %dma_start3A_986 = arith.constant 0 : i32
    %dma_start3A_987 = arith.constant 0 : i32
    %dma_start3A_988 = arith.constant 0 : i32
    %dma_start3A_989 = tpu.memref_slice %arg15[%dma_start3A_985, %dma_start3A_987, %dma_start3A_988] : memref<2x32x128xf32, #tpu.memory_space<vmem>> -> memref<1x32x128xf32, #tpu.memory_space<vmem>>
    %dma_start3A_990 = tpu.memref_squeeze %dma_start3A_989 : memref<1x32x128xf32, #tpu.memory_space<vmem>> -> memref<32x128xf32, #tpu.memory_space<vmem>>
    %dma_start3A_991 = arith.constant 192 : i32
    %dma_start3A_992 = tpu.memref_slice %arg11[%dma_start3A_991] : memref<512xi32, #tpu.memory_space<vmem>> -> memref<32xi32, #tpu.memory_space<vmem>>
    %dma_start3A_993 = arith.constant 0 : i32
    %dma_start3A_994 = arith.constant 0 : i32
    %dma_start3A_995 = tpu.memref_slice %arg6[%dma_start3A_993, %dma_start3A_994] : memref<7813x128xf32, #tpu.memory_space<hbm>> -> memref<7813x128xf32, #tpu.memory_space<hbm>>
    %dma_start3A_996 = tpu.memref_slice %arg21[%dma_start3A_986] : memref<2x!tpu.dma_semaphore, #tpu.memory_space<semaphore_mem>> -> memref<1x!tpu.dma_semaphore, #tpu.memory_space<semaphore_mem>>
    %dma_start3A_997 = tpu.memref_squeeze %dma_start3A_996 : memref<1x!tpu.dma_semaphore, #tpu.memory_space<semaphore_mem>> -> memref<!tpu.dma_semaphore, #tpu.memory_space<semaphore_mem>>
    tpu.enqueue_indirect_dma source(%dma_start3A_995 : memref<7813x128xf32, #tpu.memory_space<hbm>>) target(%dma_start3A_990 : memref<32x128xf32, #tpu.memory_space<vmem>>) offsets(%dma_start3A_992 : memref<32xi32, #tpu.memory_space<vmem>>) semaphore(%dma_start3A_997 : memref<!tpu.dma_semaphore, #tpu.memory_space<semaphore_mem>>)
    %dma_start3A_998 = arith.constant 0 : i32
    %dma_start3A_999 = arith.constant 0 : i32
    %dma_start3A_1000 = arith.constant 0 : i32
    %dma_start3A_1001 = arith.constant 0 : i32
    %dma_start3A_1002 = tpu.memref_slice %arg16[%dma_start3A_998, %dma_start3A_1000, %dma_start3A_1001] : memref<2x32x128xf32, #tpu.memory_space<vmem>> -> memref<1x32x128xf32, #tpu.memory_space<vmem>>
    %dma_start3A_1003 = tpu.memref_squeeze %dma_start3A_1002 : memref<1x32x128xf32, #tpu.memory_space<vmem>> -> memref<32x128xf32, #tpu.memory_space<vmem>>
    %dma_start3A_1004 = arith.constant 192 : i32
    %dma_start3A_1005 = tpu.memref_slice %arg12[%dma_start3A_1004] : memref<512xi32, #tpu.memory_space<vmem>> -> memref<32xi32, #tpu.memory_space<vmem>>
    %dma_start3A_1006 = arith.constant 0 : i32
    %dma_start3A_1007 = arith.constant 0 : i32
    %dma_start3A_1008 = tpu.memref_slice %arg7[%dma_start3A_1006, %dma_start3A_1007] : memref<7813x128xf32, #tpu.memory_space<hbm>> -> memref<7813x128xf32, #tpu.memory_space<hbm>>
    %dma_start3A_1009 = tpu.memref_slice %arg21[%dma_start3A_999] : memref<2x!tpu.dma_semaphore, #tpu.memory_space<semaphore_mem>> -> memref<1x!tpu.dma_semaphore, #tpu.memory_space<semaphore_mem>>
    %dma_start3A_1010 = tpu.memref_squeeze %dma_start3A_1009 : memref<1x!tpu.dma_semaphore, #tpu.memory_space<semaphore_mem>> -> memref<!tpu.dma_semaphore, #tpu.memory_space<semaphore_mem>>
    tpu.enqueue_indirect_dma source(%dma_start3A_1008 : memref<7813x128xf32, #tpu.memory_space<hbm>>) target(%dma_start3A_1003 : memref<32x128xf32, #tpu.memory_space<vmem>>) offsets(%dma_start3A_1005 : memref<32xi32, #tpu.memory_space<vmem>>) semaphore(%dma_start3A_1010 : memref<!tpu.dma_semaphore, #tpu.memory_space<semaphore_mem>>)
    %dma_wait3A_1011 = arith.constant 1 : i32
    %dma_wait3A_1012 = arith.constant 1 : i32
    %dma_wait3A_1013 = arith.constant 0 : i32
    %dma_wait3A_1014 = arith.constant 0 : i32
    %dma_wait3A_1015 = tpu.memref_slice %arg15[%dma_wait3A_1011, %dma_wait3A_1013, %dma_wait3A_1014] : memref<2x32x128xf32, #tpu.memory_space<vmem>> -> memref<1x32x128xf32, #tpu.memory_space<vmem>>
    %dma_wait3A_1016 = tpu.memref_squeeze %dma_wait3A_1015 : memref<1x32x128xf32, #tpu.memory_space<vmem>> -> memref<32x128xf32, #tpu.memory_space<vmem>>
    %dma_wait3A_1017 = arith.constant 0 : i32
    %dma_wait3A_1018 = arith.constant 0 : i32
    %dma_wait3A_1019 = tpu.memref_slice %arg6[%dma_wait3A_1017, %dma_wait3A_1018] : memref<7813x128xf32, #tpu.memory_space<hbm>> -> memref<32x128xf32, #tpu.memory_space<hbm>>
    %dma_wait3A_1020 = tpu.memref_slice %arg21[%dma_wait3A_1012] : memref<2x!tpu.dma_semaphore, #tpu.memory_space<semaphore_mem>> -> memref<1x!tpu.dma_semaphore, #tpu.memory_space<semaphore_mem>>
    %dma_wait3A_1021 = tpu.memref_squeeze %dma_wait3A_1020 : memref<1x!tpu.dma_semaphore, #tpu.memory_space<semaphore_mem>> -> memref<!tpu.dma_semaphore, #tpu.memory_space<semaphore_mem>>
    %dma_wait3A_1022 = arith.constant 0 : i32
    %dma_wait3A_1023 = arith.constant 0 : i32
    %dma_wait3A_1024 = tpu.memref_slice %arg15[%dma_wait3A_1011, %dma_wait3A_1022, %dma_wait3A_1023] : memref<2x32x128xf32, #tpu.memory_space<vmem>> -> memref<1x32x128xf32, #tpu.memory_space<vmem>>
    %dma_wait3A_1025 = tpu.memref_squeeze %dma_wait3A_1024 : memref<1x32x128xf32, #tpu.memory_space<vmem>> -> memref<32x128xf32, #tpu.memory_space<vmem>>
    %dma_wait3A_1026 = arith.constant 0 : i32
    %dma_wait3A_1027 = arith.constant 0 : i32
    %dma_wait3A_1028 = tpu.memref_slice %arg6[%dma_wait3A_1026, %dma_wait3A_1027] : memref<7813x128xf32, #tpu.memory_space<hbm>> -> memref<32x128xf32, #tpu.memory_space<hbm>>
    tpu.wait_dma2 semaphore(%dma_wait3A_1021 : memref<!tpu.dma_semaphore, #tpu.memory_space<semaphore_mem>>) src(%dma_wait3A_1028 : memref<32x128xf32, #tpu.memory_space<hbm>>) dst(%dma_wait3A_1025 : memref<32x128xf32, #tpu.memory_space<vmem>>)
    %dma_wait3A_1029 = arith.constant 1 : i32
    %dma_wait3A_1030 = arith.constant 1 : i32
    %dma_wait3A_1031 = arith.constant 0 : i32
    %dma_wait3A_1032 = arith.constant 0 : i32
    %dma_wait3A_1033 = tpu.memref_slice %arg16[%dma_wait3A_1029, %dma_wait3A_1031, %dma_wait3A_1032] : memref<2x32x128xf32, #tpu.memory_space<vmem>> -> memref<1x32x128xf32, #tpu.memory_space<vmem>>
    %dma_wait3A_1034 = tpu.memref_squeeze %dma_wait3A_1033 : memref<1x32x128xf32, #tpu.memory_space<vmem>> -> memref<32x128xf32, #tpu.memory_space<vmem>>
    %dma_wait3A_1035 = arith.constant 0 : i32
    %dma_wait3A_1036 = arith.constant 0 : i32
    %dma_wait3A_1037 = tpu.memref_slice %arg6[%dma_wait3A_1035, %dma_wait3A_1036] : memref<7813x128xf32, #tpu.memory_space<hbm>> -> memref<32x128xf32, #tpu.memory_space<hbm>>
    %dma_wait3A_1038 = tpu.memref_slice %arg21[%dma_wait3A_1030] : memref<2x!tpu.dma_semaphore, #tpu.memory_space<semaphore_mem>> -> memref<1x!tpu.dma_semaphore, #tpu.memory_space<semaphore_mem>>
    %dma_wait3A_1039 = tpu.memref_squeeze %dma_wait3A_1038 : memref<1x!tpu.dma_semaphore, #tpu.memory_space<semaphore_mem>> -> memref<!tpu.dma_semaphore, #tpu.memory_space<semaphore_mem>>
    %dma_wait3A_1040 = arith.constant 0 : i32
    %dma_wait3A_1041 = arith.constant 0 : i32
    %dma_wait3A_1042 = tpu.memref_slice %arg16[%dma_wait3A_1029, %dma_wait3A_1040, %dma_wait3A_1041] : memref<2x32x128xf32, #tpu.memory_space<vmem>> -> memref<1x32x128xf32, #tpu.memory_space<vmem>>
    %dma_wait3A_1043 = tpu.memref_squeeze %dma_wait3A_1042 : memref<1x32x128xf32, #tpu.memory_space<vmem>> -> memref<32x128xf32, #tpu.memory_space<vmem>>
    %dma_wait3A_1044 = arith.constant 0 : i32
    %dma_wait3A_1045 = arith.constant 0 : i32
    %dma_wait3A_1046 = tpu.memref_slice %arg6[%dma_wait3A_1044, %dma_wait3A_1045] : memref<7813x128xf32, #tpu.memory_space<hbm>> -> memref<32x128xf32, #tpu.memory_space<hbm>>
    tpu.wait_dma2 semaphore(%dma_wait3A_1039 : memref<!tpu.dma_semaphore, #tpu.memory_space<semaphore_mem>>) src(%dma_wait3A_1046 : memref<32x128xf32, #tpu.memory_space<hbm>>) dst(%dma_wait3A_1043 : memref<32x128xf32, #tpu.memory_space<vmem>>)
    %broadcast_in_dim3A_1047 = arith.constant 1 : i32
    %broadcast_in_dim3A_1048 = vector.broadcast %broadcast_in_dim3A_1047 : i32 to vector<16xi32>
    %add3A_1049 = arith.constant 0 : i32
    %add3A_1050 = vector.broadcast %add3A_1049 : i32 to vector<16xi32>
    %add3A_1051 = arith.addi %add3A_1050, %iota3A : vector<16xi32>
    %get3A_1052 = arith.constant 160 : index
    %get3A_1053 = tpu.vector_load %arg9[%get3A_1052] {strides = array<i32>} : memref<528xi32, #tpu.memory_space<vmem>>, vector<16xi32>,
    %and3A_1054 = arith.constant 127 : i32
    %and3A_1055 = vector.broadcast %and3A_1054 : i32 to vector<16xi32>
    %and3A_1056 = arith.andi %get3A_1053, %and3A_1055 : vector<16xi32>
    %get3A_1057 = arith.constant 160 : index
    %get3A_1058 = tpu.vector_load %arg10[%get3A_1057] {strides = array<i32>} : memref<528xi32, #tpu.memory_space<vmem>>, vector<16xi32>,
    %and3A_1059 = arith.constant 127 : i32
    %and3A_1060 = vector.broadcast %and3A_1059 : i32 to vector<16xi32>
    %and3A_1061 = arith.andi %get3A_1058, %and3A_1060 : vector<16xi32>
    %gather3A_1062 = tpu.vector_load_idx %arg15[%broadcast_in_dim3A_1048, %add3A_1051, %and3A_1056] : memref<2x32x128xf32, #tpu.memory_space<vmem>>[vector<16xi32>, vector<16xi32>, vector<16xi32>], vector<16xf32>,
    %swap3A_1063 = arith.constant 160 : index
    %swap3A_1064 = tpu.vector_load %arg17[%swap3A_1063] {strides = array<i32>} : memref<512xf32, #tpu.memory_space<vmem>>, vector<16xf32>,
    tpu.vector_store %arg17[%swap3A_1063], %gather3A_1062 {strides = array<i32>} : memref<512xf32, #tpu.memory_space<vmem>>, vector<16xf32>,
    %gather3A_1065 = tpu.vector_load_idx %arg16[%broadcast_in_dim3A_1048, %add3A_1051, %and3A_1061] : memref<2x32x128xf32, #tpu.memory_space<vmem>>[vector<16xi32>, vector<16xi32>, vector<16xi32>], vector<16xf32>,
    %swap3A_1066 = arith.constant 160 : index
    %swap3A_1067 = tpu.vector_load %arg18[%swap3A_1066] {strides = array<i32>} : memref<512xf32, #tpu.memory_space<vmem>>, vector<16xf32>,
    tpu.vector_store %arg18[%swap3A_1066], %gather3A_1065 {strides = array<i32>} : memref<512xf32, #tpu.memory_space<vmem>>, vector<16xf32>,
    %add3A_1068 = arith.constant 16 : i32
    %add3A_1069 = vector.broadcast %add3A_1068 : i32 to vector<16xi32>
    %add3A_1070 = arith.addi %add3A_1069, %iota3A : vector<16xi32>
    %get3A_1071 = arith.constant 176 : index
    %get3A_1072 = tpu.vector_load %arg9[%get3A_1071] {strides = array<i32>} : memref<528xi32, #tpu.memory_space<vmem>>, vector<16xi32>,
    %and3A_1073 = arith.constant 127 : i32
    %and3A_1074 = vector.broadcast %and3A_1073 : i32 to vector<16xi32>
    %and3A_1075 = arith.andi %get3A_1072, %and3A_1074 : vector<16xi32>
    %get3A_1076 = arith.constant 176 : index
    %get3A_1077 = tpu.vector_load %arg10[%get3A_1076] {strides = array<i32>} : memref<528xi32, #tpu.memory_space<vmem>>, vector<16xi32>,
    %and3A_1078 = arith.constant 127 : i32
    %and3A_1079 = vector.broadcast %and3A_1078 : i32 to vector<16xi32>
    %and3A_1080 = arith.andi %get3A_1077, %and3A_1079 : vector<16xi32>
    %gather3A_1081 = tpu.vector_load_idx %arg15[%broadcast_in_dim3A_1048, %add3A_1070, %and3A_1075] : memref<2x32x128xf32, #tpu.memory_space<vmem>>[vector<16xi32>, vector<16xi32>, vector<16xi32>], vector<16xf32>,
    %swap3A_1082 = arith.constant 176 : index
    %swap3A_1083 = tpu.vector_load %arg17[%swap3A_1082] {strides = array<i32>} : memref<512xf32, #tpu.memory_space<vmem>>, vector<16xf32>,
    tpu.vector_store %arg17[%swap3A_1082], %gather3A_1081 {strides = array<i32>} : memref<512xf32, #tpu.memory_space<vmem>>, vector<16xf32>,
    %gather3A_1084 = tpu.vector_load_idx %arg16[%broadcast_in_dim3A_1048, %add3A_1070, %and3A_1080] : memref<2x32x128xf32, #tpu.memory_space<vmem>>[vector<16xi32>, vector<16xi32>, vector<16xi32>], vector<16xf32>,
    %swap3A_1085 = arith.constant 176 : index
    %swap3A_1086 = tpu.vector_load %arg18[%swap3A_1085] {strides = array<i32>} : memref<512xf32, #tpu.memory_space<vmem>>, vector<16xf32>,
    tpu.vector_store %arg18[%swap3A_1085], %gather3A_1084 {strides = array<i32>} : memref<512xf32, #tpu.memory_space<vmem>>, vector<16xf32>,
    %dma_start3A_1087 = arith.constant 1 : i32
    %dma_start3A_1088 = arith.constant 1 : i32
    %dma_start3A_1089 = arith.constant 0 : i32
    %dma_start3A_1090 = arith.constant 0 : i32
    %dma_start3A_1091 = tpu.memref_slice %arg15[%dma_start3A_1087, %dma_start3A_1089, %dma_start3A_1090] : memref<2x32x128xf32, #tpu.memory_space<vmem>> -> memref<1x32x128xf32, #tpu.memory_space<vmem>>
    %dma_start3A_1092 = tpu.memref_squeeze %dma_start3A_1091 : memref<1x32x128xf32, #tpu.memory_space<vmem>> -> memref<32x128xf32, #tpu.memory_space<vmem>>
    %dma_start3A_1093 = arith.constant 224 : i32
    %dma_start3A_1094 = tpu.memref_slice %arg11[%dma_start3A_1093] : memref<512xi32, #tpu.memory_space<vmem>> -> memref<32xi32, #tpu.memory_space<vmem>>
    %dma_start3A_1095 = arith.constant 0 : i32
    %dma_start3A_1096 = arith.constant 0 : i32
    %dma_start3A_1097 = tpu.memref_slice %arg6[%dma_start3A_1095, %dma_start3A_1096] : memref<7813x128xf32, #tpu.memory_space<hbm>> -> memref<7813x128xf32, #tpu.memory_space<hbm>>
    %dma_start3A_1098 = tpu.memref_slice %arg21[%dma_start3A_1088] : memref<2x!tpu.dma_semaphore, #tpu.memory_space<semaphore_mem>> -> memref<1x!tpu.dma_semaphore, #tpu.memory_space<semaphore_mem>>
    %dma_start3A_1099 = tpu.memref_squeeze %dma_start3A_1098 : memref<1x!tpu.dma_semaphore, #tpu.memory_space<semaphore_mem>> -> memref<!tpu.dma_semaphore, #tpu.memory_space<semaphore_mem>>
    tpu.enqueue_indirect_dma source(%dma_start3A_1097 : memref<7813x128xf32, #tpu.memory_space<hbm>>) target(%dma_start3A_1092 : memref<32x128xf32, #tpu.memory_space<vmem>>) offsets(%dma_start3A_1094 : memref<32xi32, #tpu.memory_space<vmem>>) semaphore(%dma_start3A_1099 : memref<!tpu.dma_semaphore, #tpu.memory_space<semaphore_mem>>)
    %dma_start3A_1100 = arith.constant 1 : i32
    %dma_start3A_1101 = arith.constant 1 : i32
    %dma_start3A_1102 = arith.constant 0 : i32
    %dma_start3A_1103 = arith.constant 0 : i32
    %dma_start3A_1104 = tpu.memref_slice %arg16[%dma_start3A_1100, %dma_start3A_1102, %dma_start3A_1103] : memref<2x32x128xf32, #tpu.memory_space<vmem>> -> memref<1x32x128xf32, #tpu.memory_space<vmem>>
    %dma_start3A_1105 = tpu.memref_squeeze %dma_start3A_1104 : memref<1x32x128xf32, #tpu.memory_space<vmem>> -> memref<32x128xf32, #tpu.memory_space<vmem>>
    %dma_start3A_1106 = arith.constant 224 : i32
    %dma_start3A_1107 = tpu.memref_slice %arg12[%dma_start3A_1106] : memref<512xi32, #tpu.memory_space<vmem>> -> memref<32xi32, #tpu.memory_space<vmem>>
    %dma_start3A_1108 = arith.constant 0 : i32
    %dma_start3A_1109 = arith.constant 0 : i32
    %dma_start3A_1110 = tpu.memref_slice %arg7[%dma_start3A_1108, %dma_start3A_1109] : memref<7813x128xf32, #tpu.memory_space<hbm>> -> memref<7813x128xf32, #tpu.memory_space<hbm>>
    %dma_start3A_1111 = tpu.memref_slice %arg21[%dma_start3A_1101] : memref<2x!tpu.dma_semaphore, #tpu.memory_space<semaphore_mem>> -> memref<1x!tpu.dma_semaphore, #tpu.memory_space<semaphore_mem>>
    %dma_start3A_1112 = tpu.memref_squeeze %dma_start3A_1111 : memref<1x!tpu.dma_semaphore, #tpu.memory_space<semaphore_mem>> -> memref<!tpu.dma_semaphore, #tpu.memory_space<semaphore_mem>>
    tpu.enqueue_indirect_dma source(%dma_start3A_1110 : memref<7813x128xf32, #tpu.memory_space<hbm>>) target(%dma_start3A_1105 : memref<32x128xf32, #tpu.memory_space<vmem>>) offsets(%dma_start3A_1107 : memref<32xi32, #tpu.memory_space<vmem>>) semaphore(%dma_start3A_1112 : memref<!tpu.dma_semaphore, #tpu.memory_space<semaphore_mem>>)
    %dma_wait3A_1113 = arith.constant 0 : i32
    %dma_wait3A_1114 = arith.constant 0 : i32
    %dma_wait3A_1115 = arith.constant 0 : i32
    %dma_wait3A_1116 = arith.constant 0 : i32
    %dma_wait3A_1117 = tpu.memref_slice %arg15[%dma_wait3A_1113, %dma_wait3A_1115, %dma_wait3A_1116] : memref<2x32x128xf32, #tpu.memory_space<vmem>> -> memref<1x32x128xf32, #tpu.memory_space<vmem>>
    %dma_wait3A_1118 = tpu.memref_squeeze %dma_wait3A_1117 : memref<1x32x128xf32, #tpu.memory_space<vmem>> -> memref<32x128xf32, #tpu.memory_space<vmem>>
    %dma_wait3A_1119 = arith.constant 0 : i32
    %dma_wait3A_1120 = arith.constant 0 : i32
    %dma_wait3A_1121 = tpu.memref_slice %arg6[%dma_wait3A_1119, %dma_wait3A_1120] : memref<7813x128xf32, #tpu.memory_space<hbm>> -> memref<32x128xf32, #tpu.memory_space<hbm>>
    %dma_wait3A_1122 = tpu.memref_slice %arg21[%dma_wait3A_1114] : memref<2x!tpu.dma_semaphore, #tpu.memory_space<semaphore_mem>> -> memref<1x!tpu.dma_semaphore, #tpu.memory_space<semaphore_mem>>
    %dma_wait3A_1123 = tpu.memref_squeeze %dma_wait3A_1122 : memref<1x!tpu.dma_semaphore, #tpu.memory_space<semaphore_mem>> -> memref<!tpu.dma_semaphore, #tpu.memory_space<semaphore_mem>>
    %dma_wait3A_1124 = arith.constant 0 : i32
    %dma_wait3A_1125 = arith.constant 0 : i32
    %dma_wait3A_1126 = tpu.memref_slice %arg15[%dma_wait3A_1113, %dma_wait3A_1124, %dma_wait3A_1125] : memref<2x32x128xf32, #tpu.memory_space<vmem>> -> memref<1x32x128xf32, #tpu.memory_space<vmem>>
    %dma_wait3A_1127 = tpu.memref_squeeze %dma_wait3A_1126 : memref<1x32x128xf32, #tpu.memory_space<vmem>> -> memref<32x128xf32, #tpu.memory_space<vmem>>
    %dma_wait3A_1128 = arith.constant 0 : i32
    %dma_wait3A_1129 = arith.constant 0 : i32
    %dma_wait3A_1130 = tpu.memref_slice %arg6[%dma_wait3A_1128, %dma_wait3A_1129] : memref<7813x128xf32, #tpu.memory_space<hbm>> -> memref<32x128xf32, #tpu.memory_space<hbm>>
    tpu.wait_dma2 semaphore(%dma_wait3A_1123 : memref<!tpu.dma_semaphore, #tpu.memory_space<semaphore_mem>>) src(%dma_wait3A_1130 : memref<32x128xf32, #tpu.memory_space<hbm>>) dst(%dma_wait3A_1127 : memref<32x128xf32, #tpu.memory_space<vmem>>)
    %dma_wait3A_1131 = arith.constant 0 : i32
    %dma_wait3A_1132 = arith.constant 0 : i32
    %dma_wait3A_1133 = arith.constant 0 : i32
    %dma_wait3A_1134 = arith.constant 0 : i32
    %dma_wait3A_1135 = tpu.memref_slice %arg16[%dma_wait3A_1131, %dma_wait3A_1133, %dma_wait3A_1134] : memref<2x32x128xf32, #tpu.memory_space<vmem>> -> memref<1x32x128xf32, #tpu.memory_space<vmem>>
    %dma_wait3A_1136 = tpu.memref_squeeze %dma_wait3A_1135 : memref<1x32x128xf32, #tpu.memory_space<vmem>> -> memref<32x128xf32, #tpu.memory_space<vmem>>
    %dma_wait3A_1137 = arith.constant 0 : i32
    %dma_wait3A_1138 = arith.constant 0 : i32
    %dma_wait3A_1139 = tpu.memref_slice %arg6[%dma_wait3A_1137, %dma_wait3A_1138] : memref<7813x128xf32, #tpu.memory_space<hbm>> -> memref<32x128xf32, #tpu.memory_space<hbm>>
    %dma_wait3A_1140 = tpu.memref_slice %arg21[%dma_wait3A_1132] : memref<2x!tpu.dma_semaphore, #tpu.memory_space<semaphore_mem>> -> memref<1x!tpu.dma_semaphore, #tpu.memory_space<semaphore_mem>>
    %dma_wait3A_1141 = tpu.memref_squeeze %dma_wait3A_1140 : memref<1x!tpu.dma_semaphore, #tpu.memory_space<semaphore_mem>> -> memref<!tpu.dma_semaphore, #tpu.memory_space<semaphore_mem>>
    %dma_wait3A_1142 = arith.constant 0 : i32
    %dma_wait3A_1143 = arith.constant 0 : i32
    %dma_wait3A_1144 = tpu.memref_slice %arg16[%dma_wait3A_1131, %dma_wait3A_1142, %dma_wait3A_1143] : memref<2x32x128xf32, #tpu.memory_space<vmem>> -> memref<1x32x128xf32, #tpu.memory_space<vmem>>
    %dma_wait3A_1145 = tpu.memref_squeeze %dma_wait3A_1144 : memref<1x32x128xf32, #tpu.memory_space<vmem>> -> memref<32x128xf32, #tpu.memory_space<vmem>>
    %dma_wait3A_1146 = arith.constant 0 : i32
    %dma_wait3A_1147 = arith.constant 0 : i32
    %dma_wait3A_1148 = tpu.memref_slice %arg6[%dma_wait3A_1146, %dma_wait3A_1147] : memref<7813x128xf32, #tpu.memory_space<hbm>> -> memref<32x128xf32, #tpu.memory_space<hbm>>
    tpu.wait_dma2 semaphore(%dma_wait3A_1141 : memref<!tpu.dma_semaphore, #tpu.memory_space<semaphore_mem>>) src(%dma_wait3A_1148 : memref<32x128xf32, #tpu.memory_space<hbm>>) dst(%dma_wait3A_1145 : memref<32x128xf32, #tpu.memory_space<vmem>>)
    %broadcast_in_dim3A_1149 = arith.constant 0 : i32
    %broadcast_in_dim3A_1150 = vector.broadcast %broadcast_in_dim3A_1149 : i32 to vector<16xi32>
    %add3A_1151 = arith.constant 0 : i32
    %add3A_1152 = vector.broadcast %add3A_1151 : i32 to vector<16xi32>
    %add3A_1153 = arith.addi %add3A_1152, %iota3A : vector<16xi32>
    %get3A_1154 = arith.constant 192 : index
    %get3A_1155 = tpu.vector_load %arg9[%get3A_1154] {strides = array<i32>} : memref<528xi32, #tpu.memory_space<vmem>>, vector<16xi32>,
    %and3A_1156 = arith.constant 127 : i32
    %and3A_1157 = vector.broadcast %and3A_1156 : i32 to vector<16xi32>
    %and3A_1158 = arith.andi %get3A_1155, %and3A_1157 : vector<16xi32>
    %get3A_1159 = arith.constant 192 : index
    %get3A_1160 = tpu.vector_load %arg10[%get3A_1159] {strides = array<i32>} : memref<528xi32, #tpu.memory_space<vmem>>, vector<16xi32>,
    %and3A_1161 = arith.constant 127 : i32
    %and3A_1162 = vector.broadcast %and3A_1161 : i32 to vector<16xi32>
    %and3A_1163 = arith.andi %get3A_1160, %and3A_1162 : vector<16xi32>
    %gather3A_1164 = tpu.vector_load_idx %arg15[%broadcast_in_dim3A_1150, %add3A_1153, %and3A_1158] : memref<2x32x128xf32, #tpu.memory_space<vmem>>[vector<16xi32>, vector<16xi32>, vector<16xi32>], vector<16xf32>,
    %swap3A_1165 = arith.constant 192 : index
    %swap3A_1166 = tpu.vector_load %arg17[%swap3A_1165] {strides = array<i32>} : memref<512xf32, #tpu.memory_space<vmem>>, vector<16xf32>,
    tpu.vector_store %arg17[%swap3A_1165], %gather3A_1164 {strides = array<i32>} : memref<512xf32, #tpu.memory_space<vmem>>, vector<16xf32>,
    %gather3A_1167 = tpu.vector_load_idx %arg16[%broadcast_in_dim3A_1150, %add3A_1153, %and3A_1163] : memref<2x32x128xf32, #tpu.memory_space<vmem>>[vector<16xi32>, vector<16xi32>, vector<16xi32>], vector<16xf32>,
    %swap3A_1168 = arith.constant 192 : index
    %swap3A_1169 = tpu.vector_load %arg18[%swap3A_1168] {strides = array<i32>} : memref<512xf32, #tpu.memory_space<vmem>>, vector<16xf32>,
    tpu.vector_store %arg18[%swap3A_1168], %gather3A_1167 {strides = array<i32>} : memref<512xf32, #tpu.memory_space<vmem>>, vector<16xf32>,
    %add3A_1170 = arith.constant 16 : i32
    %add3A_1171 = vector.broadcast %add3A_1170 : i32 to vector<16xi32>
    %add3A_1172 = arith.addi %add3A_1171, %iota3A : vector<16xi32>
    %get3A_1173 = arith.constant 208 : index
    %get3A_1174 = tpu.vector_load %arg9[%get3A_1173] {strides = array<i32>} : memref<528xi32, #tpu.memory_space<vmem>>, vector<16xi32>,
    %and3A_1175 = arith.constant 127 : i32
    %and3A_1176 = vector.broadcast %and3A_1175 : i32 to vector<16xi32>
    %and3A_1177 = arith.andi %get3A_1174, %and3A_1176 : vector<16xi32>
    %get3A_1178 = arith.constant 208 : index
    %get3A_1179 = tpu.vector_load %arg10[%get3A_1178] {strides = array<i32>} : memref<528xi32, #tpu.memory_space<vmem>>, vector<16xi32>,
    %and3A_1180 = arith.constant 127 : i32
    %and3A_1181 = vector.broadcast %and3A_1180 : i32 to vector<16xi32>
    %and3A_1182 = arith.andi %get3A_1179, %and3A_1181 : vector<16xi32>
    %gather3A_1183 = tpu.vector_load_idx %arg15[%broadcast_in_dim3A_1150, %add3A_1172, %and3A_1177] : memref<2x32x128xf32, #tpu.memory_space<vmem>>[vector<16xi32>, vector<16xi32>, vector<16xi32>], vector<16xf32>,
    %swap3A_1184 = arith.constant 208 : index
    %swap3A_1185 = tpu.vector_load %arg17[%swap3A_1184] {strides = array<i32>} : memref<512xf32, #tpu.memory_space<vmem>>, vector<16xf32>,
    tpu.vector_store %arg17[%swap3A_1184], %gather3A_1183 {strides = array<i32>} : memref<512xf32, #tpu.memory_space<vmem>>, vector<16xf32>,
    %gather3A_1186 = tpu.vector_load_idx %arg16[%broadcast_in_dim3A_1150, %add3A_1172, %and3A_1182] : memref<2x32x128xf32, #tpu.memory_space<vmem>>[vector<16xi32>, vector<16xi32>, vector<16xi32>], vector<16xf32>,
    %swap3A_1187 = arith.constant 208 : index
    %swap3A_1188 = tpu.vector_load %arg18[%swap3A_1187] {strides = array<i32>} : memref<512xf32, #tpu.memory_space<vmem>>, vector<16xf32>,
    tpu.vector_store %arg18[%swap3A_1187], %gather3A_1186 {strides = array<i32>} : memref<512xf32, #tpu.memory_space<vmem>>, vector<16xf32>,
    %dma_start3A_1189 = arith.constant 0 : i32
    %dma_start3A_1190 = arith.constant 0 : i32
    %dma_start3A_1191 = arith.constant 0 : i32
    %dma_start3A_1192 = arith.constant 0 : i32
    %dma_start3A_1193 = tpu.memref_slice %arg15[%dma_start3A_1189, %dma_start3A_1191, %dma_start3A_1192] : memref<2x32x128xf32, #tpu.memory_space<vmem>> -> memref<1x32x128xf32, #tpu.memory_space<vmem>>
    %dma_start3A_1194 = tpu.memref_squeeze %dma_start3A_1193 : memref<1x32x128xf32, #tpu.memory_space<vmem>> -> memref<32x128xf32, #tpu.memory_space<vmem>>
    %dma_start3A_1195 = arith.constant 256 : i32
    %dma_start3A_1196 = tpu.memref_slice %arg11[%dma_start3A_1195] : memref<512xi32, #tpu.memory_space<vmem>> -> memref<32xi32, #tpu.memory_space<vmem>>
    %dma_start3A_1197 = arith.constant 0 : i32
    %dma_start3A_1198 = arith.constant 0 : i32
    %dma_start3A_1199 = tpu.memref_slice %arg6[%dma_start3A_1197, %dma_start3A_1198] : memref<7813x128xf32, #tpu.memory_space<hbm>> -> memref<7813x128xf32, #tpu.memory_space<hbm>>
    %dma_start3A_1200 = tpu.memref_slice %arg21[%dma_start3A_1190] : memref<2x!tpu.dma_semaphore, #tpu.memory_space<semaphore_mem>> -> memref<1x!tpu.dma_semaphore, #tpu.memory_space<semaphore_mem>>
    %dma_start3A_1201 = tpu.memref_squeeze %dma_start3A_1200 : memref<1x!tpu.dma_semaphore, #tpu.memory_space<semaphore_mem>> -> memref<!tpu.dma_semaphore, #tpu.memory_space<semaphore_mem>>
    tpu.enqueue_indirect_dma source(%dma_start3A_1199 : memref<7813x128xf32, #tpu.memory_space<hbm>>) target(%dma_start3A_1194 : memref<32x128xf32, #tpu.memory_space<vmem>>) offsets(%dma_start3A_1196 : memref<32xi32, #tpu.memory_space<vmem>>) semaphore(%dma_start3A_1201 : memref<!tpu.dma_semaphore, #tpu.memory_space<semaphore_mem>>)
    %dma_start3A_1202 = arith.constant 0 : i32
    %dma_start3A_1203 = arith.constant 0 : i32
    %dma_start3A_1204 = arith.constant 0 : i32
    %dma_start3A_1205 = arith.constant 0 : i32
    %dma_start3A_1206 = tpu.memref_slice %arg16[%dma_start3A_1202, %dma_start3A_1204, %dma_start3A_1205] : memref<2x32x128xf32, #tpu.memory_space<vmem>> -> memref<1x32x128xf32, #tpu.memory_space<vmem>>
    %dma_start3A_1207 = tpu.memref_squeeze %dma_start3A_1206 : memref<1x32x128xf32, #tpu.memory_space<vmem>> -> memref<32x128xf32, #tpu.memory_space<vmem>>
    %dma_start3A_1208 = arith.constant 256 : i32
    %dma_start3A_1209 = tpu.memref_slice %arg12[%dma_start3A_1208] : memref<512xi32, #tpu.memory_space<vmem>> -> memref<32xi32, #tpu.memory_space<vmem>>
    %dma_start3A_1210 = arith.constant 0 : i32
    %dma_start3A_1211 = arith.constant 0 : i32
    %dma_start3A_1212 = tpu.memref_slice %arg7[%dma_start3A_1210, %dma_start3A_1211] : memref<7813x128xf32, #tpu.memory_space<hbm>> -> memref<7813x128xf32, #tpu.memory_space<hbm>>
    %dma_start3A_1213 = tpu.memref_slice %arg21[%dma_start3A_1203] : memref<2x!tpu.dma_semaphore, #tpu.memory_space<semaphore_mem>> -> memref<1x!tpu.dma_semaphore, #tpu.memory_space<semaphore_mem>>
    %dma_start3A_1214 = tpu.memref_squeeze %dma_start3A_1213 : memref<1x!tpu.dma_semaphore, #tpu.memory_space<semaphore_mem>> -> memref<!tpu.dma_semaphore, #tpu.memory_space<semaphore_mem>>
    tpu.enqueue_indirect_dma source(%dma_start3A_1212 : memref<7813x128xf32, #tpu.memory_space<hbm>>) target(%dma_start3A_1207 : memref<32x128xf32, #tpu.memory_space<vmem>>) offsets(%dma_start3A_1209 : memref<32xi32, #tpu.memory_space<vmem>>) semaphore(%dma_start3A_1214 : memref<!tpu.dma_semaphore, #tpu.memory_space<semaphore_mem>>)
    %dma_wait3A_1215 = arith.constant 1 : i32
    %dma_wait3A_1216 = arith.constant 1 : i32
    %dma_wait3A_1217 = arith.constant 0 : i32
    %dma_wait3A_1218 = arith.constant 0 : i32
    %dma_wait3A_1219 = tpu.memref_slice %arg15[%dma_wait3A_1215, %dma_wait3A_1217, %dma_wait3A_1218] : memref<2x32x128xf32, #tpu.memory_space<vmem>> -> memref<1x32x128xf32, #tpu.memory_space<vmem>>
    %dma_wait3A_1220 = tpu.memref_squeeze %dma_wait3A_1219 : memref<1x32x128xf32, #tpu.memory_space<vmem>> -> memref<32x128xf32, #tpu.memory_space<vmem>>
    %dma_wait3A_1221 = arith.constant 0 : i32
    %dma_wait3A_1222 = arith.constant 0 : i32
    %dma_wait3A_1223 = tpu.memref_slice %arg6[%dma_wait3A_1221, %dma_wait3A_1222] : memref<7813x128xf32, #tpu.memory_space<hbm>> -> memref<32x128xf32, #tpu.memory_space<hbm>>
    %dma_wait3A_1224 = tpu.memref_slice %arg21[%dma_wait3A_1216] : memref<2x!tpu.dma_semaphore, #tpu.memory_space<semaphore_mem>> -> memref<1x!tpu.dma_semaphore, #tpu.memory_space<semaphore_mem>>
    %dma_wait3A_1225 = tpu.memref_squeeze %dma_wait3A_1224 : memref<1x!tpu.dma_semaphore, #tpu.memory_space<semaphore_mem>> -> memref<!tpu.dma_semaphore, #tpu.memory_space<semaphore_mem>>
    %dma_wait3A_1226 = arith.constant 0 : i32
    %dma_wait3A_1227 = arith.constant 0 : i32
    %dma_wait3A_1228 = tpu.memref_slice %arg15[%dma_wait3A_1215, %dma_wait3A_1226, %dma_wait3A_1227] : memref<2x32x128xf32, #tpu.memory_space<vmem>> -> memref<1x32x128xf32, #tpu.memory_space<vmem>>
    %dma_wait3A_1229 = tpu.memref_squeeze %dma_wait3A_1228 : memref<1x32x128xf32, #tpu.memory_space<vmem>> -> memref<32x128xf32, #tpu.memory_space<vmem>>
    %dma_wait3A_1230 = arith.constant 0 : i32
    %dma_wait3A_1231 = arith.constant 0 : i32
    %dma_wait3A_1232 = tpu.memref_slice %arg6[%dma_wait3A_1230, %dma_wait3A_1231] : memref<7813x128xf32, #tpu.memory_space<hbm>> -> memref<32x128xf32, #tpu.memory_space<hbm>>
    tpu.wait_dma2 semaphore(%dma_wait3A_1225 : memref<!tpu.dma_semaphore, #tpu.memory_space<semaphore_mem>>) src(%dma_wait3A_1232 : memref<32x128xf32, #tpu.memory_space<hbm>>) dst(%dma_wait3A_1229 : memref<32x128xf32, #tpu.memory_space<vmem>>)
    %dma_wait3A_1233 = arith.constant 1 : i32
    %dma_wait3A_1234 = arith.constant 1 : i32
    %dma_wait3A_1235 = arith.constant 0 : i32
    %dma_wait3A_1236 = arith.constant 0 : i32
    %dma_wait3A_1237 = tpu.memref_slice %arg16[%dma_wait3A_1233, %dma_wait3A_1235, %dma_wait3A_1236] : memref<2x32x128xf32, #tpu.memory_space<vmem>> -> memref<1x32x128xf32, #tpu.memory_space<vmem>>
    %dma_wait3A_1238 = tpu.memref_squeeze %dma_wait3A_1237 : memref<1x32x128xf32, #tpu.memory_space<vmem>> -> memref<32x128xf32, #tpu.memory_space<vmem>>
    %dma_wait3A_1239 = arith.constant 0 : i32
    %dma_wait3A_1240 = arith.constant 0 : i32
    %dma_wait3A_1241 = tpu.memref_slice %arg6[%dma_wait3A_1239, %dma_wait3A_1240] : memref<7813x128xf32, #tpu.memory_space<hbm>> -> memref<32x128xf32, #tpu.memory_space<hbm>>
    %dma_wait3A_1242 = tpu.memref_slice %arg21[%dma_wait3A_1234] : memref<2x!tpu.dma_semaphore, #tpu.memory_space<semaphore_mem>> -> memref<1x!tpu.dma_semaphore, #tpu.memory_space<semaphore_mem>>
    %dma_wait3A_1243 = tpu.memref_squeeze %dma_wait3A_1242 : memref<1x!tpu.dma_semaphore, #tpu.memory_space<semaphore_mem>> -> memref<!tpu.dma_semaphore, #tpu.memory_space<semaphore_mem>>
    %dma_wait3A_1244 = arith.constant 0 : i32
    %dma_wait3A_1245 = arith.constant 0 : i32
    %dma_wait3A_1246 = tpu.memref_slice %arg16[%dma_wait3A_1233, %dma_wait3A_1244, %dma_wait3A_1245] : memref<2x32x128xf32, #tpu.memory_space<vmem>> -> memref<1x32x128xf32, #tpu.memory_space<vmem>>
    %dma_wait3A_1247 = tpu.memref_squeeze %dma_wait3A_1246 : memref<1x32x128xf32, #tpu.memory_space<vmem>> -> memref<32x128xf32, #tpu.memory_space<vmem>>
    %dma_wait3A_1248 = arith.constant 0 : i32
    %dma_wait3A_1249 = arith.constant 0 : i32
    %dma_wait3A_1250 = tpu.memref_slice %arg6[%dma_wait3A_1248, %dma_wait3A_1249] : memref<7813x128xf32, #tpu.memory_space<hbm>> -> memref<32x128xf32, #tpu.memory_space<hbm>>
    tpu.wait_dma2 semaphore(%dma_wait3A_1243 : memref<!tpu.dma_semaphore, #tpu.memory_space<semaphore_mem>>) src(%dma_wait3A_1250 : memref<32x128xf32, #tpu.memory_space<hbm>>) dst(%dma_wait3A_1247 : memref<32x128xf32, #tpu.memory_space<vmem>>)
    %broadcast_in_dim3A_1251 = arith.constant 1 : i32
    %broadcast_in_dim3A_1252 = vector.broadcast %broadcast_in_dim3A_1251 : i32 to vector<16xi32>
    %add3A_1253 = arith.constant 0 : i32
    %add3A_1254 = vector.broadcast %add3A_1253 : i32 to vector<16xi32>
    %add3A_1255 = arith.addi %add3A_1254, %iota3A : vector<16xi32>
    %get3A_1256 = arith.constant 224 : index
    %get3A_1257 = tpu.vector_load %arg9[%get3A_1256] {strides = array<i32>} : memref<528xi32, #tpu.memory_space<vmem>>, vector<16xi32>,
    %and3A_1258 = arith.constant 127 : i32
    %and3A_1259 = vector.broadcast %and3A_1258 : i32 to vector<16xi32>
    %and3A_1260 = arith.andi %get3A_1257, %and3A_1259 : vector<16xi32>
    %get3A_1261 = arith.constant 224 : index
    %get3A_1262 = tpu.vector_load %arg10[%get3A_1261] {strides = array<i32>} : memref<528xi32, #tpu.memory_space<vmem>>, vector<16xi32>,
    %and3A_1263 = arith.constant 127 : i32
    %and3A_1264 = vector.broadcast %and3A_1263 : i32 to vector<16xi32>
    %and3A_1265 = arith.andi %get3A_1262, %and3A_1264 : vector<16xi32>
    %gather3A_1266 = tpu.vector_load_idx %arg15[%broadcast_in_dim3A_1252, %add3A_1255, %and3A_1260] : memref<2x32x128xf32, #tpu.memory_space<vmem>>[vector<16xi32>, vector<16xi32>, vector<16xi32>], vector<16xf32>,
    %swap3A_1267 = arith.constant 224 : index
    %swap3A_1268 = tpu.vector_load %arg17[%swap3A_1267] {strides = array<i32>} : memref<512xf32, #tpu.memory_space<vmem>>, vector<16xf32>,
    tpu.vector_store %arg17[%swap3A_1267], %gather3A_1266 {strides = array<i32>} : memref<512xf32, #tpu.memory_space<vmem>>, vector<16xf32>,
    %gather3A_1269 = tpu.vector_load_idx %arg16[%broadcast_in_dim3A_1252, %add3A_1255, %and3A_1265] : memref<2x32x128xf32, #tpu.memory_space<vmem>>[vector<16xi32>, vector<16xi32>, vector<16xi32>], vector<16xf32>,
    %swap3A_1270 = arith.constant 224 : index
    %swap3A_1271 = tpu.vector_load %arg18[%swap3A_1270] {strides = array<i32>} : memref<512xf32, #tpu.memory_space<vmem>>, vector<16xf32>,
    tpu.vector_store %arg18[%swap3A_1270], %gather3A_1269 {strides = array<i32>} : memref<512xf32, #tpu.memory_space<vmem>>, vector<16xf32>,
    %add3A_1272 = arith.constant 16 : i32
    %add3A_1273 = vector.broadcast %add3A_1272 : i32 to vector<16xi32>
    %add3A_1274 = arith.addi %add3A_1273, %iota3A : vector<16xi32>
    %get3A_1275 = arith.constant 240 : index
    %get3A_1276 = tpu.vector_load %arg9[%get3A_1275] {strides = array<i32>} : memref<528xi32, #tpu.memory_space<vmem>>, vector<16xi32>,
    %and3A_1277 = arith.constant 127 : i32
    %and3A_1278 = vector.broadcast %and3A_1277 : i32 to vector<16xi32>
    %and3A_1279 = arith.andi %get3A_1276, %and3A_1278 : vector<16xi32>
    %get3A_1280 = arith.constant 240 : index
    %get3A_1281 = tpu.vector_load %arg10[%get3A_1280] {strides = array<i32>} : memref<528xi32, #tpu.memory_space<vmem>>, vector<16xi32>,
    %and3A_1282 = arith.constant 127 : i32
    %and3A_1283 = vector.broadcast %and3A_1282 : i32 to vector<16xi32>
    %and3A_1284 = arith.andi %get3A_1281, %and3A_1283 : vector<16xi32>
    %gather3A_1285 = tpu.vector_load_idx %arg15[%broadcast_in_dim3A_1252, %add3A_1274, %and3A_1279] : memref<2x32x128xf32, #tpu.memory_space<vmem>>[vector<16xi32>, vector<16xi32>, vector<16xi32>], vector<16xf32>,
    %swap3A_1286 = arith.constant 240 : index
    %swap3A_1287 = tpu.vector_load %arg17[%swap3A_1286] {strides = array<i32>} : memref<512xf32, #tpu.memory_space<vmem>>, vector<16xf32>,
    tpu.vector_store %arg17[%swap3A_1286], %gather3A_1285 {strides = array<i32>} : memref<512xf32, #tpu.memory_space<vmem>>, vector<16xf32>,
    %gather3A_1288 = tpu.vector_load_idx %arg16[%broadcast_in_dim3A_1252, %add3A_1274, %and3A_1284] : memref<2x32x128xf32, #tpu.memory_space<vmem>>[vector<16xi32>, vector<16xi32>, vector<16xi32>], vector<16xf32>,
    %swap3A_1289 = arith.constant 240 : index
    %swap3A_1290 = tpu.vector_load %arg18[%swap3A_1289] {strides = array<i32>} : memref<512xf32, #tpu.memory_space<vmem>>, vector<16xf32>,
    tpu.vector_store %arg18[%swap3A_1289], %gather3A_1288 {strides = array<i32>} : memref<512xf32, #tpu.memory_space<vmem>>, vector<16xf32>,
    %dma_start3A_1291 = arith.constant 1 : i32
    %dma_start3A_1292 = arith.constant 1 : i32
    %dma_start3A_1293 = arith.constant 0 : i32
    %dma_start3A_1294 = arith.constant 0 : i32
    %dma_start3A_1295 = tpu.memref_slice %arg15[%dma_start3A_1291, %dma_start3A_1293, %dma_start3A_1294] : memref<2x32x128xf32, #tpu.memory_space<vmem>> -> memref<1x32x128xf32, #tpu.memory_space<vmem>>
    %dma_start3A_1296 = tpu.memref_squeeze %dma_start3A_1295 : memref<1x32x128xf32, #tpu.memory_space<vmem>> -> memref<32x128xf32, #tpu.memory_space<vmem>>
    %dma_start3A_1297 = arith.constant 288 : i32
    %dma_start3A_1298 = tpu.memref_slice %arg11[%dma_start3A_1297] : memref<512xi32, #tpu.memory_space<vmem>> -> memref<32xi32, #tpu.memory_space<vmem>>
    %dma_start3A_1299 = arith.constant 0 : i32
    %dma_start3A_1300 = arith.constant 0 : i32
    %dma_start3A_1301 = tpu.memref_slice %arg6[%dma_start3A_1299, %dma_start3A_1300] : memref<7813x128xf32, #tpu.memory_space<hbm>> -> memref<7813x128xf32, #tpu.memory_space<hbm>>
    %dma_start3A_1302 = tpu.memref_slice %arg21[%dma_start3A_1292] : memref<2x!tpu.dma_semaphore, #tpu.memory_space<semaphore_mem>> -> memref<1x!tpu.dma_semaphore, #tpu.memory_space<semaphore_mem>>
    %dma_start3A_1303 = tpu.memref_squeeze %dma_start3A_1302 : memref<1x!tpu.dma_semaphore, #tpu.memory_space<semaphore_mem>> -> memref<!tpu.dma_semaphore, #tpu.memory_space<semaphore_mem>>
    tpu.enqueue_indirect_dma source(%dma_start3A_1301 : memref<7813x128xf32, #tpu.memory_space<hbm>>) target(%dma_start3A_1296 : memref<32x128xf32, #tpu.memory_space<vmem>>) offsets(%dma_start3A_1298 : memref<32xi32, #tpu.memory_space<vmem>>) semaphore(%dma_start3A_1303 : memref<!tpu.dma_semaphore, #tpu.memory_space<semaphore_mem>>)
    %dma_start3A_1304 = arith.constant 1 : i32
    %dma_start3A_1305 = arith.constant 1 : i32
    %dma_start3A_1306 = arith.constant 0 : i32
    %dma_start3A_1307 = arith.constant 0 : i32
    %dma_start3A_1308 = tpu.memref_slice %arg16[%dma_start3A_1304, %dma_start3A_1306, %dma_start3A_1307] : memref<2x32x128xf32, #tpu.memory_space<vmem>> -> memref<1x32x128xf32, #tpu.memory_space<vmem>>
    %dma_start3A_1309 = tpu.memref_squeeze %dma_start3A_1308 : memref<1x32x128xf32, #tpu.memory_space<vmem>> -> memref<32x128xf32, #tpu.memory_space<vmem>>
    %dma_start3A_1310 = arith.constant 288 : i32
    %dma_start3A_1311 = tpu.memref_slice %arg12[%dma_start3A_1310] : memref<512xi32, #tpu.memory_space<vmem>> -> memref<32xi32, #tpu.memory_space<vmem>>
    %dma_start3A_1312 = arith.constant 0 : i32
    %dma_start3A_1313 = arith.constant 0 : i32
    %dma_start3A_1314 = tpu.memref_slice %arg7[%dma_start3A_1312, %dma_start3A_1313] : memref<7813x128xf32, #tpu.memory_space<hbm>> -> memref<7813x128xf32, #tpu.memory_space<hbm>>
    %dma_start3A_1315 = tpu.memref_slice %arg21[%dma_start3A_1305] : memref<2x!tpu.dma_semaphore, #tpu.memory_space<semaphore_mem>> -> memref<1x!tpu.dma_semaphore, #tpu.memory_space<semaphore_mem>>
    %dma_start3A_1316 = tpu.memref_squeeze %dma_start3A_1315 : memref<1x!tpu.dma_semaphore, #tpu.memory_space<semaphore_mem>> -> memref<!tpu.dma_semaphore, #tpu.memory_space<semaphore_mem>>
    tpu.enqueue_indirect_dma source(%dma_start3A_1314 : memref<7813x128xf32, #tpu.memory_space<hbm>>) target(%dma_start3A_1309 : memref<32x128xf32, #tpu.memory_space<vmem>>) offsets(%dma_start3A_1311 : memref<32xi32, #tpu.memory_space<vmem>>) semaphore(%dma_start3A_1316 : memref<!tpu.dma_semaphore, #tpu.memory_space<semaphore_mem>>)
    %dma_wait3A_1317 = arith.constant 0 : i32
    %dma_wait3A_1318 = arith.constant 0 : i32
    %dma_wait3A_1319 = arith.constant 0 : i32
    %dma_wait3A_1320 = arith.constant 0 : i32
    %dma_wait3A_1321 = tpu.memref_slice %arg15[%dma_wait3A_1317, %dma_wait3A_1319, %dma_wait3A_1320] : memref<2x32x128xf32, #tpu.memory_space<vmem>> -> memref<1x32x128xf32, #tpu.memory_space<vmem>>
    %dma_wait3A_1322 = tpu.memref_squeeze %dma_wait3A_1321 : memref<1x32x128xf32, #tpu.memory_space<vmem>> -> memref<32x128xf32, #tpu.memory_space<vmem>>
    %dma_wait3A_1323 = arith.constant 0 : i32
    %dma_wait3A_1324 = arith.constant 0 : i32
    %dma_wait3A_1325 = tpu.memref_slice %arg6[%dma_wait3A_1323, %dma_wait3A_1324] : memref<7813x128xf32, #tpu.memory_space<hbm>> -> memref<32x128xf32, #tpu.memory_space<hbm>>
    %dma_wait3A_1326 = tpu.memref_slice %arg21[%dma_wait3A_1318] : memref<2x!tpu.dma_semaphore, #tpu.memory_space<semaphore_mem>> -> memref<1x!tpu.dma_semaphore, #tpu.memory_space<semaphore_mem>>
    %dma_wait3A_1327 = tpu.memref_squeeze %dma_wait3A_1326 : memref<1x!tpu.dma_semaphore, #tpu.memory_space<semaphore_mem>> -> memref<!tpu.dma_semaphore, #tpu.memory_space<semaphore_mem>>
    %dma_wait3A_1328 = arith.constant 0 : i32
    %dma_wait3A_1329 = arith.constant 0 : i32
    %dma_wait3A_1330 = tpu.memref_slice %arg15[%dma_wait3A_1317, %dma_wait3A_1328, %dma_wait3A_1329] : memref<2x32x128xf32, #tpu.memory_space<vmem>> -> memref<1x32x128xf32, #tpu.memory_space<vmem>>
    %dma_wait3A_1331 = tpu.memref_squeeze %dma_wait3A_1330 : memref<1x32x128xf32, #tpu.memory_space<vmem>> -> memref<32x128xf32, #tpu.memory_space<vmem>>
    %dma_wait3A_1332 = arith.constant 0 : i32
    %dma_wait3A_1333 = arith.constant 0 : i32
    %dma_wait3A_1334 = tpu.memref_slice %arg6[%dma_wait3A_1332, %dma_wait3A_1333] : memref<7813x128xf32, #tpu.memory_space<hbm>> -> memref<32x128xf32, #tpu.memory_space<hbm>>
    tpu.wait_dma2 semaphore(%dma_wait3A_1327 : memref<!tpu.dma_semaphore, #tpu.memory_space<semaphore_mem>>) src(%dma_wait3A_1334 : memref<32x128xf32, #tpu.memory_space<hbm>>) dst(%dma_wait3A_1331 : memref<32x128xf32, #tpu.memory_space<vmem>>)
    %dma_wait3A_1335 = arith.constant 0 : i32
    %dma_wait3A_1336 = arith.constant 0 : i32
    %dma_wait3A_1337 = arith.constant 0 : i32
    %dma_wait3A_1338 = arith.constant 0 : i32
    %dma_wait3A_1339 = tpu.memref_slice %arg16[%dma_wait3A_1335, %dma_wait3A_1337, %dma_wait3A_1338] : memref<2x32x128xf32, #tpu.memory_space<vmem>> -> memref<1x32x128xf32, #tpu.memory_space<vmem>>
    %dma_wait3A_1340 = tpu.memref_squeeze %dma_wait3A_1339 : memref<1x32x128xf32, #tpu.memory_space<vmem>> -> memref<32x128xf32, #tpu.memory_space<vmem>>
    %dma_wait3A_1341 = arith.constant 0 : i32
    %dma_wait3A_1342 = arith.constant 0 : i32
    %dma_wait3A_1343 = tpu.memref_slice %arg6[%dma_wait3A_1341, %dma_wait3A_1342] : memref<7813x128xf32, #tpu.memory_space<hbm>> -> memref<32x128xf32, #tpu.memory_space<hbm>>
    %dma_wait3A_1344 = tpu.memref_slice %arg21[%dma_wait3A_1336] : memref<2x!tpu.dma_semaphore, #tpu.memory_space<semaphore_mem>> -> memref<1x!tpu.dma_semaphore, #tpu.memory_space<semaphore_mem>>
    %dma_wait3A_1345 = tpu.memref_squeeze %dma_wait3A_1344 : memref<1x!tpu.dma_semaphore, #tpu.memory_space<semaphore_mem>> -> memref<!tpu.dma_semaphore, #tpu.memory_space<semaphore_mem>>
    %dma_wait3A_1346 = arith.constant 0 : i32
    %dma_wait3A_1347 = arith.constant 0 : i32
    %dma_wait3A_1348 = tpu.memref_slice %arg16[%dma_wait3A_1335, %dma_wait3A_1346, %dma_wait3A_1347] : memref<2x32x128xf32, #tpu.memory_space<vmem>> -> memref<1x32x128xf32, #tpu.memory_space<vmem>>
    %dma_wait3A_1349 = tpu.memref_squeeze %dma_wait3A_1348 : memref<1x32x128xf32, #tpu.memory_space<vmem>> -> memref<32x128xf32, #tpu.memory_space<vmem>>
    %dma_wait3A_1350 = arith.constant 0 : i32
    %dma_wait3A_1351 = arith.constant 0 : i32
    %dma_wait3A_1352 = tpu.memref_slice %arg6[%dma_wait3A_1350, %dma_wait3A_1351] : memref<7813x128xf32, #tpu.memory_space<hbm>> -> memref<32x128xf32, #tpu.memory_space<hbm>>
    tpu.wait_dma2 semaphore(%dma_wait3A_1345 : memref<!tpu.dma_semaphore, #tpu.memory_space<semaphore_mem>>) src(%dma_wait3A_1352 : memref<32x128xf32, #tpu.memory_space<hbm>>) dst(%dma_wait3A_1349 : memref<32x128xf32, #tpu.memory_space<vmem>>)
    %broadcast_in_dim3A_1353 = arith.constant 0 : i32
    %broadcast_in_dim3A_1354 = vector.broadcast %broadcast_in_dim3A_1353 : i32 to vector<16xi32>
    %add3A_1355 = arith.constant 0 : i32
    %add3A_1356 = vector.broadcast %add3A_1355 : i32 to vector<16xi32>
    %add3A_1357 = arith.addi %add3A_1356, %iota3A : vector<16xi32>
    %get3A_1358 = arith.constant 256 : index
    %get3A_1359 = tpu.vector_load %arg9[%get3A_1358] {strides = array<i32>} : memref<528xi32, #tpu.memory_space<vmem>>, vector<16xi32>,
    %and3A_1360 = arith.constant 127 : i32
    %and3A_1361 = vector.broadcast %and3A_1360 : i32 to vector<16xi32>
    %and3A_1362 = arith.andi %get3A_1359, %and3A_1361 : vector<16xi32>
    %get3A_1363 = arith.constant 256 : index
    %get3A_1364 = tpu.vector_load %arg10[%get3A_1363] {strides = array<i32>} : memref<528xi32, #tpu.memory_space<vmem>>, vector<16xi32>,
    %and3A_1365 = arith.constant 127 : i32
    %and3A_1366 = vector.broadcast %and3A_1365 : i32 to vector<16xi32>
    %and3A_1367 = arith.andi %get3A_1364, %and3A_1366 : vector<16xi32>
    %gather3A_1368 = tpu.vector_load_idx %arg15[%broadcast_in_dim3A_1354, %add3A_1357, %and3A_1362] : memref<2x32x128xf32, #tpu.memory_space<vmem>>[vector<16xi32>, vector<16xi32>, vector<16xi32>], vector<16xf32>,
    %swap3A_1369 = arith.constant 256 : index
    %swap3A_1370 = tpu.vector_load %arg17[%swap3A_1369] {strides = array<i32>} : memref<512xf32, #tpu.memory_space<vmem>>, vector<16xf32>,
    tpu.vector_store %arg17[%swap3A_1369], %gather3A_1368 {strides = array<i32>} : memref<512xf32, #tpu.memory_space<vmem>>, vector<16xf32>,
    %gather3A_1371 = tpu.vector_load_idx %arg16[%broadcast_in_dim3A_1354, %add3A_1357, %and3A_1367] : memref<2x32x128xf32, #tpu.memory_space<vmem>>[vector<16xi32>, vector<16xi32>, vector<16xi32>], vector<16xf32>,
    %swap3A_1372 = arith.constant 256 : index
    %swap3A_1373 = tpu.vector_load %arg18[%swap3A_1372] {strides = array<i32>} : memref<512xf32, #tpu.memory_space<vmem>>, vector<16xf32>,
    tpu.vector_store %arg18[%swap3A_1372], %gather3A_1371 {strides = array<i32>} : memref<512xf32, #tpu.memory_space<vmem>>, vector<16xf32>,
    %add3A_1374 = arith.constant 16 : i32
    %add3A_1375 = vector.broadcast %add3A_1374 : i32 to vector<16xi32>
    %add3A_1376 = arith.addi %add3A_1375, %iota3A : vector<16xi32>
    %get3A_1377 = arith.constant 272 : index
    %get3A_1378 = tpu.vector_load %arg9[%get3A_1377] {strides = array<i32>} : memref<528xi32, #tpu.memory_space<vmem>>, vector<16xi32>,
    %and3A_1379 = arith.constant 127 : i32
    %and3A_1380 = vector.broadcast %and3A_1379 : i32 to vector<16xi32>
    %and3A_1381 = arith.andi %get3A_1378, %and3A_1380 : vector<16xi32>
    %get3A_1382 = arith.constant 272 : index
    %get3A_1383 = tpu.vector_load %arg10[%get3A_1382] {strides = array<i32>} : memref<528xi32, #tpu.memory_space<vmem>>, vector<16xi32>,
    %and3A_1384 = arith.constant 127 : i32
    %and3A_1385 = vector.broadcast %and3A_1384 : i32 to vector<16xi32>
    %and3A_1386 = arith.andi %get3A_1383, %and3A_1385 : vector<16xi32>
    %gather3A_1387 = tpu.vector_load_idx %arg15[%broadcast_in_dim3A_1354, %add3A_1376, %and3A_1381] : memref<2x32x128xf32, #tpu.memory_space<vmem>>[vector<16xi32>, vector<16xi32>, vector<16xi32>], vector<16xf32>,
    %swap3A_1388 = arith.constant 272 : index
    %swap3A_1389 = tpu.vector_load %arg17[%swap3A_1388] {strides = array<i32>} : memref<512xf32, #tpu.memory_space<vmem>>, vector<16xf32>,
    tpu.vector_store %arg17[%swap3A_1388], %gather3A_1387 {strides = array<i32>} : memref<512xf32, #tpu.memory_space<vmem>>, vector<16xf32>,
    %gather3A_1390 = tpu.vector_load_idx %arg16[%broadcast_in_dim3A_1354, %add3A_1376, %and3A_1386] : memref<2x32x128xf32, #tpu.memory_space<vmem>>[vector<16xi32>, vector<16xi32>, vector<16xi32>], vector<16xf32>,
    %swap3A_1391 = arith.constant 272 : index
    %swap3A_1392 = tpu.vector_load %arg18[%swap3A_1391] {strides = array<i32>} : memref<512xf32, #tpu.memory_space<vmem>>, vector<16xf32>,
    tpu.vector_store %arg18[%swap3A_1391], %gather3A_1390 {strides = array<i32>} : memref<512xf32, #tpu.memory_space<vmem>>, vector<16xf32>,
    %dma_start3A_1393 = arith.constant 0 : i32
    %dma_start3A_1394 = arith.constant 0 : i32
    %dma_start3A_1395 = arith.constant 0 : i32
    %dma_start3A_1396 = arith.constant 0 : i32
    %dma_start3A_1397 = tpu.memref_slice %arg15[%dma_start3A_1393, %dma_start3A_1395, %dma_start3A_1396] : memref<2x32x128xf32, #tpu.memory_space<vmem>> -> memref<1x32x128xf32, #tpu.memory_space<vmem>>
    %dma_start3A_1398 = tpu.memref_squeeze %dma_start3A_1397 : memref<1x32x128xf32, #tpu.memory_space<vmem>> -> memref<32x128xf32, #tpu.memory_space<vmem>>
    %dma_start3A_1399 = arith.constant 320 : i32
    %dma_start3A_1400 = tpu.memref_slice %arg11[%dma_start3A_1399] : memref<512xi32, #tpu.memory_space<vmem>> -> memref<32xi32, #tpu.memory_space<vmem>>
    %dma_start3A_1401 = arith.constant 0 : i32
    %dma_start3A_1402 = arith.constant 0 : i32
    %dma_start3A_1403 = tpu.memref_slice %arg6[%dma_start3A_1401, %dma_start3A_1402] : memref<7813x128xf32, #tpu.memory_space<hbm>> -> memref<7813x128xf32, #tpu.memory_space<hbm>>
    %dma_start3A_1404 = tpu.memref_slice %arg21[%dma_start3A_1394] : memref<2x!tpu.dma_semaphore, #tpu.memory_space<semaphore_mem>> -> memref<1x!tpu.dma_semaphore, #tpu.memory_space<semaphore_mem>>
    %dma_start3A_1405 = tpu.memref_squeeze %dma_start3A_1404 : memref<1x!tpu.dma_semaphore, #tpu.memory_space<semaphore_mem>> -> memref<!tpu.dma_semaphore, #tpu.memory_space<semaphore_mem>>
    tpu.enqueue_indirect_dma source(%dma_start3A_1403 : memref<7813x128xf32, #tpu.memory_space<hbm>>) target(%dma_start3A_1398 : memref<32x128xf32, #tpu.memory_space<vmem>>) offsets(%dma_start3A_1400 : memref<32xi32, #tpu.memory_space<vmem>>) semaphore(%dma_start3A_1405 : memref<!tpu.dma_semaphore, #tpu.memory_space<semaphore_mem>>)
    %dma_start3A_1406 = arith.constant 0 : i32
    %dma_start3A_1407 = arith.constant 0 : i32
    %dma_start3A_1408 = arith.constant 0 : i32
    %dma_start3A_1409 = arith.constant 0 : i32
    %dma_start3A_1410 = tpu.memref_slice %arg16[%dma_start3A_1406, %dma_start3A_1408, %dma_start3A_1409] : memref<2x32x128xf32, #tpu.memory_space<vmem>> -> memref<1x32x128xf32, #tpu.memory_space<vmem>>
    %dma_start3A_1411 = tpu.memref_squeeze %dma_start3A_1410 : memref<1x32x128xf32, #tpu.memory_space<vmem>> -> memref<32x128xf32, #tpu.memory_space<vmem>>
    %dma_start3A_1412 = arith.constant 320 : i32
    %dma_start3A_1413 = tpu.memref_slice %arg12[%dma_start3A_1412] : memref<512xi32, #tpu.memory_space<vmem>> -> memref<32xi32, #tpu.memory_space<vmem>>
    %dma_start3A_1414 = arith.constant 0 : i32
    %dma_start3A_1415 = arith.constant 0 : i32
    %dma_start3A_1416 = tpu.memref_slice %arg7[%dma_start3A_1414, %dma_start3A_1415] : memref<7813x128xf32, #tpu.memory_space<hbm>> -> memref<7813x128xf32, #tpu.memory_space<hbm>>
    %dma_start3A_1417 = tpu.memref_slice %arg21[%dma_start3A_1407] : memref<2x!tpu.dma_semaphore, #tpu.memory_space<semaphore_mem>> -> memref<1x!tpu.dma_semaphore, #tpu.memory_space<semaphore_mem>>
    %dma_start3A_1418 = tpu.memref_squeeze %dma_start3A_1417 : memref<1x!tpu.dma_semaphore, #tpu.memory_space<semaphore_mem>> -> memref<!tpu.dma_semaphore, #tpu.memory_space<semaphore_mem>>
    tpu.enqueue_indirect_dma source(%dma_start3A_1416 : memref<7813x128xf32, #tpu.memory_space<hbm>>) target(%dma_start3A_1411 : memref<32x128xf32, #tpu.memory_space<vmem>>) offsets(%dma_start3A_1413 : memref<32xi32, #tpu.memory_space<vmem>>) semaphore(%dma_start3A_1418 : memref<!tpu.dma_semaphore, #tpu.memory_space<semaphore_mem>>)
    %dma_wait3A_1419 = arith.constant 1 : i32
    %dma_wait3A_1420 = arith.constant 1 : i32
    %dma_wait3A_1421 = arith.constant 0 : i32
    %dma_wait3A_1422 = arith.constant 0 : i32
    %dma_wait3A_1423 = tpu.memref_slice %arg15[%dma_wait3A_1419, %dma_wait3A_1421, %dma_wait3A_1422] : memref<2x32x128xf32, #tpu.memory_space<vmem>> -> memref<1x32x128xf32, #tpu.memory_space<vmem>>
    %dma_wait3A_1424 = tpu.memref_squeeze %dma_wait3A_1423 : memref<1x32x128xf32, #tpu.memory_space<vmem>> -> memref<32x128xf32, #tpu.memory_space<vmem>>
    %dma_wait3A_1425 = arith.constant 0 : i32
    %dma_wait3A_1426 = arith.constant 0 : i32
    %dma_wait3A_1427 = tpu.memref_slice %arg6[%dma_wait3A_1425, %dma_wait3A_1426] : memref<7813x128xf32, #tpu.memory_space<hbm>> -> memref<32x128xf32, #tpu.memory_space<hbm>>
    %dma_wait3A_1428 = tpu.memref_slice %arg21[%dma_wait3A_1420] : memref<2x!tpu.dma_semaphore, #tpu.memory_space<semaphore_mem>> -> memref<1x!tpu.dma_semaphore, #tpu.memory_space<semaphore_mem>>
    %dma_wait3A_1429 = tpu.memref_squeeze %dma_wait3A_1428 : memref<1x!tpu.dma_semaphore, #tpu.memory_space<semaphore_mem>> -> memref<!tpu.dma_semaphore, #tpu.memory_space<semaphore_mem>>
    %dma_wait3A_1430 = arith.constant 0 : i32
    %dma_wait3A_1431 = arith.constant 0 : i32
    %dma_wait3A_1432 = tpu.memref_slice %arg15[%dma_wait3A_1419, %dma_wait3A_1430, %dma_wait3A_1431] : memref<2x32x128xf32, #tpu.memory_space<vmem>> -> memref<1x32x128xf32, #tpu.memory_space<vmem>>
    %dma_wait3A_1433 = tpu.memref_squeeze %dma_wait3A_1432 : memref<1x32x128xf32, #tpu.memory_space<vmem>> -> memref<32x128xf32, #tpu.memory_space<vmem>>
    %dma_wait3A_1434 = arith.constant 0 : i32
    %dma_wait3A_1435 = arith.constant 0 : i32
    %dma_wait3A_1436 = tpu.memref_slice %arg6[%dma_wait3A_1434, %dma_wait3A_1435] : memref<7813x128xf32, #tpu.memory_space<hbm>> -> memref<32x128xf32, #tpu.memory_space<hbm>>
    tpu.wait_dma2 semaphore(%dma_wait3A_1429 : memref<!tpu.dma_semaphore, #tpu.memory_space<semaphore_mem>>) src(%dma_wait3A_1436 : memref<32x128xf32, #tpu.memory_space<hbm>>) dst(%dma_wait3A_1433 : memref<32x128xf32, #tpu.memory_space<vmem>>)
    %dma_wait3A_1437 = arith.constant 1 : i32
    %dma_wait3A_1438 = arith.constant 1 : i32
    %dma_wait3A_1439 = arith.constant 0 : i32
    %dma_wait3A_1440 = arith.constant 0 : i32
    %dma_wait3A_1441 = tpu.memref_slice %arg16[%dma_wait3A_1437, %dma_wait3A_1439, %dma_wait3A_1440] : memref<2x32x128xf32, #tpu.memory_space<vmem>> -> memref<1x32x128xf32, #tpu.memory_space<vmem>>
    %dma_wait3A_1442 = tpu.memref_squeeze %dma_wait3A_1441 : memref<1x32x128xf32, #tpu.memory_space<vmem>> -> memref<32x128xf32, #tpu.memory_space<vmem>>
    %dma_wait3A_1443 = arith.constant 0 : i32
    %dma_wait3A_1444 = arith.constant 0 : i32
    %dma_wait3A_1445 = tpu.memref_slice %arg6[%dma_wait3A_1443, %dma_wait3A_1444] : memref<7813x128xf32, #tpu.memory_space<hbm>> -> memref<32x128xf32, #tpu.memory_space<hbm>>
    %dma_wait3A_1446 = tpu.memref_slice %arg21[%dma_wait3A_1438] : memref<2x!tpu.dma_semaphore, #tpu.memory_space<semaphore_mem>> -> memref<1x!tpu.dma_semaphore, #tpu.memory_space<semaphore_mem>>
    %dma_wait3A_1447 = tpu.memref_squeeze %dma_wait3A_1446 : memref<1x!tpu.dma_semaphore, #tpu.memory_space<semaphore_mem>> -> memref<!tpu.dma_semaphore, #tpu.memory_space<semaphore_mem>>
    %dma_wait3A_1448 = arith.constant 0 : i32
    %dma_wait3A_1449 = arith.constant 0 : i32
    %dma_wait3A_1450 = tpu.memref_slice %arg16[%dma_wait3A_1437, %dma_wait3A_1448, %dma_wait3A_1449] : memref<2x32x128xf32, #tpu.memory_space<vmem>> -> memref<1x32x128xf32, #tpu.memory_space<vmem>>
    %dma_wait3A_1451 = tpu.memref_squeeze %dma_wait3A_1450 : memref<1x32x128xf32, #tpu.memory_space<vmem>> -> memref<32x128xf32, #tpu.memory_space<vmem>>
    %dma_wait3A_1452 = arith.constant 0 : i32
    %dma_wait3A_1453 = arith.constant 0 : i32
    %dma_wait3A_1454 = tpu.memref_slice %arg6[%dma_wait3A_1452, %dma_wait3A_1453] : memref<7813x128xf32, #tpu.memory_space<hbm>> -> memref<32x128xf32, #tpu.memory_space<hbm>>
    tpu.wait_dma2 semaphore(%dma_wait3A_1447 : memref<!tpu.dma_semaphore, #tpu.memory_space<semaphore_mem>>) src(%dma_wait3A_1454 : memref<32x128xf32, #tpu.memory_space<hbm>>) dst(%dma_wait3A_1451 : memref<32x128xf32, #tpu.memory_space<vmem>>)
    %broadcast_in_dim3A_1455 = arith.constant 1 : i32
    %broadcast_in_dim3A_1456 = vector.broadcast %broadcast_in_dim3A_1455 : i32 to vector<16xi32>
    %add3A_1457 = arith.constant 0 : i32
    %add3A_1458 = vector.broadcast %add3A_1457 : i32 to vector<16xi32>
    %add3A_1459 = arith.addi %add3A_1458, %iota3A : vector<16xi32>
    %get3A_1460 = arith.constant 288 : index
    %get3A_1461 = tpu.vector_load %arg9[%get3A_1460] {strides = array<i32>} : memref<528xi32, #tpu.memory_space<vmem>>, vector<16xi32>,
    %and3A_1462 = arith.constant 127 : i32
    %and3A_1463 = vector.broadcast %and3A_1462 : i32 to vector<16xi32>
    %and3A_1464 = arith.andi %get3A_1461, %and3A_1463 : vector<16xi32>
    %get3A_1465 = arith.constant 288 : index
    %get3A_1466 = tpu.vector_load %arg10[%get3A_1465] {strides = array<i32>} : memref<528xi32, #tpu.memory_space<vmem>>, vector<16xi32>,
    %and3A_1467 = arith.constant 127 : i32
    %and3A_1468 = vector.broadcast %and3A_1467 : i32 to vector<16xi32>
    %and3A_1469 = arith.andi %get3A_1466, %and3A_1468 : vector<16xi32>
    %gather3A_1470 = tpu.vector_load_idx %arg15[%broadcast_in_dim3A_1456, %add3A_1459, %and3A_1464] : memref<2x32x128xf32, #tpu.memory_space<vmem>>[vector<16xi32>, vector<16xi32>, vector<16xi32>], vector<16xf32>,
    %swap3A_1471 = arith.constant 288 : index
    %swap3A_1472 = tpu.vector_load %arg17[%swap3A_1471] {strides = array<i32>} : memref<512xf32, #tpu.memory_space<vmem>>, vector<16xf32>,
    tpu.vector_store %arg17[%swap3A_1471], %gather3A_1470 {strides = array<i32>} : memref<512xf32, #tpu.memory_space<vmem>>, vector<16xf32>,
    %gather3A_1473 = tpu.vector_load_idx %arg16[%broadcast_in_dim3A_1456, %add3A_1459, %and3A_1469] : memref<2x32x128xf32, #tpu.memory_space<vmem>>[vector<16xi32>, vector<16xi32>, vector<16xi32>], vector<16xf32>,
    %swap3A_1474 = arith.constant 288 : index
    %swap3A_1475 = tpu.vector_load %arg18[%swap3A_1474] {strides = array<i32>} : memref<512xf32, #tpu.memory_space<vmem>>, vector<16xf32>,
    tpu.vector_store %arg18[%swap3A_1474], %gather3A_1473 {strides = array<i32>} : memref<512xf32, #tpu.memory_space<vmem>>, vector<16xf32>,
    %add3A_1476 = arith.constant 16 : i32
    %add3A_1477 = vector.broadcast %add3A_1476 : i32 to vector<16xi32>
    %add3A_1478 = arith.addi %add3A_1477, %iota3A : vector<16xi32>
    %get3A_1479 = arith.constant 304 : index
    %get3A_1480 = tpu.vector_load %arg9[%get3A_1479] {strides = array<i32>} : memref<528xi32, #tpu.memory_space<vmem>>, vector<16xi32>,
    %and3A_1481 = arith.constant 127 : i32
    %and3A_1482 = vector.broadcast %and3A_1481 : i32 to vector<16xi32>
    %and3A_1483 = arith.andi %get3A_1480, %and3A_1482 : vector<16xi32>
    %get3A_1484 = arith.constant 304 : index
    %get3A_1485 = tpu.vector_load %arg10[%get3A_1484] {strides = array<i32>} : memref<528xi32, #tpu.memory_space<vmem>>, vector<16xi32>,
    %and3A_1486 = arith.constant 127 : i32
    %and3A_1487 = vector.broadcast %and3A_1486 : i32 to vector<16xi32>
    %and3A_1488 = arith.andi %get3A_1485, %and3A_1487 : vector<16xi32>
    %gather3A_1489 = tpu.vector_load_idx %arg15[%broadcast_in_dim3A_1456, %add3A_1478, %and3A_1483] : memref<2x32x128xf32, #tpu.memory_space<vmem>>[vector<16xi32>, vector<16xi32>, vector<16xi32>], vector<16xf32>,
    %swap3A_1490 = arith.constant 304 : index
    %swap3A_1491 = tpu.vector_load %arg17[%swap3A_1490] {strides = array<i32>} : memref<512xf32, #tpu.memory_space<vmem>>, vector<16xf32>,
    tpu.vector_store %arg17[%swap3A_1490], %gather3A_1489 {strides = array<i32>} : memref<512xf32, #tpu.memory_space<vmem>>, vector<16xf32>,
    %gather3A_1492 = tpu.vector_load_idx %arg16[%broadcast_in_dim3A_1456, %add3A_1478, %and3A_1488] : memref<2x32x128xf32, #tpu.memory_space<vmem>>[vector<16xi32>, vector<16xi32>, vector<16xi32>], vector<16xf32>,
    %swap3A_1493 = arith.constant 304 : index
    %swap3A_1494 = tpu.vector_load %arg18[%swap3A_1493] {strides = array<i32>} : memref<512xf32, #tpu.memory_space<vmem>>, vector<16xf32>,
    tpu.vector_store %arg18[%swap3A_1493], %gather3A_1492 {strides = array<i32>} : memref<512xf32, #tpu.memory_space<vmem>>, vector<16xf32>,
    %dma_start3A_1495 = arith.constant 1 : i32
    %dma_start3A_1496 = arith.constant 1 : i32
    %dma_start3A_1497 = arith.constant 0 : i32
    %dma_start3A_1498 = arith.constant 0 : i32
    %dma_start3A_1499 = tpu.memref_slice %arg15[%dma_start3A_1495, %dma_start3A_1497, %dma_start3A_1498] : memref<2x32x128xf32, #tpu.memory_space<vmem>> -> memref<1x32x128xf32, #tpu.memory_space<vmem>>
    %dma_start3A_1500 = tpu.memref_squeeze %dma_start3A_1499 : memref<1x32x128xf32, #tpu.memory_space<vmem>> -> memref<32x128xf32, #tpu.memory_space<vmem>>
    %dma_start3A_1501 = arith.constant 352 : i32
    %dma_start3A_1502 = tpu.memref_slice %arg11[%dma_start3A_1501] : memref<512xi32, #tpu.memory_space<vmem>> -> memref<32xi32, #tpu.memory_space<vmem>>
    %dma_start3A_1503 = arith.constant 0 : i32
    %dma_start3A_1504 = arith.constant 0 : i32
    %dma_start3A_1505 = tpu.memref_slice %arg6[%dma_start3A_1503, %dma_start3A_1504] : memref<7813x128xf32, #tpu.memory_space<hbm>> -> memref<7813x128xf32, #tpu.memory_space<hbm>>
    %dma_start3A_1506 = tpu.memref_slice %arg21[%dma_start3A_1496] : memref<2x!tpu.dma_semaphore, #tpu.memory_space<semaphore_mem>> -> memref<1x!tpu.dma_semaphore, #tpu.memory_space<semaphore_mem>>
    %dma_start3A_1507 = tpu.memref_squeeze %dma_start3A_1506 : memref<1x!tpu.dma_semaphore, #tpu.memory_space<semaphore_mem>> -> memref<!tpu.dma_semaphore, #tpu.memory_space<semaphore_mem>>
    tpu.enqueue_indirect_dma source(%dma_start3A_1505 : memref<7813x128xf32, #tpu.memory_space<hbm>>) target(%dma_start3A_1500 : memref<32x128xf32, #tpu.memory_space<vmem>>) offsets(%dma_start3A_1502 : memref<32xi32, #tpu.memory_space<vmem>>) semaphore(%dma_start3A_1507 : memref<!tpu.dma_semaphore, #tpu.memory_space<semaphore_mem>>)
    %dma_start3A_1508 = arith.constant 1 : i32
    %dma_start3A_1509 = arith.constant 1 : i32
    %dma_start3A_1510 = arith.constant 0 : i32
    %dma_start3A_1511 = arith.constant 0 : i32
    %dma_start3A_1512 = tpu.memref_slice %arg16[%dma_start3A_1508, %dma_start3A_1510, %dma_start3A_1511] : memref<2x32x128xf32, #tpu.memory_space<vmem>> -> memref<1x32x128xf32, #tpu.memory_space<vmem>>
    %dma_start3A_1513 = tpu.memref_squeeze %dma_start3A_1512 : memref<1x32x128xf32, #tpu.memory_space<vmem>> -> memref<32x128xf32, #tpu.memory_space<vmem>>
    %dma_start3A_1514 = arith.constant 352 : i32
    %dma_start3A_1515 = tpu.memref_slice %arg12[%dma_start3A_1514] : memref<512xi32, #tpu.memory_space<vmem>> -> memref<32xi32, #tpu.memory_space<vmem>>
    %dma_start3A_1516 = arith.constant 0 : i32
    %dma_start3A_1517 = arith.constant 0 : i32
    %dma_start3A_1518 = tpu.memref_slice %arg7[%dma_start3A_1516, %dma_start3A_1517] : memref<7813x128xf32, #tpu.memory_space<hbm>> -> memref<7813x128xf32, #tpu.memory_space<hbm>>
    %dma_start3A_1519 = tpu.memref_slice %arg21[%dma_start3A_1509] : memref<2x!tpu.dma_semaphore, #tpu.memory_space<semaphore_mem>> -> memref<1x!tpu.dma_semaphore, #tpu.memory_space<semaphore_mem>>
    %dma_start3A_1520 = tpu.memref_squeeze %dma_start3A_1519 : memref<1x!tpu.dma_semaphore, #tpu.memory_space<semaphore_mem>> -> memref<!tpu.dma_semaphore, #tpu.memory_space<semaphore_mem>>
    tpu.enqueue_indirect_dma source(%dma_start3A_1518 : memref<7813x128xf32, #tpu.memory_space<hbm>>) target(%dma_start3A_1513 : memref<32x128xf32, #tpu.memory_space<vmem>>) offsets(%dma_start3A_1515 : memref<32xi32, #tpu.memory_space<vmem>>) semaphore(%dma_start3A_1520 : memref<!tpu.dma_semaphore, #tpu.memory_space<semaphore_mem>>)
    %dma_wait3A_1521 = arith.constant 0 : i32
    %dma_wait3A_1522 = arith.constant 0 : i32
    %dma_wait3A_1523 = arith.constant 0 : i32
    %dma_wait3A_1524 = arith.constant 0 : i32
    %dma_wait3A_1525 = tpu.memref_slice %arg15[%dma_wait3A_1521, %dma_wait3A_1523, %dma_wait3A_1524] : memref<2x32x128xf32, #tpu.memory_space<vmem>> -> memref<1x32x128xf32, #tpu.memory_space<vmem>>
    %dma_wait3A_1526 = tpu.memref_squeeze %dma_wait3A_1525 : memref<1x32x128xf32, #tpu.memory_space<vmem>> -> memref<32x128xf32, #tpu.memory_space<vmem>>
    %dma_wait3A_1527 = arith.constant 0 : i32
    %dma_wait3A_1528 = arith.constant 0 : i32
    %dma_wait3A_1529 = tpu.memref_slice %arg6[%dma_wait3A_1527, %dma_wait3A_1528] : memref<7813x128xf32, #tpu.memory_space<hbm>> -> memref<32x128xf32, #tpu.memory_space<hbm>>
    %dma_wait3A_1530 = tpu.memref_slice %arg21[%dma_wait3A_1522] : memref<2x!tpu.dma_semaphore, #tpu.memory_space<semaphore_mem>> -> memref<1x!tpu.dma_semaphore, #tpu.memory_space<semaphore_mem>>
    %dma_wait3A_1531 = tpu.memref_squeeze %dma_wait3A_1530 : memref<1x!tpu.dma_semaphore, #tpu.memory_space<semaphore_mem>> -> memref<!tpu.dma_semaphore, #tpu.memory_space<semaphore_mem>>
    %dma_wait3A_1532 = arith.constant 0 : i32
    %dma_wait3A_1533 = arith.constant 0 : i32
    %dma_wait3A_1534 = tpu.memref_slice %arg15[%dma_wait3A_1521, %dma_wait3A_1532, %dma_wait3A_1533] : memref<2x32x128xf32, #tpu.memory_space<vmem>> -> memref<1x32x128xf32, #tpu.memory_space<vmem>>
    %dma_wait3A_1535 = tpu.memref_squeeze %dma_wait3A_1534 : memref<1x32x128xf32, #tpu.memory_space<vmem>> -> memref<32x128xf32, #tpu.memory_space<vmem>>
    %dma_wait3A_1536 = arith.constant 0 : i32
    %dma_wait3A_1537 = arith.constant 0 : i32
    %dma_wait3A_1538 = tpu.memref_slice %arg6[%dma_wait3A_1536, %dma_wait3A_1537] : memref<7813x128xf32, #tpu.memory_space<hbm>> -> memref<32x128xf32, #tpu.memory_space<hbm>>
    tpu.wait_dma2 semaphore(%dma_wait3A_1531 : memref<!tpu.dma_semaphore, #tpu.memory_space<semaphore_mem>>) src(%dma_wait3A_1538 : memref<32x128xf32, #tpu.memory_space<hbm>>) dst(%dma_wait3A_1535 : memref<32x128xf32, #tpu.memory_space<vmem>>)
    %dma_wait3A_1539 = arith.constant 0 : i32
    %dma_wait3A_1540 = arith.constant 0 : i32
    %dma_wait3A_1541 = arith.constant 0 : i32
    %dma_wait3A_1542 = arith.constant 0 : i32
    %dma_wait3A_1543 = tpu.memref_slice %arg16[%dma_wait3A_1539, %dma_wait3A_1541, %dma_wait3A_1542] : memref<2x32x128xf32, #tpu.memory_space<vmem>> -> memref<1x32x128xf32, #tpu.memory_space<vmem>>
    %dma_wait3A_1544 = tpu.memref_squeeze %dma_wait3A_1543 : memref<1x32x128xf32, #tpu.memory_space<vmem>> -> memref<32x128xf32, #tpu.memory_space<vmem>>
    %dma_wait3A_1545 = arith.constant 0 : i32
    %dma_wait3A_1546 = arith.constant 0 : i32
    %dma_wait3A_1547 = tpu.memref_slice %arg6[%dma_wait3A_1545, %dma_wait3A_1546] : memref<7813x128xf32, #tpu.memory_space<hbm>> -> memref<32x128xf32, #tpu.memory_space<hbm>>
    %dma_wait3A_1548 = tpu.memref_slice %arg21[%dma_wait3A_1540] : memref<2x!tpu.dma_semaphore, #tpu.memory_space<semaphore_mem>> -> memref<1x!tpu.dma_semaphore, #tpu.memory_space<semaphore_mem>>
    %dma_wait3A_1549 = tpu.memref_squeeze %dma_wait3A_1548 : memref<1x!tpu.dma_semaphore, #tpu.memory_space<semaphore_mem>> -> memref<!tpu.dma_semaphore, #tpu.memory_space<semaphore_mem>>
    %dma_wait3A_1550 = arith.constant 0 : i32
    %dma_wait3A_1551 = arith.constant 0 : i32
    %dma_wait3A_1552 = tpu.memref_slice %arg16[%dma_wait3A_1539, %dma_wait3A_1550, %dma_wait3A_1551] : memref<2x32x128xf32, #tpu.memory_space<vmem>> -> memref<1x32x128xf32, #tpu.memory_space<vmem>>
    %dma_wait3A_1553 = tpu.memref_squeeze %dma_wait3A_1552 : memref<1x32x128xf32, #tpu.memory_space<vmem>> -> memref<32x128xf32, #tpu.memory_space<vmem>>
    %dma_wait3A_1554 = arith.constant 0 : i32
    %dma_wait3A_1555 = arith.constant 0 : i32
    %dma_wait3A_1556 = tpu.memref_slice %arg6[%dma_wait3A_1554, %dma_wait3A_1555] : memref<7813x128xf32, #tpu.memory_space<hbm>> -> memref<32x128xf32, #tpu.memory_space<hbm>>
    tpu.wait_dma2 semaphore(%dma_wait3A_1549 : memref<!tpu.dma_semaphore, #tpu.memory_space<semaphore_mem>>) src(%dma_wait3A_1556 : memref<32x128xf32, #tpu.memory_space<hbm>>) dst(%dma_wait3A_1553 : memref<32x128xf32, #tpu.memory_space<vmem>>)
    %broadcast_in_dim3A_1557 = arith.constant 0 : i32
    %broadcast_in_dim3A_1558 = vector.broadcast %broadcast_in_dim3A_1557 : i32 to vector<16xi32>
    %add3A_1559 = arith.constant 0 : i32
    %add3A_1560 = vector.broadcast %add3A_1559 : i32 to vector<16xi32>
    %add3A_1561 = arith.addi %add3A_1560, %iota3A : vector<16xi32>
    %get3A_1562 = arith.constant 320 : index
    %get3A_1563 = tpu.vector_load %arg9[%get3A_1562] {strides = array<i32>} : memref<528xi32, #tpu.memory_space<vmem>>, vector<16xi32>,
    %and3A_1564 = arith.constant 127 : i32
    %and3A_1565 = vector.broadcast %and3A_1564 : i32 to vector<16xi32>
    %and3A_1566 = arith.andi %get3A_1563, %and3A_1565 : vector<16xi32>
    %get3A_1567 = arith.constant 320 : index
    %get3A_1568 = tpu.vector_load %arg10[%get3A_1567] {strides = array<i32>} : memref<528xi32, #tpu.memory_space<vmem>>, vector<16xi32>,
    %and3A_1569 = arith.constant 127 : i32
    %and3A_1570 = vector.broadcast %and3A_1569 : i32 to vector<16xi32>
    %and3A_1571 = arith.andi %get3A_1568, %and3A_1570 : vector<16xi32>
    %gather3A_1572 = tpu.vector_load_idx %arg15[%broadcast_in_dim3A_1558, %add3A_1561, %and3A_1566] : memref<2x32x128xf32, #tpu.memory_space<vmem>>[vector<16xi32>, vector<16xi32>, vector<16xi32>], vector<16xf32>,
    %swap3A_1573 = arith.constant 320 : index
    %swap3A_1574 = tpu.vector_load %arg17[%swap3A_1573] {strides = array<i32>} : memref<512xf32, #tpu.memory_space<vmem>>, vector<16xf32>,
    tpu.vector_store %arg17[%swap3A_1573], %gather3A_1572 {strides = array<i32>} : memref<512xf32, #tpu.memory_space<vmem>>, vector<16xf32>,
    %gather3A_1575 = tpu.vector_load_idx %arg16[%broadcast_in_dim3A_1558, %add3A_1561, %and3A_1571] : memref<2x32x128xf32, #tpu.memory_space<vmem>>[vector<16xi32>, vector<16xi32>, vector<16xi32>], vector<16xf32>,
    %swap3A_1576 = arith.constant 320 : index
    %swap3A_1577 = tpu.vector_load %arg18[%swap3A_1576] {strides = array<i32>} : memref<512xf32, #tpu.memory_space<vmem>>, vector<16xf32>,
    tpu.vector_store %arg18[%swap3A_1576], %gather3A_1575 {strides = array<i32>} : memref<512xf32, #tpu.memory_space<vmem>>, vector<16xf32>,
    %add3A_1578 = arith.constant 16 : i32
    %add3A_1579 = vector.broadcast %add3A_1578 : i32 to vector<16xi32>
    %add3A_1580 = arith.addi %add3A_1579, %iota3A : vector<16xi32>
    %get3A_1581 = arith.constant 336 : index
    %get3A_1582 = tpu.vector_load %arg9[%get3A_1581] {strides = array<i32>} : memref<528xi32, #tpu.memory_space<vmem>>, vector<16xi32>,
    %and3A_1583 = arith.constant 127 : i32
    %and3A_1584 = vector.broadcast %and3A_1583 : i32 to vector<16xi32>
    %and3A_1585 = arith.andi %get3A_1582, %and3A_1584 : vector<16xi32>
    %get3A_1586 = arith.constant 336 : index
    %get3A_1587 = tpu.vector_load %arg10[%get3A_1586] {strides = array<i32>} : memref<528xi32, #tpu.memory_space<vmem>>, vector<16xi32>,
    %and3A_1588 = arith.constant 127 : i32
    %and3A_1589 = vector.broadcast %and3A_1588 : i32 to vector<16xi32>
    %and3A_1590 = arith.andi %get3A_1587, %and3A_1589 : vector<16xi32>
    %gather3A_1591 = tpu.vector_load_idx %arg15[%broadcast_in_dim3A_1558, %add3A_1580, %and3A_1585] : memref<2x32x128xf32, #tpu.memory_space<vmem>>[vector<16xi32>, vector<16xi32>, vector<16xi32>], vector<16xf32>,
    %swap3A_1592 = arith.constant 336 : index
    %swap3A_1593 = tpu.vector_load %arg17[%swap3A_1592] {strides = array<i32>} : memref<512xf32, #tpu.memory_space<vmem>>, vector<16xf32>,
    tpu.vector_store %arg17[%swap3A_1592], %gather3A_1591 {strides = array<i32>} : memref<512xf32, #tpu.memory_space<vmem>>, vector<16xf32>,
    %gather3A_1594 = tpu.vector_load_idx %arg16[%broadcast_in_dim3A_1558, %add3A_1580, %and3A_1590] : memref<2x32x128xf32, #tpu.memory_space<vmem>>[vector<16xi32>, vector<16xi32>, vector<16xi32>], vector<16xf32>,
    %swap3A_1595 = arith.constant 336 : index
    %swap3A_1596 = tpu.vector_load %arg18[%swap3A_1595] {strides = array<i32>} : memref<512xf32, #tpu.memory_space<vmem>>, vector<16xf32>,
    tpu.vector_store %arg18[%swap3A_1595], %gather3A_1594 {strides = array<i32>} : memref<512xf32, #tpu.memory_space<vmem>>, vector<16xf32>,
    %dma_start3A_1597 = arith.constant 0 : i32
    %dma_start3A_1598 = arith.constant 0 : i32
    %dma_start3A_1599 = arith.constant 0 : i32
    %dma_start3A_1600 = arith.constant 0 : i32
    %dma_start3A_1601 = tpu.memref_slice %arg15[%dma_start3A_1597, %dma_start3A_1599, %dma_start3A_1600] : memref<2x32x128xf32, #tpu.memory_space<vmem>> -> memref<1x32x128xf32, #tpu.memory_space<vmem>>
    %dma_start3A_1602 = tpu.memref_squeeze %dma_start3A_1601 : memref<1x32x128xf32, #tpu.memory_space<vmem>> -> memref<32x128xf32, #tpu.memory_space<vmem>>
    %dma_start3A_1603 = arith.constant 384 : i32
    %dma_start3A_1604 = tpu.memref_slice %arg11[%dma_start3A_1603] : memref<512xi32, #tpu.memory_space<vmem>> -> memref<32xi32, #tpu.memory_space<vmem>>
    %dma_start3A_1605 = arith.constant 0 : i32
    %dma_start3A_1606 = arith.constant 0 : i32
    %dma_start3A_1607 = tpu.memref_slice %arg6[%dma_start3A_1605, %dma_start3A_1606] : memref<7813x128xf32, #tpu.memory_space<hbm>> -> memref<7813x128xf32, #tpu.memory_space<hbm>>
    %dma_start3A_1608 = tpu.memref_slice %arg21[%dma_start3A_1598] : memref<2x!tpu.dma_semaphore, #tpu.memory_space<semaphore_mem>> -> memref<1x!tpu.dma_semaphore, #tpu.memory_space<semaphore_mem>>
    %dma_start3A_1609 = tpu.memref_squeeze %dma_start3A_1608 : memref<1x!tpu.dma_semaphore, #tpu.memory_space<semaphore_mem>> -> memref<!tpu.dma_semaphore, #tpu.memory_space<semaphore_mem>>
    tpu.enqueue_indirect_dma source(%dma_start3A_1607 : memref<7813x128xf32, #tpu.memory_space<hbm>>) target(%dma_start3A_1602 : memref<32x128xf32, #tpu.memory_space<vmem>>) offsets(%dma_start3A_1604 : memref<32xi32, #tpu.memory_space<vmem>>) semaphore(%dma_start3A_1609 : memref<!tpu.dma_semaphore, #tpu.memory_space<semaphore_mem>>)
    %dma_start3A_1610 = arith.constant 0 : i32
    %dma_start3A_1611 = arith.constant 0 : i32
    %dma_start3A_1612 = arith.constant 0 : i32
    %dma_start3A_1613 = arith.constant 0 : i32
    %dma_start3A_1614 = tpu.memref_slice %arg16[%dma_start3A_1610, %dma_start3A_1612, %dma_start3A_1613] : memref<2x32x128xf32, #tpu.memory_space<vmem>> -> memref<1x32x128xf32, #tpu.memory_space<vmem>>
    %dma_start3A_1615 = tpu.memref_squeeze %dma_start3A_1614 : memref<1x32x128xf32, #tpu.memory_space<vmem>> -> memref<32x128xf32, #tpu.memory_space<vmem>>
    %dma_start3A_1616 = arith.constant 384 : i32
    %dma_start3A_1617 = tpu.memref_slice %arg12[%dma_start3A_1616] : memref<512xi32, #tpu.memory_space<vmem>> -> memref<32xi32, #tpu.memory_space<vmem>>
    %dma_start3A_1618 = arith.constant 0 : i32
    %dma_start3A_1619 = arith.constant 0 : i32
    %dma_start3A_1620 = tpu.memref_slice %arg7[%dma_start3A_1618, %dma_start3A_1619] : memref<7813x128xf32, #tpu.memory_space<hbm>> -> memref<7813x128xf32, #tpu.memory_space<hbm>>
    %dma_start3A_1621 = tpu.memref_slice %arg21[%dma_start3A_1611] : memref<2x!tpu.dma_semaphore, #tpu.memory_space<semaphore_mem>> -> memref<1x!tpu.dma_semaphore, #tpu.memory_space<semaphore_mem>>
    %dma_start3A_1622 = tpu.memref_squeeze %dma_start3A_1621 : memref<1x!tpu.dma_semaphore, #tpu.memory_space<semaphore_mem>> -> memref<!tpu.dma_semaphore, #tpu.memory_space<semaphore_mem>>
    tpu.enqueue_indirect_dma source(%dma_start3A_1620 : memref<7813x128xf32, #tpu.memory_space<hbm>>) target(%dma_start3A_1615 : memref<32x128xf32, #tpu.memory_space<vmem>>) offsets(%dma_start3A_1617 : memref<32xi32, #tpu.memory_space<vmem>>) semaphore(%dma_start3A_1622 : memref<!tpu.dma_semaphore, #tpu.memory_space<semaphore_mem>>)
    %dma_wait3A_1623 = arith.constant 1 : i32
    %dma_wait3A_1624 = arith.constant 1 : i32
    %dma_wait3A_1625 = arith.constant 0 : i32
    %dma_wait3A_1626 = arith.constant 0 : i32
    %dma_wait3A_1627 = tpu.memref_slice %arg15[%dma_wait3A_1623, %dma_wait3A_1625, %dma_wait3A_1626] : memref<2x32x128xf32, #tpu.memory_space<vmem>> -> memref<1x32x128xf32, #tpu.memory_space<vmem>>
    %dma_wait3A_1628 = tpu.memref_squeeze %dma_wait3A_1627 : memref<1x32x128xf32, #tpu.memory_space<vmem>> -> memref<32x128xf32, #tpu.memory_space<vmem>>
    %dma_wait3A_1629 = arith.constant 0 : i32
    %dma_wait3A_1630 = arith.constant 0 : i32
    %dma_wait3A_1631 = tpu.memref_slice %arg6[%dma_wait3A_1629, %dma_wait3A_1630] : memref<7813x128xf32, #tpu.memory_space<hbm>> -> memref<32x128xf32, #tpu.memory_space<hbm>>
    %dma_wait3A_1632 = tpu.memref_slice %arg21[%dma_wait3A_1624] : memref<2x!tpu.dma_semaphore, #tpu.memory_space<semaphore_mem>> -> memref<1x!tpu.dma_semaphore, #tpu.memory_space<semaphore_mem>>
    %dma_wait3A_1633 = tpu.memref_squeeze %dma_wait3A_1632 : memref<1x!tpu.dma_semaphore, #tpu.memory_space<semaphore_mem>> -> memref<!tpu.dma_semaphore, #tpu.memory_space<semaphore_mem>>
    %dma_wait3A_1634 = arith.constant 0 : i32
    %dma_wait3A_1635 = arith.constant 0 : i32
    %dma_wait3A_1636 = tpu.memref_slice %arg15[%dma_wait3A_1623, %dma_wait3A_1634, %dma_wait3A_1635] : memref<2x32x128xf32, #tpu.memory_space<vmem>> -> memref<1x32x128xf32, #tpu.memory_space<vmem>>
    %dma_wait3A_1637 = tpu.memref_squeeze %dma_wait3A_1636 : memref<1x32x128xf32, #tpu.memory_space<vmem>> -> memref<32x128xf32, #tpu.memory_space<vmem>>
    %dma_wait3A_1638 = arith.constant 0 : i32
    %dma_wait3A_1639 = arith.constant 0 : i32
    %dma_wait3A_1640 = tpu.memref_slice %arg6[%dma_wait3A_1638, %dma_wait3A_1639] : memref<7813x128xf32, #tpu.memory_space<hbm>> -> memref<32x128xf32, #tpu.memory_space<hbm>>
    tpu.wait_dma2 semaphore(%dma_wait3A_1633 : memref<!tpu.dma_semaphore, #tpu.memory_space<semaphore_mem>>) src(%dma_wait3A_1640 : memref<32x128xf32, #tpu.memory_space<hbm>>) dst(%dma_wait3A_1637 : memref<32x128xf32, #tpu.memory_space<vmem>>)
    %dma_wait3A_1641 = arith.constant 1 : i32
    %dma_wait3A_1642 = arith.constant 1 : i32
    %dma_wait3A_1643 = arith.constant 0 : i32
    %dma_wait3A_1644 = arith.constant 0 : i32
    %dma_wait3A_1645 = tpu.memref_slice %arg16[%dma_wait3A_1641, %dma_wait3A_1643, %dma_wait3A_1644] : memref<2x32x128xf32, #tpu.memory_space<vmem>> -> memref<1x32x128xf32, #tpu.memory_space<vmem>>
    %dma_wait3A_1646 = tpu.memref_squeeze %dma_wait3A_1645 : memref<1x32x128xf32, #tpu.memory_space<vmem>> -> memref<32x128xf32, #tpu.memory_space<vmem>>
    %dma_wait3A_1647 = arith.constant 0 : i32
    %dma_wait3A_1648 = arith.constant 0 : i32
    %dma_wait3A_1649 = tpu.memref_slice %arg6[%dma_wait3A_1647, %dma_wait3A_1648] : memref<7813x128xf32, #tpu.memory_space<hbm>> -> memref<32x128xf32, #tpu.memory_space<hbm>>
    %dma_wait3A_1650 = tpu.memref_slice %arg21[%dma_wait3A_1642] : memref<2x!tpu.dma_semaphore, #tpu.memory_space<semaphore_mem>> -> memref<1x!tpu.dma_semaphore, #tpu.memory_space<semaphore_mem>>
    %dma_wait3A_1651 = tpu.memref_squeeze %dma_wait3A_1650 : memref<1x!tpu.dma_semaphore, #tpu.memory_space<semaphore_mem>> -> memref<!tpu.dma_semaphore, #tpu.memory_space<semaphore_mem>>
    %dma_wait3A_1652 = arith.constant 0 : i32
    %dma_wait3A_1653 = arith.constant 0 : i32
    %dma_wait3A_1654 = tpu.memref_slice %arg16[%dma_wait3A_1641, %dma_wait3A_1652, %dma_wait3A_1653] : memref<2x32x128xf32, #tpu.memory_space<vmem>> -> memref<1x32x128xf32, #tpu.memory_space<vmem>>
    %dma_wait3A_1655 = tpu.memref_squeeze %dma_wait3A_1654 : memref<1x32x128xf32, #tpu.memory_space<vmem>> -> memref<32x128xf32, #tpu.memory_space<vmem>>
    %dma_wait3A_1656 = arith.constant 0 : i32
    %dma_wait3A_1657 = arith.constant 0 : i32
    %dma_wait3A_1658 = tpu.memref_slice %arg6[%dma_wait3A_1656, %dma_wait3A_1657] : memref<7813x128xf32, #tpu.memory_space<hbm>> -> memref<32x128xf32, #tpu.memory_space<hbm>>
    tpu.wait_dma2 semaphore(%dma_wait3A_1651 : memref<!tpu.dma_semaphore, #tpu.memory_space<semaphore_mem>>) src(%dma_wait3A_1658 : memref<32x128xf32, #tpu.memory_space<hbm>>) dst(%dma_wait3A_1655 : memref<32x128xf32, #tpu.memory_space<vmem>>)
    %broadcast_in_dim3A_1659 = arith.constant 1 : i32
    %broadcast_in_dim3A_1660 = vector.broadcast %broadcast_in_dim3A_1659 : i32 to vector<16xi32>
    %add3A_1661 = arith.constant 0 : i32
    %add3A_1662 = vector.broadcast %add3A_1661 : i32 to vector<16xi32>
    %add3A_1663 = arith.addi %add3A_1662, %iota3A : vector<16xi32>
    %get3A_1664 = arith.constant 352 : index
    %get3A_1665 = tpu.vector_load %arg9[%get3A_1664] {strides = array<i32>} : memref<528xi32, #tpu.memory_space<vmem>>, vector<16xi32>,
    %and3A_1666 = arith.constant 127 : i32
    %and3A_1667 = vector.broadcast %and3A_1666 : i32 to vector<16xi32>
    %and3A_1668 = arith.andi %get3A_1665, %and3A_1667 : vector<16xi32>
    %get3A_1669 = arith.constant 352 : index
    %get3A_1670 = tpu.vector_load %arg10[%get3A_1669] {strides = array<i32>} : memref<528xi32, #tpu.memory_space<vmem>>, vector<16xi32>,
    %and3A_1671 = arith.constant 127 : i32
    %and3A_1672 = vector.broadcast %and3A_1671 : i32 to vector<16xi32>
    %and3A_1673 = arith.andi %get3A_1670, %and3A_1672 : vector<16xi32>
    %gather3A_1674 = tpu.vector_load_idx %arg15[%broadcast_in_dim3A_1660, %add3A_1663, %and3A_1668] : memref<2x32x128xf32, #tpu.memory_space<vmem>>[vector<16xi32>, vector<16xi32>, vector<16xi32>], vector<16xf32>,
    %swap3A_1675 = arith.constant 352 : index
    %swap3A_1676 = tpu.vector_load %arg17[%swap3A_1675] {strides = array<i32>} : memref<512xf32, #tpu.memory_space<vmem>>, vector<16xf32>,
    tpu.vector_store %arg17[%swap3A_1675], %gather3A_1674 {strides = array<i32>} : memref<512xf32, #tpu.memory_space<vmem>>, vector<16xf32>,
    %gather3A_1677 = tpu.vector_load_idx %arg16[%broadcast_in_dim3A_1660, %add3A_1663, %and3A_1673] : memref<2x32x128xf32, #tpu.memory_space<vmem>>[vector<16xi32>, vector<16xi32>, vector<16xi32>], vector<16xf32>,
    %swap3A_1678 = arith.constant 352 : index
    %swap3A_1679 = tpu.vector_load %arg18[%swap3A_1678] {strides = array<i32>} : memref<512xf32, #tpu.memory_space<vmem>>, vector<16xf32>,
    tpu.vector_store %arg18[%swap3A_1678], %gather3A_1677 {strides = array<i32>} : memref<512xf32, #tpu.memory_space<vmem>>, vector<16xf32>,
    %add3A_1680 = arith.constant 16 : i32
    %add3A_1681 = vector.broadcast %add3A_1680 : i32 to vector<16xi32>
    %add3A_1682 = arith.addi %add3A_1681, %iota3A : vector<16xi32>
    %get3A_1683 = arith.constant 368 : index
    %get3A_1684 = tpu.vector_load %arg9[%get3A_1683] {strides = array<i32>} : memref<528xi32, #tpu.memory_space<vmem>>, vector<16xi32>,
    %and3A_1685 = arith.constant 127 : i32
    %and3A_1686 = vector.broadcast %and3A_1685 : i32 to vector<16xi32>
    %and3A_1687 = arith.andi %get3A_1684, %and3A_1686 : vector<16xi32>
    %get3A_1688 = arith.constant 368 : index
    %get3A_1689 = tpu.vector_load %arg10[%get3A_1688] {strides = array<i32>} : memref<528xi32, #tpu.memory_space<vmem>>, vector<16xi32>,
    %and3A_1690 = arith.constant 127 : i32
    %and3A_1691 = vector.broadcast %and3A_1690 : i32 to vector<16xi32>
    %and3A_1692 = arith.andi %get3A_1689, %and3A_1691 : vector<16xi32>
    %gather3A_1693 = tpu.vector_load_idx %arg15[%broadcast_in_dim3A_1660, %add3A_1682, %and3A_1687] : memref<2x32x128xf32, #tpu.memory_space<vmem>>[vector<16xi32>, vector<16xi32>, vector<16xi32>], vector<16xf32>,
    %swap3A_1694 = arith.constant 368 : index
    %swap3A_1695 = tpu.vector_load %arg17[%swap3A_1694] {strides = array<i32>} : memref<512xf32, #tpu.memory_space<vmem>>, vector<16xf32>,
    tpu.vector_store %arg17[%swap3A_1694], %gather3A_1693 {strides = array<i32>} : memref<512xf32, #tpu.memory_space<vmem>>, vector<16xf32>,
    %gather3A_1696 = tpu.vector_load_idx %arg16[%broadcast_in_dim3A_1660, %add3A_1682, %and3A_1692] : memref<2x32x128xf32, #tpu.memory_space<vmem>>[vector<16xi32>, vector<16xi32>, vector<16xi32>], vector<16xf32>,
    %swap3A_1697 = arith.constant 368 : index
    %swap3A_1698 = tpu.vector_load %arg18[%swap3A_1697] {strides = array<i32>} : memref<512xf32, #tpu.memory_space<vmem>>, vector<16xf32>,
    tpu.vector_store %arg18[%swap3A_1697], %gather3A_1696 {strides = array<i32>} : memref<512xf32, #tpu.memory_space<vmem>>, vector<16xf32>,
    %dma_start3A_1699 = arith.constant 1 : i32
    %dma_start3A_1700 = arith.constant 1 : i32
    %dma_start3A_1701 = arith.constant 0 : i32
    %dma_start3A_1702 = arith.constant 0 : i32
    %dma_start3A_1703 = tpu.memref_slice %arg15[%dma_start3A_1699, %dma_start3A_1701, %dma_start3A_1702] : memref<2x32x128xf32, #tpu.memory_space<vmem>> -> memref<1x32x128xf32, #tpu.memory_space<vmem>>
    %dma_start3A_1704 = tpu.memref_squeeze %dma_start3A_1703 : memref<1x32x128xf32, #tpu.memory_space<vmem>> -> memref<32x128xf32, #tpu.memory_space<vmem>>
    %dma_start3A_1705 = arith.constant 416 : i32
    %dma_start3A_1706 = tpu.memref_slice %arg11[%dma_start3A_1705] : memref<512xi32, #tpu.memory_space<vmem>> -> memref<32xi32, #tpu.memory_space<vmem>>
    %dma_start3A_1707 = arith.constant 0 : i32
    %dma_start3A_1708 = arith.constant 0 : i32
    %dma_start3A_1709 = tpu.memref_slice %arg6[%dma_start3A_1707, %dma_start3A_1708] : memref<7813x128xf32, #tpu.memory_space<hbm>> -> memref<7813x128xf32, #tpu.memory_space<hbm>>
    %dma_start3A_1710 = tpu.memref_slice %arg21[%dma_start3A_1700] : memref<2x!tpu.dma_semaphore, #tpu.memory_space<semaphore_mem>> -> memref<1x!tpu.dma_semaphore, #tpu.memory_space<semaphore_mem>>
    %dma_start3A_1711 = tpu.memref_squeeze %dma_start3A_1710 : memref<1x!tpu.dma_semaphore, #tpu.memory_space<semaphore_mem>> -> memref<!tpu.dma_semaphore, #tpu.memory_space<semaphore_mem>>
    tpu.enqueue_indirect_dma source(%dma_start3A_1709 : memref<7813x128xf32, #tpu.memory_space<hbm>>) target(%dma_start3A_1704 : memref<32x128xf32, #tpu.memory_space<vmem>>) offsets(%dma_start3A_1706 : memref<32xi32, #tpu.memory_space<vmem>>) semaphore(%dma_start3A_1711 : memref<!tpu.dma_semaphore, #tpu.memory_space<semaphore_mem>>)
    %dma_start3A_1712 = arith.constant 1 : i32
    %dma_start3A_1713 = arith.constant 1 : i32
    %dma_start3A_1714 = arith.constant 0 : i32
    %dma_start3A_1715 = arith.constant 0 : i32
    %dma_start3A_1716 = tpu.memref_slice %arg16[%dma_start3A_1712, %dma_start3A_1714, %dma_start3A_1715] : memref<2x32x128xf32, #tpu.memory_space<vmem>> -> memref<1x32x128xf32, #tpu.memory_space<vmem>>
    %dma_start3A_1717 = tpu.memref_squeeze %dma_start3A_1716 : memref<1x32x128xf32, #tpu.memory_space<vmem>> -> memref<32x128xf32, #tpu.memory_space<vmem>>
    %dma_start3A_1718 = arith.constant 416 : i32
    %dma_start3A_1719 = tpu.memref_slice %arg12[%dma_start3A_1718] : memref<512xi32, #tpu.memory_space<vmem>> -> memref<32xi32, #tpu.memory_space<vmem>>
    %dma_start3A_1720 = arith.constant 0 : i32
    %dma_start3A_1721 = arith.constant 0 : i32
    %dma_start3A_1722 = tpu.memref_slice %arg7[%dma_start3A_1720, %dma_start3A_1721] : memref<7813x128xf32, #tpu.memory_space<hbm>> -> memref<7813x128xf32, #tpu.memory_space<hbm>>
    %dma_start3A_1723 = tpu.memref_slice %arg21[%dma_start3A_1713] : memref<2x!tpu.dma_semaphore, #tpu.memory_space<semaphore_mem>> -> memref<1x!tpu.dma_semaphore, #tpu.memory_space<semaphore_mem>>
    %dma_start3A_1724 = tpu.memref_squeeze %dma_start3A_1723 : memref<1x!tpu.dma_semaphore, #tpu.memory_space<semaphore_mem>> -> memref<!tpu.dma_semaphore, #tpu.memory_space<semaphore_mem>>
    tpu.enqueue_indirect_dma source(%dma_start3A_1722 : memref<7813x128xf32, #tpu.memory_space<hbm>>) target(%dma_start3A_1717 : memref<32x128xf32, #tpu.memory_space<vmem>>) offsets(%dma_start3A_1719 : memref<32xi32, #tpu.memory_space<vmem>>) semaphore(%dma_start3A_1724 : memref<!tpu.dma_semaphore, #tpu.memory_space<semaphore_mem>>)
    %dma_wait3A_1725 = arith.constant 0 : i32
    %dma_wait3A_1726 = arith.constant 0 : i32
    %dma_wait3A_1727 = arith.constant 0 : i32
    %dma_wait3A_1728 = arith.constant 0 : i32
    %dma_wait3A_1729 = tpu.memref_slice %arg15[%dma_wait3A_1725, %dma_wait3A_1727, %dma_wait3A_1728] : memref<2x32x128xf32, #tpu.memory_space<vmem>> -> memref<1x32x128xf32, #tpu.memory_space<vmem>>
    %dma_wait3A_1730 = tpu.memref_squeeze %dma_wait3A_1729 : memref<1x32x128xf32, #tpu.memory_space<vmem>> -> memref<32x128xf32, #tpu.memory_space<vmem>>
    %dma_wait3A_1731 = arith.constant 0 : i32
    %dma_wait3A_1732 = arith.constant 0 : i32
    %dma_wait3A_1733 = tpu.memref_slice %arg6[%dma_wait3A_1731, %dma_wait3A_1732] : memref<7813x128xf32, #tpu.memory_space<hbm>> -> memref<32x128xf32, #tpu.memory_space<hbm>>
    %dma_wait3A_1734 = tpu.memref_slice %arg21[%dma_wait3A_1726] : memref<2x!tpu.dma_semaphore, #tpu.memory_space<semaphore_mem>> -> memref<1x!tpu.dma_semaphore, #tpu.memory_space<semaphore_mem>>
    %dma_wait3A_1735 = tpu.memref_squeeze %dma_wait3A_1734 : memref<1x!tpu.dma_semaphore, #tpu.memory_space<semaphore_mem>> -> memref<!tpu.dma_semaphore, #tpu.memory_space<semaphore_mem>>
    %dma_wait3A_1736 = arith.constant 0 : i32
    %dma_wait3A_1737 = arith.constant 0 : i32
    %dma_wait3A_1738 = tpu.memref_slice %arg15[%dma_wait3A_1725, %dma_wait3A_1736, %dma_wait3A_1737] : memref<2x32x128xf32, #tpu.memory_space<vmem>> -> memref<1x32x128xf32, #tpu.memory_space<vmem>>
    %dma_wait3A_1739 = tpu.memref_squeeze %dma_wait3A_1738 : memref<1x32x128xf32, #tpu.memory_space<vmem>> -> memref<32x128xf32, #tpu.memory_space<vmem>>
    %dma_wait3A_1740 = arith.constant 0 : i32
    %dma_wait3A_1741 = arith.constant 0 : i32
    %dma_wait3A_1742 = tpu.memref_slice %arg6[%dma_wait3A_1740, %dma_wait3A_1741] : memref<7813x128xf32, #tpu.memory_space<hbm>> -> memref<32x128xf32, #tpu.memory_space<hbm>>
    tpu.wait_dma2 semaphore(%dma_wait3A_1735 : memref<!tpu.dma_semaphore, #tpu.memory_space<semaphore_mem>>) src(%dma_wait3A_1742 : memref<32x128xf32, #tpu.memory_space<hbm>>) dst(%dma_wait3A_1739 : memref<32x128xf32, #tpu.memory_space<vmem>>)
    %dma_wait3A_1743 = arith.constant 0 : i32
    %dma_wait3A_1744 = arith.constant 0 : i32
    %dma_wait3A_1745 = arith.constant 0 : i32
    %dma_wait3A_1746 = arith.constant 0 : i32
    %dma_wait3A_1747 = tpu.memref_slice %arg16[%dma_wait3A_1743, %dma_wait3A_1745, %dma_wait3A_1746] : memref<2x32x128xf32, #tpu.memory_space<vmem>> -> memref<1x32x128xf32, #tpu.memory_space<vmem>>
    %dma_wait3A_1748 = tpu.memref_squeeze %dma_wait3A_1747 : memref<1x32x128xf32, #tpu.memory_space<vmem>> -> memref<32x128xf32, #tpu.memory_space<vmem>>
    %dma_wait3A_1749 = arith.constant 0 : i32
    %dma_wait3A_1750 = arith.constant 0 : i32
    %dma_wait3A_1751 = tpu.memref_slice %arg6[%dma_wait3A_1749, %dma_wait3A_1750] : memref<7813x128xf32, #tpu.memory_space<hbm>> -> memref<32x128xf32, #tpu.memory_space<hbm>>
    %dma_wait3A_1752 = tpu.memref_slice %arg21[%dma_wait3A_1744] : memref<2x!tpu.dma_semaphore, #tpu.memory_space<semaphore_mem>> -> memref<1x!tpu.dma_semaphore, #tpu.memory_space<semaphore_mem>>
    %dma_wait3A_1753 = tpu.memref_squeeze %dma_wait3A_1752 : memref<1x!tpu.dma_semaphore, #tpu.memory_space<semaphore_mem>> -> memref<!tpu.dma_semaphore, #tpu.memory_space<semaphore_mem>>
    %dma_wait3A_1754 = arith.constant 0 : i32
    %dma_wait3A_1755 = arith.constant 0 : i32
    %dma_wait3A_1756 = tpu.memref_slice %arg16[%dma_wait3A_1743, %dma_wait3A_1754, %dma_wait3A_1755] : memref<2x32x128xf32, #tpu.memory_space<vmem>> -> memref<1x32x128xf32, #tpu.memory_space<vmem>>
    %dma_wait3A_1757 = tpu.memref_squeeze %dma_wait3A_1756 : memref<1x32x128xf32, #tpu.memory_space<vmem>> -> memref<32x128xf32, #tpu.memory_space<vmem>>
    %dma_wait3A_1758 = arith.constant 0 : i32
    %dma_wait3A_1759 = arith.constant 0 : i32
    %dma_wait3A_1760 = tpu.memref_slice %arg6[%dma_wait3A_1758, %dma_wait3A_1759] : memref<7813x128xf32, #tpu.memory_space<hbm>> -> memref<32x128xf32, #tpu.memory_space<hbm>>
    tpu.wait_dma2 semaphore(%dma_wait3A_1753 : memref<!tpu.dma_semaphore, #tpu.memory_space<semaphore_mem>>) src(%dma_wait3A_1760 : memref<32x128xf32, #tpu.memory_space<hbm>>) dst(%dma_wait3A_1757 : memref<32x128xf32, #tpu.memory_space<vmem>>)
    %broadcast_in_dim3A_1761 = arith.constant 0 : i32
    %broadcast_in_dim3A_1762 = vector.broadcast %broadcast_in_dim3A_1761 : i32 to vector<16xi32>
    %add3A_1763 = arith.constant 0 : i32
    %add3A_1764 = vector.broadcast %add3A_1763 : i32 to vector<16xi32>
    %add3A_1765 = arith.addi %add3A_1764, %iota3A : vector<16xi32>
    %get3A_1766 = arith.constant 384 : index
    %get3A_1767 = tpu.vector_load %arg9[%get3A_1766] {strides = array<i32>} : memref<528xi32, #tpu.memory_space<vmem>>, vector<16xi32>,
    %and3A_1768 = arith.constant 127 : i32
    %and3A_1769 = vector.broadcast %and3A_1768 : i32 to vector<16xi32>
    %and3A_1770 = arith.andi %get3A_1767, %and3A_1769 : vector<16xi32>
    %get3A_1771 = arith.constant 384 : index
    %get3A_1772 = tpu.vector_load %arg10[%get3A_1771] {strides = array<i32>} : memref<528xi32, #tpu.memory_space<vmem>>, vector<16xi32>,
    %and3A_1773 = arith.constant 127 : i32
    %and3A_1774 = vector.broadcast %and3A_1773 : i32 to vector<16xi32>
    %and3A_1775 = arith.andi %get3A_1772, %and3A_1774 : vector<16xi32>
    %gather3A_1776 = tpu.vector_load_idx %arg15[%broadcast_in_dim3A_1762, %add3A_1765, %and3A_1770] : memref<2x32x128xf32, #tpu.memory_space<vmem>>[vector<16xi32>, vector<16xi32>, vector<16xi32>], vector<16xf32>,
    %swap3A_1777 = arith.constant 384 : index
    %swap3A_1778 = tpu.vector_load %arg17[%swap3A_1777] {strides = array<i32>} : memref<512xf32, #tpu.memory_space<vmem>>, vector<16xf32>,
    tpu.vector_store %arg17[%swap3A_1777], %gather3A_1776 {strides = array<i32>} : memref<512xf32, #tpu.memory_space<vmem>>, vector<16xf32>,
    %gather3A_1779 = tpu.vector_load_idx %arg16[%broadcast_in_dim3A_1762, %add3A_1765, %and3A_1775] : memref<2x32x128xf32, #tpu.memory_space<vmem>>[vector<16xi32>, vector<16xi32>, vector<16xi32>], vector<16xf32>,
    %swap3A_1780 = arith.constant 384 : index
    %swap3A_1781 = tpu.vector_load %arg18[%swap3A_1780] {strides = array<i32>} : memref<512xf32, #tpu.memory_space<vmem>>, vector<16xf32>,
    tpu.vector_store %arg18[%swap3A_1780], %gather3A_1779 {strides = array<i32>} : memref<512xf32, #tpu.memory_space<vmem>>, vector<16xf32>,
    %add3A_1782 = arith.constant 16 : i32
    %add3A_1783 = vector.broadcast %add3A_1782 : i32 to vector<16xi32>
    %add3A_1784 = arith.addi %add3A_1783, %iota3A : vector<16xi32>
    %get3A_1785 = arith.constant 400 : index
    %get3A_1786 = tpu.vector_load %arg9[%get3A_1785] {strides = array<i32>} : memref<528xi32, #tpu.memory_space<vmem>>, vector<16xi32>,
    %and3A_1787 = arith.constant 127 : i32
    %and3A_1788 = vector.broadcast %and3A_1787 : i32 to vector<16xi32>
    %and3A_1789 = arith.andi %get3A_1786, %and3A_1788 : vector<16xi32>
    %get3A_1790 = arith.constant 400 : index
    %get3A_1791 = tpu.vector_load %arg10[%get3A_1790] {strides = array<i32>} : memref<528xi32, #tpu.memory_space<vmem>>, vector<16xi32>,
    %and3A_1792 = arith.constant 127 : i32
    %and3A_1793 = vector.broadcast %and3A_1792 : i32 to vector<16xi32>
    %and3A_1794 = arith.andi %get3A_1791, %and3A_1793 : vector<16xi32>
    %gather3A_1795 = tpu.vector_load_idx %arg15[%broadcast_in_dim3A_1762, %add3A_1784, %and3A_1789] : memref<2x32x128xf32, #tpu.memory_space<vmem>>[vector<16xi32>, vector<16xi32>, vector<16xi32>], vector<16xf32>,
    %swap3A_1796 = arith.constant 400 : index
    %swap3A_1797 = tpu.vector_load %arg17[%swap3A_1796] {strides = array<i32>} : memref<512xf32, #tpu.memory_space<vmem>>, vector<16xf32>,
    tpu.vector_store %arg17[%swap3A_1796], %gather3A_1795 {strides = array<i32>} : memref<512xf32, #tpu.memory_space<vmem>>, vector<16xf32>,
    %gather3A_1798 = tpu.vector_load_idx %arg16[%broadcast_in_dim3A_1762, %add3A_1784, %and3A_1794] : memref<2x32x128xf32, #tpu.memory_space<vmem>>[vector<16xi32>, vector<16xi32>, vector<16xi32>], vector<16xf32>,
    %swap3A_1799 = arith.constant 400 : index
    %swap3A_1800 = tpu.vector_load %arg18[%swap3A_1799] {strides = array<i32>} : memref<512xf32, #tpu.memory_space<vmem>>, vector<16xf32>,
    tpu.vector_store %arg18[%swap3A_1799], %gather3A_1798 {strides = array<i32>} : memref<512xf32, #tpu.memory_space<vmem>>, vector<16xf32>,
    %dma_start3A_1801 = arith.constant 0 : i32
    %dma_start3A_1802 = arith.constant 0 : i32
    %dma_start3A_1803 = arith.constant 0 : i32
    %dma_start3A_1804 = arith.constant 0 : i32
    %dma_start3A_1805 = tpu.memref_slice %arg15[%dma_start3A_1801, %dma_start3A_1803, %dma_start3A_1804] : memref<2x32x128xf32, #tpu.memory_space<vmem>> -> memref<1x32x128xf32, #tpu.memory_space<vmem>>
    %dma_start3A_1806 = tpu.memref_squeeze %dma_start3A_1805 : memref<1x32x128xf32, #tpu.memory_space<vmem>> -> memref<32x128xf32, #tpu.memory_space<vmem>>
    %dma_start3A_1807 = arith.constant 448 : i32
    %dma_start3A_1808 = tpu.memref_slice %arg11[%dma_start3A_1807] : memref<512xi32, #tpu.memory_space<vmem>> -> memref<32xi32, #tpu.memory_space<vmem>>
    %dma_start3A_1809 = arith.constant 0 : i32
    %dma_start3A_1810 = arith.constant 0 : i32
    %dma_start3A_1811 = tpu.memref_slice %arg6[%dma_start3A_1809, %dma_start3A_1810] : memref<7813x128xf32, #tpu.memory_space<hbm>> -> memref<7813x128xf32, #tpu.memory_space<hbm>>
    %dma_start3A_1812 = tpu.memref_slice %arg21[%dma_start3A_1802] : memref<2x!tpu.dma_semaphore, #tpu.memory_space<semaphore_mem>> -> memref<1x!tpu.dma_semaphore, #tpu.memory_space<semaphore_mem>>
    %dma_start3A_1813 = tpu.memref_squeeze %dma_start3A_1812 : memref<1x!tpu.dma_semaphore, #tpu.memory_space<semaphore_mem>> -> memref<!tpu.dma_semaphore, #tpu.memory_space<semaphore_mem>>
    tpu.enqueue_indirect_dma source(%dma_start3A_1811 : memref<7813x128xf32, #tpu.memory_space<hbm>>) target(%dma_start3A_1806 : memref<32x128xf32, #tpu.memory_space<vmem>>) offsets(%dma_start3A_1808 : memref<32xi32, #tpu.memory_space<vmem>>) semaphore(%dma_start3A_1813 : memref<!tpu.dma_semaphore, #tpu.memory_space<semaphore_mem>>)
    %dma_start3A_1814 = arith.constant 0 : i32
    %dma_start3A_1815 = arith.constant 0 : i32
    %dma_start3A_1816 = arith.constant 0 : i32
    %dma_start3A_1817 = arith.constant 0 : i32
    %dma_start3A_1818 = tpu.memref_slice %arg16[%dma_start3A_1814, %dma_start3A_1816, %dma_start3A_1817] : memref<2x32x128xf32, #tpu.memory_space<vmem>> -> memref<1x32x128xf32, #tpu.memory_space<vmem>>
    %dma_start3A_1819 = tpu.memref_squeeze %dma_start3A_1818 : memref<1x32x128xf32, #tpu.memory_space<vmem>> -> memref<32x128xf32, #tpu.memory_space<vmem>>
    %dma_start3A_1820 = arith.constant 448 : i32
    %dma_start3A_1821 = tpu.memref_slice %arg12[%dma_start3A_1820] : memref<512xi32, #tpu.memory_space<vmem>> -> memref<32xi32, #tpu.memory_space<vmem>>
    %dma_start3A_1822 = arith.constant 0 : i32
    %dma_start3A_1823 = arith.constant 0 : i32
    %dma_start3A_1824 = tpu.memref_slice %arg7[%dma_start3A_1822, %dma_start3A_1823] : memref<7813x128xf32, #tpu.memory_space<hbm>> -> memref<7813x128xf32, #tpu.memory_space<hbm>>
    %dma_start3A_1825 = tpu.memref_slice %arg21[%dma_start3A_1815] : memref<2x!tpu.dma_semaphore, #tpu.memory_space<semaphore_mem>> -> memref<1x!tpu.dma_semaphore, #tpu.memory_space<semaphore_mem>>
    %dma_start3A_1826 = tpu.memref_squeeze %dma_start3A_1825 : memref<1x!tpu.dma_semaphore, #tpu.memory_space<semaphore_mem>> -> memref<!tpu.dma_semaphore, #tpu.memory_space<semaphore_mem>>
    tpu.enqueue_indirect_dma source(%dma_start3A_1824 : memref<7813x128xf32, #tpu.memory_space<hbm>>) target(%dma_start3A_1819 : memref<32x128xf32, #tpu.memory_space<vmem>>) offsets(%dma_start3A_1821 : memref<32xi32, #tpu.memory_space<vmem>>) semaphore(%dma_start3A_1826 : memref<!tpu.dma_semaphore, #tpu.memory_space<semaphore_mem>>)
    %dma_wait3A_1827 = arith.constant 1 : i32
    %dma_wait3A_1828 = arith.constant 1 : i32
    %dma_wait3A_1829 = arith.constant 0 : i32
    %dma_wait3A_1830 = arith.constant 0 : i32
    %dma_wait3A_1831 = tpu.memref_slice %arg15[%dma_wait3A_1827, %dma_wait3A_1829, %dma_wait3A_1830] : memref<2x32x128xf32, #tpu.memory_space<vmem>> -> memref<1x32x128xf32, #tpu.memory_space<vmem>>
    %dma_wait3A_1832 = tpu.memref_squeeze %dma_wait3A_1831 : memref<1x32x128xf32, #tpu.memory_space<vmem>> -> memref<32x128xf32, #tpu.memory_space<vmem>>
    %dma_wait3A_1833 = arith.constant 0 : i32
    %dma_wait3A_1834 = arith.constant 0 : i32
    %dma_wait3A_1835 = tpu.memref_slice %arg6[%dma_wait3A_1833, %dma_wait3A_1834] : memref<7813x128xf32, #tpu.memory_space<hbm>> -> memref<32x128xf32, #tpu.memory_space<hbm>>
    %dma_wait3A_1836 = tpu.memref_slice %arg21[%dma_wait3A_1828] : memref<2x!tpu.dma_semaphore, #tpu.memory_space<semaphore_mem>> -> memref<1x!tpu.dma_semaphore, #tpu.memory_space<semaphore_mem>>
    %dma_wait3A_1837 = tpu.memref_squeeze %dma_wait3A_1836 : memref<1x!tpu.dma_semaphore, #tpu.memory_space<semaphore_mem>> -> memref<!tpu.dma_semaphore, #tpu.memory_space<semaphore_mem>>
    %dma_wait3A_1838 = arith.constant 0 : i32
    %dma_wait3A_1839 = arith.constant 0 : i32
    %dma_wait3A_1840 = tpu.memref_slice %arg15[%dma_wait3A_1827, %dma_wait3A_1838, %dma_wait3A_1839] : memref<2x32x128xf32, #tpu.memory_space<vmem>> -> memref<1x32x128xf32, #tpu.memory_space<vmem>>
    %dma_wait3A_1841 = tpu.memref_squeeze %dma_wait3A_1840 : memref<1x32x128xf32, #tpu.memory_space<vmem>> -> memref<32x128xf32, #tpu.memory_space<vmem>>
    %dma_wait3A_1842 = arith.constant 0 : i32
    %dma_wait3A_1843 = arith.constant 0 : i32
    %dma_wait3A_1844 = tpu.memref_slice %arg6[%dma_wait3A_1842, %dma_wait3A_1843] : memref<7813x128xf32, #tpu.memory_space<hbm>> -> memref<32x128xf32, #tpu.memory_space<hbm>>
    tpu.wait_dma2 semaphore(%dma_wait3A_1837 : memref<!tpu.dma_semaphore, #tpu.memory_space<semaphore_mem>>) src(%dma_wait3A_1844 : memref<32x128xf32, #tpu.memory_space<hbm>>) dst(%dma_wait3A_1841 : memref<32x128xf32, #tpu.memory_space<vmem>>)
    %dma_wait3A_1845 = arith.constant 1 : i32
    %dma_wait3A_1846 = arith.constant 1 : i32
    %dma_wait3A_1847 = arith.constant 0 : i32
    %dma_wait3A_1848 = arith.constant 0 : i32
    %dma_wait3A_1849 = tpu.memref_slice %arg16[%dma_wait3A_1845, %dma_wait3A_1847, %dma_wait3A_1848] : memref<2x32x128xf32, #tpu.memory_space<vmem>> -> memref<1x32x128xf32, #tpu.memory_space<vmem>>
    %dma_wait3A_1850 = tpu.memref_squeeze %dma_wait3A_1849 : memref<1x32x128xf32, #tpu.memory_space<vmem>> -> memref<32x128xf32, #tpu.memory_space<vmem>>
    %dma_wait3A_1851 = arith.constant 0 : i32
    %dma_wait3A_1852 = arith.constant 0 : i32
    %dma_wait3A_1853 = tpu.memref_slice %arg6[%dma_wait3A_1851, %dma_wait3A_1852] : memref<7813x128xf32, #tpu.memory_space<hbm>> -> memref<32x128xf32, #tpu.memory_space<hbm>>
    %dma_wait3A_1854 = tpu.memref_slice %arg21[%dma_wait3A_1846] : memref<2x!tpu.dma_semaphore, #tpu.memory_space<semaphore_mem>> -> memref<1x!tpu.dma_semaphore, #tpu.memory_space<semaphore_mem>>
    %dma_wait3A_1855 = tpu.memref_squeeze %dma_wait3A_1854 : memref<1x!tpu.dma_semaphore, #tpu.memory_space<semaphore_mem>> -> memref<!tpu.dma_semaphore, #tpu.memory_space<semaphore_mem>>
    %dma_wait3A_1856 = arith.constant 0 : i32
    %dma_wait3A_1857 = arith.constant 0 : i32
    %dma_wait3A_1858 = tpu.memref_slice %arg16[%dma_wait3A_1845, %dma_wait3A_1856, %dma_wait3A_1857] : memref<2x32x128xf32, #tpu.memory_space<vmem>> -> memref<1x32x128xf32, #tpu.memory_space<vmem>>
    %dma_wait3A_1859 = tpu.memref_squeeze %dma_wait3A_1858 : memref<1x32x128xf32, #tpu.memory_space<vmem>> -> memref<32x128xf32, #tpu.memory_space<vmem>>
    %dma_wait3A_1860 = arith.constant 0 : i32
    %dma_wait3A_1861 = arith.constant 0 : i32
    %dma_wait3A_1862 = tpu.memref_slice %arg6[%dma_wait3A_1860, %dma_wait3A_1861] : memref<7813x128xf32, #tpu.memory_space<hbm>> -> memref<32x128xf32, #tpu.memory_space<hbm>>
    tpu.wait_dma2 semaphore(%dma_wait3A_1855 : memref<!tpu.dma_semaphore, #tpu.memory_space<semaphore_mem>>) src(%dma_wait3A_1862 : memref<32x128xf32, #tpu.memory_space<hbm>>) dst(%dma_wait3A_1859 : memref<32x128xf32, #tpu.memory_space<vmem>>)
    %broadcast_in_dim3A_1863 = arith.constant 1 : i32
    %broadcast_in_dim3A_1864 = vector.broadcast %broadcast_in_dim3A_1863 : i32 to vector<16xi32>
    %add3A_1865 = arith.constant 0 : i32
    %add3A_1866 = vector.broadcast %add3A_1865 : i32 to vector<16xi32>
    %add3A_1867 = arith.addi %add3A_1866, %iota3A : vector<16xi32>
    %get3A_1868 = arith.constant 416 : index
    %get3A_1869 = tpu.vector_load %arg9[%get3A_1868] {strides = array<i32>} : memref<528xi32, #tpu.memory_space<vmem>>, vector<16xi32>,
    %and3A_1870 = arith.constant 127 : i32
    %and3A_1871 = vector.broadcast %and3A_1870 : i32 to vector<16xi32>
    %and3A_1872 = arith.andi %get3A_1869, %and3A_1871 : vector<16xi32>
    %get3A_1873 = arith.constant 416 : index
    %get3A_1874 = tpu.vector_load %arg10[%get3A_1873] {strides = array<i32>} : memref<528xi32, #tpu.memory_space<vmem>>, vector<16xi32>,
    %and3A_1875 = arith.constant 127 : i32
    %and3A_1876 = vector.broadcast %and3A_1875 : i32 to vector<16xi32>
    %and3A_1877 = arith.andi %get3A_1874, %and3A_1876 : vector<16xi32>
    %gather3A_1878 = tpu.vector_load_idx %arg15[%broadcast_in_dim3A_1864, %add3A_1867, %and3A_1872] : memref<2x32x128xf32, #tpu.memory_space<vmem>>[vector<16xi32>, vector<16xi32>, vector<16xi32>], vector<16xf32>,
    %swap3A_1879 = arith.constant 416 : index
    %swap3A_1880 = tpu.vector_load %arg17[%swap3A_1879] {strides = array<i32>} : memref<512xf32, #tpu.memory_space<vmem>>, vector<16xf32>,
    tpu.vector_store %arg17[%swap3A_1879], %gather3A_1878 {strides = array<i32>} : memref<512xf32, #tpu.memory_space<vmem>>, vector<16xf32>,
    %gather3A_1881 = tpu.vector_load_idx %arg16[%broadcast_in_dim3A_1864, %add3A_1867, %and3A_1877] : memref<2x32x128xf32, #tpu.memory_space<vmem>>[vector<16xi32>, vector<16xi32>, vector<16xi32>], vector<16xf32>,
    %swap3A_1882 = arith.constant 416 : index
    %swap3A_1883 = tpu.vector_load %arg18[%swap3A_1882] {strides = array<i32>} : memref<512xf32, #tpu.memory_space<vmem>>, vector<16xf32>,
    tpu.vector_store %arg18[%swap3A_1882], %gather3A_1881 {strides = array<i32>} : memref<512xf32, #tpu.memory_space<vmem>>, vector<16xf32>,
    %add3A_1884 = arith.constant 16 : i32
    %add3A_1885 = vector.broadcast %add3A_1884 : i32 to vector<16xi32>
    %add3A_1886 = arith.addi %add3A_1885, %iota3A : vector<16xi32>
    %get3A_1887 = arith.constant 432 : index
    %get3A_1888 = tpu.vector_load %arg9[%get3A_1887] {strides = array<i32>} : memref<528xi32, #tpu.memory_space<vmem>>, vector<16xi32>,
    %and3A_1889 = arith.constant 127 : i32
    %and3A_1890 = vector.broadcast %and3A_1889 : i32 to vector<16xi32>
    %and3A_1891 = arith.andi %get3A_1888, %and3A_1890 : vector<16xi32>
    %get3A_1892 = arith.constant 432 : index
    %get3A_1893 = tpu.vector_load %arg10[%get3A_1892] {strides = array<i32>} : memref<528xi32, #tpu.memory_space<vmem>>, vector<16xi32>,
    %and3A_1894 = arith.constant 127 : i32
    %and3A_1895 = vector.broadcast %and3A_1894 : i32 to vector<16xi32>
    %and3A_1896 = arith.andi %get3A_1893, %and3A_1895 : vector<16xi32>
    %gather3A_1897 = tpu.vector_load_idx %arg15[%broadcast_in_dim3A_1864, %add3A_1886, %and3A_1891] : memref<2x32x128xf32, #tpu.memory_space<vmem>>[vector<16xi32>, vector<16xi32>, vector<16xi32>], vector<16xf32>,
    %swap3A_1898 = arith.constant 432 : index
    %swap3A_1899 = tpu.vector_load %arg17[%swap3A_1898] {strides = array<i32>} : memref<512xf32, #tpu.memory_space<vmem>>, vector<16xf32>,
    tpu.vector_store %arg17[%swap3A_1898], %gather3A_1897 {strides = array<i32>} : memref<512xf32, #tpu.memory_space<vmem>>, vector<16xf32>,
    %gather3A_1900 = tpu.vector_load_idx %arg16[%broadcast_in_dim3A_1864, %add3A_1886, %and3A_1896] : memref<2x32x128xf32, #tpu.memory_space<vmem>>[vector<16xi32>, vector<16xi32>, vector<16xi32>], vector<16xf32>,
    %swap3A_1901 = arith.constant 432 : index
    %swap3A_1902 = tpu.vector_load %arg18[%swap3A_1901] {strides = array<i32>} : memref<512xf32, #tpu.memory_space<vmem>>, vector<16xf32>,
    tpu.vector_store %arg18[%swap3A_1901], %gather3A_1900 {strides = array<i32>} : memref<512xf32, #tpu.memory_space<vmem>>, vector<16xf32>,
    %dma_start3A_1903 = arith.constant 1 : i32
    %dma_start3A_1904 = arith.constant 1 : i32
    %dma_start3A_1905 = arith.constant 0 : i32
    %dma_start3A_1906 = arith.constant 0 : i32
    %dma_start3A_1907 = tpu.memref_slice %arg15[%dma_start3A_1903, %dma_start3A_1905, %dma_start3A_1906] : memref<2x32x128xf32, #tpu.memory_space<vmem>> -> memref<1x32x128xf32, #tpu.memory_space<vmem>>
    %dma_start3A_1908 = tpu.memref_squeeze %dma_start3A_1907 : memref<1x32x128xf32, #tpu.memory_space<vmem>> -> memref<32x128xf32, #tpu.memory_space<vmem>>
    %dma_start3A_1909 = arith.constant 480 : i32
    %dma_start3A_1910 = tpu.memref_slice %arg11[%dma_start3A_1909] : memref<512xi32, #tpu.memory_space<vmem>> -> memref<32xi32, #tpu.memory_space<vmem>>
    %dma_start3A_1911 = arith.constant 0 : i32
    %dma_start3A_1912 = arith.constant 0 : i32
    %dma_start3A_1913 = tpu.memref_slice %arg6[%dma_start3A_1911, %dma_start3A_1912] : memref<7813x128xf32, #tpu.memory_space<hbm>> -> memref<7813x128xf32, #tpu.memory_space<hbm>>
    %dma_start3A_1914 = tpu.memref_slice %arg21[%dma_start3A_1904] : memref<2x!tpu.dma_semaphore, #tpu.memory_space<semaphore_mem>> -> memref<1x!tpu.dma_semaphore, #tpu.memory_space<semaphore_mem>>
    %dma_start3A_1915 = tpu.memref_squeeze %dma_start3A_1914 : memref<1x!tpu.dma_semaphore, #tpu.memory_space<semaphore_mem>> -> memref<!tpu.dma_semaphore, #tpu.memory_space<semaphore_mem>>
    tpu.enqueue_indirect_dma source(%dma_start3A_1913 : memref<7813x128xf32, #tpu.memory_space<hbm>>) target(%dma_start3A_1908 : memref<32x128xf32, #tpu.memory_space<vmem>>) offsets(%dma_start3A_1910 : memref<32xi32, #tpu.memory_space<vmem>>) semaphore(%dma_start3A_1915 : memref<!tpu.dma_semaphore, #tpu.memory_space<semaphore_mem>>)
    %dma_start3A_1916 = arith.constant 1 : i32
    %dma_start3A_1917 = arith.constant 1 : i32
    %dma_start3A_1918 = arith.constant 0 : i32
    %dma_start3A_1919 = arith.constant 0 : i32
    %dma_start3A_1920 = tpu.memref_slice %arg16[%dma_start3A_1916, %dma_start3A_1918, %dma_start3A_1919] : memref<2x32x128xf32, #tpu.memory_space<vmem>> -> memref<1x32x128xf32, #tpu.memory_space<vmem>>
    %dma_start3A_1921 = tpu.memref_squeeze %dma_start3A_1920 : memref<1x32x128xf32, #tpu.memory_space<vmem>> -> memref<32x128xf32, #tpu.memory_space<vmem>>
    %dma_start3A_1922 = arith.constant 480 : i32
    %dma_start3A_1923 = tpu.memref_slice %arg12[%dma_start3A_1922] : memref<512xi32, #tpu.memory_space<vmem>> -> memref<32xi32, #tpu.memory_space<vmem>>
    %dma_start3A_1924 = arith.constant 0 : i32
    %dma_start3A_1925 = arith.constant 0 : i32
    %dma_start3A_1926 = tpu.memref_slice %arg7[%dma_start3A_1924, %dma_start3A_1925] : memref<7813x128xf32, #tpu.memory_space<hbm>> -> memref<7813x128xf32, #tpu.memory_space<hbm>>
    %dma_start3A_1927 = tpu.memref_slice %arg21[%dma_start3A_1917] : memref<2x!tpu.dma_semaphore, #tpu.memory_space<semaphore_mem>> -> memref<1x!tpu.dma_semaphore, #tpu.memory_space<semaphore_mem>>
    %dma_start3A_1928 = tpu.memref_squeeze %dma_start3A_1927 : memref<1x!tpu.dma_semaphore, #tpu.memory_space<semaphore_mem>> -> memref<!tpu.dma_semaphore, #tpu.memory_space<semaphore_mem>>
    tpu.enqueue_indirect_dma source(%dma_start3A_1926 : memref<7813x128xf32, #tpu.memory_space<hbm>>) target(%dma_start3A_1921 : memref<32x128xf32, #tpu.memory_space<vmem>>) offsets(%dma_start3A_1923 : memref<32xi32, #tpu.memory_space<vmem>>) semaphore(%dma_start3A_1928 : memref<!tpu.dma_semaphore, #tpu.memory_space<semaphore_mem>>)
    %dma_wait3A_1929 = arith.constant 0 : i32
    %dma_wait3A_1930 = arith.constant 0 : i32
    %dma_wait3A_1931 = arith.constant 0 : i32
    %dma_wait3A_1932 = arith.constant 0 : i32
    %dma_wait3A_1933 = tpu.memref_slice %arg15[%dma_wait3A_1929, %dma_wait3A_1931, %dma_wait3A_1932] : memref<2x32x128xf32, #tpu.memory_space<vmem>> -> memref<1x32x128xf32, #tpu.memory_space<vmem>>
    %dma_wait3A_1934 = tpu.memref_squeeze %dma_wait3A_1933 : memref<1x32x128xf32, #tpu.memory_space<vmem>> -> memref<32x128xf32, #tpu.memory_space<vmem>>
    %dma_wait3A_1935 = arith.constant 0 : i32
    %dma_wait3A_1936 = arith.constant 0 : i32
    %dma_wait3A_1937 = tpu.memref_slice %arg6[%dma_wait3A_1935, %dma_wait3A_1936] : memref<7813x128xf32, #tpu.memory_space<hbm>> -> memref<32x128xf32, #tpu.memory_space<hbm>>
    %dma_wait3A_1938 = tpu.memref_slice %arg21[%dma_wait3A_1930] : memref<2x!tpu.dma_semaphore, #tpu.memory_space<semaphore_mem>> -> memref<1x!tpu.dma_semaphore, #tpu.memory_space<semaphore_mem>>
    %dma_wait3A_1939 = tpu.memref_squeeze %dma_wait3A_1938 : memref<1x!tpu.dma_semaphore, #tpu.memory_space<semaphore_mem>> -> memref<!tpu.dma_semaphore, #tpu.memory_space<semaphore_mem>>
    %dma_wait3A_1940 = arith.constant 0 : i32
    %dma_wait3A_1941 = arith.constant 0 : i32
    %dma_wait3A_1942 = tpu.memref_slice %arg15[%dma_wait3A_1929, %dma_wait3A_1940, %dma_wait3A_1941] : memref<2x32x128xf32, #tpu.memory_space<vmem>> -> memref<1x32x128xf32, #tpu.memory_space<vmem>>
    %dma_wait3A_1943 = tpu.memref_squeeze %dma_wait3A_1942 : memref<1x32x128xf32, #tpu.memory_space<vmem>> -> memref<32x128xf32, #tpu.memory_space<vmem>>
    %dma_wait3A_1944 = arith.constant 0 : i32
    %dma_wait3A_1945 = arith.constant 0 : i32
    %dma_wait3A_1946 = tpu.memref_slice %arg6[%dma_wait3A_1944, %dma_wait3A_1945] : memref<7813x128xf32, #tpu.memory_space<hbm>> -> memref<32x128xf32, #tpu.memory_space<hbm>>
    tpu.wait_dma2 semaphore(%dma_wait3A_1939 : memref<!tpu.dma_semaphore, #tpu.memory_space<semaphore_mem>>) src(%dma_wait3A_1946 : memref<32x128xf32, #tpu.memory_space<hbm>>) dst(%dma_wait3A_1943 : memref<32x128xf32, #tpu.memory_space<vmem>>)
    %dma_wait3A_1947 = arith.constant 0 : i32
    %dma_wait3A_1948 = arith.constant 0 : i32
    %dma_wait3A_1949 = arith.constant 0 : i32
    %dma_wait3A_1950 = arith.constant 0 : i32
    %dma_wait3A_1951 = tpu.memref_slice %arg16[%dma_wait3A_1947, %dma_wait3A_1949, %dma_wait3A_1950] : memref<2x32x128xf32, #tpu.memory_space<vmem>> -> memref<1x32x128xf32, #tpu.memory_space<vmem>>
    %dma_wait3A_1952 = tpu.memref_squeeze %dma_wait3A_1951 : memref<1x32x128xf32, #tpu.memory_space<vmem>> -> memref<32x128xf32, #tpu.memory_space<vmem>>
    %dma_wait3A_1953 = arith.constant 0 : i32
    %dma_wait3A_1954 = arith.constant 0 : i32
    %dma_wait3A_1955 = tpu.memref_slice %arg6[%dma_wait3A_1953, %dma_wait3A_1954] : memref<7813x128xf32, #tpu.memory_space<hbm>> -> memref<32x128xf32, #tpu.memory_space<hbm>>
    %dma_wait3A_1956 = tpu.memref_slice %arg21[%dma_wait3A_1948] : memref<2x!tpu.dma_semaphore, #tpu.memory_space<semaphore_mem>> -> memref<1x!tpu.dma_semaphore, #tpu.memory_space<semaphore_mem>>
    %dma_wait3A_1957 = tpu.memref_squeeze %dma_wait3A_1956 : memref<1x!tpu.dma_semaphore, #tpu.memory_space<semaphore_mem>> -> memref<!tpu.dma_semaphore, #tpu.memory_space<semaphore_mem>>
    %dma_wait3A_1958 = arith.constant 0 : i32
    %dma_wait3A_1959 = arith.constant 0 : i32
    %dma_wait3A_1960 = tpu.memref_slice %arg16[%dma_wait3A_1947, %dma_wait3A_1958, %dma_wait3A_1959] : memref<2x32x128xf32, #tpu.memory_space<vmem>> -> memref<1x32x128xf32, #tpu.memory_space<vmem>>
    %dma_wait3A_1961 = tpu.memref_squeeze %dma_wait3A_1960 : memref<1x32x128xf32, #tpu.memory_space<vmem>> -> memref<32x128xf32, #tpu.memory_space<vmem>>
    %dma_wait3A_1962 = arith.constant 0 : i32
    %dma_wait3A_1963 = arith.constant 0 : i32
    %dma_wait3A_1964 = tpu.memref_slice %arg6[%dma_wait3A_1962, %dma_wait3A_1963] : memref<7813x128xf32, #tpu.memory_space<hbm>> -> memref<32x128xf32, #tpu.memory_space<hbm>>
    tpu.wait_dma2 semaphore(%dma_wait3A_1957 : memref<!tpu.dma_semaphore, #tpu.memory_space<semaphore_mem>>) src(%dma_wait3A_1964 : memref<32x128xf32, #tpu.memory_space<hbm>>) dst(%dma_wait3A_1961 : memref<32x128xf32, #tpu.memory_space<vmem>>)
    %broadcast_in_dim3A_1965 = arith.constant 0 : i32
    %broadcast_in_dim3A_1966 = vector.broadcast %broadcast_in_dim3A_1965 : i32 to vector<16xi32>
    %add3A_1967 = arith.constant 0 : i32
    %add3A_1968 = vector.broadcast %add3A_1967 : i32 to vector<16xi32>
    %add3A_1969 = arith.addi %add3A_1968, %iota3A : vector<16xi32>
    %get3A_1970 = arith.constant 448 : index
    %get3A_1971 = tpu.vector_load %arg9[%get3A_1970] {strides = array<i32>} : memref<528xi32, #tpu.memory_space<vmem>>, vector<16xi32>,
    %and3A_1972 = arith.constant 127 : i32
    %and3A_1973 = vector.broadcast %and3A_1972 : i32 to vector<16xi32>
    %and3A_1974 = arith.andi %get3A_1971, %and3A_1973 : vector<16xi32>
    %get3A_1975 = arith.constant 448 : index
    %get3A_1976 = tpu.vector_load %arg10[%get3A_1975] {strides = array<i32>} : memref<528xi32, #tpu.memory_space<vmem>>, vector<16xi32>,
    %and3A_1977 = arith.constant 127 : i32
    %and3A_1978 = vector.broadcast %and3A_1977 : i32 to vector<16xi32>
    %and3A_1979 = arith.andi %get3A_1976, %and3A_1978 : vector<16xi32>
    %gather3A_1980 = tpu.vector_load_idx %arg15[%broadcast_in_dim3A_1966, %add3A_1969, %and3A_1974] : memref<2x32x128xf32, #tpu.memory_space<vmem>>[vector<16xi32>, vector<16xi32>, vector<16xi32>], vector<16xf32>,
    %swap3A_1981 = arith.constant 448 : index
    %swap3A_1982 = tpu.vector_load %arg17[%swap3A_1981] {strides = array<i32>} : memref<512xf32, #tpu.memory_space<vmem>>, vector<16xf32>,
    tpu.vector_store %arg17[%swap3A_1981], %gather3A_1980 {strides = array<i32>} : memref<512xf32, #tpu.memory_space<vmem>>, vector<16xf32>,
    %gather3A_1983 = tpu.vector_load_idx %arg16[%broadcast_in_dim3A_1966, %add3A_1969, %and3A_1979] : memref<2x32x128xf32, #tpu.memory_space<vmem>>[vector<16xi32>, vector<16xi32>, vector<16xi32>], vector<16xf32>,
    %swap3A_1984 = arith.constant 448 : index
    %swap3A_1985 = tpu.vector_load %arg18[%swap3A_1984] {strides = array<i32>} : memref<512xf32, #tpu.memory_space<vmem>>, vector<16xf32>,
    tpu.vector_store %arg18[%swap3A_1984], %gather3A_1983 {strides = array<i32>} : memref<512xf32, #tpu.memory_space<vmem>>, vector<16xf32>,
    %add3A_1986 = arith.constant 16 : i32
    %add3A_1987 = vector.broadcast %add3A_1986 : i32 to vector<16xi32>
    %add3A_1988 = arith.addi %add3A_1987, %iota3A : vector<16xi32>
    %get3A_1989 = arith.constant 464 : index
    %get3A_1990 = tpu.vector_load %arg9[%get3A_1989] {strides = array<i32>} : memref<528xi32, #tpu.memory_space<vmem>>, vector<16xi32>,
    %and3A_1991 = arith.constant 127 : i32
    %and3A_1992 = vector.broadcast %and3A_1991 : i32 to vector<16xi32>
    %and3A_1993 = arith.andi %get3A_1990, %and3A_1992 : vector<16xi32>
    %get3A_1994 = arith.constant 464 : index
    %get3A_1995 = tpu.vector_load %arg10[%get3A_1994] {strides = array<i32>} : memref<528xi32, #tpu.memory_space<vmem>>, vector<16xi32>,
    %and3A_1996 = arith.constant 127 : i32
    %and3A_1997 = vector.broadcast %and3A_1996 : i32 to vector<16xi32>
    %and3A_1998 = arith.andi %get3A_1995, %and3A_1997 : vector<16xi32>
    %gather3A_1999 = tpu.vector_load_idx %arg15[%broadcast_in_dim3A_1966, %add3A_1988, %and3A_1993] : memref<2x32x128xf32, #tpu.memory_space<vmem>>[vector<16xi32>, vector<16xi32>, vector<16xi32>], vector<16xf32>,
    %swap3A_2000 = arith.constant 464 : index
    %swap3A_2001 = tpu.vector_load %arg17[%swap3A_2000] {strides = array<i32>} : memref<512xf32, #tpu.memory_space<vmem>>, vector<16xf32>,
    tpu.vector_store %arg17[%swap3A_2000], %gather3A_1999 {strides = array<i32>} : memref<512xf32, #tpu.memory_space<vmem>>, vector<16xf32>,
    %gather3A_2002 = tpu.vector_load_idx %arg16[%broadcast_in_dim3A_1966, %add3A_1988, %and3A_1998] : memref<2x32x128xf32, #tpu.memory_space<vmem>>[vector<16xi32>, vector<16xi32>, vector<16xi32>], vector<16xf32>,
    %swap3A_2003 = arith.constant 464 : index
    %swap3A_2004 = tpu.vector_load %arg18[%swap3A_2003] {strides = array<i32>} : memref<512xf32, #tpu.memory_space<vmem>>, vector<16xf32>,
    tpu.vector_store %arg18[%swap3A_2003], %gather3A_2002 {strides = array<i32>} : memref<512xf32, #tpu.memory_space<vmem>>, vector<16xf32>,
    %dma_wait3A_2005 = arith.constant 1 : i32
    %dma_wait3A_2006 = arith.constant 1 : i32
    %dma_wait3A_2007 = arith.constant 0 : i32
    %dma_wait3A_2008 = arith.constant 0 : i32
    %dma_wait3A_2009 = tpu.memref_slice %arg15[%dma_wait3A_2005, %dma_wait3A_2007, %dma_wait3A_2008] : memref<2x32x128xf32, #tpu.memory_space<vmem>> -> memref<1x32x128xf32, #tpu.memory_space<vmem>>
    %dma_wait3A_2010 = tpu.memref_squeeze %dma_wait3A_2009 : memref<1x32x128xf32, #tpu.memory_space<vmem>> -> memref<32x128xf32, #tpu.memory_space<vmem>>
    %dma_wait3A_2011 = arith.constant 0 : i32
    %dma_wait3A_2012 = arith.constant 0 : i32
    %dma_wait3A_2013 = tpu.memref_slice %arg6[%dma_wait3A_2011, %dma_wait3A_2012] : memref<7813x128xf32, #tpu.memory_space<hbm>> -> memref<32x128xf32, #tpu.memory_space<hbm>>
    %dma_wait3A_2014 = tpu.memref_slice %arg21[%dma_wait3A_2006] : memref<2x!tpu.dma_semaphore, #tpu.memory_space<semaphore_mem>> -> memref<1x!tpu.dma_semaphore, #tpu.memory_space<semaphore_mem>>
    %dma_wait3A_2015 = tpu.memref_squeeze %dma_wait3A_2014 : memref<1x!tpu.dma_semaphore, #tpu.memory_space<semaphore_mem>> -> memref<!tpu.dma_semaphore, #tpu.memory_space<semaphore_mem>>
    %dma_wait3A_2016 = arith.constant 0 : i32
    %dma_wait3A_2017 = arith.constant 0 : i32
    %dma_wait3A_2018 = tpu.memref_slice %arg15[%dma_wait3A_2005, %dma_wait3A_2016, %dma_wait3A_2017] : memref<2x32x128xf32, #tpu.memory_space<vmem>> -> memref<1x32x128xf32, #tpu.memory_space<vmem>>
    %dma_wait3A_2019 = tpu.memref_squeeze %dma_wait3A_2018 : memref<1x32x128xf32, #tpu.memory_space<vmem>> -> memref<32x128xf32, #tpu.memory_space<vmem>>
    %dma_wait3A_2020 = arith.constant 0 : i32
    %dma_wait3A_2021 = arith.constant 0 : i32
    %dma_wait3A_2022 = tpu.memref_slice %arg6[%dma_wait3A_2020, %dma_wait3A_2021] : memref<7813x128xf32, #tpu.memory_space<hbm>> -> memref<32x128xf32, #tpu.memory_space<hbm>>
    tpu.wait_dma2 semaphore(%dma_wait3A_2015 : memref<!tpu.dma_semaphore, #tpu.memory_space<semaphore_mem>>) src(%dma_wait3A_2022 : memref<32x128xf32, #tpu.memory_space<hbm>>) dst(%dma_wait3A_2019 : memref<32x128xf32, #tpu.memory_space<vmem>>)
    %dma_wait3A_2023 = arith.constant 1 : i32
    %dma_wait3A_2024 = arith.constant 1 : i32
    %dma_wait3A_2025 = arith.constant 0 : i32
    %dma_wait3A_2026 = arith.constant 0 : i32
    %dma_wait3A_2027 = tpu.memref_slice %arg16[%dma_wait3A_2023, %dma_wait3A_2025, %dma_wait3A_2026] : memref<2x32x128xf32, #tpu.memory_space<vmem>> -> memref<1x32x128xf32, #tpu.memory_space<vmem>>
    %dma_wait3A_2028 = tpu.memref_squeeze %dma_wait3A_2027 : memref<1x32x128xf32, #tpu.memory_space<vmem>> -> memref<32x128xf32, #tpu.memory_space<vmem>>
    %dma_wait3A_2029 = arith.constant 0 : i32
    %dma_wait3A_2030 = arith.constant 0 : i32
    %dma_wait3A_2031 = tpu.memref_slice %arg6[%dma_wait3A_2029, %dma_wait3A_2030] : memref<7813x128xf32, #tpu.memory_space<hbm>> -> memref<32x128xf32, #tpu.memory_space<hbm>>
    %dma_wait3A_2032 = tpu.memref_slice %arg21[%dma_wait3A_2024] : memref<2x!tpu.dma_semaphore, #tpu.memory_space<semaphore_mem>> -> memref<1x!tpu.dma_semaphore, #tpu.memory_space<semaphore_mem>>
    %dma_wait3A_2033 = tpu.memref_squeeze %dma_wait3A_2032 : memref<1x!tpu.dma_semaphore, #tpu.memory_space<semaphore_mem>> -> memref<!tpu.dma_semaphore, #tpu.memory_space<semaphore_mem>>
    %dma_wait3A_2034 = arith.constant 0 : i32
    %dma_wait3A_2035 = arith.constant 0 : i32
    %dma_wait3A_2036 = tpu.memref_slice %arg16[%dma_wait3A_2023, %dma_wait3A_2034, %dma_wait3A_2035] : memref<2x32x128xf32, #tpu.memory_space<vmem>> -> memref<1x32x128xf32, #tpu.memory_space<vmem>>
    %dma_wait3A_2037 = tpu.memref_squeeze %dma_wait3A_2036 : memref<1x32x128xf32, #tpu.memory_space<vmem>> -> memref<32x128xf32, #tpu.memory_space<vmem>>
    %dma_wait3A_2038 = arith.constant 0 : i32
    %dma_wait3A_2039 = arith.constant 0 : i32
    %dma_wait3A_2040 = tpu.memref_slice %arg6[%dma_wait3A_2038, %dma_wait3A_2039] : memref<7813x128xf32, #tpu.memory_space<hbm>> -> memref<32x128xf32, #tpu.memory_space<hbm>>
    tpu.wait_dma2 semaphore(%dma_wait3A_2033 : memref<!tpu.dma_semaphore, #tpu.memory_space<semaphore_mem>>) src(%dma_wait3A_2040 : memref<32x128xf32, #tpu.memory_space<hbm>>) dst(%dma_wait3A_2037 : memref<32x128xf32, #tpu.memory_space<vmem>>)
    %broadcast_in_dim3A_2041 = arith.constant 1 : i32
    %broadcast_in_dim3A_2042 = vector.broadcast %broadcast_in_dim3A_2041 : i32 to vector<16xi32>
    %add3A_2043 = arith.constant 0 : i32
    %add3A_2044 = vector.broadcast %add3A_2043 : i32 to vector<16xi32>
    %add3A_2045 = arith.addi %add3A_2044, %iota3A : vector<16xi32>
    %get3A_2046 = arith.constant 480 : index
    %get3A_2047 = tpu.vector_load %arg9[%get3A_2046] {strides = array<i32>} : memref<528xi32, #tpu.memory_space<vmem>>, vector<16xi32>,
    %and3A_2048 = arith.constant 127 : i32
    %and3A_2049 = vector.broadcast %and3A_2048 : i32 to vector<16xi32>
    %and3A_2050 = arith.andi %get3A_2047, %and3A_2049 : vector<16xi32>
    %get3A_2051 = arith.constant 480 : index
    %get3A_2052 = tpu.vector_load %arg10[%get3A_2051] {strides = array<i32>} : memref<528xi32, #tpu.memory_space<vmem>>, vector<16xi32>,
    %and3A_2053 = arith.constant 127 : i32
    %and3A_2054 = vector.broadcast %and3A_2053 : i32 to vector<16xi32>
    %and3A_2055 = arith.andi %get3A_2052, %and3A_2054 : vector<16xi32>
    %gather3A_2056 = tpu.vector_load_idx %arg15[%broadcast_in_dim3A_2042, %add3A_2045, %and3A_2050] : memref<2x32x128xf32, #tpu.memory_space<vmem>>[vector<16xi32>, vector<16xi32>, vector<16xi32>], vector<16xf32>,
    %swap3A_2057 = arith.constant 480 : index
    %swap3A_2058 = tpu.vector_load %arg17[%swap3A_2057] {strides = array<i32>} : memref<512xf32, #tpu.memory_space<vmem>>, vector<16xf32>,
    tpu.vector_store %arg17[%swap3A_2057], %gather3A_2056 {strides = array<i32>} : memref<512xf32, #tpu.memory_space<vmem>>, vector<16xf32>,
    %gather3A_2059 = tpu.vector_load_idx %arg16[%broadcast_in_dim3A_2042, %add3A_2045, %and3A_2055] : memref<2x32x128xf32, #tpu.memory_space<vmem>>[vector<16xi32>, vector<16xi32>, vector<16xi32>], vector<16xf32>,
    %swap3A_2060 = arith.constant 480 : index
    %swap3A_2061 = tpu.vector_load %arg18[%swap3A_2060] {strides = array<i32>} : memref<512xf32, #tpu.memory_space<vmem>>, vector<16xf32>,
    tpu.vector_store %arg18[%swap3A_2060], %gather3A_2059 {strides = array<i32>} : memref<512xf32, #tpu.memory_space<vmem>>, vector<16xf32>,
    %add3A_2062 = arith.constant 16 : i32
    %add3A_2063 = vector.broadcast %add3A_2062 : i32 to vector<16xi32>
    %add3A_2064 = arith.addi %add3A_2063, %iota3A : vector<16xi32>
    %get3A_2065 = arith.constant 496 : index
    %get3A_2066 = tpu.vector_load %arg9[%get3A_2065] {strides = array<i32>} : memref<528xi32, #tpu.memory_space<vmem>>, vector<16xi32>,
    %and3A_2067 = arith.constant 127 : i32
    %and3A_2068 = vector.broadcast %and3A_2067 : i32 to vector<16xi32>
    %and3A_2069 = arith.andi %get3A_2066, %and3A_2068 : vector<16xi32>
    %get3A_2070 = arith.constant 496 : index
    %get3A_2071 = tpu.vector_load %arg10[%get3A_2070] {strides = array<i32>} : memref<528xi32, #tpu.memory_space<vmem>>, vector<16xi32>,
    %and3A_2072 = arith.constant 127 : i32
    %and3A_2073 = vector.broadcast %and3A_2072 : i32 to vector<16xi32>
    %and3A_2074 = arith.andi %get3A_2071, %and3A_2073 : vector<16xi32>
    %gather3A_2075 = tpu.vector_load_idx %arg15[%broadcast_in_dim3A_2042, %add3A_2064, %and3A_2069] : memref<2x32x128xf32, #tpu.memory_space<vmem>>[vector<16xi32>, vector<16xi32>, vector<16xi32>], vector<16xf32>,
    %swap3A_2076 = arith.constant 496 : index
    %swap3A_2077 = tpu.vector_load %arg17[%swap3A_2076] {strides = array<i32>} : memref<512xf32, #tpu.memory_space<vmem>>, vector<16xf32>,
    tpu.vector_store %arg17[%swap3A_2076], %gather3A_2075 {strides = array<i32>} : memref<512xf32, #tpu.memory_space<vmem>>, vector<16xf32>,
    %gather3A_2078 = tpu.vector_load_idx %arg16[%broadcast_in_dim3A_2042, %add3A_2064, %and3A_2074] : memref<2x32x128xf32, #tpu.memory_space<vmem>>[vector<16xi32>, vector<16xi32>, vector<16xi32>], vector<16xf32>,
    %swap3A_2079 = arith.constant 496 : index
    %swap3A_2080 = tpu.vector_load %arg18[%swap3A_2079] {strides = array<i32>} : memref<512xf32, #tpu.memory_space<vmem>>, vector<16xf32>,
    tpu.vector_store %arg18[%swap3A_2079], %gather3A_2078 {strides = array<i32>} : memref<512xf32, #tpu.memory_space<vmem>>, vector<16xf32>,
    %scan3A = arith.constant 0 : i32
    %scan3A_2081 = arith.constant 0 : i32
    %scan3A_2082 = arith.constant 261 : i32
    %scan3A_2083 = arith.addi %scan3A_2081, %scan3A_2082 : i32
    %scan3A_2084 = arith.constant 1 : i32
    scf.for %scan3A_2086 = %scan3A_2081 to %scan3A_2083 step %scan3A_2084  : i32 {
      %lt3A = arith.constant 256 : i32
      %lt3A_2087 = arith.cmpi slt, %scan3A_2086, %lt3A : i32
      %convert_element_type3A = arith.extui %lt3A_2087 : i1 to i32
      %cond3A = arith.constant 0 : i32
      %cond3A_2088 = arith.cmpi ne, %convert_element_type3A, %cond3A : i32
      scf.if %cond3A_2088 {
        %jit3A = arith.constant 6 : i32
        %eq3A = arith.constant 0 : i32
        %eq3A_2093 = arith.cmpi eq, %jit3A, %eq3A : i32
        %jit3A_2094 = arith.constant 1 : i32
        %select_n3A = arith.select %eq3A_2093, %jit3A_2094, %jit3A : i32
        %rem3A = arith.remsi %scan3A_2086, %select_n3A : i32
        %ne3A = arith.constant 0 : i32
        %ne3A_2095 = arith.cmpi ne, %rem3A, %ne3A : i32
        %lt3A_2096 = arith.constant 0 : i32
        %lt3A_2097 = arith.cmpi slt, %rem3A, %lt3A_2096 : i32
        %lt3A_2098 = arith.constant 0 : i32
        %lt3A_2099 = arith.cmpi slt, %select_n3A, %lt3A_2098 : i32
        %ne3A_2100 = arith.xori %lt3A_2097, %lt3A_2099 : i1
        %and3A_2101 = arith.andi %ne3A_2100, %ne3A_2095 : i1
        %add3A_2102 = arith.addi %rem3A, %select_n3A : i32
        %select_n3A_2103 = arith.select %and3A_2101, %add3A_2102, %rem3A : i32
        %mul3A_2104 = arith.constant 2 : i32
        %mul3A_2105 = arith.muli %scan3A_2086, %mul3A_2104 : i32
        %jit3A_2106 = arith.constant 16 : i32
        %div3A = arith.divsi %mul3A_2105, %jit3A_2106 : i32
        %sign3A = arith.constant 0 : i32
        %sign3A_2107 = arith.cmpi sgt, %mul3A_2105, %sign3A : i32
        %sign3A_2108 = arith.extui %sign3A_2107 : i1 to i32
        %sign3A_2109 = arith.constant 0 : i32
        %sign3A_2110 = arith.cmpi slt, %mul3A_2105, %sign3A_2109 : i32
        %sign3A_2111 = arith.extui %sign3A_2110 : i1 to i32
        %sign3A_2112 = arith.subi %sign3A_2108, %sign3A_2111 : i32
        %sign3A_2113 = arith.constant 0 : i32
        %sign3A_2114 = arith.cmpi sgt, %jit3A_2106, %sign3A_2113 : i32
        %sign3A_2115 = arith.extui %sign3A_2114 : i1 to i32
        %sign3A_2116 = arith.constant 0 : i32
        %sign3A_2117 = arith.cmpi slt, %jit3A_2106, %sign3A_2116 : i32
        %sign3A_2118 = arith.extui %sign3A_2117 : i1 to i32
        %sign3A_2119 = arith.subi %sign3A_2115, %sign3A_2118 : i32
        %ne3A_2120 = arith.cmpi ne, %sign3A_2112, %sign3A_2119 : i32
        %rem3A_2121 = arith.remsi %mul3A_2105, %jit3A_2106 : i32
        %ne3A_2122 = arith.constant 0 : i32
        %ne3A_2123 = arith.cmpi ne, %rem3A_2121, %ne3A_2122 : i32
        %and3A_2124 = arith.andi %ne3A_2120, %ne3A_2123 : i1
        %sub3A = arith.constant 1 : i32
        %sub3A_2125 = arith.subi %div3A, %sub3A : i32
        %select_n3A_2126 = arith.select %and3A_2124, %sub3A_2125, %div3A : i32
        %mul3A_2127 = arith.constant 16 : i32
        %mul3A_2128 = arith.muli %select_n3A_2126, %mul3A_2127 : i32
        %get3A_2129 = arith.index_cast %mul3A_2128 : i32 to index
        %get3A_2130 = tpu.vector_load %arg9[%get3A_2129] {strides = array<i32>} : memref<528xi32, #tpu.memory_space<vmem>>, vector<16xi32>,
        %get3A_2131 = arith.index_cast %mul3A_2128 : i32 to index
        %get3A_2132 = tpu.vector_load %arg10[%get3A_2131] {strides = array<i32>} : memref<528xi32, #tpu.memory_space<vmem>>, vector<16xi32>,
        %mul3A_2133 = arith.constant 2 : i32
        %mul3A_2134 = arith.muli %scan3A_2086, %mul3A_2133 : i32
        %sub3A_2135 = arith.subi %mul3A_2134, %mul3A_2128 : i32
        %add3A_2136 = arith.constant 0 : i32
        %add3A_2137 = arith.addi %sub3A_2135, %add3A_2136 : i32
        %eq3A_2138 = vector.broadcast %add3A_2137 : i32 to vector<16xi32>
        %eq3A_2139 = arith.cmpi eq, %iota3A, %eq3A_2138 : vector<16xi32>
        %shift_right_arithmetic3A_2140 = arith.constant 7 : i32
        %shift_right_arithmetic3A_2141 = vector.broadcast %shift_right_arithmetic3A_2140 : i32 to vector<16xi32>
        %shift_right_arithmetic3A_2142 = arith.shrsi %get3A_2130, %shift_right_arithmetic3A_2141 : vector<16xi32>
        %jit3A_2143 = arith.constant 0 : i32
        %broadcast_in_dim3A_2144 = vector.broadcast %jit3A_2143 : i32 to vector<16xi32>
        %select_n3A_2145 = arith.select %eq3A_2139, %shift_right_arithmetic3A_2142, %broadcast_in_dim3A_2144 : vector<16xi1>, vector<16xi32>
        %reduce_sum3A = arith.constant true
        %reduce_sum3A_2146 = vector.broadcast %reduce_sum3A : i1 to vector<16xi1>
        %reduce_sum3A_2147 = tpu.scan <sum>, %select_n3A_2145 masked %reduce_sum3A_2146 : vector<16xi32>, vector<16xi1> -> vector<16xi32>
        %reduce_sum3A_2148 = vector.extract %reduce_sum3A_2147[15] : i32 from vector<16xi32>
        %jit3A_2149 = arith.constant 0 : i32
        %jit3A_2150 = arith.constant 7812 : i32
        %max3A = arith.maxsi %jit3A_2149, %reduce_sum3A_2148 : i32
        %min3A = arith.minsi %jit3A_2150, %max3A : i32
        %mul3A_2151 = arith.constant 128 : i32
        %mul3A_2152 = arith.muli %min3A, %mul3A_2151 : i32
        %multiple_of3A = tpu.assume_multiple %mul3A_2152, 128 : i32
        %eq3A_2153 = vector.broadcast %add3A_2137 : i32 to vector<16xi32>
        %eq3A_2154 = arith.cmpi eq, %iota3A, %eq3A_2153 : vector<16xi32>
        %shift_right_arithmetic3A_2155 = arith.constant 7 : i32
        %shift_right_arithmetic3A_2156 = vector.broadcast %shift_right_arithmetic3A_2155 : i32 to vector<16xi32>
        %shift_right_arithmetic3A_2157 = arith.shrsi %get3A_2132, %shift_right_arithmetic3A_2156 : vector<16xi32>
        %jit3A_2158 = arith.constant 0 : i32
        %broadcast_in_dim3A_2159 = vector.broadcast %jit3A_2158 : i32 to vector<16xi32>
        %select_n3A_2160 = arith.select %eq3A_2154, %shift_right_arithmetic3A_2157, %broadcast_in_dim3A_2159 : vector<16xi1>, vector<16xi32>
        %reduce_sum3A_2161 = arith.constant true
        %reduce_sum3A_2162 = vector.broadcast %reduce_sum3A_2161 : i1 to vector<16xi1>
        %reduce_sum3A_2163 = tpu.scan <sum>, %select_n3A_2160 masked %reduce_sum3A_2162 : vector<16xi32>, vector<16xi1> -> vector<16xi32>
        %reduce_sum3A_2164 = vector.extract %reduce_sum3A_2163[15] : i32 from vector<16xi32>
        %jit3A_2165 = arith.constant 0 : i32
        %jit3A_2166 = arith.constant 7812 : i32
        %max3A_2167 = arith.maxsi %jit3A_2165, %reduce_sum3A_2164 : i32
        %min3A_2168 = arith.minsi %jit3A_2166, %max3A_2167 : i32
        %mul3A_2169 = arith.constant 128 : i32
        %mul3A_2170 = arith.muli %min3A_2168, %mul3A_2169 : i32
        %multiple_of3A_2171 = tpu.assume_multiple %mul3A_2170, 128 : i32
        %dma_start3A_2172 = arith.constant 0 : i32
        %dma_start3A_2173 = arith.constant 0 : i32
        %dma_start3A_2174 = arith.constant 0 : i32
        %dma_start3A_2175 = tpu.memref_slice %arg13[%select_n3A_2103, %dma_start3A_2172, %dma_start3A_2173, %dma_start3A_2174] : memref<6x2x32x128xf32, #tpu.memory_space<vmem>> -> memref<1x1x32x128xf32, #tpu.memory_space<vmem>>
        %dma_start3A_2176 = tpu.memref_squeeze %dma_start3A_2175 : memref<1x1x32x128xf32, #tpu.memory_space<vmem>> -> memref<32x128xf32, #tpu.memory_space<vmem>>
        %dma_start3A_2177 = arith.constant 0 : i32
        %dma_start3A_2178 = tpu.memref_slice %arg4[%dma_start3A_2177, %multiple_of3A] : memref<32x1000000xf32, #tpu.memory_space<hbm>> -> memref<32x128xf32, #tpu.memory_space<hbm>>
        %dma_start3A_2179 = tpu.memref_slice %arg20[%select_n3A_2103] : memref<6x!tpu.dma_semaphore, #tpu.memory_space<semaphore_mem>> -> memref<1x!tpu.dma_semaphore, #tpu.memory_space<semaphore_mem>>
        %dma_start3A_2180 = tpu.memref_squeeze %dma_start3A_2179 : memref<1x!tpu.dma_semaphore, #tpu.memory_space<semaphore_mem>> -> memref<!tpu.dma_semaphore, #tpu.memory_space<semaphore_mem>>
        %dma_start3A_2181 = arith.constant 0 : i32
        %dma_start3A_2182 = arith.constant 0 : i32
        %dma_start3A_2183 = tpu.memref_slice %arg13[%select_n3A_2103, %dma_start3A_2172, %dma_start3A_2181, %dma_start3A_2182] : memref<6x2x32x128xf32, #tpu.memory_space<vmem>> -> memref<1x1x32x128xf32, #tpu.memory_space<vmem>>
        %dma_start3A_2184 = tpu.memref_squeeze %dma_start3A_2183 : memref<1x1x32x128xf32, #tpu.memory_space<vmem>> -> memref<32x128xf32, #tpu.memory_space<vmem>>
        %dma_start3A_2185 = arith.constant 0 : i32
        %dma_start3A_2186 = tpu.memref_slice %arg4[%dma_start3A_2185, %multiple_of3A] : memref<32x1000000xf32, #tpu.memory_space<hbm>> -> memref<32x128xf32, #tpu.memory_space<hbm>>
        tpu.enqueue_dma source(%dma_start3A_2186 : memref<32x128xf32, #tpu.memory_space<hbm>>) target(%dma_start3A_2184 : memref<32x128xf32, #tpu.memory_space<vmem>>) target_semaphore(%dma_start3A_2180 : memref<!tpu.dma_semaphore, #tpu.memory_space<semaphore_mem>>)
        %dma_start3A_2187 = arith.constant 0 : i32
        %dma_start3A_2188 = arith.constant 0 : i32
        %dma_start3A_2189 = arith.constant 0 : i32
        %dma_start3A_2190 = tpu.memref_slice %arg14[%select_n3A_2103, %dma_start3A_2187, %dma_start3A_2188, %dma_start3A_2189] : memref<6x2x32x128xf32, #tpu.memory_space<vmem>> -> memref<1x1x32x128xf32, #tpu.memory_space<vmem>>
        %dma_start3A_2191 = tpu.memref_squeeze %dma_start3A_2190 : memref<1x1x32x128xf32, #tpu.memory_space<vmem>> -> memref<32x128xf32, #tpu.memory_space<vmem>>
        %dma_start3A_2192 = arith.constant 0 : i32
        %dma_start3A_2193 = tpu.memref_slice %arg5[%dma_start3A_2192, %multiple_of3A_2171] : memref<32x1000000xf32, #tpu.memory_space<hbm>> -> memref<32x128xf32, #tpu.memory_space<hbm>>
        %dma_start3A_2194 = tpu.memref_slice %arg20[%select_n3A_2103] : memref<6x!tpu.dma_semaphore, #tpu.memory_space<semaphore_mem>> -> memref<1x!tpu.dma_semaphore, #tpu.memory_space<semaphore_mem>>
        %dma_start3A_2195 = tpu.memref_squeeze %dma_start3A_2194 : memref<1x!tpu.dma_semaphore, #tpu.memory_space<semaphore_mem>> -> memref<!tpu.dma_semaphore, #tpu.memory_space<semaphore_mem>>
        %dma_start3A_2196 = arith.constant 0 : i32
        %dma_start3A_2197 = arith.constant 0 : i32
        %dma_start3A_2198 = tpu.memref_slice %arg14[%select_n3A_2103, %dma_start3A_2187, %dma_start3A_2196, %dma_start3A_2197] : memref<6x2x32x128xf32, #tpu.memory_space<vmem>> -> memref<1x1x32x128xf32, #tpu.memory_space<vmem>>
        %dma_start3A_2199 = tpu.memref_squeeze %dma_start3A_2198 : memref<1x1x32x128xf32, #tpu.memory_space<vmem>> -> memref<32x128xf32, #tpu.memory_space<vmem>>
        %dma_start3A_2200 = arith.constant 0 : i32
        %dma_start3A_2201 = tpu.memref_slice %arg5[%dma_start3A_2200, %multiple_of3A_2171] : memref<32x1000000xf32, #tpu.memory_space<hbm>> -> memref<32x128xf32, #tpu.memory_space<hbm>>
        tpu.enqueue_dma source(%dma_start3A_2201 : memref<32x128xf32, #tpu.memory_space<hbm>>) target(%dma_start3A_2199 : memref<32x128xf32, #tpu.memory_space<vmem>>) target_semaphore(%dma_start3A_2195 : memref<!tpu.dma_semaphore, #tpu.memory_space<semaphore_mem>>)
        %mul3A_2202 = arith.constant 2 : i32
        %mul3A_2203 = arith.muli %scan3A_2086, %mul3A_2202 : i32
        %sub3A_2204 = arith.subi %mul3A_2203, %mul3A_2128 : i32
        %add3A_2205 = arith.constant 1 : i32
        %add3A_2206 = arith.addi %sub3A_2204, %add3A_2205 : i32
        %eq3A_2207 = vector.broadcast %add3A_2206 : i32 to vector<16xi32>
        %eq3A_2208 = arith.cmpi eq, %iota3A, %eq3A_2207 : vector<16xi32>
        %shift_right_arithmetic3A_2209 = arith.constant 7 : i32
        %shift_right_arithmetic3A_2210 = vector.broadcast %shift_right_arithmetic3A_2209 : i32 to vector<16xi32>
        %shift_right_arithmetic3A_2211 = arith.shrsi %get3A_2130, %shift_right_arithmetic3A_2210 : vector<16xi32>
        %jit3A_2212 = arith.constant 0 : i32
        %broadcast_in_dim3A_2213 = vector.broadcast %jit3A_2212 : i32 to vector<16xi32>
        %select_n3A_2214 = arith.select %eq3A_2208, %shift_right_arithmetic3A_2211, %broadcast_in_dim3A_2213 : vector<16xi1>, vector<16xi32>
        %reduce_sum3A_2215 = arith.constant true
        %reduce_sum3A_2216 = vector.broadcast %reduce_sum3A_2215 : i1 to vector<16xi1>
        %reduce_sum3A_2217 = tpu.scan <sum>, %select_n3A_2214 masked %reduce_sum3A_2216 : vector<16xi32>, vector<16xi1> -> vector<16xi32>
        %reduce_sum3A_2218 = vector.extract %reduce_sum3A_2217[15] : i32 from vector<16xi32>
        %jit3A_2219 = arith.constant 0 : i32
        %jit3A_2220 = arith.constant 7812 : i32
        %max3A_2221 = arith.maxsi %jit3A_2219, %reduce_sum3A_2218 : i32
        %min3A_2222 = arith.minsi %jit3A_2220, %max3A_2221 : i32
        %mul3A_2223 = arith.constant 128 : i32
        %mul3A_2224 = arith.muli %min3A_2222, %mul3A_2223 : i32
        %multiple_of3A_2225 = tpu.assume_multiple %mul3A_2224, 128 : i32
        %eq3A_2226 = vector.broadcast %add3A_2206 : i32 to vector<16xi32>
        %eq3A_2227 = arith.cmpi eq, %iota3A, %eq3A_2226 : vector<16xi32>
        %shift_right_arithmetic3A_2228 = arith.constant 7 : i32
        %shift_right_arithmetic3A_2229 = vector.broadcast %shift_right_arithmetic3A_2228 : i32 to vector<16xi32>
        %shift_right_arithmetic3A_2230 = arith.shrsi %get3A_2132, %shift_right_arithmetic3A_2229 : vector<16xi32>
        %jit3A_2231 = arith.constant 0 : i32
        %broadcast_in_dim3A_2232 = vector.broadcast %jit3A_2231 : i32 to vector<16xi32>
        %select_n3A_2233 = arith.select %eq3A_2227, %shift_right_arithmetic3A_2230, %broadcast_in_dim3A_2232 : vector<16xi1>, vector<16xi32>
        %reduce_sum3A_2234 = arith.constant true
        %reduce_sum3A_2235 = vector.broadcast %reduce_sum3A_2234 : i1 to vector<16xi1>
        %reduce_sum3A_2236 = tpu.scan <sum>, %select_n3A_2233 masked %reduce_sum3A_2235 : vector<16xi32>, vector<16xi1> -> vector<16xi32>
        %reduce_sum3A_2237 = vector.extract %reduce_sum3A_2236[15] : i32 from vector<16xi32>
        %jit3A_2238 = arith.constant 0 : i32
        %jit3A_2239 = arith.constant 7812 : i32
        %max3A_2240 = arith.maxsi %jit3A_2238, %reduce_sum3A_2237 : i32
        %min3A_2241 = arith.minsi %jit3A_2239, %max3A_2240 : i32
        %mul3A_2242 = arith.constant 128 : i32
        %mul3A_2243 = arith.muli %min3A_2241, %mul3A_2242 : i32
        %multiple_of3A_2244 = tpu.assume_multiple %mul3A_2243, 128 : i32
        %dma_start3A_2245 = arith.constant 1 : i32
        %dma_start3A_2246 = arith.constant 0 : i32
        %dma_start3A_2247 = arith.constant 0 : i32
        %dma_start3A_2248 = tpu.memref_slice %arg13[%select_n3A_2103, %dma_start3A_2245, %dma_start3A_2246, %dma_start3A_2247] : memref<6x2x32x128xf32, #tpu.memory_space<vmem>> -> memref<1x1x32x128xf32, #tpu.memory_space<vmem>>
        %dma_start3A_2249 = tpu.memref_squeeze %dma_start3A_2248 : memref<1x1x32x128xf32, #tpu.memory_space<vmem>> -> memref<32x128xf32, #tpu.memory_space<vmem>>
        %dma_start3A_2250 = arith.constant 0 : i32
        %dma_start3A_2251 = tpu.memref_slice %arg4[%dma_start3A_2250, %multiple_of3A_2225] : memref<32x1000000xf32, #tpu.memory_space<hbm>> -> memref<32x128xf32, #tpu.memory_space<hbm>>
        %dma_start3A_2252 = tpu.memref_slice %arg20[%select_n3A_2103] : memref<6x!tpu.dma_semaphore, #tpu.memory_space<semaphore_mem>> -> memref<1x!tpu.dma_semaphore, #tpu.memory_space<semaphore_mem>>
        %dma_start3A_2253 = tpu.memref_squeeze %dma_start3A_2252 : memref<1x!tpu.dma_semaphore, #tpu.memory_space<semaphore_mem>> -> memref<!tpu.dma_semaphore, #tpu.memory_space<semaphore_mem>>
        %dma_start3A_2254 = arith.constant 0 : i32
        %dma_start3A_2255 = arith.constant 0 : i32
        %dma_start3A_2256 = tpu.memref_slice %arg13[%select_n3A_2103, %dma_start3A_2245, %dma_start3A_2254, %dma_start3A_2255] : memref<6x2x32x128xf32, #tpu.memory_space<vmem>> -> memref<1x1x32x128xf32, #tpu.memory_space<vmem>>
        %dma_start3A_2257 = tpu.memref_squeeze %dma_start3A_2256 : memref<1x1x32x128xf32, #tpu.memory_space<vmem>> -> memref<32x128xf32, #tpu.memory_space<vmem>>
        %dma_start3A_2258 = arith.constant 0 : i32
        %dma_start3A_2259 = tpu.memref_slice %arg4[%dma_start3A_2258, %multiple_of3A_2225] : memref<32x1000000xf32, #tpu.memory_space<hbm>> -> memref<32x128xf32, #tpu.memory_space<hbm>>
        tpu.enqueue_dma source(%dma_start3A_2259 : memref<32x128xf32, #tpu.memory_space<hbm>>) target(%dma_start3A_2257 : memref<32x128xf32, #tpu.memory_space<vmem>>) target_semaphore(%dma_start3A_2253 : memref<!tpu.dma_semaphore, #tpu.memory_space<semaphore_mem>>)
        %dma_start3A_2260 = arith.constant 1 : i32
        %dma_start3A_2261 = arith.constant 0 : i32
        %dma_start3A_2262 = arith.constant 0 : i32
        %dma_start3A_2263 = tpu.memref_slice %arg14[%select_n3A_2103, %dma_start3A_2260, %dma_start3A_2261, %dma_start3A_2262] : memref<6x2x32x128xf32, #tpu.memory_space<vmem>> -> memref<1x1x32x128xf32, #tpu.memory_space<vmem>>
        %dma_start3A_2264 = tpu.memref_squeeze %dma_start3A_2263 : memref<1x1x32x128xf32, #tpu.memory_space<vmem>> -> memref<32x128xf32, #tpu.memory_space<vmem>>
        %dma_start3A_2265 = arith.constant 0 : i32
        %dma_start3A_2266 = tpu.memref_slice %arg5[%dma_start3A_2265, %multiple_of3A_2244] : memref<32x1000000xf32, #tpu.memory_space<hbm>> -> memref<32x128xf32, #tpu.memory_space<hbm>>
        %dma_start3A_2267 = tpu.memref_slice %arg20[%select_n3A_2103] : memref<6x!tpu.dma_semaphore, #tpu.memory_space<semaphore_mem>> -> memref<1x!tpu.dma_semaphore, #tpu.memory_space<semaphore_mem>>
        %dma_start3A_2268 = tpu.memref_squeeze %dma_start3A_2267 : memref<1x!tpu.dma_semaphore, #tpu.memory_space<semaphore_mem>> -> memref<!tpu.dma_semaphore, #tpu.memory_space<semaphore_mem>>
        %dma_start3A_2269 = arith.constant 0 : i32
        %dma_start3A_2270 = arith.constant 0 : i32
        %dma_start3A_2271 = tpu.memref_slice %arg14[%select_n3A_2103, %dma_start3A_2260, %dma_start3A_2269, %dma_start3A_2270] : memref<6x2x32x128xf32, #tpu.memory_space<vmem>> -> memref<1x1x32x128xf32, #tpu.memory_space<vmem>>
        %dma_start3A_2272 = tpu.memref_squeeze %dma_start3A_2271 : memref<1x1x32x128xf32, #tpu.memory_space<vmem>> -> memref<32x128xf32, #tpu.memory_space<vmem>>
        %dma_start3A_2273 = arith.constant 0 : i32
        %dma_start3A_2274 = tpu.memref_slice %arg5[%dma_start3A_2273, %multiple_of3A_2244] : memref<32x1000000xf32, #tpu.memory_space<hbm>> -> memref<32x128xf32, #tpu.memory_space<hbm>>
        tpu.enqueue_dma source(%dma_start3A_2274 : memref<32x128xf32, #tpu.memory_space<hbm>>) target(%dma_start3A_2272 : memref<32x128xf32, #tpu.memory_space<vmem>>) target_semaphore(%dma_start3A_2268 : memref<!tpu.dma_semaphore, #tpu.memory_space<semaphore_mem>>)
      } else {
      }
      %ge3A = arith.constant 5 : i32
      %ge3A_2089 = arith.cmpi sge, %scan3A_2086, %ge3A : i32
      %convert_element_type3A_2090 = arith.extui %ge3A_2089 : i1 to i32
      %cond3A_2091 = arith.constant 0 : i32
      %cond3A_2092 = arith.cmpi ne, %convert_element_type3A_2090, %cond3A_2091 : i32
      scf.if %cond3A_2092 {
        %sub3A = arith.constant 5 : i32
        %sub3A_2093 = arith.subi %scan3A_2086, %sub3A : i32
        %jit3A = arith.constant 6 : i32
        %eq3A = arith.constant 0 : i32
        %eq3A_2094 = arith.cmpi eq, %jit3A, %eq3A : i32
        %jit3A_2095 = arith.constant 1 : i32
        %select_n3A = arith.select %eq3A_2094, %jit3A_2095, %jit3A : i32
        %rem3A = arith.remsi %sub3A_2093, %select_n3A : i32
        %ne3A = arith.constant 0 : i32
        %ne3A_2096 = arith.cmpi ne, %rem3A, %ne3A : i32
        %lt3A_2097 = arith.constant 0 : i32
        %lt3A_2098 = arith.cmpi slt, %rem3A, %lt3A_2097 : i32
        %lt3A_2099 = arith.constant 0 : i32
        %lt3A_2100 = arith.cmpi slt, %select_n3A, %lt3A_2099 : i32
        %ne3A_2101 = arith.xori %lt3A_2098, %lt3A_2100 : i1
        %and3A_2102 = arith.andi %ne3A_2101, %ne3A_2096 : i1
        %add3A_2103 = arith.addi %rem3A, %select_n3A : i32
        %select_n3A_2104 = arith.select %and3A_2102, %add3A_2103, %rem3A : i32
        %dma_wait3A_2105 = arith.constant 0 : i32
        %dma_wait3A_2106 = arith.constant 0 : i32
        %dma_wait3A_2107 = arith.constant 0 : i32
        %dma_wait3A_2108 = tpu.memref_slice %arg13[%select_n3A_2104, %dma_wait3A_2105, %dma_wait3A_2106, %dma_wait3A_2107] : memref<6x2x32x128xf32, #tpu.memory_space<vmem>> -> memref<1x1x32x128xf32, #tpu.memory_space<vmem>>
        %dma_wait3A_2109 = tpu.memref_squeeze %dma_wait3A_2108 : memref<1x1x32x128xf32, #tpu.memory_space<vmem>> -> memref<32x128xf32, #tpu.memory_space<vmem>>
        %dma_wait3A_2110 = arith.constant 0 : i32
        %dma_wait3A_2111 = arith.constant 0 : i32
        %dma_wait3A_2112 = tpu.memref_slice %arg4[%dma_wait3A_2110, %dma_wait3A_2111] : memref<32x1000000xf32, #tpu.memory_space<hbm>> -> memref<32x128xf32, #tpu.memory_space<hbm>>
        %dma_wait3A_2113 = tpu.memref_slice %arg20[%select_n3A_2104] : memref<6x!tpu.dma_semaphore, #tpu.memory_space<semaphore_mem>> -> memref<1x!tpu.dma_semaphore, #tpu.memory_space<semaphore_mem>>
        %dma_wait3A_2114 = tpu.memref_squeeze %dma_wait3A_2113 : memref<1x!tpu.dma_semaphore, #tpu.memory_space<semaphore_mem>> -> memref<!tpu.dma_semaphore, #tpu.memory_space<semaphore_mem>>
        %dma_wait3A_2115 = arith.constant 0 : i32
        %dma_wait3A_2116 = arith.constant 0 : i32
        %dma_wait3A_2117 = tpu.memref_slice %arg13[%select_n3A_2104, %dma_wait3A_2105, %dma_wait3A_2115, %dma_wait3A_2116] : memref<6x2x32x128xf32, #tpu.memory_space<vmem>> -> memref<1x1x32x128xf32, #tpu.memory_space<vmem>>
        %dma_wait3A_2118 = tpu.memref_squeeze %dma_wait3A_2117 : memref<1x1x32x128xf32, #tpu.memory_space<vmem>> -> memref<32x128xf32, #tpu.memory_space<vmem>>
        %dma_wait3A_2119 = arith.constant 0 : i32
        %dma_wait3A_2120 = arith.constant 0 : i32
        %dma_wait3A_2121 = tpu.memref_slice %arg4[%dma_wait3A_2119, %dma_wait3A_2120] : memref<32x1000000xf32, #tpu.memory_space<hbm>> -> memref<32x128xf32, #tpu.memory_space<hbm>>
        tpu.wait_dma2 semaphore(%dma_wait3A_2114 : memref<!tpu.dma_semaphore, #tpu.memory_space<semaphore_mem>>) src(%dma_wait3A_2121 : memref<32x128xf32, #tpu.memory_space<hbm>>) dst(%dma_wait3A_2118 : memref<32x128xf32, #tpu.memory_space<vmem>>)
        %dma_wait3A_2122 = arith.constant 0 : i32
        %dma_wait3A_2123 = arith.constant 0 : i32
        %dma_wait3A_2124 = arith.constant 0 : i32
        %dma_wait3A_2125 = tpu.memref_slice %arg14[%select_n3A_2104, %dma_wait3A_2122, %dma_wait3A_2123, %dma_wait3A_2124] : memref<6x2x32x128xf32, #tpu.memory_space<vmem>> -> memref<1x1x32x128xf32, #tpu.memory_space<vmem>>
        %dma_wait3A_2126 = tpu.memref_squeeze %dma_wait3A_2125 : memref<1x1x32x128xf32, #tpu.memory_space<vmem>> -> memref<32x128xf32, #tpu.memory_space<vmem>>
        %dma_wait3A_2127 = arith.constant 0 : i32
        %dma_wait3A_2128 = arith.constant 0 : i32
        %dma_wait3A_2129 = tpu.memref_slice %arg4[%dma_wait3A_2127, %dma_wait3A_2128] : memref<32x1000000xf32, #tpu.memory_space<hbm>> -> memref<32x128xf32, #tpu.memory_space<hbm>>
        %dma_wait3A_2130 = tpu.memref_slice %arg20[%select_n3A_2104] : memref<6x!tpu.dma_semaphore, #tpu.memory_space<semaphore_mem>> -> memref<1x!tpu.dma_semaphore, #tpu.memory_space<semaphore_mem>>
        %dma_wait3A_2131 = tpu.memref_squeeze %dma_wait3A_2130 : memref<1x!tpu.dma_semaphore, #tpu.memory_space<semaphore_mem>> -> memref<!tpu.dma_semaphore, #tpu.memory_space<semaphore_mem>>
        %dma_wait3A_2132 = arith.constant 0 : i32
        %dma_wait3A_2133 = arith.constant 0 : i32
        %dma_wait3A_2134 = tpu.memref_slice %arg14[%select_n3A_2104, %dma_wait3A_2122, %dma_wait3A_2132, %dma_wait3A_2133] : memref<6x2x32x128xf32, #tpu.memory_space<vmem>> -> memref<1x1x32x128xf32, #tpu.memory_space<vmem>>
        %dma_wait3A_2135 = tpu.memref_squeeze %dma_wait3A_2134 : memref<1x1x32x128xf32, #tpu.memory_space<vmem>> -> memref<32x128xf32, #tpu.memory_space<vmem>>
        %dma_wait3A_2136 = arith.constant 0 : i32
        %dma_wait3A_2137 = arith.constant 0 : i32
        %dma_wait3A_2138 = tpu.memref_slice %arg4[%dma_wait3A_2136, %dma_wait3A_2137] : memref<32x1000000xf32, #tpu.memory_space<hbm>> -> memref<32x128xf32, #tpu.memory_space<hbm>>
        tpu.wait_dma2 semaphore(%dma_wait3A_2131 : memref<!tpu.dma_semaphore, #tpu.memory_space<semaphore_mem>>) src(%dma_wait3A_2138 : memref<32x128xf32, #tpu.memory_space<hbm>>) dst(%dma_wait3A_2135 : memref<32x128xf32, #tpu.memory_space<vmem>>)
        %dma_wait3A_2139 = arith.constant 1 : i32
        %dma_wait3A_2140 = arith.constant 0 : i32
        %dma_wait3A_2141 = arith.constant 0 : i32
        %dma_wait3A_2142 = tpu.memref_slice %arg13[%select_n3A_2104, %dma_wait3A_2139, %dma_wait3A_2140, %dma_wait3A_2141] : memref<6x2x32x128xf32, #tpu.memory_space<vmem>> -> memref<1x1x32x128xf32, #tpu.memory_space<vmem>>
        %dma_wait3A_2143 = tpu.memref_squeeze %dma_wait3A_2142 : memref<1x1x32x128xf32, #tpu.memory_space<vmem>> -> memref<32x128xf32, #tpu.memory_space<vmem>>
        %dma_wait3A_2144 = arith.constant 0 : i32
        %dma_wait3A_2145 = arith.constant 0 : i32
        %dma_wait3A_2146 = tpu.memref_slice %arg4[%dma_wait3A_2144, %dma_wait3A_2145] : memref<32x1000000xf32, #tpu.memory_space<hbm>> -> memref<32x128xf32, #tpu.memory_space<hbm>>
        %dma_wait3A_2147 = tpu.memref_slice %arg20[%select_n3A_2104] : memref<6x!tpu.dma_semaphore, #tpu.memory_space<semaphore_mem>> -> memref<1x!tpu.dma_semaphore, #tpu.memory_space<semaphore_mem>>
        %dma_wait3A_2148 = tpu.memref_squeeze %dma_wait3A_2147 : memref<1x!tpu.dma_semaphore, #tpu.memory_space<semaphore_mem>> -> memref<!tpu.dma_semaphore, #tpu.memory_space<semaphore_mem>>
        %dma_wait3A_2149 = arith.constant 0 : i32
        %dma_wait3A_2150 = arith.constant 0 : i32
        %dma_wait3A_2151 = tpu.memref_slice %arg13[%select_n3A_2104, %dma_wait3A_2139, %dma_wait3A_2149, %dma_wait3A_2150] : memref<6x2x32x128xf32, #tpu.memory_space<vmem>> -> memref<1x1x32x128xf32, #tpu.memory_space<vmem>>
        %dma_wait3A_2152 = tpu.memref_squeeze %dma_wait3A_2151 : memref<1x1x32x128xf32, #tpu.memory_space<vmem>> -> memref<32x128xf32, #tpu.memory_space<vmem>>
        %dma_wait3A_2153 = arith.constant 0 : i32
        %dma_wait3A_2154 = arith.constant 0 : i32
        %dma_wait3A_2155 = tpu.memref_slice %arg4[%dma_wait3A_2153, %dma_wait3A_2154] : memref<32x1000000xf32, #tpu.memory_space<hbm>> -> memref<32x128xf32, #tpu.memory_space<hbm>>
        tpu.wait_dma2 semaphore(%dma_wait3A_2148 : memref<!tpu.dma_semaphore, #tpu.memory_space<semaphore_mem>>) src(%dma_wait3A_2155 : memref<32x128xf32, #tpu.memory_space<hbm>>) dst(%dma_wait3A_2152 : memref<32x128xf32, #tpu.memory_space<vmem>>)
        %dma_wait3A_2156 = arith.constant 1 : i32
        %dma_wait3A_2157 = arith.constant 0 : i32
        %dma_wait3A_2158 = arith.constant 0 : i32
        %dma_wait3A_2159 = tpu.memref_slice %arg14[%select_n3A_2104, %dma_wait3A_2156, %dma_wait3A_2157, %dma_wait3A_2158] : memref<6x2x32x128xf32, #tpu.memory_space<vmem>> -> memref<1x1x32x128xf32, #tpu.memory_space<vmem>>
        %dma_wait3A_2160 = tpu.memref_squeeze %dma_wait3A_2159 : memref<1x1x32x128xf32, #tpu.memory_space<vmem>> -> memref<32x128xf32, #tpu.memory_space<vmem>>
        %dma_wait3A_2161 = arith.constant 0 : i32
        %dma_wait3A_2162 = arith.constant 0 : i32
        %dma_wait3A_2163 = tpu.memref_slice %arg4[%dma_wait3A_2161, %dma_wait3A_2162] : memref<32x1000000xf32, #tpu.memory_space<hbm>> -> memref<32x128xf32, #tpu.memory_space<hbm>>
        %dma_wait3A_2164 = tpu.memref_slice %arg20[%select_n3A_2104] : memref<6x!tpu.dma_semaphore, #tpu.memory_space<semaphore_mem>> -> memref<1x!tpu.dma_semaphore, #tpu.memory_space<semaphore_mem>>
        %dma_wait3A_2165 = tpu.memref_squeeze %dma_wait3A_2164 : memref<1x!tpu.dma_semaphore, #tpu.memory_space<semaphore_mem>> -> memref<!tpu.dma_semaphore, #tpu.memory_space<semaphore_mem>>
        %dma_wait3A_2166 = arith.constant 0 : i32
        %dma_wait3A_2167 = arith.constant 0 : i32
        %dma_wait3A_2168 = tpu.memref_slice %arg14[%select_n3A_2104, %dma_wait3A_2156, %dma_wait3A_2166, %dma_wait3A_2167] : memref<6x2x32x128xf32, #tpu.memory_space<vmem>> -> memref<1x1x32x128xf32, #tpu.memory_space<vmem>>
        %dma_wait3A_2169 = tpu.memref_squeeze %dma_wait3A_2168 : memref<1x1x32x128xf32, #tpu.memory_space<vmem>> -> memref<32x128xf32, #tpu.memory_space<vmem>>
        %dma_wait3A_2170 = arith.constant 0 : i32
        %dma_wait3A_2171 = arith.constant 0 : i32
        %dma_wait3A_2172 = tpu.memref_slice %arg4[%dma_wait3A_2170, %dma_wait3A_2171] : memref<32x1000000xf32, #tpu.memory_space<hbm>> -> memref<32x128xf32, #tpu.memory_space<hbm>>
        tpu.wait_dma2 semaphore(%dma_wait3A_2165 : memref<!tpu.dma_semaphore, #tpu.memory_space<semaphore_mem>>) src(%dma_wait3A_2172 : memref<32x128xf32, #tpu.memory_space<hbm>>) dst(%dma_wait3A_2169 : memref<32x128xf32, #tpu.memory_space<vmem>>)
        %sub3A_2173 = arith.constant 5 : i32
        %sub3A_2174 = arith.subi %scan3A_2086, %sub3A_2173 : i32
        %jit3A_2175 = arith.constant 6 : i32
        %eq3A_2176 = arith.constant 0 : i32
        %eq3A_2177 = arith.cmpi eq, %jit3A_2175, %eq3A_2176 : i32
        %jit3A_2178 = arith.constant 1 : i32
        %select_n3A_2179 = arith.select %eq3A_2177, %jit3A_2178, %jit3A_2175 : i32
        %rem3A_2180 = arith.remsi %sub3A_2174, %select_n3A_2179 : i32
        %ne3A_2181 = arith.constant 0 : i32
        %ne3A_2182 = arith.cmpi ne, %rem3A_2180, %ne3A_2181 : i32
        %lt3A_2183 = arith.constant 0 : i32
        %lt3A_2184 = arith.cmpi slt, %rem3A_2180, %lt3A_2183 : i32
        %lt3A_2185 = arith.constant 0 : i32
        %lt3A_2186 = arith.cmpi slt, %select_n3A_2179, %lt3A_2185 : i32
        %ne3A_2187 = arith.xori %lt3A_2184, %lt3A_2186 : i1
        %and3A_2188 = arith.andi %ne3A_2187, %ne3A_2182 : i1
        %add3A_2189 = arith.addi %rem3A_2180, %select_n3A_2179 : i32
        %select_n3A_2190 = arith.select %and3A_2188, %add3A_2189, %rem3A_2180 : i32
        %broadcast_in_dim3A_2191 = arith.constant 0 : i32
        %broadcast_in_dim3A_2192 = vector.broadcast %broadcast_in_dim3A_2191 : i32 to vector<16xi32>
        %add3A_2193 = vector.broadcast %select_n3A_2190 : i32 to vector<16xi32>
        %add3A_2194 = arith.addi %broadcast_in_dim3A_2192, %add3A_2193 : vector<16xi32>
        %jit3A_2195 = arith.constant 8 : i32
        %div3A = vector.broadcast %jit3A_2195 : i32 to vector<16xi32>
        %div3A_2196 = arith.divsi %iota3A, %div3A : vector<16xi32>
        %sign3A = arith.constant 0 : i32
        %sign3A_2197 = vector.broadcast %sign3A : i32 to vector<16xi32>
        %sign3A_2198 = arith.cmpi sgt, %iota3A, %sign3A_2197 : vector<16xi32>
        %sign3A_2199 = arith.extui %sign3A_2198 : vector<16xi1> to vector<16xi32>
        %sign3A_2200 = arith.constant 0 : i32
        %sign3A_2201 = vector.broadcast %sign3A_2200 : i32 to vector<16xi32>
        %sign3A_2202 = arith.cmpi slt, %iota3A, %sign3A_2201 : vector<16xi32>
        %sign3A_2203 = arith.extui %sign3A_2202 : vector<16xi1> to vector<16xi32>
        %sign3A_2204 = arith.subi %sign3A_2199, %sign3A_2203 : vector<16xi32>
        %sign3A_2205 = arith.constant 0 : i32
        %sign3A_2206 = arith.cmpi sgt, %jit3A_2195, %sign3A_2205 : i32
        %sign3A_2207 = arith.extui %sign3A_2206 : i1 to i32
        %sign3A_2208 = arith.constant 0 : i32
        %sign3A_2209 = arith.cmpi slt, %jit3A_2195, %sign3A_2208 : i32
        %sign3A_2210 = arith.extui %sign3A_2209 : i1 to i32
        %sign3A_2211 = arith.subi %sign3A_2207, %sign3A_2210 : i32
        %ne3A_2212 = vector.broadcast %sign3A_2211 : i32 to vector<16xi32>
        %ne3A_2213 = arith.cmpi ne, %sign3A_2204, %ne3A_2212 : vector<16xi32>
        %rem3A_2214 = vector.broadcast %jit3A_2195 : i32 to vector<16xi32>
        %rem3A_2215 = arith.remsi %iota3A, %rem3A_2214 : vector<16xi32>
        %ne3A_2216 = arith.constant 0 : i32
        %ne3A_2217 = vector.broadcast %ne3A_2216 : i32 to vector<16xi32>
        %ne3A_2218 = arith.cmpi ne, %rem3A_2215, %ne3A_2217 : vector<16xi32>
        %and3A_2219 = arith.andi %ne3A_2213, %ne3A_2218 : vector<16xi1>
        %sub3A_2220 = arith.constant 1 : i32
        %sub3A_2221 = vector.broadcast %sub3A_2220 : i32 to vector<16xi32>
        %sub3A_2222 = arith.subi %div3A_2196, %sub3A_2221 : vector<16xi32>
        %select_n3A_2223 = arith.select %and3A_2219, %sub3A_2222, %div3A_2196 : vector<16xi1>, vector<16xi32>
        %jit3A_2224 = arith.constant 8 : i32
        %eq3A_2225 = arith.constant 0 : i32
        %eq3A_2226 = arith.cmpi eq, %jit3A_2224, %eq3A_2225 : i32
        %jit3A_2227 = arith.constant 1 : i32
        %select_n3A_2228 = arith.select %eq3A_2226, %jit3A_2227, %jit3A_2224 : i32
        %rem3A_2229 = vector.broadcast %select_n3A_2228 : i32 to vector<16xi32>
        %rem3A_2230 = arith.remsi %iota3A, %rem3A_2229 : vector<16xi32>
        %ne3A_2231 = arith.constant 0 : i32
        %ne3A_2232 = vector.broadcast %ne3A_2231 : i32 to vector<16xi32>
        %ne3A_2233 = arith.cmpi ne, %rem3A_2230, %ne3A_2232 : vector<16xi32>
        %lt3A_2234 = arith.constant 0 : i32
        %lt3A_2235 = vector.broadcast %lt3A_2234 : i32 to vector<16xi32>
        %lt3A_2236 = arith.cmpi slt, %rem3A_2230, %lt3A_2235 : vector<16xi32>
        %lt3A_2237 = arith.constant 0 : i32
        %lt3A_2238 = arith.cmpi slt, %select_n3A_2228, %lt3A_2237 : i32
        %ne3A_2239 = vector.broadcast %lt3A_2238 : i1 to vector<16xi1>
        %ne3A_2240 = vector.broadcast %ne3A_2239 : vector<16xi1> to vector<16xi1>
        %ne3A_2241 = arith.xori %lt3A_2236, %ne3A_2240 : vector<16xi1>
        %and3A_2242 = arith.andi %ne3A_2241, %ne3A_2233 : vector<16xi1>
        %add3A_2243 = vector.broadcast %select_n3A_2228 : i32 to vector<16xi32>
        %add3A_2244 = arith.addi %rem3A_2230, %add3A_2243 : vector<16xi32>
        %select_n3A_2245 = arith.select %and3A_2242, %add3A_2244, %rem3A_2230 : vector<16xi1>, vector<16xi32>
        %mul3A_2246 = arith.constant 2 : i32
        %mul3A_2247 = arith.muli %sub3A_2174, %mul3A_2246 : i32
        %add3A_2248 = vector.broadcast %mul3A_2247 : i32 to vector<16xi32>
        %add3A_2249 = arith.addi %add3A_2248, %select_n3A_2223 : vector<16xi32>
        %gather3A_2250 = tpu.vector_load_idx %arg9[%add3A_2249] : memref<528xi32, #tpu.memory_space<vmem>>[vector<16xi32>], vector<16xi32>,
        %mul3A_2251 = arith.constant 2 : i32
        %mul3A_2252 = arith.muli %sub3A_2174, %mul3A_2251 : i32
        %add3A_2253 = vector.broadcast %mul3A_2252 : i32 to vector<16xi32>
        %add3A_2254 = arith.addi %add3A_2253, %select_n3A_2223 : vector<16xi32>
        %gather3A_2255 = tpu.vector_load_idx %arg10[%add3A_2254] : memref<528xi32, #tpu.memory_space<vmem>>[vector<16xi32>], vector<16xi32>,
        %and3A_2256 = arith.constant 127 : i32
        %and3A_2257 = vector.broadcast %and3A_2256 : i32 to vector<16xi32>
        %and3A_2258 = arith.andi %gather3A_2250, %and3A_2257 : vector<16xi32>
        %and3A_2259 = arith.constant 127 : i32
        %and3A_2260 = vector.broadcast %and3A_2259 : i32 to vector<16xi32>
        %and3A_2261 = arith.andi %gather3A_2255, %and3A_2260 : vector<16xi32>
        %broadcast_in_dim3A_2262 = arith.constant 0.000000e+00 : f32
        %broadcast_in_dim3A_2263 = vector.broadcast %broadcast_in_dim3A_2262 : f32 to vector<16xf32>
        %add3A_2264 = arith.constant 0 : i32
        %add3A_2265 = vector.broadcast %add3A_2264 : i32 to vector<16xi32>
        %add3A_2266 = arith.addi %add3A_2265, %select_n3A_2245 : vector<16xi32>
        %gather3A_2267 = tpu.vector_load_idx %arg13[%add3A_2194, %select_n3A_2223, %add3A_2266, %and3A_2258] : memref<6x2x32x128xf32, #tpu.memory_space<vmem>>[vector<16xi32>, vector<16xi32>, vector<16xi32>, vector<16xi32>], vector<16xf32>,
        %gather3A_2268 = tpu.vector_load_idx %arg14[%add3A_2194, %select_n3A_2223, %add3A_2266, %and3A_2261] : memref<6x2x32x128xf32, #tpu.memory_space<vmem>>[vector<16xi32>, vector<16xi32>, vector<16xi32>, vector<16xi32>], vector<16xf32>,
        %mul3A_2269 = arith.mulf %gather3A_2267, %gather3A_2268 : vector<16xf32>
        %add3A_2270 = arith.addf %broadcast_in_dim3A_2263, %mul3A_2269 : vector<16xf32>
        %add3A_2271 = arith.constant 8 : i32
        %add3A_2272 = vector.broadcast %add3A_2271 : i32 to vector<16xi32>
        %add3A_2273 = arith.addi %add3A_2272, %select_n3A_2245 : vector<16xi32>
        %gather3A_2274 = tpu.vector_load_idx %arg13[%add3A_2194, %select_n3A_2223, %add3A_2273, %and3A_2258] : memref<6x2x32x128xf32, #tpu.memory_space<vmem>>[vector<16xi32>, vector<16xi32>, vector<16xi32>, vector<16xi32>], vector<16xf32>,
        %gather3A_2275 = tpu.vector_load_idx %arg14[%add3A_2194, %select_n3A_2223, %add3A_2273, %and3A_2261] : memref<6x2x32x128xf32, #tpu.memory_space<vmem>>[vector<16xi32>, vector<16xi32>, vector<16xi32>, vector<16xi32>], vector<16xf32>,
        %mul3A_2276 = arith.mulf %gather3A_2274, %gather3A_2275 : vector<16xf32>
        %add3A_2277 = arith.addf %add3A_2270, %mul3A_2276 : vector<16xf32>
        %add3A_2278 = arith.constant 16 : i32
        %add3A_2279 = vector.broadcast %add3A_2278 : i32 to vector<16xi32>
        %add3A_2280 = arith.addi %add3A_2279, %select_n3A_2245 : vector<16xi32>
        %gather3A_2281 = tpu.vector_load_idx %arg13[%add3A_2194, %select_n3A_2223, %add3A_2280, %and3A_2258] : memref<6x2x32x128xf32, #tpu.memory_space<vmem>>[vector<16xi32>, vector<16xi32>, vector<16xi32>, vector<16xi32>], vector<16xf32>,
        %gather3A_2282 = tpu.vector_load_idx %arg14[%add3A_2194, %select_n3A_2223, %add3A_2280, %and3A_2261] : memref<6x2x32x128xf32, #tpu.memory_space<vmem>>[vector<16xi32>, vector<16xi32>, vector<16xi32>, vector<16xi32>], vector<16xf32>,
        %mul3A_2283 = arith.mulf %gather3A_2281, %gather3A_2282 : vector<16xf32>
        %add3A_2284 = arith.addf %add3A_2277, %mul3A_2283 : vector<16xf32>
        %add3A_2285 = arith.constant 24 : i32
        %add3A_2286 = vector.broadcast %add3A_2285 : i32 to vector<16xi32>
        %add3A_2287 = arith.addi %add3A_2286, %select_n3A_2245 : vector<16xi32>
        %gather3A_2288 = tpu.vector_load_idx %arg13[%add3A_2194, %select_n3A_2223, %add3A_2287, %and3A_2258] : memref<6x2x32x128xf32, #tpu.memory_space<vmem>>[vector<16xi32>, vector<16xi32>, vector<16xi32>, vector<16xi32>], vector<16xf32>,
        %gather3A_2289 = tpu.vector_load_idx %arg14[%add3A_2194, %select_n3A_2223, %add3A_2287, %and3A_2261] : memref<6x2x32x128xf32, #tpu.memory_space<vmem>>[vector<16xi32>, vector<16xi32>, vector<16xi32>, vector<16xi32>], vector<16xf32>,
        %mul3A_2290 = arith.mulf %gather3A_2288, %gather3A_2289 : vector<16xf32>
        %add3A_2291 = arith.addf %add3A_2284, %mul3A_2290 : vector<16xf32>
        %xor3A = arith.constant 1 : i32
        %xor3A_2292 = vector.broadcast %xor3A : i32 to vector<16xi32>
        %xor3A_2293 = arith.xori %iota3A, %xor3A_2292 : vector<16xi32>
        %lt3A_2294 = arith.constant 0 : i32
        %lt3A_2295 = vector.broadcast %lt3A_2294 : i32 to vector<16xi32>
        %lt3A_2296 = arith.cmpi slt, %xor3A_2293, %lt3A_2295 : vector<16xi32>
        %add3A_2297 = arith.constant 16 : i32
        %add3A_2298 = vector.broadcast %add3A_2297 : i32 to vector<16xi32>
        %add3A_2299 = arith.addi %xor3A_2293, %add3A_2298 : vector<16xi32>
        %select_n3A_2300 = arith.select %lt3A_2296, %add3A_2299, %xor3A_2293 : vector<16xi1>, vector<16xi32>
        %broadcast_in_dim3A_2301 = vector.shape_cast %select_n3A_2300 : vector<16xi32> to vector<16x1xi32>
        %gather3A_2302 = vector.shape_cast %broadcast_in_dim3A_2301 : vector<16x1xi32> to vector<16xi32>
        %gather3A_2303 = tpu.dynamic_gather %add3A_2291[%gather3A_2302] in [0] : vector<16xf32>, vector<16xi32> -> vector<16xf32>
        %add3A_2304 = arith.addf %add3A_2291, %gather3A_2303 : vector<16xf32>
        %xor3A_2305 = arith.constant 2 : i32
        %xor3A_2306 = vector.broadcast %xor3A_2305 : i32 to vector<16xi32>
        %xor3A_2307 = arith.xori %iota3A, %xor3A_2306 : vector<16xi32>
        %lt3A_2308 = arith.constant 0 : i32
        %lt3A_2309 = vector.broadcast %lt3A_2308 : i32 to vector<16xi32>
        %lt3A_2310 = arith.cmpi slt, %xor3A_2307, %lt3A_2309 : vector<16xi32>
        %add3A_2311 = arith.constant 16 : i32
        %add3A_2312 = vector.broadcast %add3A_2311 : i32 to vector<16xi32>
        %add3A_2313 = arith.addi %xor3A_2307, %add3A_2312 : vector<16xi32>
        %select_n3A_2314 = arith.select %lt3A_2310, %add3A_2313, %xor3A_2307 : vector<16xi1>, vector<16xi32>
        %broadcast_in_dim3A_2315 = vector.shape_cast %select_n3A_2314 : vector<16xi32> to vector<16x1xi32>
        %gather3A_2316 = vector.shape_cast %broadcast_in_dim3A_2315 : vector<16x1xi32> to vector<16xi32>
        %gather3A_2317 = tpu.dynamic_gather %add3A_2304[%gather3A_2316] in [0] : vector<16xf32>, vector<16xi32> -> vector<16xf32>
        %add3A_2318 = arith.addf %add3A_2304, %gather3A_2317 : vector<16xf32>
        %xor3A_2319 = arith.constant 4 : i32
        %xor3A_2320 = vector.broadcast %xor3A_2319 : i32 to vector<16xi32>
        %xor3A_2321 = arith.xori %iota3A, %xor3A_2320 : vector<16xi32>
        %lt3A_2322 = arith.constant 0 : i32
        %lt3A_2323 = vector.broadcast %lt3A_2322 : i32 to vector<16xi32>
        %lt3A_2324 = arith.cmpi slt, %xor3A_2321, %lt3A_2323 : vector<16xi32>
        %add3A_2325 = arith.constant 16 : i32
        %add3A_2326 = vector.broadcast %add3A_2325 : i32 to vector<16xi32>
        %add3A_2327 = arith.addi %xor3A_2321, %add3A_2326 : vector<16xi32>
        %select_n3A_2328 = arith.select %lt3A_2324, %add3A_2327, %xor3A_2321 : vector<16xi1>, vector<16xi32>
        %broadcast_in_dim3A_2329 = vector.shape_cast %select_n3A_2328 : vector<16xi32> to vector<16x1xi32>
        %gather3A_2330 = vector.shape_cast %broadcast_in_dim3A_2329 : vector<16x1xi32> to vector<16xi32>
        %gather3A_2331 = tpu.dynamic_gather %add3A_2318[%gather3A_2330] in [0] : vector<16xf32>, vector<16xi32> -> vector<16xf32>
        %add3A_2332 = arith.addf %add3A_2318, %gather3A_2331 : vector<16xf32>
        %mul3A_2333 = arith.constant 2 : i32
        %mul3A_2334 = arith.muli %sub3A_2174, %mul3A_2333 : i32
        %add3A_2335 = vector.broadcast %mul3A_2334 : i32 to vector<16xi32>
        %add3A_2336 = arith.addi %add3A_2335, %select_n3A_2223 : vector<16xi32>
        %gather3A_2337 = tpu.vector_load_idx %arg17[%add3A_2336] : memref<512xf32, #tpu.memory_space<vmem>>[vector<16xi32>], vector<16xf32>,
        %mul3A_2338 = arith.constant 2 : i32
        %mul3A_2339 = arith.muli %sub3A_2174, %mul3A_2338 : i32
        %add3A_2340 = vector.broadcast %mul3A_2339 : i32 to vector<16xi32>
        %add3A_2341 = arith.addi %add3A_2340, %select_n3A_2223 : vector<16xi32>
        %gather3A_2342 = tpu.vector_load_idx %arg18[%add3A_2341] : memref<512xf32, #tpu.memory_space<vmem>>[vector<16xi32>], vector<16xf32>,
        %add3A_2343 = arith.addf %gather3A_2337, %gather3A_2342 : vector<16xf32>
        %add3A_2344 = arith.addf %add3A_2332, %add3A_2343 : vector<16xf32>
        %neg3A = arith.constant 0.000000e+00 : f32
        %neg3A_2345 = vector.broadcast %neg3A : f32 to vector<16xf32>
        %neg3A_2346 = arith.subf %neg3A_2345, %add3A_2344 : vector<16xf32>
        %exp3A = math.exp %neg3A_2346 : vector<16xf32>
        %add3A_2347 = arith.constant 1.000000e+00 : f32
        %add3A_2348 = vector.broadcast %add3A_2347 : f32 to vector<16xf32>
        %add3A_2349 = arith.addf %add3A_2348, %exp3A : vector<16xf32>
        %div3A_2350 = arith.constant 4.000000e+00 : f32
        %div3A_2351 = vector.broadcast %div3A_2350 : f32 to vector<16xf32>
        %div3A_2352 = arith.divf %div3A_2351, %add3A_2349 : vector<16xf32>
        %add3A_2353 = arith.constant 1.000000e+00 : f32
        %add3A_2354 = vector.broadcast %add3A_2353 : f32 to vector<16xf32>
        %add3A_2355 = arith.addf %div3A_2352, %add3A_2354 : vector<16xf32>
        %mul3A_2356 = arith.constant 2 : i32
        %mul3A_2357 = arith.muli %sub3A_2174, %mul3A_2356 : i32
        %add3A_2358 = vector.broadcast %mul3A_2357 : i32 to vector<16xi32>
        %add3A_2359 = arith.addi %add3A_2358, %select_n3A_2223 : vector<16xi32>
        %eq3A_2360 = arith.constant 0 : i32
        %eq3A_2361 = vector.broadcast %eq3A_2360 : i32 to vector<16xi32>
        %eq3A_2362 = arith.cmpi eq, %select_n3A_2245, %eq3A_2361 : vector<16xi32>
        tpu.vector_store_idx %arg19[%add3A_2359], %add3A_2355 masked %eq3A_2362 : memref<512xf32, #tpu.memory_space<vmem>>[vector<16xi32>], vector<16xf32>, vector<16xi1>
      } else {
      }
    }
    %scan3A_2085 = arith.constant 261 : i32
    "tpu.region"() ({
      %run_scoped3A = tpu.sem_alloc : memref<!tpu.dma_semaphore, #tpu.memory_space<semaphore_mem>>
      %dma_start3A_2086 = tpu.memref_slice %arg8[%mul3A_2] : memref<16384xf32, #tpu.memory_space<hbm>> -> memref<512xf32, #tpu.memory_space<hbm>>
      %dma_start3A_2087 = tpu.memref_slice %arg8[%mul3A_2] : memref<16384xf32, #tpu.memory_space<hbm>> -> memref<512xf32, #tpu.memory_space<hbm>>
      tpu.enqueue_dma source(%arg19 : memref<512xf32, #tpu.memory_space<vmem>>) target(%dma_start3A_2087 : memref<512xf32, #tpu.memory_space<hbm>>) target_semaphore(%run_scoped3A : memref<!tpu.dma_semaphore, #tpu.memory_space<semaphore_mem>>)
      %dma_wait3A_2088 = tpu.memref_slice %arg8[%mul3A_2] : memref<16384xf32, #tpu.memory_space<hbm>> -> memref<512xf32, #tpu.memory_space<hbm>>
      %dma_wait3A_2089 = tpu.memref_slice %arg8[%mul3A_2] : memref<16384xf32, #tpu.memory_space<hbm>> -> memref<512xf32, #tpu.memory_space<hbm>>
      tpu.wait_dma2 semaphore(%run_scoped3A : memref<!tpu.dma_semaphore, #tpu.memory_space<semaphore_mem>>) src(%arg19 : memref<512xf32, #tpu.memory_space<vmem>>) dst(%dma_wait3A_2089 : memref<512xf32, #tpu.memory_space<hbm>>)
      tpu.yield
    }) : () -> ()
    return
  }
}

</mosaic_0001>

<sc_bundles>
// kernel: kernel.3.cloned.1.call-start
scs
__scs_entry_jumppad:
0x0: {  	(pc) =	sbr.rel $0x88, $3  }
0x1: {  	(tag) =	ssettag $0x0;
	lr =	simm.s32 $0x1  }
0x2: {  	[smem:$0x3F9C] =	sst lr;
	_ =	strace $0xD0000000  }
0x3: {  	_ = 	snop  }
0x4: {  	_ = 	snop  }
0x5: {  	_ = 	snop  }
0x6: {  	_ = 	snop  }
0x7: {  	_ = 	snop  }
__scs_overlays_trampoline_lowered:
0x8: {  	[smem:$0x3FAB] =	sst s0  }
0x9: {  	[smem:$0x3FAC] =	sst s1  }
0xa: {  	[smem:$0x3FAD] =	sst s2  }
0xb: {  	[smem:$0x3FAE] =	sst s3  }
0xc: {  	[smem:$0x3FAF] =	sst s4  }
0xd: {  	[smem:$0x3FB0] =	sst s5  }
0xe: {  	[smem:$0x3FB1] =	sst s6  }
0xf: {  	[smem:$0x3FB2] =	sst s7  }
0x10: {  	[smem:$0x3FB3] =	sst s8  }
0x11: {  	[smem:$0x3FB4] =	sst s9;
	s0 =	simm.s32 @!p0 $0x0  }
0x12: {  	s1 =	sld [smem:$0x3F9A];
	s0 =	simm.s32 @p0 $0x1  }
0x13: {  	[smem:$0x3FB5] =	sst s0;
	s0 =	simm.s32 @!p1 $0x0  }
0x14: {  	s2 =	sld [smem:$0x3F99];
	s0 =	simm.s32 @p1 $0x1  }
0x15: {  	[smem:$0x3FB6] =	sst s0;
	s0 =	simm.s32 @!p2 $0x0  }
0x16: {  	s3 =	sld [smem:$0x3FDB];
	s0 =	simm.s32 @p2 $0x1  }
0x17: {  	s4 =	simm.s32 $0x1BF5;
	[smem:$0x3FB8] =	sst s0  }
0x18: {  	s0 =	sld [smem:$0x3F9B];
	_ =	swait.ge [sflag:s4], $0x0  }
0x19: {  	s7 =	sld [smem:$0x3F9C]  }
0x1a: {  	s8 =	sadd.s32 $0xFFFFE003, lr  }
0x1b: {  	s9 =	sadd.s32 $0xFFFFFEF7, lr;
	s5 =	simm.s32 $0xFFFFFFFF;
	p2 =	slt.u32 s8, $0xFFFFF086  }
0x1c: {  	p1 =	slt.u32 s9, $0xF7A;
	s5 =	simm.s32 @!p2 $0x0  }
0x1d: {  	s5 =	simm.s32 @p1 $0x1;
	p0 =	seq.s32 s7, s2  }
0x1e: {  	s7 =	smul.u32 @!p0 $0xF7A, s2;
	p2 =	seq.s32 @!p0 s5, $0x0  }
0x1f: {  	s9 =	smul.u32 $0xF7A, s1;
	s8 =	simm.s32 @!p0 $0x1BF5;
	p2 =	por !p2, p0  }
0x20: {  	[sflag:s8] =	ssyncset.s32 @!p0 $0xFFFFF086;
	s6 =	sadd.s32 @!p0 s3, s7;
	s7 =	simm.s32 @!p0 $0x108  }
0x21: {  	s3 =	sadd.s32 s3, s9;
	s6 =	sadd.s32 @!p0 $0x88, s6;
	s7 =	simm.s32 @p2 $0x1082  }
0x22: {  	[simem:s7], [sflag:s8] =	dma.local @!p0 [hbm:s6], $0xF7A  }
0x23: {  	s9 =	sor.u32 $0xD0000000, s2;
	s6 =	simm.s32 $0x108;
	_ =	swait.ge @!p0 [sflag:s8], $0x0  }
0x24: {  	s3 =	sadd.s32 $0x88, s3;
	s6 =	simm.s32 @!p1 $0x1082;
	[sflag:s4] =	ssyncset.s32 $0xFFFFF086  }
0x25: {  	[simem:s6], [sflag:s4] =	dma.local [hbm:s3], $0xF7A  }
0x26: {  	[smem:$0x3F9C] =	sst s1;
	(tag) =	ssettag s2;
	_ =	strace s9  }
0x27: {  	s1 =	sld [smem:$0x3FAC]  }
0x28: {  	s2 =	sld [smem:$0x3FAD]  }
0x29: {  	s4 =	sld [smem:$0x3FAF]  }
0x2a: {  	p0 =	seq.s32 s5, $0x0;
	s5 =	sld [smem:$0x3FB0]  }
0x2b: {  	s6 =	sld [smem:$0x3FB1]  }
0x2c: {  	s7 =	sld [smem:$0x3FB2]  }
0x2d: {  	s3 =	simm.s32 $0x108;
	s8 =	sld [smem:$0x3FB3]  }
0x2e: {  	s3 =	simm.s32 @!p0 $0x1082;
	s9 =	sld [smem:$0x3FB4]  }
0x2f: {  	lr =	sadd.s32 s0, s3;
	s0 =	sld [smem:$0x3FAB]  }
0x30: {  	s3 =	sld [smem:$0x3FAE]  }
0x31: {  	[smem:$0x3FB7] =	sst s10  }
0x32: {  	s10 =	sld [smem:$0x3FB5];
	_ =	sdelay $0x3  }
0x33: {  	p0 =	seq.s32 s10, $0x1;
	s10 =	sld [smem:$0x3FB7];
	_ =	sdelay $0x3  }
0x34: {  	[smem:$0x3FB7] =	sst s10  }
0x35: {  	s10 =	sld [smem:$0x3FB6];
	_ =	sdelay $0x3  }
0x36: {  	p1 =	seq.s32 s10, $0x1;
	s10 =	sld [smem:$0x3FB7];
	_ =	sdelay $0x3  }
0x37: {  	[smem:$0x3FB7] =	sst s10  }
0x38: {  	s10 =	sld [smem:$0x3FB8]  }
0x39: {  	_ = 	snop;
	(pc) =	sbr.ind lr, $3  }
0x3a: {  	_ = 	snop  }
0x3b: {  	_ = 	snop  }
0x3c: {  	p2 =	seq.s32 s10, $0x1;
	s10 =	sld [smem:$0x3FB7]  }
0x3d: {  	_ =	shalt  }
0x3e: {  	_ =	shalt  }
0x3f: {  	_ =	shalt  }
0x40: {  	_ =	shalt  }
0x41: {  	_ =	shalt  }
0x42: {  	_ =	shalt  }
0x43: {  	_ =	shalt  }
0x44: {  	_ =	shalt  }
0x45: {  	_ =	shalt  }
0x46: {  	_ =	shalt  }
0x47: {  	_ =	shalt  }
0x48: {  	_ =	shalt  }
0x49: {  	_ =	shalt  }
0x4a: {  	_ =	shalt  }
0x4b: {  	_ =	shalt  }
0x4c: {  	_ =	shalt  }
0x4d: {  	_ =	shalt  }
0x4e: {  	_ =	shalt  }
0x4f: {  	_ =	shalt  }
0x50: {  	_ =	shalt  }
0x51: {  	_ =	shalt  }
0x52: {  	_ =	shalt  }
0x53: {  	_ =	shalt  }
0x54: {  	_ =	shalt  }
0x55: {  	_ =	shalt  }
0x56: {  	_ =	shalt  }
0x57: {  	_ =	shalt  }
0x58: {  	_ =	shalt  }
0x59: {  	_ =	shalt  }
0x5a: {  	_ =	shalt  }
0x5b: {  	_ =	shalt  }
0x5c: {  	_ =	shalt  }
0x5d: {  	_ =	shalt  }
0x5e: {  	_ =	shalt  }
0x5f: {  	_ =	shalt  }
0x60: {  	_ =	shalt  }
0x61: {  	_ =	shalt  }
0x62: {  	_ =	shalt  }
0x63: {  	_ =	shalt  }
0x64: {  	_ =	shalt  }
0x65: {  	_ =	shalt  }
0x66: {  	_ =	shalt  }
0x67: {  	_ =	shalt  }
0x68: {  	_ =	shalt  }
0x69: {  	_ =	shalt  }
0x6a: {  	_ =	shalt  }
0x6b: {  	_ =	shalt  }
0x6c: {  	_ =	shalt  }
0x6d: {  	_ =	shalt  }
0x6e: {  	_ =	shalt  }
0x6f: {  	_ =	shalt  }
0x70: {  	_ =	shalt  }
0x71: {  	_ =	shalt  }
0x72: {  	_ =	shalt  }
0x73: {  	_ =	shalt  }
0x74: {  	_ =	shalt  }
0x75: {  	_ =	shalt  }
0x76: {  	_ =	shalt  }
0x77: {  	_ =	shalt  }
0x78: {  	_ =	shalt  }
0x79: {  	_ =	shalt  }
0x7a: {  	_ =	shalt  }
0x7b: {  	_ =	shalt  }
0x7c: {  	_ =	shalt  }
0x7d: {  	_ =	shalt  }
0x7e: {  	_ =	shalt  }
0x7f: {  	_ =	shalt  }
0x80: {  	_ =	shalt  }
0x81: {  	_ =	shalt  }
0x82: {  	_ =	shalt  }
0x83: {  	_ =	shalt  }
0x84: {  	_ =	shalt  }
0x85: {  	_ =	shalt  }
0x86: {  	_ =	shalt  }
0x87: {  	_ =	shalt  }
.Lfunc_end0:
.L_simem_size_0:
called_computation_lowered:
.L_overlay_start_0:
0x88: {  	s2 =	sld [smem:$0x3FD9]  }
0x89: {  	s3 =	sld [smem:$0x3FFE];
	_ =	sdelay $0x1  }
0x8a: {  	s1 =	srdreg.scid  }
0x8b: {  	s0 =	sand.u32 $0x1, s1  }
0x8c: {  	s17 =	sshll.u32 s0, $0xA;
	s2 =	sadd.s32 s3, s2  }
0x8d: {  	s2 =	sadd.s32 s2, s17  }
0x8e: {  	[smem:$0x3FC3] =	sst s2  }
0x8f: {  	_ = 	snop  }
0x90: {  	s2 =	sld [smem:$0x3FC8]  }
0x91: {  	s18 =	sld [smem:$0x3FC6]  }
0x92: {  	s4 =	sld [smem:$0x3FD0];
	(tm) =	ssettm $0x1  }
0x93: {  	s5 =	sld [smem:$0x3FFB];
	_ =	sdelay $0x3  }
0x94: {  	_ =	strace s5  }
0x95: {  	s5 =	sld [smem:$0x3FFC];
	_ =	sdelay $0x3  }
0x96: {  	_ =	strace s5  }
0x97: {  	s5 =	sld [smem:$0x3FFD];
	_ =	sdelay $0x3  }
0x98: {  	_ =	strace s5  }
0x99: {  	_ =	strace $0x8FFFFFFF  }
0x9a: {  	s19 =	sld [smem:$0x3FDB];
	_ =	sdelay $0x1  }
0x9b: {  	s6 =	simm.s32 $_scs_section_size  }
0x9c: {  	s7 =	simm.s32 $_size__tile_overlayer_lowered;
	s8 =	simm.s32 $_tile_overlayer_lowered  }
0x9d: {  	s22 =	simm.s32 $0x1BFF;
	s21 =	sshll.u32 s8, $0x1;
	s5 =	sadd.s32 s6, s19  }
0x9e: {  	s9 =	simm.s32 $0x0;
	s20 =	sshll.u32 s7, $0x1;
	s7 =	sadd.s32 s21, s5  }
0x9f: {  	[timem:s9], [sflag:s22] =	dma.local [hbm:s7], s20  }
0xa0: {  	_ =	swait.ge [sflag:s22], s20  }
0xa1: {  	s6 =	ssub.s32 $0x0, s20;
	[sflag:s22] =	ssyncset.done $0x0  }
0xa2: {  	[sflag:s22] =	ssyncadd.s32 s6;
	_ =	sdelay $0x1  }
0xa3: {  	s23 =	simm.s32 $0x1B8B  }
0xa4: {  	_ =	swait.ge [sflag:s23], $0x1  }
0xa5: {  	[sflag:s23] =	ssyncset.done $0x0  }
0xa6: {  	s25 =	simm.s32 $0x1B8E;
	s24 =	sld [smem:$0x3FFE];
	[sflag:s23] =	ssyncadd.s32 $0xFFFFFFFF  }
0xa7: {  	s26 =	simm.s32 $execute0_lowered;
	[smem:$0x3FD2] =	sst s25  }
0xa8: {  	s7 =	sshll.u32 s26, $0x1;
	_ =	strace $0x80000046;
	[dreg:$0x1] =	wrdreg $0xFFFFFFFF  }
0xa9: {  	s28 =	simm.s32 $_size_execute0_lowered;
	s5 =	sadd.s32 s5, s7;
	[dreg:$0x0] =	wrdreg $0x0  }
0xaa: {  	s7 =	sshll.u32 s28, $0x1;
	[dreg:$0x2] =	wrdreg s5  }
0xab: {  	[dreg:$0x3] =	wrdreg s7  }
0xac: {  	[dreg:$0x4] =	wrdreg $0xC0  }
0xad: {  	_ =	task [dreg:s9], $0x5FFFF  }
0xae: {  	[dreg:$0x1] =	wrdreg $0xFFFFFFFF  }
0xaf: {  	[dreg:$0x0] =	wrdreg $0x60  }
0xb0: {  	[dreg:$0x2] =	wrdreg s24  }
0xb1: {  	[dreg:$0x3] =	wrdreg s2  }
0xb2: {  	[dreg:$0x4] =	wrdreg s18  }
0xb3: {  	[dreg:$0x5] =	wrdreg s4  }
0xb4: {  	[dreg:$0x6] =	wrdreg $0x9  }
0xb5: {  	_ =	task.clear_ibuf [dreg:s9], $0x7FFFF;
	_ =	strace $0x90000046  }
0xb6: {  	s29 =	simm.s32 $0x9;
	_ =	strace $0x80000048  }
0xb7: {  	_ =	swait.ge [sflag:s29], $0x1  }
0xb8: {  	[sflag:s29] =	ssyncadd.s32 $0xFFFFFFFF  }
0xb9: {  	_ =	strace $0x90000048  }
0xba: {  	_ =	sfence  }
0xbb: {  	s30 =	sld [smem:$0x0];
	_ =	sdelay $0x2  }
0xbc: {  	s31 =	sshll.u32 s1, $0xD;
	s1 =	sshrl.u32 s1, $0x2  }
0xbd: {  	s3 =	sand.u32 $0x4000, s31;
	s1 =	sadd.s32 s1, s30  }
0xbe: {  	s0 =	sor.u32 s3, s0;
	s1 =	sshll.u32 s1, $0x11  }
0xbf: {  	s0 =	sor.u32 s1, s0  }
0xc0: {  	s0 =	sadd.s32 $0x8F2B, s0  }
0xc1: {  	[sflag:s0] =	ssyncadd.remote.s32 $0x1  }
0xc2: {  	_ =	sfence.sel $0xFFFF  }
0xc3: {  	[dreg:$0x0] =	wrdreg $0xFFFFFFFF;
	(pc) =	sbr.abs _section_cstart, $3  }
0xc4: {  	[dreg:$0x1] =	wrdreg $0xFFFFFFFF  }
0xc5: {  	_ =	task.clear_ibuf [dreg:s9], $0x2FFFF;
	_ =	strace $0x9FFFFFFF  }
0xc6: {  	(tm) =	ssettm $0x7FFFFFFF  }
0xc7: {  	_ =	shalt  }
tec
execute0_lowered:
.L_overlay_start_1:
0x0: {  	(tag) =	ssettag $0x1  }
0x1: {  	v0 =	vimm.s32 $0x1380;
	vm0 =	vcmask $0x300;
	vm14 =	vcmask $0x704  }
0x2: {  	vm13 =	vcmask $0xB08;
	v5 =	vlaneseq.u32;
	vm12 =	vcmask $0xF0C  }
0x3: {  	vm11 =	vcmask $0x1310;
	vm9 =	vcmask $0x1714;
	vm8 =	vcmask $0x1B18  }
0x4: {  	vm7 =	vcmask $0x1F1C;
	vm1 =	vcmask $0x2320;
	vm4 =	vcmask $0x2724  }
0x5: {  	vm3 =	vcmask $0x2B28;
	v7 =	vimm.s32 $0x1780;
	v8 =	vimm.s32 $0x1B80  }
0x6: {  	vm2 =	vcmask $0x2F2C;
	vm5 =	vcmask $0x3330;
	vm6 =	vcmask $0x3734  }
0x7: {  	vm10 =	vcmask $0x3B38;
	v9 =	vimm.s32 $0x1F80;
	v11 =	vimm.s32 $0x67452301  }
0x8: {  	v12 =	vimm.s32 $0xDCFE98BA;
	v13 =	vimm.s32 $0x54761032;
	v0 =	vsel vm0, $0x0, v0  }
0x9: {  	v7 =	vsel vm0, $0x400, v7;
	v8 =	vsel vm0, $0x800, v8;
	v9 =	vsel vm0, $0xC00, v9  }
0xa: {  	v11 =	vunpack.c.l.s4.s8 v11;
	v12 =	vunpack.c.l.s4.s8 v12;
	v13 =	vunpack.c.l.s4.s8 v13  }
0xb: {  	vm0 =	vmor vm0, vm1;
	v0 =	vsel vm14, $0x80, v0;
	v7 =	vsel vm14, $0x480, v7  }
0xc: {  	v8 =	vsel vm14, $0x880, v8;
	v9 =	vsel vm14, $0xC80, v9;
	v1 =	vsel vm13, $0x100, v0  }
0xd: {  	v0 =	vmul.u32 $0x80, v5;
	v5 =	vshrl.u32 v5, $0x3;
	v7 =	vsel vm13, $0x500, v7  }
0xe: {  	v8 =	vsel vm13, $0x900, v8;
	v11 =	vunpack.c.0.s8.s32 v11;
	v12 =	vunpack.c.0.s8.s32 v12  }
0xf: {  	v13 =	vunpack.c.0.s8.s32 v13;
	v2 =	vsel vm12, $0x180, v1;
	v7 =	vsel vm12, $0x580, v7  }
0x10: {  	v1 =	vimm.s32 $0x0;
	v8 =	vsel vm12, $0x980, v8;
	v7 =	vsel vm11, $0x600, v7  }
0x11: {  	v3 =	vsel vm11, $0x200, v2;
	v8 =	vsel vm11, $0xA00, v8;
	v7 =	vsel vm9, $0x680, v7  }
0x12: {  	v2 =	vor.u32 $0x800, v0;
	v8 =	vsel vm9, $0xA80, v8;
	v7 =	vsel vm8, $0x700, v7  }
0x13: {  	v4 =	vsel vm9, $0x280, v3;
	v8 =	vsel vm8, $0xB00, v8;
	v7 =	vsel vm7, $0x780, v7  }
0x14: {  	v6 =	vsel vm8, $0x300, v4;
	v8 =	vsel vm7, $0xB80, v8;
	v7 =	vsel vm1, $0x1400, v7  }
0x15: {  	s2 =	rddreg [dreg:$0x0];
	v6 =	vsel vm7, $0x380, v6;
	v8 =	vsel vm1, $0x1800, v8;
	v7 =	vsel vm4, $0x1480, v7  }
0x16: {  	s0 =	rddreg [dreg:$0x1];
	v6 =	vsel vm1, $0x1000, v6;
	v8 =	vsel vm4, $0x1880, v8;
	v7 =	vsel vm3, $0x1500, v7  }
0x17: {  	s1 =	rddreg [dreg:$0x2];
	v6 =	vsel vm4, $0x1080, v6;
	v8 =	vsel vm3, $0x1900, v8;
	v7 =	vsel vm2, $0x1580, v7  }
0x18: {  	s3 =	rddreg [dreg:$0x3];
	s4 =	srdreg.scid;
	s11 =	simm.s32 $0x9;
	v10 =	vsel vm5, $0x1600, v7;
	v7 =	vsel vm2, $0x1980, v8;
	v8 =	vsel vm13, $0xD00, v9  }
0x19: {  	s7 =	stileid.u32;
	s12 =	simm.s32 $0x280;
	s14 =	simm.s32 $0x18900;
	v9 =	vsel vm5, $0x1A00, v7;
	v7 =	vsel vm12, $0xD80, v8;
	v8 =	vimm.s32 $0xEFCDAB89  }
0x1a: {  	s16 =	simm.s32 $0x1A900;
	s18 =	simm.s32 $0x19900;
	s19 =	simm.s32 $0x20;
	v6 =	vsel vm3, $0x1100, v6;
	v7 =	vsel vm11, $0xE00, v7;
	v8 =	vunpack.c.l.s4.s8 v8  }
0x1b: {  	s21 =	simm.s32 $0x1B900;
	s28 =	simm.s32 $0xC900;
	s29 =	simm.s32 $0x1C900;
	v3 =	vor.u32 $0x1000, v0;
	v6 =	vsel vm2, $0x1180, v6;
	v7 =	vsel vm9, $0xE80, v7  }
0x1c: {  	s30 =	simm.s32 $0x1CB00;
	s31 =	simm.s32 $0x1CD00;
	s5 =	sand.u32 $0x1, s4;
	v6 =	vsel vm5, $0x1200, v6;
	v7 =	vsel vm8, $0xF00, v7;
	v8 =	vunpack.c.0.s8.s32 v8  }
0x1d: {  	s4 =	simm.s32 $0x0;
	s7 =	sshll.u32 s7, $0x6;
	s6 =	sshll.u32 s5, $0xA;
	v4 =	vor.u32 $0x1800, v0;
	v6 =	vsel vm6, $0x1280, v6;
	v7 =	vsel vm7, $0xF80, v7  }
0x1e: {  	[smem:$0x7FF] =	sst s4;
	s23 =	ssub.s32 $0x2, s5;
	s5 =	sadd.s32 $0x1FC00, s2;
	v14 =	vsel vm1, $0x1C00, v7;
	v7 =	vcombine.low v11, v8;
	v11 =	vimm.s32 $0xBA98FEDC  }
0x1f: {  	s22 =	simm.s32 $0x7;
	s9 =	sor.u32 s7, s6;
	_ =	strace $0x80000047;
	v8 =	vcombine.low v13, v12;
	v12 =	vimm.s32 $0x32107654;
	v14 =	vsel vm4, $0x1C80, v14  }
.Ltmp0:
0x20: {  	s10 =	sshrl.u32 s23, $0x1;
	s6 =	sadd.s32 $0x1200, s2;
	v11 =	vunpack.c.l.s4.s8 v11;
	v12 =	vunpack.c.l.s4.s8 v12;
	v13 =	vsel vm3, $0x1D00, v14;
	(pc) =	sbr.rel .LBB2_1-.Ltmp0, $4  }
0x21: {  	s8 =	sadd.s32 s9, s2;
	s24 =	ssub.s32 s23, s10;
	s3 =	sadd.s32 s3, s9;
	v10 =	vsel vm6, $0x1680, v10;
	v14 =	vsel vm6, $0x1A80, v9;
	v9 =	vsel vm2, $0x1D80, v13  }
0x22: {  	s2 =	simm.s32 $0x0;
	s25 =	sadd.s32 $0xA00, s8;
	[dreg:$0x7] =	wrdreg s3;
	v15 =	vunpack.c.0.s8.s32 v11;
	v12 =	vunpack.c.0.s8.s32 v12;
	v13 =	vsel vm5, $0x1E00, v9  }
0x23: {  	s26 =	sadd.s32 $0x200, s8;
	s10 =	smax.u32 s24, $0x1;
	[dreg:$0x5] =	wrdreg s25;
	v6 =	vsel vm10, $0x1300, v6;
	v9 =	vsel vm10, $0x1700, v10;
	v11 =	vsel vm6, $0x1E80, v13  }
0x24: {  	[dreg:$0x6] =	wrdreg s26;
	s25 =	simm.s32 $0x8;
	s26 =	simm.s32 $0x900;
	v10 =	vsel vm10, $0x1B00, v14;
	v12 =	vcombine.low v12, v15;
	v11 =	vsel vm10, $0x1F00, v11  }
.LBB2_5:
0x25: {  	s2 =	sadd.s32 $0x1, s2  }
0x26: {  	p0 =	sne.s32 s2, s10  }
.Ltmp1:
0x27: {  	s3 =	rddreg [dreg:$0x7];
	(pc) =	sbr.rel @!p0 .LBB2_6-.Ltmp1, $4  }
0x28: {  	[hbm4b:s3+s4] =	stream.linear.scatter [tilespmem:s31], [sflag:$0x9], $0x200, $0x38;
	[tilespmem:$0x1CF00] =	vst v63  }
0x29: {  	_ =	swait.ge [sflag:s11], $0x200  }
0x2a: {  	[sflag:s11] =	ssyncset.done $0x0  }
0x2b: {  	[sflag:s11] =	ssyncadd.s32 $0xFFFFFE00  }
.LBB2_1:
0x2c: {  	s3 =	rddreg [dreg:$0x5]  }
0x2d: {  	[tilespmem:s4], [sflag:$0x9] =	stream.linear.gather [hbm4b:s3+s4], $0x200, $0x38;
	[tilespmem:$0x1CF00] =	vst v63  }
0x2e: {  	_ =	swait.ge [sflag:s11], $0x200  }
0x2f: {  	[sflag:s11] =	ssyncset.done $0x0  }
0x30: {  	s13 =	rddreg [dreg:$0x6];
	[sflag:s11] =	ssyncadd.s32 $0xFFFFFE00  }
0x31: {  	[tilespmem:s12], [sflag:$0x9] =	stream.linear.gather [hbm4b:s13+s4], $0x200, $0x38;
	[tilespmem:$0x1CF00] =	vst v63  }
0x32: {  	_ =	swait.ge [sflag:s11], $0x200  }
0x33: {  	[sflag:s11] =	ssyncset.done $0x0  }
0x34: {  	[sflag:s11] =	ssyncadd.s32 $0xFFFFFE00  }
0x35: {  	v13 =	vld [tilespmem:$0x0]  }
0x36: {  	v14 =	vld [tilespmem:$0x280]  }
0x37: {  	v15 =	vld [tilespmem:$0x10]  }
0x38: {  	v16 =	vld [tilespmem:$0x290]  }
0x39: {  	v17 =	vld [tilespmem:$0x20];
	[tilespmem:$0x200] =	vst v1  }
0x3a: {  	v18 =	vld [tilespmem:$0x2A0];
	[tilespmem:$0x480] =	vst v1;
	v13 =	vshra.s32 v13, $0x7  }
0x3b: {  	[tilespmem:$0x500] =	vst v13;
	v13 =	vshra.s32 v14, $0x7;
	v14 =	vld [tilespmem:$0x30]  }
0x3c: {  	[tilespmem:$0x700] =	vst v13;
	v13 =	vshra.s32 v15, $0x7;
	v15 =	vld [tilespmem:$0x2B0]  }
0x3d: {  	v30 =	vld [tilespmem:$0x40];
	[tilespmem:$0x510] =	vst v13;
	v13 =	vshra.s32 v16, $0x7  }
0x3e: {  	v31 =	vld [tilespmem:$0x2C0];
	[tilespmem:$0x710] =	vst v13;
	v13 =	vshra.s32 v17, $0x7  }
0x3f: {  	v32 =	vld [tilespmem:$0x50];
	[tilespmem:$0x520] =	vst v13;
	v13 =	vshra.s32 v18, $0x7  }
0x40: {  	[tilespmem:$0x720] =	vst v13;
	v13 =	vshra.s32 v14, $0x7;
	v14 =	vld [tilespmem:$0x2D0]  }
0x41: {  	[tilespmem:$0x530] =	vst v13;
	v13 =	vshra.s32 v15, $0x7;
	v15 =	vld [tilespmem:$0x60]  }
0x42: {  	v33 =	vld [tilespmem:$0x2E0];
	[tilespmem:$0x730] =	vst v13;
	v13 =	vshra.s32 v30, $0x7  }
0x43: {  	v34 =	vld [tilespmem:$0x70];
	[tilespmem:$0x540] =	vst v13;
	v13 =	vshra.s32 v31, $0x7  }
0x44: {  	v35 =	vld [tilespmem:$0x2F0];
	[tilespmem:$0x740] =	vst v13;
	v13 =	vshra.s32 v32, $0x7  }
0x45: {  	[tilespmem:$0x550] =	vst v13;
	v13 =	vshra.s32 v14, $0x7;
	v14 =	vld [tilespmem:$0x80]  }
0x46: {  	[tilespmem:$0x750] =	vst v13;
	v13 =	vshra.s32 v15, $0x7;
	v15 =	vld [tilespmem:$0x300]  }
0x47: {  	v36 =	vld [tilespmem:$0x90];
	[tilespmem:$0x560] =	vst v13;
	v13 =	vshra.s32 v33, $0x7  }
0x48: {  	v37 =	vld [tilespmem:$0x310];
	[tilespmem:$0x760] =	vst v13;
	v13 =	vshra.s32 v34, $0x7  }
0x49: {  	v38 =	vld [tilespmem:$0xA0];
	[tilespmem:$0x570] =	vst v13;
	v13 =	vshra.s32 v35, $0x7  }
0x4a: {  	[tilespmem:$0x770] =	vst v13;
	v13 =	vshra.s32 v14, $0x7;
	v14 =	vld [tilespmem:$0x320]  }
0x4b: {  	[tilespmem:$0x580] =	vst v13;
	v13 =	vshra.s32 v15, $0x7;
	v15 =	vld [tilespmem:$0xB0]  }
0x4c: {  	v39 =	vld [tilespmem:$0x330];
	[tilespmem:$0x780] =	vst v13;
	v13 =	vshra.s32 v36, $0x7  }
0x4d: {  	v40 =	vld [tilespmem:$0xC0];
	[tilespmem:$0x590] =	vst v13;
	v13 =	vshra.s32 v37, $0x7  }
0x4e: {  	v41 =	vld [tilespmem:$0x340];
	[tilespmem:$0x790] =	vst v13;
	v13 =	vshra.s32 v38, $0x7  }
0x4f: {  	[tilespmem:$0x5A0] =	vst v13;
	v13 =	vshra.s32 v14, $0x7;
	v14 =	vld [tilespmem:$0xD0]  }
0x50: {  	[tilespmem:$0x7A0] =	vst v13;
	v13 =	vshra.s32 v15, $0x7;
	v15 =	vld [tilespmem:$0x350]  }
0x51: {  	v42 =	vld [tilespmem:$0xE0];
	[tilespmem:$0x5B0] =	vst v13;
	v13 =	vshra.s32 v39, $0x7  }
0x52: {  	v43 =	vld [tilespmem:$0x360];
	[tilespmem:$0x7B0] =	vst v13;
	v13 =	vshra.s32 v40, $0x7  }
0x53: {  	v44 =	vld [tilespmem:$0xF0];
	[tilespmem:$0x5C0] =	vst v13;
	v13 =	vshra.s32 v41, $0x7  }
0x54: {  	[tilespmem:$0x7C0] =	vst v13;
	v13 =	vshra.s32 v14, $0x7;
	v14 =	vld [tilespmem:$0x370]  }
0x55: {  	[tilespmem:$0x5D0] =	vst v13;
	v13 =	vshra.s32 v15, $0x7;
	v15 =	vld [tilespmem:$0x100]  }
0x56: {  	v45 =	vld [tilespmem:$0x380];
	[tilespmem:$0x7D0] =	vst v13;
	v13 =	vshra.s32 v42, $0x7  }
0x57: {  	v46 =	vld [tilespmem:$0x110];
	[tilespmem:$0x5E0] =	vst v13;
	v13 =	vshra.s32 v43, $0x7  }
0x58: {  	v47 =	vld [tilespmem:$0x390];
	[tilespmem:$0x7E0] =	vst v13;
	v13 =	vshra.s32 v44, $0x7  }
0x59: {  	[tilespmem:$0x5F0] =	vst v13;
	v13 =	vshra.s32 v14, $0x7;
	v14 =	vld [tilespmem:$0x120]  }
0x5a: {  	[tilespmem:$0x7F0] =	vst v13;
	v13 =	vshra.s32 v15, $0x7;
	v15 =	vld [tilespmem:$0x3A0]  }
0x5b: {  	v48 =	vld [tilespmem:$0x130];
	[tilespmem:$0x600] =	vst v13;
	v13 =	vshra.s32 v45, $0x7  }
0x5c: {  	v49 =	vld [tilespmem:$0x3B0];
	[tilespmem:$0x800] =	vst v13;
	v13 =	vshra.s32 v46, $0x7  }
0x5d: {  	v50 =	vld [tilespmem:$0x140];
	[tilespmem:$0x610] =	vst v13;
	v13 =	vshra.s32 v47, $0x7  }
0x5e: {  	[tilespmem:$0x810] =	vst v13;
	v13 =	vshra.s32 v14, $0x7;
	v14 =	vld [tilespmem:$0x3C0]  }
0x5f: {  	[tilespmem:$0x620] =	vst v13;
	v13 =	vshra.s32 v15, $0x7;
	v15 =	vld [tilespmem:$0x150]  }
0x60: {  	v51 =	vld [tilespmem:$0x3D0];
	[tilespmem:$0x820] =	vst v13;
	v13 =	vshra.s32 v48, $0x7  }
0x61: {  	v52 =	vld [tilespmem:$0x160];
	[tilespmem:$0x630] =	vst v13;
	v13 =	vshra.s32 v49, $0x7  }
0x62: {  	v53 =	vld [tilespmem:$0x3E0];
	[tilespmem:$0x830] =	vst v13;
	v13 =	vshra.s32 v50, $0x7  }
0x63: {  	[tilespmem:$0x640] =	vst v13;
	v13 =	vshra.s32 v14, $0x7;
	v14 =	vld [tilespmem:$0x170]  }
0x64: {  	[tilespmem:$0x840] =	vst v13;
	v13 =	vshra.s32 v15, $0x7;
	v15 =	vld [tilespmem:$0x3F0]  }
0x65: {  	v54 =	vld [tilespmem:$0x180];
	[tilespmem:$0x650] =	vst v13;
	v13 =	vshra.s32 v51, $0x7  }
0x66: {  	v55 =	vld [tilespmem:$0x400];
	[tilespmem:$0x850] =	vst v13;
	v13 =	vshra.s32 v52, $0x7  }
0x67: {  	v56 =	vld [tilespmem:$0x190];
	[tilespmem:$0x660] =	vst v13;
	v13 =	vshra.s32 v53, $0x7  }
0x68: {  	[tilespmem:$0x860] =	vst v13;
	v13 =	vshra.s32 v14, $0x7;
	v14 =	vld [tilespmem:$0x410]  }
0x69: {  	[tilespmem:$0x670] =	vst v13;
	v13 =	vshra.s32 v15, $0x7;
	v15 =	vld [tilespmem:$0x1A0]  }
0x6a: {  	v57 =	vld [tilespmem:$0x420];
	[tilespmem:$0x870] =	vst v13;
	v13 =	vshra.s32 v54, $0x7  }
0x6b: {  	v58 =	vld [tilespmem:$0x1B0];
	[tilespmem:$0x680] =	vst v13;
	v13 =	vshra.s32 v55, $0x7  }
0x6c: {  	v59 =	vld [tilespmem:$0x430];
	[tilespmem:$0x880] =	vst v13;
	v13 =	vshra.s32 v56, $0x7  }
0x6d: {  	[tilespmem:$0x690] =	vst v13;
	v13 =	vshra.s32 v14, $0x7;
	v14 =	vld [tilespmem:$0x1C0]  }
0x6e: {  	[tilespmem:$0x890] =	vst v13;
	v13 =	vshra.s32 v15, $0x7;
	v15 =	vld [tilespmem:$0x440]  }
0x6f: {  	v60 =	vld [tilespmem:$0x1D0];
	[tilespmem:$0x6A0] =	vst v13;
	v13 =	vshra.s32 v57, $0x7  }
0x70: {  	v61 =	vld [tilespmem:$0x450];
	[tilespmem:$0x8A0] =	vst v13;
	v13 =	vshra.s32 v58, $0x7  }
0x71: {  	v62 =	vld [tilespmem:$0x1E0];
	[tilespmem:$0x6B0] =	vst v13;
	v13 =	vshra.s32 v59, $0x7  }
0x72: {  	[tilespmem:$0x8B0] =	vst v13;
	v13 =	vshra.s32 v14, $0x7;
	v14 =	vld [tilespmem:$0x460]  }
0x73: {  	[tilespmem:$0x6C0] =	vst v13;
	v13 =	vshra.s32 v15, $0x7;
	v15 =	vld [tilespmem:$0x1F0]  }
0x74: {  	v63 =	vld [tilespmem:$0x470];
	[tilespmem:$0x8C0] =	vst v13;
	v13 =	vshra.s32 v60, $0x7  }
0x75: {  	[tilespmem:$0x6D0] =	vst v13;
	v13 =	vshra.s32 v61, $0x7  }
0x76: {  	[tilespmem:$0x8D0] =	vst v13;
	v13 =	vshra.s32 v62, $0x7  }
0x77: {  	[tilespmem:$0x6E0] =	vst v13;
	v13 =	vshra.s32 v14, $0x7  }
0x78: {  	[tilespmem:$0x8E0] =	vst v13;
	v13 =	vshra.s32 v15, $0x7  }
0x79: {  	[tilespmem:$0x6F0] =	vst v13;
	v13 =	vshra.s32 v63, $0x7  }
0x7a: {  	s15 =	simm.s32 $0x500;
	[tilespmem:$0x8F0] =	vst v13  }
0x7b: {  	[tilespmem:s14], [sflag:$0x7] =	stream.indirect.gather [hbm4b:s5+s19], $0x80, s15, s19, $0xb8;
	[tilespmem:$0x1CF00] =	vst v63  }
0x7c: {  	s17 =	simm.s32 $0x700  }
0x7d: {  	[tilespmem:s16], [sflag:$0x7] =	stream.indirect.gather [hbm4b:s6+s19], $0x80, s17, s19, $0xb8;
	[tilespmem:$0x1CF00] =	vst v63  }
0x7e: {  	s20 =	simm.s32 $0x520  }
0x7f: {  	[tilespmem:s18], [sflag:$0x8] =	stream.indirect.gather [hbm4b:s5+s19], $0x80, s20, s19, $0xb8;
	[tilespmem:$0x1CF00] =	vst v63  }
0x80: {  	s23 =	simm.s32 $0x720  }
0x81: {  	[tilespmem:s21], [sflag:$0x8] =	stream.indirect.gather [hbm4b:s6+s19], $0x80, s23, s19, $0xb8;
	[tilespmem:$0x1CF00] =	vst v63  }
0x82: {  	_ =	swait.ge [sflag:s22], $0x1000  }
0x83: {  	[sflag:s22] =	ssyncset.done $0x0  }
0x84: {  	[sflag:s22] =	ssyncadd.s32 $0xFFFFF000  }
0x85: {  	_ =	swait.ge [sflag:s22], $0x1000  }
0x86: {  	[sflag:s22] =	ssyncset.done $0x0  }
0x87: {  	[sflag:s22] =	ssyncadd.s32 $0xFFFFF000  }
0x88: {  	v13 =	vld [tilespmem:$0x0];
	_ =	sdelay $0x4  }
0x89: {  	v13 =	vand.u32 $0x7F, v13  }
0x8a: {  	v14 =	vld [tilespmem:$0x280];
	v13 =	vor.u32 v0, v13;
	_ =	sdelay $0x4  }
0x8b: {  	v14 =	vand.u32 $0x7F, v14;
	v13 =	vld.idx.msk [tilespmem:v13+s14+$0x0], $0xffff  }
0x8c: {  	v15 =	vld [tilespmem:$0x10];
	v14 =	vor.u32 v0, v14;
	_ =	sdelay $0x3  }
0x8d: {  	[tilespmem:$0x1C900] =	vst v13  }
0x8e: {  	v13 =	vld.idx.msk [tilespmem:v14+s16+$0x0], $0xffff;
	v14 =	vand.u32 $0x7F, v15  }
0x8f: {  	v15 =	vld [tilespmem:$0x290];
	v14 =	vor.u32 v2, v14;
	_ =	sdelay $0x3  }
0x90: {  	[tilespmem:$0x1CB00] =	vst v13  }
0x91: {  	v13 =	vand.u32 $0x7F, v15;
	v14 =	vld.idx.msk [tilespmem:v14+s14+$0x0], $0xffff  }
0x92: {  	v13 =	vor.u32 v2, v13;
	_ =	sdelay $0x3  }
0x93: {  	[tilespmem:$0x1C910] =	vst v14  }
0x94: {  	v13 =	vld.idx.msk [tilespmem:v13+s16+$0x0], $0xffff;
	_ =	sdelay $0x4  }
0x95: {  	s24 =	simm.s32 $0x540;
	[tilespmem:$0x1CB10] =	vst v13  }
0x96: {  	[tilespmem:s14], [sflag:$0x7] =	stream.indirect.gather [hbm4b:s5+s19], $0x80, s24, s19, $0xb8;
	[tilespmem:$0x1CF00] =	vst v63  }
0x97: {  	s7 =	simm.s32 $0x740  }
0x98: {  	[tilespmem:s16], [sflag:$0x7] =	stream.indirect.gather [hbm4b:s6+s19], $0x80, s7, s19, $0xb8;
	[tilespmem:$0x1CF00] =	vst v63  }
0x99: {  	_ =	swait.ge [sflag:s25], $0x1000  }
0x9a: {  	[sflag:s25] =	ssyncset.done $0x0  }
0x9b: {  	[sflag:s25] =	ssyncadd.s32 $0xFFFFF000  }
0x9c: {  	_ =	swait.ge [sflag:s25], $0x1000  }
0x9d: {  	[sflag:s25] =	ssyncset.done $0x0  }
0x9e: {  	[sflag:s25] =	ssyncadd.s32 $0xFFFFF000  }
0x9f: {  	v13 =	vld [tilespmem:$0x20];
	_ =	sdelay $0x4  }
0xa0: {  	v13 =	vand.u32 $0x7F, v13  }
0xa1: {  	v14 =	vld [tilespmem:$0x2A0];
	v13 =	vor.u32 v3, v13;
	_ =	sdelay $0x4  }
0xa2: {  	v14 =	vand.u32 $0x7F, v14;
	v13 =	vld.idx.msk [tilespmem:v13+s14+$0x0], $0xffff  }
0xa3: {  	v15 =	vld [tilespmem:$0x30];
	v14 =	vor.u32 v3, v14;
	_ =	sdelay $0x3  }
0xa4: {  	[tilespmem:$0x1C920] =	vst v13  }
0xa5: {  	v13 =	vld.idx.msk [tilespmem:v14+s16+$0x0], $0xffff;
	v14 =	vand.u32 $0x7F, v15  }
0xa6: {  	v15 =	vld [tilespmem:$0x2B0];
	v14 =	vor.u32 v4, v14;
	_ =	sdelay $0x3  }
0xa7: {  	[tilespmem:$0x1CB20] =	vst v13  }
0xa8: {  	v13 =	vand.u32 $0x7F, v15;
	v14 =	vld.idx.msk [tilespmem:v14+s14+$0x0], $0xffff  }
0xa9: {  	v13 =	vor.u32 v4, v13;
	_ =	sdelay $0x3  }
0xaa: {  	[tilespmem:$0x1C930] =	vst v14  }
0xab: {  	v13 =	vld.idx.msk [tilespmem:v13+s16+$0x0], $0xffff;
	_ =	sdelay $0x4  }
0xac: {  	s8 =	simm.s32 $0x560;
	[tilespmem:$0x1CB30] =	vst v13  }
0xad: {  	[tilespmem:s18], [sflag:$0x8] =	stream.indirect.gather [hbm4b:s5+s19], $0x80, s8, s19, $0xb8;
	[tilespmem:$0x1CF00] =	vst v63  }
0xae: {  	s9 =	simm.s32 $0x760  }
0xaf: {  	[tilespmem:s21], [sflag:$0x8] =	stream.indirect.gather [hbm4b:s6+s19], $0x80, s9, s19, $0xb8;
	[tilespmem:$0x1CF00] =	vst v63  }
0xb0: {  	_ =	swait.ge [sflag:s22], $0x1000  }
0xb1: {  	[sflag:s22] =	ssyncset.done $0x0  }
0xb2: {  	[sflag:s22] =	ssyncadd.s32 $0xFFFFF000  }
0xb3: {  	_ =	swait.ge [sflag:s22], $0x1000  }
0xb4: {  	[sflag:s22] =	ssyncset.done $0x0  }
0xb5: {  	[sflag:s22] =	ssyncadd.s32 $0xFFFFF000  }
0xb6: {  	v13 =	vld [tilespmem:$0x40];
	_ =	sdelay $0x4  }
0xb7: {  	v13 =	vand.u32 $0x7F, v13  }
0xb8: {  	v14 =	vld [tilespmem:$0x2C0];
	v13 =	vor.u32 v0, v13;
	_ =	sdelay $0x4  }
0xb9: {  	v14 =	vand.u32 $0x7F, v14;
	v13 =	vld.idx.msk [tilespmem:v13+s14+$0x0], $0xffff  }
0xba: {  	v15 =	vld [tilespmem:$0x50];
	v14 =	vor.u32 v0, v14;
	_ =	sdelay $0x3  }
0xbb: {  	[tilespmem:$0x1C940] =	vst v13  }
0xbc: {  	v13 =	vld.idx.msk [tilespmem:v14+s16+$0x0], $0xffff;
	v14 =	vand.u32 $0x7F, v15  }
0xbd: {  	v15 =	vld [tilespmem:$0x2D0];
	v14 =	vor.u32 v2, v14;
	_ =	sdelay $0x3  }
0xbe: {  	[tilespmem:$0x1CB40] =	vst v13  }
0xbf: {  	v13 =	vand.u32 $0x7F, v15;
	v14 =	vld.idx.msk [tilespmem:v14+s14+$0x0], $0xffff  }
0xc0: {  	v13 =	vor.u32 v2, v13;
	_ =	sdelay $0x3  }
0xc1: {  	[tilespmem:$0x1C950] =	vst v14  }
0xc2: {  	v13 =	vld.idx.msk [tilespmem:v13+s16+$0x0], $0xffff;
	_ =	sdelay $0x4  }
0xc3: {  	s13 =	simm.s32 $0x580;
	[tilespmem:$0x1CB50] =	vst v13  }
0xc4: {  	[tilespmem:s14], [sflag:$0x7] =	stream.indirect.gather [hbm4b:s5+s19], $0x80, s13, s19, $0xb8;
	[tilespmem:$0x1CF00] =	vst v63  }
0xc5: {  	s15 =	simm.s32 $0x780  }
0xc6: {  	[tilespmem:s16], [sflag:$0x7] =	stream.indirect.gather [hbm4b:s6+s19], $0x80, s15, s19, $0xb8;
	[tilespmem:$0x1CF00] =	vst v63  }
0xc7: {  	_ =	swait.ge [sflag:s25], $0x1000  }
0xc8: {  	[sflag:s25] =	ssyncset.done $0x0  }
0xc9: {  	[sflag:s25] =	ssyncadd.s32 $0xFFFFF000  }
0xca: {  	_ =	swait.ge [sflag:s25], $0x1000  }
0xcb: {  	[sflag:s25] =	ssyncset.done $0x0  }
0xcc: {  	[sflag:s25] =	ssyncadd.s32 $0xFFFFF000  }
0xcd: {  	v13 =	vld [tilespmem:$0x60];
	_ =	sdelay $0x4  }
0xce: {  	v13 =	vand.u32 $0x7F, v13  }
0xcf: {  	v14 =	vld [tilespmem:$0x2E0];
	v13 =	vor.u32 v3, v13;
	_ =	sdelay $0x4  }
0xd0: {  	v14 =	vand.u32 $0x7F, v14;
	v13 =	vld.idx.msk [tilespmem:v13+s14+$0x0], $0xffff  }
0xd1: {  	v15 =	vld [tilespmem:$0x70];
	v14 =	vor.u32 v3, v14;
	_ =	sdelay $0x3  }
0xd2: {  	[tilespmem:$0x1C960] =	vst v13  }
0xd3: {  	v13 =	vld.idx.msk [tilespmem:v14+s16+$0x0], $0xffff;
	v14 =	vand.u32 $0x7F, v15  }
0xd4: {  	v15 =	vld [tilespmem:$0x2F0];
	v14 =	vor.u32 v4, v14;
	_ =	sdelay $0x3  }
0xd5: {  	[tilespmem:$0x1CB60] =	vst v13  }
0xd6: {  	v13 =	vand.u32 $0x7F, v15;
	v14 =	vld.idx.msk [tilespmem:v14+s14+$0x0], $0xffff  }
0xd7: {  	v13 =	vor.u32 v4, v13;
	_ =	sdelay $0x3  }
0xd8: {  	[tilespmem:$0x1C970] =	vst v14  }
0xd9: {  	v13 =	vld.idx.msk [tilespmem:v13+s16+$0x0], $0xffff;
	_ =	sdelay $0x4  }
0xda: {  	s17 =	simm.s32 $0x5A0;
	[tilespmem:$0x1CB70] =	vst v13  }
0xdb: {  	[tilespmem:s18], [sflag:$0x8] =	stream.indirect.gather [hbm4b:s5+s19], $0x80, s17, s19, $0xb8;
	[tilespmem:$0x1CF00] =	vst v63  }
0xdc: {  	s20 =	simm.s32 $0x7A0  }
0xdd: {  	[tilespmem:s21], [sflag:$0x8] =	stream.indirect.gather [hbm4b:s6+s19], $0x80, s20, s19, $0xb8;
	[tilespmem:$0x1CF00] =	vst v63  }
0xde: {  	_ =	swait.ge [sflag:s22], $0x1000  }
0xdf: {  	[sflag:s22] =	ssyncset.done $0x0  }
0xe0: {  	[sflag:s22] =	ssyncadd.s32 $0xFFFFF000  }
0xe1: {  	_ =	swait.ge [sflag:s22], $0x1000  }
0xe2: {  	[sflag:s22] =	ssyncset.done $0x0  }
0xe3: {  	[sflag:s22] =	ssyncadd.s32 $0xFFFFF000  }
0xe4: {  	v13 =	vld [tilespmem:$0x80];
	_ =	sdelay $0x4  }
0xe5: {  	v13 =	vand.u32 $0x7F, v13  }
0xe6: {  	v14 =	vld [tilespmem:$0x300];
	v13 =	vor.u32 v0, v13;
	_ =	sdelay $0x4  }
0xe7: {  	v14 =	vand.u32 $0x7F, v14;
	v13 =	vld.idx.msk [tilespmem:v13+s14+$0x0], $0xffff  }
0xe8: {  	v15 =	vld [tilespmem:$0x90];
	v14 =	vor.u32 v0, v14;
	_ =	sdelay $0x3  }
0xe9: {  	[tilespmem:$0x1C980] =	vst v13  }
0xea: {  	v13 =	vld.idx.msk [tilespmem:v14+s16+$0x0], $0xffff;
	v14 =	vand.u32 $0x7F, v15  }
0xeb: {  	v15 =	vld [tilespmem:$0x310];
	v14 =	vor.u32 v2, v14;
	_ =	sdelay $0x3  }
0xec: {  	[tilespmem:$0x1CB80] =	vst v13  }
0xed: {  	v13 =	vand.u32 $0x7F, v15;
	v14 =	vld.idx.msk [tilespmem:v14+s14+$0x0], $0xffff  }
0xee: {  	v13 =	vor.u32 v2, v13;
	_ =	sdelay $0x3  }
0xef: {  	[tilespmem:$0x1C990] =	vst v14  }
0xf0: {  	v13 =	vld.idx.msk [tilespmem:v13+s16+$0x0], $0xffff;
	_ =	sdelay $0x4  }
0xf1: {  	s23 =	simm.s32 $0x5C0;
	[tilespmem:$0x1CB90] =	vst v13  }
0xf2: {  	[tilespmem:s14], [sflag:$0x7] =	stream.indirect.gather [hbm4b:s5+s19], $0x80, s23, s19, $0xb8;
	[tilespmem:$0x1CF00] =	vst v63  }
0xf3: {  	s24 =	simm.s32 $0x7C0  }
0xf4: {  	[tilespmem:s16], [sflag:$0x7] =	stream.indirect.gather [hbm4b:s6+s19], $0x80, s24, s19, $0xb8;
	[tilespmem:$0x1CF00] =	vst v63  }
0xf5: {  	_ =	swait.ge [sflag:s25], $0x1000  }
0xf6: {  	[sflag:s25] =	ssyncset.done $0x0  }
0xf7: {  	[sflag:s25] =	ssyncadd.s32 $0xFFFFF000  }
0xf8: {  	_ =	swait.ge [sflag:s25], $0x1000  }
0xf9: {  	[sflag:s25] =	ssyncset.done $0x0  }
0xfa: {  	[sflag:s25] =	ssyncadd.s32 $0xFFFFF000  }
0xfb: {  	v13 =	vld [tilespmem:$0xA0];
	_ =	sdelay $0x4  }
0xfc: {  	v13 =	vand.u32 $0x7F, v13  }
0xfd: {  	v14 =	vld [tilespmem:$0x320];
	v13 =	vor.u32 v3, v13;
	_ =	sdelay $0x4  }
0xfe: {  	v14 =	vand.u32 $0x7F, v14;
	v13 =	vld.idx.msk [tilespmem:v13+s14+$0x0], $0xffff  }
0xff: {  	v15 =	vld [tilespmem:$0xB0];
	v14 =	vor.u32 v3, v14;
	_ =	sdelay $0x3  }
0x100: {  	[tilespmem:$0x1C9A0] =	vst v13  }
0x101: {  	v13 =	vld.idx.msk [tilespmem:v14+s16+$0x0], $0xffff;
	v14 =	vand.u32 $0x7F, v15  }
0x102: {  	v15 =	vld [tilespmem:$0x330];
	v14 =	vor.u32 v4, v14;
	_ =	sdelay $0x3  }
0x103: {  	[tilespmem:$0x1CBA0] =	vst v13  }
0x104: {  	v13 =	vand.u32 $0x7F, v15;
	v14 =	vld.idx.msk [tilespmem:v14+s14+$0x0], $0xffff  }
0x105: {  	v13 =	vor.u32 v4, v13;
	_ =	sdelay $0x3  }
0x106: {  	[tilespmem:$0x1C9B0] =	vst v14  }
0x107: {  	v13 =	vld.idx.msk [tilespmem:v13+s16+$0x0], $0xffff;
	_ =	sdelay $0x4  }
0x108: {  	s7 =	simm.s32 $0x5E0;
	[tilespmem:$0x1CBB0] =	vst v13  }
0x109: {  	[tilespmem:s18], [sflag:$0x8] =	stream.indirect.gather [hbm4b:s5+s19], $0x80, s7, s19, $0xb8;
	[tilespmem:$0x1CF00] =	vst v63  }
0x10a: {  	s8 =	simm.s32 $0x7E0  }
0x10b: {  	[tilespmem:s21], [sflag:$0x8] =	stream.indirect.gather [hbm4b:s6+s19], $0x80, s8, s19, $0xb8;
	[tilespmem:$0x1CF00] =	vst v63  }
0x10c: {  	_ =	swait.ge [sflag:s22], $0x1000  }
0x10d: {  	[sflag:s22] =	ssyncset.done $0x0  }
0x10e: {  	[sflag:s22] =	ssyncadd.s32 $0xFFFFF000  }
0x10f: {  	_ =	swait.ge [sflag:s22], $0x1000  }
0x110: {  	[sflag:s22] =	ssyncset.done $0x0  }
0x111: {  	[sflag:s22] =	ssyncadd.s32 $0xFFFFF000  }
0x112: {  	v13 =	vld [tilespmem:$0xC0];
	_ =	sdelay $0x4  }
0x113: {  	v13 =	vand.u32 $0x7F, v13  }
0x114: {  	v14 =	vld [tilespmem:$0x340];
	v13 =	vor.u32 v0, v13;
	_ =	sdelay $0x4  }
0x115: {  	v14 =	vand.u32 $0x7F, v14;
	v13 =	vld.idx.msk [tilespmem:v13+s14+$0x0], $0xffff  }
0x116: {  	v15 =	vld [tilespmem:$0xD0];
	v14 =	vor.u32 v0, v14;
	_ =	sdelay $0x3  }
0x117: {  	[tilespmem:$0x1C9C0] =	vst v13  }
0x118: {  	v13 =	vld.idx.msk [tilespmem:v14+s16+$0x0], $0xffff;
	v14 =	vand.u32 $0x7F, v15  }
0x119: {  	v15 =	vld [tilespmem:$0x350];
	v14 =	vor.u32 v2, v14;
	_ =	sdelay $0x3  }
0x11a: {  	[tilespmem:$0x1CBC0] =	vst v13  }
0x11b: {  	v13 =	vand.u32 $0x7F, v15;
	v14 =	vld.idx.msk [tilespmem:v14+s14+$0x0], $0xffff  }
0x11c: {  	v13 =	vor.u32 v2, v13;
	_ =	sdelay $0x3  }
0x11d: {  	[tilespmem:$0x1C9D0] =	vst v14  }
0x11e: {  	v13 =	vld.idx.msk [tilespmem:v13+s16+$0x0], $0xffff;
	_ =	sdelay $0x4  }
0x11f: {  	s9 =	simm.s32 $0x600;
	[tilespmem:$0x1CBD0] =	vst v13  }
0x120: {  	[tilespmem:s14], [sflag:$0x7] =	stream.indirect.gather [hbm4b:s5+s19], $0x80, s9, s19, $0xb8;
	[tilespmem:$0x1CF00] =	vst v63  }
0x121: {  	s13 =	simm.s32 $0x800  }
0x122: {  	[tilespmem:s16], [sflag:$0x7] =	stream.indirect.gather [hbm4b:s6+s19], $0x80, s13, s19, $0xb8;
	[tilespmem:$0x1CF00] =	vst v63  }
0x123: {  	_ =	swait.ge [sflag:s25], $0x1000  }
0x124: {  	[sflag:s25] =	ssyncset.done $0x0  }
0x125: {  	[sflag:s25] =	ssyncadd.s32 $0xFFFFF000  }
0x126: {  	_ =	swait.ge [sflag:s25], $0x1000  }
0x127: {  	[sflag:s25] =	ssyncset.done $0x0  }
0x128: {  	[sflag:s25] =	ssyncadd.s32 $0xFFFFF000  }
0x129: {  	v13 =	vld [tilespmem:$0xE0];
	_ =	sdelay $0x4  }
0x12a: {  	v13 =	vand.u32 $0x7F, v13  }
0x12b: {  	v14 =	vld [tilespmem:$0x360];
	v13 =	vor.u32 v3, v13;
	_ =	sdelay $0x4  }
0x12c: {  	v14 =	vand.u32 $0x7F, v14;
	v13 =	vld.idx.msk [tilespmem:v13+s14+$0x0], $0xffff  }
0x12d: {  	v15 =	vld [tilespmem:$0xF0];
	v14 =	vor.u32 v3, v14;
	_ =	sdelay $0x3  }
0x12e: {  	[tilespmem:$0x1C9E0] =	vst v13  }
0x12f: {  	v13 =	vld.idx.msk [tilespmem:v14+s16+$0x0], $0xffff;
	v14 =	vand.u32 $0x7F, v15  }
0x130: {  	v15 =	vld [tilespmem:$0x370];
	v14 =	vor.u32 v4, v14;
	_ =	sdelay $0x3  }
0x131: {  	[tilespmem:$0x1CBE0] =	vst v13  }
0x132: {  	v13 =	vand.u32 $0x7F, v15;
	v14 =	vld.idx.msk [tilespmem:v14+s14+$0x0], $0xffff  }
0x133: {  	v13 =	vor.u32 v4, v13;
	_ =	sdelay $0x3  }
0x134: {  	[tilespmem:$0x1C9F0] =	vst v14  }
0x135: {  	v13 =	vld.idx.msk [tilespmem:v13+s16+$0x0], $0xffff;
	_ =	sdelay $0x4  }
0x136: {  	s15 =	simm.s32 $0x620;
	[tilespmem:$0x1CBF0] =	vst v13  }
0x137: {  	[tilespmem:s18], [sflag:$0x8] =	stream.indirect.gather [hbm4b:s5+s19], $0x80, s15, s19, $0xb8;
	[tilespmem:$0x1CF00] =	vst v63  }
0x138: {  	s17 =	simm.s32 $0x820  }
0x139: {  	[tilespmem:s21], [sflag:$0x8] =	stream.indirect.gather [hbm4b:s6+s19], $0x80, s17, s19, $0xb8;
	[tilespmem:$0x1CF00] =	vst v63  }
0x13a: {  	_ =	swait.ge [sflag:s22], $0x1000  }
0x13b: {  	[sflag:s22] =	ssyncset.done $0x0  }
0x13c: {  	[sflag:s22] =	ssyncadd.s32 $0xFFFFF000  }
0x13d: {  	_ =	swait.ge [sflag:s22], $0x1000  }
0x13e: {  	[sflag:s22] =	ssyncset.done $0x0  }
0x13f: {  	[sflag:s22] =	ssyncadd.s32 $0xFFFFF000  }
0x140: {  	v13 =	vld [tilespmem:$0x100];
	_ =	sdelay $0x4  }
0x141: {  	v13 =	vand.u32 $0x7F, v13  }
0x142: {  	v14 =	vld [tilespmem:$0x380];
	v13 =	vor.u32 v0, v13;
	_ =	sdelay $0x4  }
0x143: {  	v14 =	vand.u32 $0x7F, v14;
	v13 =	vld.idx.msk [tilespmem:v13+s14+$0x0], $0xffff  }
0x144: {  	v15 =	vld [tilespmem:$0x110];
	v14 =	vor.u32 v0, v14;
	_ =	sdelay $0x3  }
0x145: {  	[tilespmem:$0x1CA00] =	vst v13  }
0x146: {  	v13 =	vld.idx.msk [tilespmem:v14+s16+$0x0], $0xffff;
	v14 =	vand.u32 $0x7F, v15  }
0x147: {  	v15 =	vld [tilespmem:$0x390];
	v14 =	vor.u32 v2, v14;
	_ =	sdelay $0x3  }
0x148: {  	[tilespmem:$0x1CC00] =	vst v13  }
0x149: {  	v13 =	vand.u32 $0x7F, v15;
	v14 =	vld.idx.msk [tilespmem:v14+s14+$0x0], $0xffff  }
0x14a: {  	v13 =	vor.u32 v2, v13;
	_ =	sdelay $0x3  }
0x14b: {  	[tilespmem:$0x1CA10] =	vst v14  }
0x14c: {  	v13 =	vld.idx.msk [tilespmem:v13+s16+$0x0], $0xffff;
	_ =	sdelay $0x4  }
0x14d: {  	s20 =	simm.s32 $0x640;
	[tilespmem:$0x1CC10] =	vst v13  }
0x14e: {  	[tilespmem:s14], [sflag:$0x7] =	stream.indirect.gather [hbm4b:s5+s19], $0x80, s20, s19, $0xb8;
	[tilespmem:$0x1CF00] =	vst v63  }
0x14f: {  	s23 =	simm.s32 $0x840  }
0x150: {  	[tilespmem:s16], [sflag:$0x7] =	stream.indirect.gather [hbm4b:s6+s19], $0x80, s23, s19, $0xb8;
	[tilespmem:$0x1CF00] =	vst v63  }
0x151: {  	_ =	swait.ge [sflag:s25], $0x1000  }
0x152: {  	[sflag:s25] =	ssyncset.done $0x0  }
0x153: {  	[sflag:s25] =	ssyncadd.s32 $0xFFFFF000  }
0x154: {  	_ =	swait.ge [sflag:s25], $0x1000  }
0x155: {  	[sflag:s25] =	ssyncset.done $0x0  }
0x156: {  	[sflag:s25] =	ssyncadd.s32 $0xFFFFF000  }
0x157: {  	v13 =	vld [tilespmem:$0x120];
	_ =	sdelay $0x4  }
0x158: {  	v13 =	vand.u32 $0x7F, v13  }
0x159: {  	v14 =	vld [tilespmem:$0x3A0];
	v13 =	vor.u32 v3, v13;
	_ =	sdelay $0x4  }
0x15a: {  	v14 =	vand.u32 $0x7F, v14;
	v13 =	vld.idx.msk [tilespmem:v13+s14+$0x0], $0xffff  }
0x15b: {  	v15 =	vld [tilespmem:$0x130];
	v14 =	vor.u32 v3, v14;
	_ =	sdelay $0x3  }
0x15c: {  	[tilespmem:$0x1CA20] =	vst v13  }
0x15d: {  	v13 =	vld.idx.msk [tilespmem:v14+s16+$0x0], $0xffff;
	v14 =	vand.u32 $0x7F, v15  }
0x15e: {  	v15 =	vld [tilespmem:$0x3B0];
	v14 =	vor.u32 v4, v14;
	_ =	sdelay $0x3  }
0x15f: {  	[tilespmem:$0x1CC20] =	vst v13  }
0x160: {  	v13 =	vand.u32 $0x7F, v15;
	v14 =	vld.idx.msk [tilespmem:v14+s14+$0x0], $0xffff  }
0x161: {  	v13 =	vor.u32 v4, v13;
	_ =	sdelay $0x3  }
0x162: {  	[tilespmem:$0x1CA30] =	vst v14  }
0x163: {  	v13 =	vld.idx.msk [tilespmem:v13+s16+$0x0], $0xffff;
	_ =	sdelay $0x4  }
0x164: {  	s24 =	simm.s32 $0x660;
	[tilespmem:$0x1CC30] =	vst v13  }
0x165: {  	[tilespmem:s18], [sflag:$0x8] =	stream.indirect.gather [hbm4b:s5+s19], $0x80, s24, s19, $0xb8;
	[tilespmem:$0x1CF00] =	vst v63  }
0x166: {  	s7 =	simm.s32 $0x860  }
0x167: {  	[tilespmem:s21], [sflag:$0x8] =	stream.indirect.gather [hbm4b:s6+s19], $0x80, s7, s19, $0xb8;
	[tilespmem:$0x1CF00] =	vst v63  }
0x168: {  	_ =	swait.ge [sflag:s22], $0x1000  }
0x169: {  	[sflag:s22] =	ssyncset.done $0x0  }
0x16a: {  	[sflag:s22] =	ssyncadd.s32 $0xFFFFF000  }
0x16b: {  	_ =	swait.ge [sflag:s22], $0x1000  }
0x16c: {  	[sflag:s22] =	ssyncset.done $0x0  }
0x16d: {  	[sflag:s22] =	ssyncadd.s32 $0xFFFFF000  }
0x16e: {  	v13 =	vld [tilespmem:$0x140];
	_ =	sdelay $0x4  }
0x16f: {  	v13 =	vand.u32 $0x7F, v13  }
0x170: {  	v14 =	vld [tilespmem:$0x3C0];
	v13 =	vor.u32 v0, v13;
	_ =	sdelay $0x4  }
0x171: {  	v14 =	vand.u32 $0x7F, v14;
	v13 =	vld.idx.msk [tilespmem:v13+s14+$0x0], $0xffff  }
0x172: {  	v15 =	vld [tilespmem:$0x150];
	v14 =	vor.u32 v0, v14;
	_ =	sdelay $0x3  }
0x173: {  	[tilespmem:$0x1CA40] =	vst v13  }
0x174: {  	v13 =	vld.idx.msk [tilespmem:v14+s16+$0x0], $0xffff;
	v14 =	vand.u32 $0x7F, v15  }
0x175: {  	v15 =	vld [tilespmem:$0x3D0];
	v14 =	vor.u32 v2, v14;
	_ =	sdelay $0x3  }
0x176: {  	[tilespmem:$0x1CC40] =	vst v13  }
0x177: {  	v13 =	vand.u32 $0x7F, v15;
	v14 =	vld.idx.msk [tilespmem:v14+s14+$0x0], $0xffff  }
0x178: {  	v13 =	vor.u32 v2, v13;
	_ =	sdelay $0x3  }
0x179: {  	[tilespmem:$0x1CA50] =	vst v14  }
0x17a: {  	v13 =	vld.idx.msk [tilespmem:v13+s16+$0x0], $0xffff;
	_ =	sdelay $0x4  }
0x17b: {  	s8 =	simm.s32 $0x680;
	[tilespmem:$0x1CC50] =	vst v13  }
0x17c: {  	[tilespmem:s14], [sflag:$0x7] =	stream.indirect.gather [hbm4b:s5+s19], $0x80, s8, s19, $0xb8;
	[tilespmem:$0x1CF00] =	vst v63  }
0x17d: {  	s9 =	simm.s32 $0x880  }
0x17e: {  	[tilespmem:s16], [sflag:$0x7] =	stream.indirect.gather [hbm4b:s6+s19], $0x80, s9, s19, $0xb8;
	[tilespmem:$0x1CF00] =	vst v63  }
0x17f: {  	_ =	swait.ge [sflag:s25], $0x1000  }
0x180: {  	[sflag:s25] =	ssyncset.done $0x0  }
0x181: {  	[sflag:s25] =	ssyncadd.s32 $0xFFFFF000  }
0x182: {  	_ =	swait.ge [sflag:s25], $0x1000  }
0x183: {  	[sflag:s25] =	ssyncset.done $0x0  }
0x184: {  	[sflag:s25] =	ssyncadd.s32 $0xFFFFF000  }
0x185: {  	v13 =	vld [tilespmem:$0x160];
	_ =	sdelay $0x4  }
0x186: {  	v13 =	vand.u32 $0x7F, v13  }
0x187: {  	v14 =	vld [tilespmem:$0x3E0];
	v13 =	vor.u32 v3, v13;
	_ =	sdelay $0x4  }
0x188: {  	v14 =	vand.u32 $0x7F, v14;
	v13 =	vld.idx.msk [tilespmem:v13+s14+$0x0], $0xffff  }
0x189: {  	v15 =	vld [tilespmem:$0x170];
	v14 =	vor.u32 v3, v14;
	_ =	sdelay $0x3  }
0x18a: {  	[tilespmem:$0x1CA60] =	vst v13  }
0x18b: {  	v13 =	vld.idx.msk [tilespmem:v14+s16+$0x0], $0xffff;
	v14 =	vand.u32 $0x7F, v15  }
0x18c: {  	v15 =	vld [tilespmem:$0x3F0];
	v14 =	vor.u32 v4, v14;
	_ =	sdelay $0x3  }
0x18d: {  	[tilespmem:$0x1CC60] =	vst v13  }
0x18e: {  	v13 =	vand.u32 $0x7F, v15;
	v14 =	vld.idx.msk [tilespmem:v14+s14+$0x0], $0xffff  }
0x18f: {  	v13 =	vor.u32 v4, v13;
	_ =	sdelay $0x3  }
0x190: {  	[tilespmem:$0x1CA70] =	vst v14  }
0x191: {  	v13 =	vld.idx.msk [tilespmem:v13+s16+$0x0], $0xffff;
	_ =	sdelay $0x4  }
0x192: {  	s13 =	simm.s32 $0x6A0;
	[tilespmem:$0x1CC70] =	vst v13  }
0x193: {  	[tilespmem:s18], [sflag:$0x8] =	stream.indirect.gather [hbm4b:s5+s19], $0x80, s13, s19, $0xb8;
	[tilespmem:$0x1CF00] =	vst v63  }
0x194: {  	s15 =	simm.s32 $0x8A0  }
0x195: {  	[tilespmem:s21], [sflag:$0x8] =	stream.indirect.gather [hbm4b:s6+s19], $0x80, s15, s19, $0xb8;
	[tilespmem:$0x1CF00] =	vst v63  }
0x196: {  	_ =	swait.ge [sflag:s22], $0x1000  }
0x197: {  	[sflag:s22] =	ssyncset.done $0x0  }
0x198: {  	[sflag:s22] =	ssyncadd.s32 $0xFFFFF000  }
0x199: {  	_ =	swait.ge [sflag:s22], $0x1000  }
0x19a: {  	[sflag:s22] =	ssyncset.done $0x0  }
0x19b: {  	[sflag:s22] =	ssyncadd.s32 $0xFFFFF000  }
0x19c: {  	v13 =	vld [tilespmem:$0x180];
	_ =	sdelay $0x4  }
0x19d: {  	v13 =	vand.u32 $0x7F, v13  }
0x19e: {  	v14 =	vld [tilespmem:$0x400];
	v13 =	vor.u32 v0, v13;
	_ =	sdelay $0x4  }
0x19f: {  	v14 =	vand.u32 $0x7F, v14;
	v13 =	vld.idx.msk [tilespmem:v13+s14+$0x0], $0xffff  }
0x1a0: {  	v15 =	vld [tilespmem:$0x190];
	v14 =	vor.u32 v0, v14;
	_ =	sdelay $0x3  }
0x1a1: {  	[tilespmem:$0x1CA80] =	vst v13  }
0x1a2: {  	v13 =	vld.idx.msk [tilespmem:v14+s16+$0x0], $0xffff;
	v14 =	vand.u32 $0x7F, v15  }
0x1a3: {  	v15 =	vld [tilespmem:$0x410];
	v14 =	vor.u32 v2, v14;
	_ =	sdelay $0x3  }
0x1a4: {  	[tilespmem:$0x1CC80] =	vst v13  }
0x1a5: {  	v13 =	vand.u32 $0x7F, v15;
	v14 =	vld.idx.msk [tilespmem:v14+s14+$0x0], $0xffff  }
0x1a6: {  	v13 =	vor.u32 v2, v13;
	_ =	sdelay $0x3  }
0x1a7: {  	[tilespmem:$0x1CA90] =	vst v14  }
0x1a8: {  	v13 =	vld.idx.msk [tilespmem:v13+s16+$0x0], $0xffff;
	_ =	sdelay $0x4  }
0x1a9: {  	s17 =	simm.s32 $0x6C0;
	[tilespmem:$0x1CC90] =	vst v13  }
0x1aa: {  	[tilespmem:s14], [sflag:$0x7] =	stream.indirect.gather [hbm4b:s5+s19], $0x80, s17, s19, $0xb8;
	[tilespmem:$0x1CF00] =	vst v63  }
0x1ab: {  	s20 =	simm.s32 $0x8C0  }
0x1ac: {  	[tilespmem:s16], [sflag:$0x7] =	stream.indirect.gather [hbm4b:s6+s19], $0x80, s20, s19, $0xb8;
	[tilespmem:$0x1CF00] =	vst v63  }
0x1ad: {  	_ =	swait.ge [sflag:s25], $0x1000  }
0x1ae: {  	[sflag:s25] =	ssyncset.done $0x0  }
0x1af: {  	[sflag:s25] =	ssyncadd.s32 $0xFFFFF000  }
0x1b0: {  	_ =	swait.ge [sflag:s25], $0x1000  }
0x1b1: {  	[sflag:s25] =	ssyncset.done $0x0  }
0x1b2: {  	[sflag:s25] =	ssyncadd.s32 $0xFFFFF000  }
0x1b3: {  	v13 =	vld [tilespmem:$0x1A0];
	_ =	sdelay $0x4  }
0x1b4: {  	v13 =	vand.u32 $0x7F, v13  }
0x1b5: {  	v14 =	vld [tilespmem:$0x420];
	v13 =	vor.u32 v3, v13;
	_ =	sdelay $0x4  }
0x1b6: {  	v14 =	vand.u32 $0x7F, v14;
	v13 =	vld.idx.msk [tilespmem:v13+s14+$0x0], $0xffff  }
0x1b7: {  	v15 =	vld [tilespmem:$0x1B0];
	v14 =	vor.u32 v3, v14;
	_ =	sdelay $0x3  }
0x1b8: {  	[tilespmem:$0x1CAA0] =	vst v13  }
0x1b9: {  	v13 =	vld.idx.msk [tilespmem:v14+s16+$0x0], $0xffff;
	v14 =	vand.u32 $0x7F, v15  }
0x1ba: {  	v15 =	vld [tilespmem:$0x430];
	v14 =	vor.u32 v4, v14;
	_ =	sdelay $0x3  }
0x1bb: {  	[tilespmem:$0x1CCA0] =	vst v13  }
0x1bc: {  	v13 =	vand.u32 $0x7F, v15;
	v14 =	vld.idx.msk [tilespmem:v14+s14+$0x0], $0xffff  }
0x1bd: {  	v13 =	vor.u32 v4, v13;
	_ =	sdelay $0x3  }
0x1be: {  	[tilespmem:$0x1CAB0] =	vst v14  }
0x1bf: {  	v13 =	vld.idx.msk [tilespmem:v13+s16+$0x0], $0xffff;
	_ =	sdelay $0x4  }
0x1c0: {  	s23 =	simm.s32 $0x6E0;
	[tilespmem:$0x1CCB0] =	vst v13  }
0x1c1: {  	[tilespmem:s18], [sflag:$0x8] =	stream.indirect.gather [hbm4b:s5+s19], $0x80, s23, s19, $0xb8;
	[tilespmem:$0x1CF00] =	vst v63  }
0x1c2: {  	s24 =	simm.s32 $0x8E0  }
0x1c3: {  	[tilespmem:s21], [sflag:$0x8] =	stream.indirect.gather [hbm4b:s6+s19], $0x80, s24, s19, $0xb8;
	[tilespmem:$0x1CF00] =	vst v63  }
0x1c4: {  	_ =	swait.ge [sflag:s22], $0x1000  }
0x1c5: {  	[sflag:s22] =	ssyncset.done $0x0  }
0x1c6: {  	[sflag:s22] =	ssyncadd.s32 $0xFFFFF000  }
0x1c7: {  	_ =	swait.ge [sflag:s22], $0x1000  }
0x1c8: {  	[sflag:s22] =	ssyncset.done $0x0  }
0x1c9: {  	[sflag:s22] =	ssyncadd.s32 $0xFFFFF000  }
0x1ca: {  	v13 =	vld [tilespmem:$0x1C0];
	_ =	sdelay $0x4  }
0x1cb: {  	v13 =	vand.u32 $0x7F, v13  }
0x1cc: {  	v14 =	vld [tilespmem:$0x440];
	v13 =	vor.u32 v0, v13;
	_ =	sdelay $0x4  }
0x1cd: {  	v14 =	vand.u32 $0x7F, v14;
	v13 =	vld.idx.msk [tilespmem:v13+s14+$0x0], $0xffff  }
0x1ce: {  	v15 =	vld [tilespmem:$0x1D0];
	v14 =	vor.u32 v0, v14;
	_ =	sdelay $0x3  }
0x1cf: {  	[tilespmem:$0x1CAC0] =	vst v13  }
0x1d0: {  	v13 =	vld.idx.msk [tilespmem:v14+s16+$0x0], $0xffff;
	v14 =	vand.u32 $0x7F, v15  }
0x1d1: {  	v15 =	vld [tilespmem:$0x450];
	v14 =	vor.u32 v2, v14;
	_ =	sdelay $0x3  }
0x1d2: {  	[tilespmem:$0x1CCC0] =	vst v13  }
0x1d3: {  	v13 =	vand.u32 $0x7F, v15;
	v14 =	vld.idx.msk [tilespmem:v14+s14+$0x0], $0xffff  }
0x1d4: {  	v13 =	vor.u32 v2, v13;
	_ =	sdelay $0x3  }
0x1d5: {  	[tilespmem:$0x1CAD0] =	vst v14  }
0x1d6: {  	v13 =	vld.idx.msk [tilespmem:v13+s16+$0x0], $0xffff;
	_ =	sdelay $0x4  }
0x1d7: {  	[tilespmem:$0x1CCD0] =	vst v13  }
0x1d8: {  	_ =	swait.ge [sflag:s25], $0x1000  }
0x1d9: {  	[sflag:s25] =	ssyncset.done $0x0  }
0x1da: {  	[sflag:s25] =	ssyncadd.s32 $0xFFFFF000  }
0x1db: {  	_ =	swait.ge [sflag:s25], $0x1000  }
0x1dc: {  	[sflag:s25] =	ssyncset.done $0x0  }
0x1dd: {  	[sflag:s25] =	ssyncadd.s32 $0xFFFFF000  }
0x1de: {  	v13 =	vld [tilespmem:$0x1E0];
	_ =	sdelay $0x4  }
0x1df: {  	v13 =	vand.u32 $0x7F, v13  }
0x1e0: {  	v14 =	vld [tilespmem:$0x460];
	v13 =	vor.u32 v3, v13;
	_ =	sdelay $0x4  }
0x1e1: {  	v14 =	vand.u32 $0x7F, v14;
	v13 =	vld.idx.msk [tilespmem:v13+s14+$0x0], $0xffff  }
0x1e2: {  	v15 =	vld [tilespmem:$0x1F0];
	v14 =	vor.u32 v3, v14;
	_ =	sdelay $0x3  }
0x1e3: {  	[tilespmem:$0x1CAE0] =	vst v13  }
0x1e4: {  	v13 =	vld.idx.msk [tilespmem:v14+s16+$0x0], $0xffff;
	v14 =	vand.u32 $0x7F, v15  }
0x1e5: {  	v15 =	vld [tilespmem:$0x470];
	v14 =	vor.u32 v4, v14;
	_ =	sdelay $0x3  }
0x1e6: {  	[tilespmem:$0x1CCE0] =	vst v13  }
0x1e7: {  	v13 =	vand.u32 $0x7F, v15;
	v14 =	vld.idx.msk [tilespmem:v14+s14+$0x0], $0xffff  }
0x1e8: {  	v13 =	vor.u32 v4, v13;
	_ =	sdelay $0x3  }
0x1e9: {  	[tilespmem:$0x1CAF0] =	vst v14  }
0x1ea: {  	v13 =	vld.idx.msk [tilespmem:v13+s16+$0x0], $0xffff  }
.Ltmp2:
0x1eb: {  	_ = 	snop;
	(pc) =	sbr.rel .LBB2_2-.Ltmp2, $2  }
0x1ec: {  	_ =	sdelay $0x2  }
0x1ed: {  	s3 =	simm.s32 $0xFFFFFFFB;
	s13 =	simm.s32 $0x0;
	[tilespmem:$0x1CCF0] =	vst v13  }
.LBB2_4:
0x1ee: {  	s3 =	sadd.s32 $0x1, s3  }
0x1ef: {  	p0 =	sne.s32 s3, $0x100  }
.Ltmp3:
0x1f0: {  	_ = 	snop;
	(pc) =	sbr.rel @!p0 .LBB2_5-.Ltmp3, $2  }
0x1f1: {  	_ =	sdelay $0x2  }
0x1f2: {  	s13 =	sadd.s32 $0x2, s13  }
.LBB2_2:
0x1f3: {  	s15 =	sadd.s32 $0x5, s3  }
0x1f4: {  	p0 =	sgt.u32 s15, $0xFF  }
0x1f5: {  	s17 =	sand.u32 @!p0 $0x1F0, s13  }
0x1f6: {  	v13 =	vld @!p0 [tilespmem:s17+$0x0];
	_ =	sdelay $0x2  }
0x1f7: {  	s20 =	sand.u32 @!p0 $0xE, s13  }
0x1f8: {  	v15 =	vlaneseq.u32 @!p0;
	v14 =	vmov @!p0 s20  }
0x1f9: {  	vm1 =	veq.s32 @!p0 v14, v15;
	v13 =	vshra.s32 @!p0 v13, $0x7  }
0x1fa: {  	v14 =	vnsel @!p0 vm1, $0x0, v13  }
0x1fb: {  	(xrf0) =	vadd.scan.msk.s32 @!p0 $0xffff, v14  }
0x1fc: {  	v14 =	vld @!p0 [tilespmem:s17+$0x280];
	_ =	sdelay $0x4  }
0x1fd: {  	v14 =	vshra.s32 @!p0 v14, $0x7;
	v16, _, _ =	vpop @!p0 (xrf0)  }
0x1fe: {  	(v2sf) =	vpush @!p0 v16, $0xF;
	v16 =	vnsel @!p0 vm1, $0x0, v14  }
0x1ff: {  	(xrf0) =	vadd.scan.msk.s32 @!p0 $0xffff, v16;
	_ =	sdelay $0x1  }
0x200: {  	s17 =	sor.u32 @!p0 $0x1, s20  }
0x201: {  	v16 =	vmov @!p0 s17  }
0x202: {  	vm1 =	veq.s32 @!p0 v16, v15  }
0x203: {  	v13 =	vnsel @!p0 vm1, $0x0, v13  }
0x204: {  	v15, _, _ =	vpop @!p0 (xrf0);
	(xrf0) =	vadd.scan.msk.s32 @!p0 $0xffff, v13  }
0x205: {  	(v2sf) =	vpush @!p0 v15, $0xF;
	_ =	sdelay $0x3  }
0x206: {  	s17 =	smul.u32 @!p0 $0xAB, s15  }
0x207: {  	v13, _, _ =	vpop @!p0 (xrf0)  }
0x208: {  	s17 =	sshrl.u32 @!p0 s17, $0xA;
	(v2sf) =	vpush @!p0 v13, $0xF  }
0x209: {  	s17 =	sand.u32 @!p0 $0x3F, s17;
	v13 =	vnsel @!p0 vm1, $0x0, v14;
	s20 =	spop @!p0 (v2sf)  }
0x20a: {  	s17 =	smul.u32 @!p0 $0x6, s17;
	(xrf0) =	vadd.scan.msk.s32 @!p0 $0xffff, v13;
	p1 =	sgt.s32 @!p0 s20, $0x0  }
0x20b: {  	p1 =	por !p1, p0  }
0x20c: {  	s17 =	ssub.s32 @!p0 s15, s17;
	s20 =	simm.s32 @p1 $0x0  }
0x20d: {  	s7 =	simm.s32 @!p0 $0x400;
	s17 =	sand.u32 @!p0 $0xFF, s17;
	s20 =	smin.u32 @!p0 s20, $0x1E84  }
0x20e: {  	s8 =	simm.s32 @!p0 $0x7A1400;
	s23 =	sshll.u32 @!p0 s17, $0xD;
	s20 =	sshll.u32 @!p0 s20, $0x7  }
0x20f: {  	s17 =	sadd.s32 @!p0 $0x1, s17;
	s24 =	sor.u32 @!p0 $0x900, s23;
	s20 =	sadd.s32 @!p0 s0, s20  }
0x210: {  	v13, _, _ =	vpop @!p0 (xrf0);
	[tilespmem:s24], [sflag:s17] =	stream.strided.gather @!p0 [hbm4b:s20+s7], $0x1000, s8, s7, $0x38;
	[tilespmem:$0x1CF00] =	vst v63  }
0x211: {  	(v2sf) =	vpush @!p0 v13, $0xF;
	s20 =	spop @!p0 (v2sf)  }
0x212: {  	p1 =	sgt.s32 @!p0 s20, $0x0  }
0x213: {  	p1 =	por !p1, p0  }
0x214: {  	s20 =	simm.s32 @p1 $0x0  }
0x215: {  	s20 =	smin.u32 @!p0 s20, $0x1E84  }
0x216: {  	s20 =	sshll.u32 @!p0 s20, $0x7  }
0x217: {  	s9 =	sadd.s32 @!p0 $0xC900, s23;
	s24 =	spop @!p0 (v2sf);
	s20 =	sadd.s32 @!p0 s1, s20  }
0x218: {  	[tilespmem:s9], [sflag:s17] =	stream.strided.gather @!p0 [hbm4b:s20+s7], $0x1000, s8, s7, $0x38;
	[tilespmem:$0x1CF00] =	vst v63  }
0x219: {  	p1 =	sgt.s32 @!p0 s24, $0x0  }
0x21a: {  	p1 =	por !p1, p0  }
0x21b: {  	s24 =	simm.s32 @p1 $0x0  }
0x21c: {  	s9 =	smin.u32 @!p0 s24, $0x1E84  }
0x21d: {  	s9 =	sshll.u32 @!p0 s9, $0x7  }
0x21e: {  	s20 =	sor.u32 @!p0 $0x1900, s23;
	s9 =	sadd.s32 @!p0 s0, s9  }
0x21f: {  	[tilespmem:s20], [sflag:s17] =	stream.strided.gather @!p0 [hbm4b:s9+s7], $0x1000, s8, s7, $0x38;
	[tilespmem:$0x1CF00] =	vst v63  }
0x220: {  	s9 =	spop @!p0 (v2sf)  }
0x221: {  	p1 =	sgt.s32 @!p0 s9, $0x0  }
0x222: {  	p1 =	por !p1, p0  }
0x223: {  	s9 =	simm.s32 @p1 $0x0  }
0x224: {  	s9 =	smin.u32 @!p0 s9, $0x1E84  }
0x225: {  	s9 =	sshll.u32 @!p0 s9, $0x7  }
0x226: {  	s20 =	sadd.s32 @!p0 $0xD900, s23;
	p1 =	slt.u32 @!p0 s15, $0x5;
	s9 =	sadd.s32 @!p0 s1, s9  }
0x227: {  	[tilespmem:s20], [sflag:s17] =	stream.strided.gather @!p0 [hbm4b:s9+s7], $0x1000, s8, s7, $0x38;
	[tilespmem:$0x1CF00] =	vst v63  }
0x228: {  	p0 =	por p0, !p1  }
.Ltmp4:
0x229: {  	_ = 	snop;
	(pc) =	sbr.rel @!p0 .LBB2_4-.Ltmp4, $1  }
0x22a: {  	_ =	sdelay $0x3  }
0x22b: {  	s7 =	sand.u32 $0xFF, s3  }
0x22c: {  	s7 =	smul.u32 $0xAB, s7;
	_ =	sdelay $0x1  }
0x22d: {  	s7 =	sshrl.u32 s7, $0xA  }
0x22e: {  	s7 =	smul.u32 $0x6, s7;
	_ =	sdelay $0x1  }
0x22f: {  	s7 =	ssub.s32 s3, s7  }
0x230: {  	s7 =	sand.u32 $0xFF, s7  }
0x231: {  	s8 =	sadd.s32 $0x1, s7  }
0x232: {  	_ =	swait.ge [sflag:s8], $0x1000  }
0x233: {  	[sflag:s8] =	ssyncset.done $0x0  }
0x234: {  	[sflag:s8] =	ssyncadd.s32 $0xFFFFF000  }
0x235: {  	_ =	swait.ge [sflag:s8], $0x1000  }
0x236: {  	[sflag:s8] =	ssyncset.done $0x0  }
0x237: {  	[sflag:s8] =	ssyncadd.s32 $0xFFFFF000  }
0x238: {  	s9 =	sadd.s32 $0xFFFFFFF6, s13;
	_ =	swait.ge [sflag:s8], $0x1000  }
0x239: {  	v13 =	vor.u32 s9, v5;
	[sflag:s8] =	ssyncset.done $0x0  }
0x23a: {  	[sflag:s8] =	ssyncadd.s32 $0xFFFFF000  }
0x23b: {  	_ =	swait.ge [sflag:s8], $0x1000  }
0x23c: {  	[sflag:s8] =	ssyncset.done $0x0  }
0x23d: {  	[sflag:s8] =	ssyncadd.s32 $0xFFFFF000  }
0x23e: {  	v14 =	vld.idx.msk [tilespmem:v13+s4+$0x0], $0xffff  }
0x23f: {  	v15 =	vld.idx.msk [tilespmem:v13+s12+$0x0], $0xffff;
	_ =	sdelay $0x2  }
0x240: {  	s7 =	sshll.u32 s7, $0xD  }
0x241: {  	v16 =	vor.u32 s7, v6;
	v14 =	vand.u32 $0x7F, v14  }
0x242: {  	v15 =	vand.u32 $0x7F, v15;
	v17 =	vor.u32 v16, v14  }
0x243: {  	v18 =	vor.u32 s7, v9;
	v16 =	vor.u32 v16, v15  }
0x244: {  	v19 =	vor.u32 v18, v14  }
0x245: {  	v20 =	vor.u32 s7, v10;
	v18 =	vor.u32 v18, v15  }
0x246: {  	v21 =	vor.u32 v20, v14  }
0x247: {  	v22 =	vor.u32 s7, v11;
	v20 =	vor.u32 v20, v15;
	v17 =	vld.idx.msk [tilespmem:v17+s26+$0x0], $0xffff  }
0x248: {  	v14 =	vor.u32 v22, v14;
	v16 =	vld.idx.msk [tilespmem:v16+s28+$0x0], $0xffff  }
0x249: {  	v15 =	vor.u32 v22, v15;
	v19 =	vld.idx.msk [tilespmem:v19+s26+$0x0], $0xffff  }
0x24a: {  	v18 =	vld.idx.msk [tilespmem:v18+s28+$0x0], $0xffff  }
0x24b: {  	v21 =	vld.idx.msk [tilespmem:v21+s26+$0x0], $0xffff  }
0x24c: {  	v20 =	vld.idx.msk [tilespmem:v20+s28+$0x0], $0xffff  }
0x24d: {  	v14 =	vld.idx.msk [tilespmem:v14+s26+$0x0], $0xffff;
	v16 =	vmul.f32 v16, v17  }
0x24e: {  	v15 =	vld.idx.msk [tilespmem:v15+s28+$0x0], $0xffff  }
0x24f: {  	v60 =	vmul.f32 v18, v19;
	v16 =	vadd.f32 $0.0e+00, v16;
	_ =	sdelay $0x1  }
0x250: {  	v61 =	vmul.f32 v20, v21;
	v16 =	vadd.f32 v60, v16;
	_ =	sdelay $0x1  }
0x251: {  	v14 =	vmul.f32 v15, v14;
	v16 =	vadd.f32 v61, v16;
	_ =	sdelay $0x1  }
0x252: {  	v14 =	vadd.f32 v14, v16;
	_ =	sdelay $0x1  }
0x253: {  	v15 =	vperm.xlane v14, v7;
	_ =	sdelay $0x1  }
0x254: {  	v14 =	vadd.f32 v14, v15;
	_ =	sdelay $0x1  }
0x255: {  	v62 =	vld.idx.msk [tilespmem:v13+s29+$0x0], $0xffff;
	v15 =	vperm.xlane v14, v8  }
0x256: {  	v63 =	vld.idx.msk [tilespmem:v13+s30+$0x0], $0xffff  }
0x257: {  	v14 =	vadd.f32 v14, v15;
	_ =	sdelay $0x1  }
0x258: {  	v15 =	vperm.xlane v14, v12;
	_ =	sdelay $0x1  }
0x259: {  	v14 =	vadd.f32 v14, v15;
	v15 =	vadd.f32 v63, v62;
	_ =	sdelay $0x1  }
0x25a: {  	v14 =	vadd.f32 v15, v14;
	_ =	sdelay $0x1  }
0x25b: {  	v14 =	vsub.f32 $0.0e+00, v14;
	_ =	sdelay $0x1  }
0x25c: {  	v14 =	vmul.f32 $1.442695020e+00, v14;
	_ =	sdelay $0x1  }
0x25d: {  	(erf) = vpow2.f32 v14;
	_ =	sdelay $0x8  }
0x25e: {  	v14 =	vpop (erf)  }
0x25f: {  	v14 =	vadd.f32 $1.000000000e+00, v14;
	_ =	sdelay $0x1  }
0x260: {  	(erf) = vrcp.f32 v14;
	_ =	sdelay $0x8  }
0x261: {  	v14 =	vpop (erf)  }
.Ltmp5:
0x262: {  	v14 =	vmul.f32 $4.000000000e+00, v14;
	(pc) =	sbr.rel .LBB2_4-.Ltmp5, $3  }
0x263: {  	_ = 	snop  }
0x264: {  	v14 =	vadd.f32 $1.000000000e+00, v14;
	_ =	sdelay $0x1  }
0x265: {  	[tilespmem:v13+s31+$0x0] =	vst.idx.msk vm0, v14  }
.LBB2_6:
0x266: {  	_ =	sfence.sel $0x180000  }
0x267: {  	[bflag:$0x0] =	sbarrier.arrive $0xFFFF  }
0x268: {  	_ =	strace $0x90000047  }
0x269: {  	s0 =	stileid.u32;
	[bflag:$0x2] =	sbarrier.arrive $0xFFFF  }
0x26a: {  	p0 =	sne.s32 s0, $0x0;
	s0 =	rddreg [dreg:$0x4]  }
0x26b: {  	s0 =	sadd.s32 @!p0 $0x100000, s0  }
0x26c: {  	[sflag:s0] =	ssyncadd.tile.s32 @!p0 $0x1;
	_ =	shalt  }
.Lfunc_end2:
_tile_overlayer_lowered:
.L_overlay_start_2:
0x26d: {  	(tag) =	ssettag $0x2  }
0x26e: {  	s0 =	rddreg [dreg:$0x0];
	s2 =	stileid.u32  }
0x26f: {  	s1 =	rddreg [dreg:$0x1];
	p0 =	sne.s32 s2, $0x0  }
0x270: {  	s3 =	rddreg [dreg:$0x2];
	[bflag:$0x3] =	sbarrier.arrive $0xFFFF;
	s2 =	simm.s32 @!p0 $0x1C09  }
0x271: {  	[timem:s3], [sflag:s2] =	dma.local @!p0 [hbm:s0], s1  }
0x272: {  	s0 =	simm.s32 @!p0 $0x9  }
0x273: {  	_ =	swait.ge @!p0 [sflag:s0], s1  }
0x274: {  	s1 =	ssub.s32 @!p0 $0x0, s1;
	[sflag:s0] =	ssyncset.done @!p0 $0x0  }
0x275: {  	[sflag:s0] =	ssyncadd.s32 @!p0 s1  }
0x276: {  	[bflag:$0x3] =	sbarrier.arrive $0xFFFF  }
0x277: {  	_ =	shalt  }

</sc_bundles>
